<compile_context>
chip_gen: v7x
topology: tpu7x:2x2x1
jax: 0.10.2.dev20260603
libtpu: 0.0.44.dev20260713+nightly
codegen_flags: <defaults>
</compile_context>

<pallas_src>
import functools

import numpy as np
import jax
import jax.numpy as jnp
from jax import lax
from jax.experimental import pallas as pl
from jax.experimental.pallas import tpu as pltpu
from jax.experimental.pallas import tpu_sc as plsc

N = 10000
E = 160000
DE = 16
H = 32
HH = H * H

NC = 2
NS = 16
NW = NC * NS
CH = 128
RS_MAIN = 640
RS_LAST = N - RS_MAIN * (NS - 1)

BB = 4000
NBLK = E // BB

_ar = np.arange(HH)
_R = np.zeros((128, HH), np.float32)
_R[:H] = (np.arange(H)[:, None] == (_ar[None, :] // H)).astype(np.float32)
_S128 = np.zeros((HH, 128), np.float32)
_S128[:, :H] = ((_ar[:, None] % H) == np.arange(H)[None, :]).astype(np.float32)
_ONESROW = np.zeros((1, 128), np.float32)
_ONESROW[0, H] = 1.0


def _gather_xs(x128, src1d, ne):
    mesh = plsc.VectorSubcoreMesh(core_axis_name="core", subcore_axis_name="subcore")

    @functools.partial(
        pl.kernel,
        out_type=jax.ShapeDtypeStruct((ne, 128), jnp.float32),
        mesh=mesh,
        scratch_types=[
            pltpu.VMEM((CH,), jnp.int32),
            pltpu.VMEM((CH, 128), jnp.float32),
            pltpu.VMEM_SHARED((N, 128), jnp.float32),
        ],
    )
    def gather_kernel(x_hbm, i_hbm, o_hbm, idx_v, row_v, x_s):
        cid = lax.axis_index("core")
        sid = lax.axis_index("subcore")
        wid = cid * NS + sid
        r0 = pl.multiple_of(sid * RS_MAIN, 8)

        @pl.when(sid < NS - 1)
        def _():
            pltpu.sync_copy(x_hbm.at[pl.ds(r0, RS_MAIN)],
                            x_s.at[pl.ds(r0, RS_MAIN)])

        @pl.when(sid == NS - 1)
        def _():
            pltpu.sync_copy(x_hbm.at[pl.ds(r0, RS_LAST)],
                            x_s.at[pl.ds(r0, RS_LAST)])

        plsc.subcore_barrier()

        nchunk = ne // CH

        @pl.loop(0, -(-nchunk // NW))
        def _(t):
            c = wid + t * NW

            @pl.when(c < nchunk)
            def _():
                e0 = pl.multiple_of(c * CH, CH)
                pltpu.sync_copy(i_hbm.at[pl.ds(e0, CH)], idx_v)
                pltpu.sync_copy(x_s.at[idx_v], row_v)
                pltpu.sync_copy(row_v, o_hbm.at[pl.ds(e0, CH)])

    return gather_kernel(x128, src1d)


def _scatter_mean_parts(msg, dst1d, zeros_a, ne, first):
    mesh = plsc.VectorSubcoreMesh(core_axis_name="core", subcore_axis_name="subcore")

    @functools.partial(
        pl.kernel,
        out_type=jax.ShapeDtypeStruct((NC, N, 128), jnp.float32),
        mesh=mesh,
        scratch_types=[
            pltpu.VMEM((CH,), jnp.int32),
            pltpu.VMEM((CH, 128), jnp.float32),
            pltpu.VMEM_SHARED((N, 128), jnp.float32),
        ],
    )
    def scatter_kernel(msg_hbm, dst_hbm, za_hbm, agg_hbm, idx_v, row_v, agg_s):
        cid = lax.axis_index("core")
        sid = lax.axis_index("subcore")
        wid = cid * NS + sid

        r0 = pl.multiple_of(sid * RS_MAIN, 8)

        if first:
            @pl.when(sid < NS - 1)
            def _():
                @pl.loop(0, RS_MAIN // 128)
                def _(j):
                    o0 = pl.multiple_of(r0 + j * 128, 8)
                    pltpu.sync_copy(za_hbm, agg_s.at[pl.ds(o0, 128)])

            @pl.when(sid == NS - 1)
            def _():
                @pl.loop(0, RS_LAST // 128)
                def _(j):
                    o0 = pl.multiple_of(r0 + j * 128, 8)
                    pltpu.sync_copy(za_hbm, agg_s.at[pl.ds(o0, 128)])

                rem0 = pl.multiple_of(r0 + (RS_LAST // 128) * 128, 8)
                pltpu.sync_copy(za_hbm.at[pl.ds(0, RS_LAST % 128)],
                                agg_s.at[pl.ds(rem0, RS_LAST % 128)])
        else:
            @pl.when(sid < NS - 1)
            def _():
                pltpu.sync_copy(za_hbm.at[cid, pl.ds(r0, RS_MAIN)],
                                agg_s.at[pl.ds(r0, RS_MAIN)])

            @pl.when(sid == NS - 1)
            def _():
                pltpu.sync_copy(za_hbm.at[cid, pl.ds(r0, RS_LAST)],
                                agg_s.at[pl.ds(r0, RS_LAST)])

        plsc.subcore_barrier()

        nchunk = ne // CH

        @pl.loop(0, -(-nchunk // NW))
        def _(t):
            c = wid + t * NW

            @pl.when(c < nchunk)
            def _():
                e0 = pl.multiple_of(c * CH, CH)
                pltpu.sync_copy(dst_hbm.at[pl.ds(e0, CH)], idx_v)
                pltpu.sync_copy(msg_hbm.at[pl.ds(e0, CH)], row_v)
                pltpu.sync_copy(row_v, agg_s.at[idx_v], add=True)

        plsc.subcore_barrier()

        @pl.when(sid < NS - 1)
        def _():
            pltpu.sync_copy(agg_s.at[pl.ds(r0, RS_MAIN)],
                            agg_hbm.at[cid, pl.ds(r0, RS_MAIN)])

        @pl.when(sid == NS - 1)
        def _():
            pltpu.sync_copy(agg_s.at[pl.ds(r0, RS_LAST)],
                            agg_hbm.at[cid, pl.ds(r0, RS_LAST)])

    return scatter_kernel(msg, dst1d, zeros_a)


def _mlp_body(ea_ref, xs_ref, w1_ref, b1_ref, w2_ref, b2_ref, w3_ref, b3_ref,
              rg_ref, s_ref, p_ref, q_ref, ones_ref, out_ref):
    bf = jnp.bfloat16
    h = jnp.maximum(jnp.dot(ea_ref[...].astype(bf), w1_ref[...],
                            preferred_element_type=jnp.float32) + b1_ref[...], 0.0)
    h = jnp.maximum(jnp.dot(h.astype(bf), w2_ref[...],
                            preferred_element_type=jnp.float32) + b2_ref[...], 0.0)
    h3 = jnp.dot(h.astype(bf), w3_ref[...],
                 preferred_element_type=jnp.float32) + b3_ref[...]
    mu = jnp.mean(h3, axis=1, keepdims=True)
    ms = jnp.mean(h3 * h3, axis=1, keepdims=True)
    rstd = lax.rsqrt(jnp.maximum(ms - mu * mu, 0.0) + 1e-5)
    xsb = xs_ref[...].astype(bf)
    xsg = jnp.dot(xsb, rg_ref[...], preferred_element_type=jnp.float32)
    u = (h3 * xsg).astype(bf)
    m1 = jnp.dot(u, s_ref[...], preferred_element_type=jnp.float32)
    t1 = jnp.dot(xsb, p_ref[...], preferred_element_type=jnp.float32)
    t2 = jnp.dot(xsb, q_ref[...], preferred_element_type=jnp.float32)
    out_ref[...] = m1 * rstd - (mu * rstd) * t1 + t2 + ones_ref[...]


def _edge_messages(edge_attr, xs, W1, b1, W2, b2, W3, b3, ln_g, ln_b, ne, blk0):
    S128 = jnp.asarray(_S128)
    Rg = jnp.asarray(_R) * ln_g.reshape(1, -1)
    P = Rg @ S128
    Q = (jnp.asarray(_R) * ln_b.reshape(1, -1)) @ S128
    full = lambda shape: pl.BlockSpec(shape, lambda i: tuple(0 for _ in shape))
    return pl.pallas_call(
        _mlp_body,
        grid=(ne // BB,),
        in_specs=[
            pl.BlockSpec((BB, DE), lambda i: (i + blk0, 0)),
            pl.BlockSpec((BB, 128), lambda i: (i, 0)),
            full((DE, 128)), full((1, 128)),
            full((128, 128)), full((1, 128)),
            full((128, HH)), full((1, HH)),
            full((128, HH)), full((HH, 128)),
            full((128, 128)), full((128, 128)), full((1, 128)),
        ],
        out_specs=pl.BlockSpec((BB, 128), lambda i: (i, 0)),
        out_shape=jax.ShapeDtypeStruct((ne, 128), jnp.float32),
    )(edge_attr, xs, W1.astype(jnp.bfloat16), b1.reshape(1, -1),
      W2.astype(jnp.bfloat16), b2.reshape(1, -1),
      W3.astype(jnp.bfloat16), b3.reshape(1, -1),
      Rg.astype(jnp.bfloat16), jnp.asarray(_S128).astype(jnp.bfloat16),
      P.astype(jnp.bfloat16), Q.astype(jnp.bfloat16), jnp.asarray(_ONESROW))


def _finish_body(x_ref, agg_ref, root_ref, cb_ref, cng_ref,
                 cnb_ref, out_ref):
    a = agg_ref[0] + agg_ref[1]
    agg = a[:, :H]
    cnt = a[:, H:H + 1]
    agg = agg / jnp.maximum(cnt, 1.0)
    pre = agg + jnp.dot(x_ref[...], root_ref[...],
                        preferred_element_type=jnp.float32) + cb_ref[...]
    out = jnp.maximum(pre, 0.0)
    gm = jnp.mean(out)
    d = out - gm
    gv = jnp.mean(d * d)
    out_ref[...] = x_ref[...] + d * lax.rsqrt(gv + 1e-5) * cng_ref[...] + cnb_ref[...]


def _finish(x, agg_parts, root, conv_bias, cn_g, cn_b):
    full = lambda shape: pl.BlockSpec(shape, lambda *_: tuple(0 for _ in shape))
    return pl.pallas_call(
        _finish_body,
        grid=(1,),
        in_specs=[
            full((N, H)), full((NC, N, 128)),
            full((H, H)), full((1, H)), full((1, H)), full((1, H)),
        ],
        out_specs=full((N, H)),
        out_shape=jax.ShapeDtypeStruct((N, H), jnp.float32),
    )(x, agg_parts, root, conv_bias.reshape(1, -1),
      cn_g.reshape(1, -1), cn_b.reshape(1, -1))


def kernel(x, edge_index, edge_attr, W1, b1, W2, b2, W3, b3, ln_g, ln_b,
           root, conv_bias, cn_g, cn_b):
    src1d = edge_index[0].reshape(E)
    dst1d = edge_index[1].reshape(E)
    x128 = jnp.pad(x, ((0, 0), (0, 128 - H)))
    K = 5
    EH = E // K
    xs = [_gather_xs(x128, src1d[k * EH:(k + 1) * EH], EH) for k in range(K)]
    msgs = [_edge_messages(edge_attr, xs[k],
                           W1, b1, W2, b2, W3, b3, ln_g, ln_b, EH, k * (EH // BB))
            for k in range(K)]
    agg = jnp.zeros((128, 128), jnp.float32)
    for k in range(K):
        agg = _scatter_mean_parts(msgs[k], dst1d[k * EH:(k + 1) * EH], agg,
                                  EH, k == 0)
    return _finish(x, agg, root, conv_bias, cn_g, cn_b)

# --- scband reference (transcript-rebuilt; emitter-appended) ---
"""Pipeline reference for scband-nnlayer-65343632441456 (READ-ONLY COPY).

The authoritative reference and input builder live on the scoring server;
editing this copy changes nothing except your own understanding.
"""

import jax, jax.numpy as jnp
import numpy as np

N = 10000
E = 160000
DE = 16
H = 32
HH = H * H

def setup_inputs(seed: int = 0):
    key = jax.random.key(seed)
    k = lambda i: jax.random.fold_in(key, i)
    x = jax.random.normal(k(0), (N, H), jnp.float32)
    edge_index = jax.random.randint(k(1), (2, E), 0, N, dtype=jnp.int32)
    edge_attr = jax.random.normal(k(2), (E, DE), jnp.float32)
    W1 = jax.random.normal(k(3), (DE, 128), jnp.float32) * 0.05
    b1 = jnp.zeros((128,), jnp.float32)
    W2 = jax.random.normal(k(4), (128, 128), jnp.float32) * 0.05
    b2 = jnp.zeros((128,), jnp.float32)
    W3 = jax.random.normal(k(5), (128, HH), jnp.float32) * 0.05
    b3 = jnp.zeros((HH,), jnp.float32)
    ln_g = jnp.ones((HH,), jnp.float32)
    ln_b = jnp.zeros((HH,), jnp.float32)
    root = jax.random.normal(k(6), (H, H), jnp.float32) * 0.05
    conv_bias = jnp.zeros((H,), jnp.float32)
    cn_g = jnp.ones((H,), jnp.float32)
    cn_b = jnp.zeros((H,), jnp.float32)
    return {"x": x, "edge_index": edge_index, "edge_attr": edge_attr,
            "W1": W1, "b1": b1, "W2": W2, "b2": b2, "W3": W3, "b3": b3,
            "ln_g": ln_g, "ln_b": ln_b, "root": root, "conv_bias": conv_bias,
            "cn_g": cn_g, "cn_b": cn_b}

def _forward(x, edge_attr, W1, b1, W2, b2, W3, b3, ln_g, ln_b, root, conv_bias, cn_g, cn_b, edge_index):
    # edge MLP: Linear(16,128)+ReLU -> Linear(128,128)+ReLU -> Linear(128, H*H)
    h = jax.nn.relu(edge_attr @ W1 + b1)
    h = jax.nn.relu(h @ W2 + b2)
    h = h @ W3 + b3
    # LayerNorm over H*H
    mu = h.mean(axis=-1, keepdims=True)
    var = ((h - mu) ** 2).mean(axis=-1, keepdims=True)
    h = (h - mu) / jnp.sqrt(var + 1e-5) * ln_g + ln_b
    We = h.reshape(E, H, H)
    src = edge_index[0]
    dst = edge_index[1]
    # NNConv message: x_j @ W_e per edge, aggr='mean' over dst
    msg = jnp.einsum('ei,eio->eo', x[src], We)
    agg = jax.ops.segment_sum(msg, dst, num_segments=N)
    cnt = jax.ops.segment_sum(jnp.ones((E,), jnp.float32), dst, num_segments=N)
    agg = agg / jnp.clip(cnt, 1.0, None)[:, None]
    # root weight + bias
    out = agg + x @ root + conv_bias
    out = jax.nn.relu(out)
    # torch_geometric.nn.LayerNorm (graph mode: normalize over all nodes & features)
    gm = out.mean()
    gv = ((out - gm) ** 2).mean()
    out = (out - gm) / jnp.sqrt(gv + 1e-5) * cn_g + cn_b
    # residual
    return x + out

def reference(x, edge_index, edge_attr, W1, b1, W2, b2, W3, b3, ln_g, ln_b, root, conv_bias, cn_g, cn_b):
    return _forward(x, edge_attr, W1, b1, W2, b2, W3, b3, ln_g, ln_b, root, conv_bias, cn_g, cn_b, edge_index)

if __name__ == "__main__":
    import jax
    _d = setup_inputs()
    print(jax.jit(kernel)(*tuple(_d.values())))

</pallas_src>

<mosaic_0001>
#map = affine_map<(d0, d1) -> (0, 0)>
#map1 = affine_map<(d0, d1) -> (0)>
module attributes {stable_mosaic.version = 14 : i64} {
  func.func @gather_kernel(%arg0: i32, %arg1: i32, %arg2: memref<10000x128xf32, #tpu.memory_space<hbm>>, %arg3: memref<32000xi32, #tpu.memory_space<hbm>>, %arg4: memref<32000x128xf32, #tpu.memory_space<hbm>>, %arg5: memref<128xi32, #tpu.memory_space<vmem>>, %arg6: memref<128x128xf32, #tpu.memory_space<vmem>>, %arg7: memref<10000x128xf32, #tpu.memory_space<vmem_shared>>) attributes {dimension_semantics = [#tpu.dimension_semantics<core_parallel>, #tpu.dimension_semantics<subcore_parallel>], iteration_bounds = array<i64: 2, 16>, scalar_prefetch = 0 : i64, scratch_operands = 3 : i64, tpu.core_type = #tpu.core_type<sc_vector_subcore>, window_params = [{transform_indices = #map}, {transform_indices = #map1}, {transform_indices = #map}]} {
    %mul3A = arith.constant 16 : i32
    %mul3A_0 = arith.muli %arg0, %mul3A : i32
    %add3A = arith.addi %mul3A_0, %arg1 : i32
    %mul3A_1 = arith.constant 640 : i32
    %mul3A_2 = arith.muli %arg1, %mul3A_1 : i32
    %multiple_of3A = tpu.assume_multiple %mul3A_2, 8 : i32
    %lt3A = arith.constant 15 : i32
    %lt3A_3 = arith.cmpi slt, %arg1, %lt3A : i32
    %convert_element_type3A = arith.extui %lt3A_3 : i1 to i32
    %cond3A = arith.constant 0 : i32
    %cond3A_4 = arith.cmpi ne, %convert_element_type3A, %cond3A : i32
    scf.if %cond3A_4 {
      "tpu.region"() ({
        %run_scoped3A = tpu.sem_alloc : memref<!tpu.dma_semaphore, #tpu.memory_space<semaphore_mem>>
        %dma_start3A = arith.constant 0 : i32
        %dma_start3A_13 = tpu.memref_slice %arg7[%multiple_of3A, %dma_start3A] : memref<10000x128xf32, #tpu.memory_space<vmem_shared>> -> memref<640x128xf32, #tpu.memory_space<vmem_shared>>
        %dma_start3A_14 = arith.constant 0 : i32
        %dma_start3A_15 = tpu.memref_slice %arg2[%multiple_of3A, %dma_start3A_14] : memref<10000x128xf32, #tpu.memory_space<hbm>> -> memref<640x128xf32, #tpu.memory_space<hbm>>
        tpu.enqueue_dma source(%dma_start3A_15 : memref<640x128xf32, #tpu.memory_space<hbm>>) target(%dma_start3A_13 : memref<640x128xf32, #tpu.memory_space<vmem_shared>>) target_semaphore(%run_scoped3A : memref<!tpu.dma_semaphore, #tpu.memory_space<semaphore_mem>>)
        %dma_wait3A = arith.constant 0 : i32
        %dma_wait3A_16 = tpu.memref_slice %arg7[%multiple_of3A, %dma_wait3A] : memref<10000x128xf32, #tpu.memory_space<vmem_shared>> -> memref<640x128xf32, #tpu.memory_space<vmem_shared>>
        %dma_wait3A_17 = arith.constant 0 : i32
        %dma_wait3A_18 = tpu.memref_slice %arg2[%multiple_of3A, %dma_wait3A_17] : memref<10000x128xf32, #tpu.memory_space<hbm>> -> memref<640x128xf32, #tpu.memory_space<hbm>>
        tpu.wait_dma2 semaphore(%run_scoped3A : memref<!tpu.dma_semaphore, #tpu.memory_space<semaphore_mem>>) src(%dma_wait3A_18 : memref<640x128xf32, #tpu.memory_space<hbm>>) dst(%dma_wait3A_16 : memref<640x128xf32, #tpu.memory_space<vmem_shared>>)
        tpu.yield
      }) : () -> ()
    } else {
    }
    %eq3A = arith.constant 15 : i32
    %eq3A_5 = arith.cmpi eq, %arg1, %eq3A : i32
    %convert_element_type3A_6 = arith.extui %eq3A_5 : i1 to i32
    %cond3A_7 = arith.constant 0 : i32
    %cond3A_8 = arith.cmpi ne, %convert_element_type3A_6, %cond3A_7 : i32
    scf.if %cond3A_8 {
      "tpu.region"() ({
        %run_scoped3A = tpu.sem_alloc : memref<!tpu.dma_semaphore, #tpu.memory_space<semaphore_mem>>
        %dma_start3A = arith.constant 0 : i32
        %dma_start3A_13 = tpu.memref_slice %arg7[%multiple_of3A, %dma_start3A] : memref<10000x128xf32, #tpu.memory_space<vmem_shared>> -> memref<400x128xf32, #tpu.memory_space<vmem_shared>>
        %dma_start3A_14 = arith.constant 0 : i32
        %dma_start3A_15 = tpu.memref_slice %arg2[%multiple_of3A, %dma_start3A_14] : memref<10000x128xf32, #tpu.memory_space<hbm>> -> memref<400x128xf32, #tpu.memory_space<hbm>>
        tpu.enqueue_dma source(%dma_start3A_15 : memref<400x128xf32, #tpu.memory_space<hbm>>) target(%dma_start3A_13 : memref<400x128xf32, #tpu.memory_space<vmem_shared>>) target_semaphore(%run_scoped3A : memref<!tpu.dma_semaphore, #tpu.memory_space<semaphore_mem>>)
        %dma_wait3A = arith.constant 0 : i32
        %dma_wait3A_16 = tpu.memref_slice %arg7[%multiple_of3A, %dma_wait3A] : memref<10000x128xf32, #tpu.memory_space<vmem_shared>> -> memref<400x128xf32, #tpu.memory_space<vmem_shared>>
        %dma_wait3A_17 = arith.constant 0 : i32
        %dma_wait3A_18 = tpu.memref_slice %arg2[%multiple_of3A, %dma_wait3A_17] : memref<10000x128xf32, #tpu.memory_space<hbm>> -> memref<400x128xf32, #tpu.memory_space<hbm>>
        tpu.wait_dma2 semaphore(%run_scoped3A : memref<!tpu.dma_semaphore, #tpu.memory_space<semaphore_mem>>) src(%dma_wait3A_18 : memref<400x128xf32, #tpu.memory_space<hbm>>) dst(%dma_wait3A_16 : memref<400x128xf32, #tpu.memory_space<vmem_shared>>)
        tpu.yield
      }) : () -> ()
    } else {
    }
    %barrier3A = arith.constant 0 : index
    tpu.barrier barrier_id(%barrier3A)
    %scan3A = arith.constant 0 : i32
    %scan3A_9 = arith.constant 8 : i32
    %scan3A_10 = arith.addi %scan3A, %scan3A_9 : i32
    %scan3A_11 = arith.constant 1 : i32
    scf.for %scan3A_13 = %scan3A to %scan3A_10 step %scan3A_11  : i32 {
      %mul3A_14 = arith.constant 1 : i32
      %mul3A_15 = arith.muli %scan3A_13, %mul3A_14 : i32
      %add3A_16 = arith.constant 0 : i32
      %add3A_17 = arith.addi %add3A_16, %mul3A_15 : i32
      %mul3A_18 = arith.constant 32 : i32
      %mul3A_19 = arith.muli %add3A_17, %mul3A_18 : i32
      %add3A_20 = arith.addi %add3A, %mul3A_19 : i32
      %lt3A_21 = arith.constant 250 : i32
      %lt3A_22 = arith.cmpi slt, %add3A_20, %lt3A_21 : i32
      %convert_element_type3A_23 = arith.extui %lt3A_22 : i1 to i32
      %cond3A_24 = arith.constant 0 : i32
      %cond3A_25 = arith.cmpi ne, %convert_element_type3A_23, %cond3A_24 : i32
      scf.if %cond3A_25 {
        %mul3A_26 = arith.constant 128 : i32
        %mul3A_27 = arith.muli %add3A_20, %mul3A_26 : i32
        %multiple_of3A_28 = tpu.assume_multiple %mul3A_27, 128 : i32
        "tpu.region"() ({
          %run_scoped3A = tpu.sem_alloc : memref<!tpu.dma_semaphore, #tpu.memory_space<semaphore_mem>>
          %dma_start3A = tpu.memref_slice %arg3[%multiple_of3A_28] : memref<32000xi32, #tpu.memory_space<hbm>> -> memref<128xi32, #tpu.memory_space<hbm>>
          %dma_start3A_29 = tpu.memref_slice %arg3[%multiple_of3A_28] : memref<32000xi32, #tpu.memory_space<hbm>> -> memref<128xi32, #tpu.memory_space<hbm>>
          tpu.enqueue_dma source(%dma_start3A_29 : memref<128xi32, #tpu.memory_space<hbm>>) target(%arg5 : memref<128xi32, #tpu.memory_space<vmem>>) target_semaphore(%run_scoped3A : memref<!tpu.dma_semaphore, #tpu.memory_space<semaphore_mem>>)
          %dma_wait3A = tpu.memref_slice %arg3[%multiple_of3A_28] : memref<32000xi32, #tpu.memory_space<hbm>> -> memref<128xi32, #tpu.memory_space<hbm>>
          %dma_wait3A_30 = tpu.memref_slice %arg3[%multiple_of3A_28] : memref<32000xi32, #tpu.memory_space<hbm>> -> memref<128xi32, #tpu.memory_space<hbm>>
          tpu.wait_dma2 semaphore(%run_scoped3A : memref<!tpu.dma_semaphore, #tpu.memory_space<semaphore_mem>>) src(%dma_wait3A_30 : memref<128xi32, #tpu.memory_space<hbm>>) dst(%arg5 : memref<128xi32, #tpu.memory_space<vmem>>)
          tpu.yield
        }) : () -> ()
        "tpu.region"() ({
          %run_scoped3A = tpu.sem_alloc : memref<!tpu.dma_semaphore, #tpu.memory_space<semaphore_mem>>
          %dma_start3A = arith.constant 0 : i32
          %dma_start3A_29 = arith.constant 0 : i32
          %dma_start3A_30 = tpu.memref_slice %arg7[%dma_start3A, %dma_start3A_29] : memref<10000x128xf32, #tpu.memory_space<vmem_shared>> -> memref<10000x128xf32, #tpu.memory_space<vmem_shared>>
          tpu.enqueue_indirect_dma source(%dma_start3A_30 : memref<10000x128xf32, #tpu.memory_space<vmem_shared>>) target(%arg6 : memref<128x128xf32, #tpu.memory_space<vmem>>) offsets(%arg5 : memref<128xi32, #tpu.memory_space<vmem>>) semaphore(%run_scoped3A : memref<!tpu.dma_semaphore, #tpu.memory_space<semaphore_mem>>)
          %dma_wait3A = arith.constant 0 : i32
          %dma_wait3A_31 = arith.constant 0 : i32
          %dma_wait3A_32 = tpu.memref_slice %arg7[%dma_wait3A, %dma_wait3A_31] : memref<10000x128xf32, #tpu.memory_space<vmem_shared>> -> memref<10000x128xf32, #tpu.memory_space<vmem_shared>>
          tpu.wait_indirect_dma semaphore(%run_scoped3A : memref<!tpu.dma_semaphore, #tpu.memory_space<semaphore_mem>>) src(%dma_wait3A_32 : memref<10000x128xf32, #tpu.memory_space<vmem_shared>>) dst(%arg6 : memref<128x128xf32, #tpu.memory_space<vmem>>)
          tpu.yield
        }) : () -> ()
        "tpu.region"() ({
          %run_scoped3A = tpu.sem_alloc : memref<!tpu.dma_semaphore, #tpu.memory_space<semaphore_mem>>
          %dma_start3A = arith.constant 0 : i32
          %dma_start3A_29 = tpu.memref_slice %arg4[%multiple_of3A_28, %dma_start3A] : memref<32000x128xf32, #tpu.memory_space<hbm>> -> memref<128x128xf32, #tpu.memory_space<hbm>>
          %dma_start3A_30 = arith.constant 0 : i32
          %dma_start3A_31 = tpu.memref_slice %arg4[%multiple_of3A_28, %dma_start3A_30] : memref<32000x128xf32, #tpu.memory_space<hbm>> -> memref<128x128xf32, #tpu.memory_space<hbm>>
          tpu.enqueue_dma source(%arg6 : memref<128x128xf32, #tpu.memory_space<vmem>>) target(%dma_start3A_31 : memref<128x128xf32, #tpu.memory_space<hbm>>) target_semaphore(%run_scoped3A : memref<!tpu.dma_semaphore, #tpu.memory_space<semaphore_mem>>)
          %dma_wait3A = arith.constant 0 : i32
          %dma_wait3A_32 = tpu.memref_slice %arg4[%multiple_of3A_28, %dma_wait3A] : memref<32000x128xf32, #tpu.memory_space<hbm>> -> memref<128x128xf32, #tpu.memory_space<hbm>>
          %dma_wait3A_33 = arith.constant 0 : i32
          %dma_wait3A_34 = tpu.memref_slice %arg4[%multiple_of3A_28, %dma_wait3A_33] : memref<32000x128xf32, #tpu.memory_space<hbm>> -> memref<128x128xf32, #tpu.memory_space<hbm>>
          tpu.wait_dma2 semaphore(%run_scoped3A : memref<!tpu.dma_semaphore, #tpu.memory_space<semaphore_mem>>) src(%arg6 : memref<128x128xf32, #tpu.memory_space<vmem>>) dst(%dma_wait3A_34 : memref<128x128xf32, #tpu.memory_space<hbm>>)
          tpu.yield
        }) : () -> ()
      } else {
      }
    }
    %scan3A_12 = arith.constant 8 : i32
    return
  }
}

#map = affine_map<(d0, d1) -> (0, 0)>
#map1 = affine_map<(d0, d1) -> (0)>
module attributes {stable_mosaic.version = 14 : i64} {
  func.func @gather_kernel(%arg0: i32, %arg1: i32, %arg2: memref<10000x128xf32, #tpu.memory_space<hbm>>, %arg3: memref<32000xi32, #tpu.memory_space<hbm>>, %arg4: memref<32000x128xf32, #tpu.memory_space<hbm>>, %arg5: memref<128xi32, #tpu.memory_space<vmem>>, %arg6: memref<128x128xf32, #tpu.memory_space<vmem>>, %arg7: memref<10000x128xf32, #tpu.memory_space<vmem_shared>>) attributes {dimension_semantics = [#tpu.dimension_semantics<core_parallel>, #tpu.dimension_semantics<subcore_parallel>], iteration_bounds = array<i64: 2, 16>, scalar_prefetch = 0 : i64, scratch_operands = 3 : i64, tpu.core_type = #tpu.core_type<sc_vector_subcore>, window_params = [{transform_indices = #map}, {transform_indices = #map1}, {transform_indices = #map}]} {
    %mul3A = arith.constant 16 : i32
    %mul3A_0 = arith.muli %arg0, %mul3A : i32
    %add3A = arith.addi %mul3A_0, %arg1 : i32
    %mul3A_1 = arith.constant 640 : i32
    %mul3A_2 = arith.muli %arg1, %mul3A_1 : i32
    %multiple_of3A = tpu.assume_multiple %mul3A_2, 8 : i32
    %lt3A = arith.constant 15 : i32
    %lt3A_3 = arith.cmpi slt, %arg1, %lt3A : i32
    %convert_element_type3A = arith.extui %lt3A_3 : i1 to i32
    %cond3A = arith.constant 0 : i32
    %cond3A_4 = arith.cmpi ne, %convert_element_type3A, %cond3A : i32
    scf.if %cond3A_4 {
      "tpu.region"() ({
        %run_scoped3A = tpu.sem_alloc : memref<!tpu.dma_semaphore, #tpu.memory_space<semaphore_mem>>
        %dma_start3A = arith.constant 0 : i32
        %dma_start3A_13 = tpu.memref_slice %arg7[%multiple_of3A, %dma_start3A] : memref<10000x128xf32, #tpu.memory_space<vmem_shared>> -> memref<640x128xf32, #tpu.memory_space<vmem_shared>>
        %dma_start3A_14 = arith.constant 0 : i32
        %dma_start3A_15 = tpu.memref_slice %arg2[%multiple_of3A, %dma_start3A_14] : memref<10000x128xf32, #tpu.memory_space<hbm>> -> memref<640x128xf32, #tpu.memory_space<hbm>>
        tpu.enqueue_dma source(%dma_start3A_15 : memref<640x128xf32, #tpu.memory_space<hbm>>) target(%dma_start3A_13 : memref<640x128xf32, #tpu.memory_space<vmem_shared>>) target_semaphore(%run_scoped3A : memref<!tpu.dma_semaphore, #tpu.memory_space<semaphore_mem>>)
        %dma_wait3A = arith.constant 0 : i32
        %dma_wait3A_16 = tpu.memref_slice %arg7[%multiple_of3A, %dma_wait3A] : memref<10000x128xf32, #tpu.memory_space<vmem_shared>> -> memref<640x128xf32, #tpu.memory_space<vmem_shared>>
        %dma_wait3A_17 = arith.constant 0 : i32
        %dma_wait3A_18 = tpu.memref_slice %arg2[%multiple_of3A, %dma_wait3A_17] : memref<10000x128xf32, #tpu.memory_space<hbm>> -> memref<640x128xf32, #tpu.memory_space<hbm>>
        tpu.wait_dma2 semaphore(%run_scoped3A : memref<!tpu.dma_semaphore, #tpu.memory_space<semaphore_mem>>) src(%dma_wait3A_18 : memref<640x128xf32, #tpu.memory_space<hbm>>) dst(%dma_wait3A_16 : memref<640x128xf32, #tpu.memory_space<vmem_shared>>)
        tpu.yield
      }) : () -> ()
    } else {
    }
    %eq3A = arith.constant 15 : i32
    %eq3A_5 = arith.cmpi eq, %arg1, %eq3A : i32
    %convert_element_type3A_6 = arith.extui %eq3A_5 : i1 to i32
    %cond3A_7 = arith.constant 0 : i32
    %cond3A_8 = arith.cmpi ne, %convert_element_type3A_6, %cond3A_7 : i32
    scf.if %cond3A_8 {
      "tpu.region"() ({
        %run_scoped3A = tpu.sem_alloc : memref<!tpu.dma_semaphore, #tpu.memory_space<semaphore_mem>>
        %dma_start3A = arith.constant 0 : i32
        %dma_start3A_13 = tpu.memref_slice %arg7[%multiple_of3A, %dma_start3A] : memref<10000x128xf32, #tpu.memory_space<vmem_shared>> -> memref<400x128xf32, #tpu.memory_space<vmem_shared>>
        %dma_start3A_14 = arith.constant 0 : i32
        %dma_start3A_15 = tpu.memref_slice %arg2[%multiple_of3A, %dma_start3A_14] : memref<10000x128xf32, #tpu.memory_space<hbm>> -> memref<400x128xf32, #tpu.memory_space<hbm>>
        tpu.enqueue_dma source(%dma_start3A_15 : memref<400x128xf32, #tpu.memory_space<hbm>>) target(%dma_start3A_13 : memref<400x128xf32, #tpu.memory_space<vmem_shared>>) target_semaphore(%run_scoped3A : memref<!tpu.dma_semaphore, #tpu.memory_space<semaphore_mem>>)
        %dma_wait3A = arith.constant 0 : i32
        %dma_wait3A_16 = tpu.memref_slice %arg7[%multiple_of3A, %dma_wait3A] : memref<10000x128xf32, #tpu.memory_space<vmem_shared>> -> memref<400x128xf32, #tpu.memory_space<vmem_shared>>
        %dma_wait3A_17 = arith.constant 0 : i32
        %dma_wait3A_18 = tpu.memref_slice %arg2[%multiple_of3A, %dma_wait3A_17] : memref<10000x128xf32, #tpu.memory_space<hbm>> -> memref<400x128xf32, #tpu.memory_space<hbm>>
        tpu.wait_dma2 semaphore(%run_scoped3A : memref<!tpu.dma_semaphore, #tpu.memory_space<semaphore_mem>>) src(%dma_wait3A_18 : memref<400x128xf32, #tpu.memory_space<hbm>>) dst(%dma_wait3A_16 : memref<400x128xf32, #tpu.memory_space<vmem_shared>>)
        tpu.yield
      }) : () -> ()
    } else {
    }
    %barrier3A = arith.constant 0 : index
    tpu.barrier barrier_id(%barrier3A)
    %scan3A = arith.constant 0 : i32
    %scan3A_9 = arith.constant 8 : i32
    %scan3A_10 = arith.addi %scan3A, %scan3A_9 : i32
    %scan3A_11 = arith.constant 1 : i32
    scf.for %scan3A_13 = %scan3A to %scan3A_10 step %scan3A_11  : i32 {
      %mul3A_14 = arith.constant 1 : i32
      %mul3A_15 = arith.muli %scan3A_13, %mul3A_14 : i32
      %add3A_16 = arith.constant 0 : i32
      %add3A_17 = arith.addi %add3A_16, %mul3A_15 : i32
      %mul3A_18 = arith.constant 32 : i32
      %mul3A_19 = arith.muli %add3A_17, %mul3A_18 : i32
      %add3A_20 = arith.addi %add3A, %mul3A_19 : i32
      %lt3A_21 = arith.constant 250 : i32
      %lt3A_22 = arith.cmpi slt, %add3A_20, %lt3A_21 : i32
      %convert_element_type3A_23 = arith.extui %lt3A_22 : i1 to i32
      %cond3A_24 = arith.constant 0 : i32
      %cond3A_25 = arith.cmpi ne, %convert_element_type3A_23, %cond3A_24 : i32
      scf.if %cond3A_25 {
        %mul3A_26 = arith.constant 128 : i32
        %mul3A_27 = arith.muli %add3A_20, %mul3A_26 : i32
        %multiple_of3A_28 = tpu.assume_multiple %mul3A_27, 128 : i32
        "tpu.region"() ({
          %run_scoped3A = tpu.sem_alloc : memref<!tpu.dma_semaphore, #tpu.memory_space<semaphore_mem>>
          %dma_start3A = tpu.memref_slice %arg3[%multiple_of3A_28] : memref<32000xi32, #tpu.memory_space<hbm>> -> memref<128xi32, #tpu.memory_space<hbm>>
          %dma_start3A_29 = tpu.memref_slice %arg3[%multiple_of3A_28] : memref<32000xi32, #tpu.memory_space<hbm>> -> memref<128xi32, #tpu.memory_space<hbm>>
          tpu.enqueue_dma source(%dma_start3A_29 : memref<128xi32, #tpu.memory_space<hbm>>) target(%arg5 : memref<128xi32, #tpu.memory_space<vmem>>) target_semaphore(%run_scoped3A : memref<!tpu.dma_semaphore, #tpu.memory_space<semaphore_mem>>)
          %dma_wait3A = tpu.memref_slice %arg3[%multiple_of3A_28] : memref<32000xi32, #tpu.memory_space<hbm>> -> memref<128xi32, #tpu.memory_space<hbm>>
          %dma_wait3A_30 = tpu.memref_slice %arg3[%multiple_of3A_28] : memref<32000xi32, #tpu.memory_space<hbm>> -> memref<128xi32, #tpu.memory_space<hbm>>
          tpu.wait_dma2 semaphore(%run_scoped3A : memref<!tpu.dma_semaphore, #tpu.memory_space<semaphore_mem>>) src(%dma_wait3A_30 : memref<128xi32, #tpu.memory_space<hbm>>) dst(%arg5 : memref<128xi32, #tpu.memory_space<vmem>>)
          tpu.yield
        }) : () -> ()
        "tpu.region"() ({
          %run_scoped3A = tpu.sem_alloc : memref<!tpu.dma_semaphore, #tpu.memory_space<semaphore_mem>>
          %dma_start3A = arith.constant 0 : i32
          %dma_start3A_29 = arith.constant 0 : i32
          %dma_start3A_30 = tpu.memref_slice %arg7[%dma_start3A, %dma_start3A_29] : memref<10000x128xf32, #tpu.memory_space<vmem_shared>> -> memref<10000x128xf32, #tpu.memory_space<vmem_shared>>
          tpu.enqueue_indirect_dma source(%dma_start3A_30 : memref<10000x128xf32, #tpu.memory_space<vmem_shared>>) target(%arg6 : memref<128x128xf32, #tpu.memory_space<vmem>>) offsets(%arg5 : memref<128xi32, #tpu.memory_space<vmem>>) semaphore(%run_scoped3A : memref<!tpu.dma_semaphore, #tpu.memory_space<semaphore_mem>>)
          %dma_wait3A = arith.constant 0 : i32
          %dma_wait3A_31 = arith.constant 0 : i32
          %dma_wait3A_32 = tpu.memref_slice %arg7[%dma_wait3A, %dma_wait3A_31] : memref<10000x128xf32, #tpu.memory_space<vmem_shared>> -> memref<10000x128xf32, #tpu.memory_space<vmem_shared>>
          tpu.wait_indirect_dma semaphore(%run_scoped3A : memref<!tpu.dma_semaphore, #tpu.memory_space<semaphore_mem>>) src(%dma_wait3A_32 : memref<10000x128xf32, #tpu.memory_space<vmem_shared>>) dst(%arg6 : memref<128x128xf32, #tpu.memory_space<vmem>>)
          tpu.yield
        }) : () -> ()
        "tpu.region"() ({
          %run_scoped3A = tpu.sem_alloc : memref<!tpu.dma_semaphore, #tpu.memory_space<semaphore_mem>>
          %dma_start3A = arith.constant 0 : i32
          %dma_start3A_29 = tpu.memref_slice %arg4[%multiple_of3A_28, %dma_start3A] : memref<32000x128xf32, #tpu.memory_space<hbm>> -> memref<128x128xf32, #tpu.memory_space<hbm>>
          %dma_start3A_30 = arith.constant 0 : i32
          %dma_start3A_31 = tpu.memref_slice %arg4[%multiple_of3A_28, %dma_start3A_30] : memref<32000x128xf32, #tpu.memory_space<hbm>> -> memref<128x128xf32, #tpu.memory_space<hbm>>
          tpu.enqueue_dma source(%arg6 : memref<128x128xf32, #tpu.memory_space<vmem>>) target(%dma_start3A_31 : memref<128x128xf32, #tpu.memory_space<hbm>>) target_semaphore(%run_scoped3A : memref<!tpu.dma_semaphore, #tpu.memory_space<semaphore_mem>>)
          %dma_wait3A = arith.constant 0 : i32
          %dma_wait3A_32 = tpu.memref_slice %arg4[%multiple_of3A_28, %dma_wait3A] : memref<32000x128xf32, #tpu.memory_space<hbm>> -> memref<128x128xf32, #tpu.memory_space<hbm>>
          %dma_wait3A_33 = arith.constant 0 : i32
          %dma_wait3A_34 = tpu.memref_slice %arg4[%multiple_of3A_28, %dma_wait3A_33] : memref<32000x128xf32, #tpu.memory_space<hbm>> -> memref<128x128xf32, #tpu.memory_space<hbm>>
          tpu.wait_dma2 semaphore(%run_scoped3A : memref<!tpu.dma_semaphore, #tpu.memory_space<semaphore_mem>>) src(%arg6 : memref<128x128xf32, #tpu.memory_space<vmem>>) dst(%dma_wait3A_34 : memref<128x128xf32, #tpu.memory_space<hbm>>)
          tpu.yield
        }) : () -> ()
      } else {
      }
    }
    %scan3A_12 = arith.constant 8 : i32
    return
  }
}

#map = affine_map<(d0, d1) -> (0, 0)>
#map1 = affine_map<(d0, d1) -> (0)>
module attributes {stable_mosaic.version = 14 : i64} {
  func.func @gather_kernel(%arg0: i32, %arg1: i32, %arg2: memref<10000x128xf32, #tpu.memory_space<hbm>>, %arg3: memref<32000xi32, #tpu.memory_space<hbm>>, %arg4: memref<32000x128xf32, #tpu.memory_space<hbm>>, %arg5: memref<128xi32, #tpu.memory_space<vmem>>, %arg6: memref<128x128xf32, #tpu.memory_space<vmem>>, %arg7: memref<10000x128xf32, #tpu.memory_space<vmem_shared>>) attributes {dimension_semantics = [#tpu.dimension_semantics<core_parallel>, #tpu.dimension_semantics<subcore_parallel>], iteration_bounds = array<i64: 2, 16>, scalar_prefetch = 0 : i64, scratch_operands = 3 : i64, tpu.core_type = #tpu.core_type<sc_vector_subcore>, window_params = [{transform_indices = #map}, {transform_indices = #map1}, {transform_indices = #map}]} {
    %mul3A = arith.constant 16 : i32
    %mul3A_0 = arith.muli %arg0, %mul3A : i32
    %add3A = arith.addi %mul3A_0, %arg1 : i32
    %mul3A_1 = arith.constant 640 : i32
    %mul3A_2 = arith.muli %arg1, %mul3A_1 : i32
    %multiple_of3A = tpu.assume_multiple %mul3A_2, 8 : i32
    %lt3A = arith.constant 15 : i32
    %lt3A_3 = arith.cmpi slt, %arg1, %lt3A : i32
    %convert_element_type3A = arith.extui %lt3A_3 : i1 to i32
    %cond3A = arith.constant 0 : i32
    %cond3A_4 = arith.cmpi ne, %convert_element_type3A, %cond3A : i32
    scf.if %cond3A_4 {
      "tpu.region"() ({
        %run_scoped3A = tpu.sem_alloc : memref<!tpu.dma_semaphore, #tpu.memory_space<semaphore_mem>>
        %dma_start3A = arith.constant 0 : i32
        %dma_start3A_13 = tpu.memref_slice %arg7[%multiple_of3A, %dma_start3A] : memref<10000x128xf32, #tpu.memory_space<vmem_shared>> -> memref<640x128xf32, #tpu.memory_space<vmem_shared>>
        %dma_start3A_14 = arith.constant 0 : i32
        %dma_start3A_15 = tpu.memref_slice %arg2[%multiple_of3A, %dma_start3A_14] : memref<10000x128xf32, #tpu.memory_space<hbm>> -> memref<640x128xf32, #tpu.memory_space<hbm>>
        tpu.enqueue_dma source(%dma_start3A_15 : memref<640x128xf32, #tpu.memory_space<hbm>>) target(%dma_start3A_13 : memref<640x128xf32, #tpu.memory_space<vmem_shared>>) target_semaphore(%run_scoped3A : memref<!tpu.dma_semaphore, #tpu.memory_space<semaphore_mem>>)
        %dma_wait3A = arith.constant 0 : i32
        %dma_wait3A_16 = tpu.memref_slice %arg7[%multiple_of3A, %dma_wait3A] : memref<10000x128xf32, #tpu.memory_space<vmem_shared>> -> memref<640x128xf32, #tpu.memory_space<vmem_shared>>
        %dma_wait3A_17 = arith.constant 0 : i32
        %dma_wait3A_18 = tpu.memref_slice %arg2[%multiple_of3A, %dma_wait3A_17] : memref<10000x128xf32, #tpu.memory_space<hbm>> -> memref<640x128xf32, #tpu.memory_space<hbm>>
        tpu.wait_dma2 semaphore(%run_scoped3A : memref<!tpu.dma_semaphore, #tpu.memory_space<semaphore_mem>>) src(%dma_wait3A_18 : memref<640x128xf32, #tpu.memory_space<hbm>>) dst(%dma_wait3A_16 : memref<640x128xf32, #tpu.memory_space<vmem_shared>>)
        tpu.yield
      }) : () -> ()
    } else {
    }
    %eq3A = arith.constant 15 : i32
    %eq3A_5 = arith.cmpi eq, %arg1, %eq3A : i32
    %convert_element_type3A_6 = arith.extui %eq3A_5 : i1 to i32
    %cond3A_7 = arith.constant 0 : i32
    %cond3A_8 = arith.cmpi ne, %convert_element_type3A_6, %cond3A_7 : i32
    scf.if %cond3A_8 {
      "tpu.region"() ({
        %run_scoped3A = tpu.sem_alloc : memref<!tpu.dma_semaphore, #tpu.memory_space<semaphore_mem>>
        %dma_start3A = arith.constant 0 : i32
        %dma_start3A_13 = tpu.memref_slice %arg7[%multiple_of3A, %dma_start3A] : memref<10000x128xf32, #tpu.memory_space<vmem_shared>> -> memref<400x128xf32, #tpu.memory_space<vmem_shared>>
        %dma_start3A_14 = arith.constant 0 : i32
        %dma_start3A_15 = tpu.memref_slice %arg2[%multiple_of3A, %dma_start3A_14] : memref<10000x128xf32, #tpu.memory_space<hbm>> -> memref<400x128xf32, #tpu.memory_space<hbm>>
        tpu.enqueue_dma source(%dma_start3A_15 : memref<400x128xf32, #tpu.memory_space<hbm>>) target(%dma_start3A_13 : memref<400x128xf32, #tpu.memory_space<vmem_shared>>) target_semaphore(%run_scoped3A : memref<!tpu.dma_semaphore, #tpu.memory_space<semaphore_mem>>)
        %dma_wait3A = arith.constant 0 : i32
        %dma_wait3A_16 = tpu.memref_slice %arg7[%multiple_of3A, %dma_wait3A] : memref<10000x128xf32, #tpu.memory_space<vmem_shared>> -> memref<400x128xf32, #tpu.memory_space<vmem_shared>>
        %dma_wait3A_17 = arith.constant 0 : i32
        %dma_wait3A_18 = tpu.memref_slice %arg2[%multiple_of3A, %dma_wait3A_17] : memref<10000x128xf32, #tpu.memory_space<hbm>> -> memref<400x128xf32, #tpu.memory_space<hbm>>
        tpu.wait_dma2 semaphore(%run_scoped3A : memref<!tpu.dma_semaphore, #tpu.memory_space<semaphore_mem>>) src(%dma_wait3A_18 : memref<400x128xf32, #tpu.memory_space<hbm>>) dst(%dma_wait3A_16 : memref<400x128xf32, #tpu.memory_space<vmem_shared>>)
        tpu.yield
      }) : () -> ()
    } else {
    }
    %barrier3A = arith.constant 0 : index
    tpu.barrier barrier_id(%barrier3A)
    %scan3A = arith.constant 0 : i32
    %scan3A_9 = arith.constant 8 : i32
    %scan3A_10 = arith.addi %scan3A, %scan3A_9 : i32
    %scan3A_11 = arith.constant 1 : i32
    scf.for %scan3A_13 = %scan3A to %scan3A_10 step %scan3A_11  : i32 {
      %mul3A_14 = arith.constant 1 : i32
      %mul3A_15 = arith.muli %scan3A_13, %mul3A_14 : i32
      %add3A_16 = arith.constant 0 : i32
      %add3A_17 = arith.addi %add3A_16, %mul3A_15 : i32
      %mul3A_18 = arith.constant 32 : i32
      %mul3A_19 = arith.muli %add3A_17, %mul3A_18 : i32
      %add3A_20 = arith.addi %add3A, %mul3A_19 : i32
      %lt3A_21 = arith.constant 250 : i32
      %lt3A_22 = arith.cmpi slt, %add3A_20, %lt3A_21 : i32
      %convert_element_type3A_23 = arith.extui %lt3A_22 : i1 to i32
      %cond3A_24 = arith.constant 0 : i32
      %cond3A_25 = arith.cmpi ne, %convert_element_type3A_23, %cond3A_24 : i32
      scf.if %cond3A_25 {
        %mul3A_26 = arith.constant 128 : i32
        %mul3A_27 = arith.muli %add3A_20, %mul3A_26 : i32
        %multiple_of3A_28 = tpu.assume_multiple %mul3A_27, 128 : i32
        "tpu.region"() ({
          %run_scoped3A = tpu.sem_alloc : memref<!tpu.dma_semaphore, #tpu.memory_space<semaphore_mem>>
          %dma_start3A = tpu.memref_slice %arg3[%multiple_of3A_28] : memref<32000xi32, #tpu.memory_space<hbm>> -> memref<128xi32, #tpu.memory_space<hbm>>
          %dma_start3A_29 = tpu.memref_slice %arg3[%multiple_of3A_28] : memref<32000xi32, #tpu.memory_space<hbm>> -> memref<128xi32, #tpu.memory_space<hbm>>
          tpu.enqueue_dma source(%dma_start3A_29 : memref<128xi32, #tpu.memory_space<hbm>>) target(%arg5 : memref<128xi32, #tpu.memory_space<vmem>>) target_semaphore(%run_scoped3A : memref<!tpu.dma_semaphore, #tpu.memory_space<semaphore_mem>>)
          %dma_wait3A = tpu.memref_slice %arg3[%multiple_of3A_28] : memref<32000xi32, #tpu.memory_space<hbm>> -> memref<128xi32, #tpu.memory_space<hbm>>
          %dma_wait3A_30 = tpu.memref_slice %arg3[%multiple_of3A_28] : memref<32000xi32, #tpu.memory_space<hbm>> -> memref<128xi32, #tpu.memory_space<hbm>>
          tpu.wait_dma2 semaphore(%run_scoped3A : memref<!tpu.dma_semaphore, #tpu.memory_space<semaphore_mem>>) src(%dma_wait3A_30 : memref<128xi32, #tpu.memory_space<hbm>>) dst(%arg5 : memref<128xi32, #tpu.memory_space<vmem>>)
          tpu.yield
        }) : () -> ()
        "tpu.region"() ({
          %run_scoped3A = tpu.sem_alloc : memref<!tpu.dma_semaphore, #tpu.memory_space<semaphore_mem>>
          %dma_start3A = arith.constant 0 : i32
          %dma_start3A_29 = arith.constant 0 : i32
          %dma_start3A_30 = tpu.memref_slice %arg7[%dma_start3A, %dma_start3A_29] : memref<10000x128xf32, #tpu.memory_space<vmem_shared>> -> memref<10000x128xf32, #tpu.memory_space<vmem_shared>>
          tpu.enqueue_indirect_dma source(%dma_start3A_30 : memref<10000x128xf32, #tpu.memory_space<vmem_shared>>) target(%arg6 : memref<128x128xf32, #tpu.memory_space<vmem>>) offsets(%arg5 : memref<128xi32, #tpu.memory_space<vmem>>) semaphore(%run_scoped3A : memref<!tpu.dma_semaphore, #tpu.memory_space<semaphore_mem>>)
          %dma_wait3A = arith.constant 0 : i32
          %dma_wait3A_31 = arith.constant 0 : i32
          %dma_wait3A_32 = tpu.memref_slice %arg7[%dma_wait3A, %dma_wait3A_31] : memref<10000x128xf32, #tpu.memory_space<vmem_shared>> -> memref<10000x128xf32, #tpu.memory_space<vmem_shared>>
          tpu.wait_indirect_dma semaphore(%run_scoped3A : memref<!tpu.dma_semaphore, #tpu.memory_space<semaphore_mem>>) src(%dma_wait3A_32 : memref<10000x128xf32, #tpu.memory_space<vmem_shared>>) dst(%arg6 : memref<128x128xf32, #tpu.memory_space<vmem>>)
          tpu.yield
        }) : () -> ()
        "tpu.region"() ({
          %run_scoped3A = tpu.sem_alloc : memref<!tpu.dma_semaphore, #tpu.memory_space<semaphore_mem>>
          %dma_start3A = arith.constant 0 : i32
          %dma_start3A_29 = tpu.memref_slice %arg4[%multiple_of3A_28, %dma_start3A] : memref<32000x128xf32, #tpu.memory_space<hbm>> -> memref<128x128xf32, #tpu.memory_space<hbm>>
          %dma_start3A_30 = arith.constant 0 : i32
          %dma_start3A_31 = tpu.memref_slice %arg4[%multiple_of3A_28, %dma_start3A_30] : memref<32000x128xf32, #tpu.memory_space<hbm>> -> memref<128x128xf32, #tpu.memory_space<hbm>>
          tpu.enqueue_dma source(%arg6 : memref<128x128xf32, #tpu.memory_space<vmem>>) target(%dma_start3A_31 : memref<128x128xf32, #tpu.memory_space<hbm>>) target_semaphore(%run_scoped3A : memref<!tpu.dma_semaphore, #tpu.memory_space<semaphore_mem>>)
          %dma_wait3A = arith.constant 0 : i32
          %dma_wait3A_32 = tpu.memref_slice %arg4[%multiple_of3A_28, %dma_wait3A] : memref<32000x128xf32, #tpu.memory_space<hbm>> -> memref<128x128xf32, #tpu.memory_space<hbm>>
          %dma_wait3A_33 = arith.constant 0 : i32
          %dma_wait3A_34 = tpu.memref_slice %arg4[%multiple_of3A_28, %dma_wait3A_33] : memref<32000x128xf32, #tpu.memory_space<hbm>> -> memref<128x128xf32, #tpu.memory_space<hbm>>
          tpu.wait_dma2 semaphore(%run_scoped3A : memref<!tpu.dma_semaphore, #tpu.memory_space<semaphore_mem>>) src(%arg6 : memref<128x128xf32, #tpu.memory_space<vmem>>) dst(%dma_wait3A_34 : memref<128x128xf32, #tpu.memory_space<hbm>>)
          tpu.yield
        }) : () -> ()
      } else {
      }
    }
    %scan3A_12 = arith.constant 8 : i32
    return
  }
}

#map = affine_map<(d0, d1) -> (0, 0)>
#map1 = affine_map<(d0, d1) -> (0)>
#map2 = affine_map<(d0, d1) -> (0, 0, 0)>
module attributes {stable_mosaic.version = 14 : i64} {
  func.func @scatter_kernel(%arg0: i32, %arg1: i32, %arg2: memref<32000x128xf32, #tpu.memory_space<hbm>>, %arg3: memref<32000xi32, #tpu.memory_space<hbm>>, %arg4: memref<128x128xf32, #tpu.memory_space<hbm>>, %arg5: memref<2x10000x128xf32, #tpu.memory_space<hbm>>, %arg6: memref<128xi32, #tpu.memory_space<vmem>>, %arg7: memref<128x128xf32, #tpu.memory_space<vmem>>, %arg8: memref<10000x128xf32, #tpu.memory_space<vmem_shared>>) attributes {dimension_semantics = [#tpu.dimension_semantics<core_parallel>, #tpu.dimension_semantics<subcore_parallel>], iteration_bounds = array<i64: 2, 16>, scalar_prefetch = 0 : i64, scratch_operands = 3 : i64, tpu.core_type = #tpu.core_type<sc_vector_subcore>, window_params = [{transform_indices = #map}, {transform_indices = #map1}, {transform_indices = #map}, {transform_indices = #map2}]} {
    %mul3A = arith.constant 16 : i32
    %mul3A_0 = arith.muli %arg0, %mul3A : i32
    %add3A = arith.addi %mul3A_0, %arg1 : i32
    %mul3A_1 = arith.constant 640 : i32
    %mul3A_2 = arith.muli %arg1, %mul3A_1 : i32
    %multiple_of3A = tpu.assume_multiple %mul3A_2, 8 : i32
    %lt3A = arith.constant 15 : i32
    %lt3A_3 = arith.cmpi slt, %arg1, %lt3A : i32
    %convert_element_type3A = arith.extui %lt3A_3 : i1 to i32
    %cond3A = arith.constant 0 : i32
    %cond3A_4 = arith.cmpi ne, %convert_element_type3A, %cond3A : i32
    scf.if %cond3A_4 {
      %scan3A_24 = arith.constant 0 : i32
      %scan3A_25 = arith.constant 5 : i32
      %scan3A_26 = arith.addi %scan3A_24, %scan3A_25 : i32
      %scan3A_27 = arith.constant 1 : i32
      scf.for %scan3A_29 = %scan3A_24 to %scan3A_26 step %scan3A_27  : i32 {
        %mul3A_30 = arith.constant 1 : i32
        %mul3A_31 = arith.muli %scan3A_29, %mul3A_30 : i32
        %add3A_32 = arith.constant 0 : i32
        %add3A_33 = arith.addi %add3A_32, %mul3A_31 : i32
        %mul3A_34 = arith.constant 128 : i32
        %mul3A_35 = arith.muli %add3A_33, %mul3A_34 : i32
        %add3A_36 = arith.addi %multiple_of3A, %mul3A_35 : i32
        %multiple_of3A_37 = tpu.assume_multiple %add3A_36, 8 : i32
        "tpu.region"() ({
          %run_scoped3A = tpu.sem_alloc : memref<!tpu.dma_semaphore, #tpu.memory_space<semaphore_mem>>
          %dma_start3A = arith.constant 0 : i32
          %dma_start3A_38 = tpu.memref_slice %arg8[%multiple_of3A_37, %dma_start3A] : memref<10000x128xf32, #tpu.memory_space<vmem_shared>> -> memref<128x128xf32, #tpu.memory_space<vmem_shared>>
          tpu.enqueue_dma source(%arg4 : memref<128x128xf32, #tpu.memory_space<hbm>>) target(%dma_start3A_38 : memref<128x128xf32, #tpu.memory_space<vmem_shared>>) target_semaphore(%run_scoped3A : memref<!tpu.dma_semaphore, #tpu.memory_space<semaphore_mem>>)
          %dma_wait3A = arith.constant 0 : i32
          %dma_wait3A_39 = tpu.memref_slice %arg8[%multiple_of3A_37, %dma_wait3A] : memref<10000x128xf32, #tpu.memory_space<vmem_shared>> -> memref<128x128xf32, #tpu.memory_space<vmem_shared>>
          tpu.wait_dma2 semaphore(%run_scoped3A : memref<!tpu.dma_semaphore, #tpu.memory_space<semaphore_mem>>) src(%arg4 : memref<128x128xf32, #tpu.memory_space<hbm>>) dst(%dma_wait3A_39 : memref<128x128xf32, #tpu.memory_space<vmem_shared>>)
          tpu.yield
        }) : () -> ()
      }
      %scan3A_28 = arith.constant 5 : i32
    } else {
    }
    %eq3A = arith.constant 15 : i32
    %eq3A_5 = arith.cmpi eq, %arg1, %eq3A : i32
    %convert_element_type3A_6 = arith.extui %eq3A_5 : i1 to i32
    %cond3A_7 = arith.constant 0 : i32
    %cond3A_8 = arith.cmpi ne, %convert_element_type3A_6, %cond3A_7 : i32
    scf.if %cond3A_8 {
      %scan3A_24 = arith.constant 0 : i32
      %scan3A_25 = arith.constant 3 : i32
      %scan3A_26 = arith.addi %scan3A_24, %scan3A_25 : i32
      %scan3A_27 = arith.constant 1 : i32
      scf.for %scan3A_32 = %scan3A_24 to %scan3A_26 step %scan3A_27  : i32 {
        %mul3A_33 = arith.constant 1 : i32
        %mul3A_34 = arith.muli %scan3A_32, %mul3A_33 : i32
        %add3A_35 = arith.constant 0 : i32
        %add3A_36 = arith.addi %add3A_35, %mul3A_34 : i32
        %mul3A_37 = arith.constant 128 : i32
        %mul3A_38 = arith.muli %add3A_36, %mul3A_37 : i32
        %add3A_39 = arith.addi %multiple_of3A, %mul3A_38 : i32
        %multiple_of3A_40 = tpu.assume_multiple %add3A_39, 8 : i32
        "tpu.region"() ({
          %run_scoped3A = tpu.sem_alloc : memref<!tpu.dma_semaphore, #tpu.memory_space<semaphore_mem>>
          %dma_start3A = arith.constant 0 : i32
          %dma_start3A_41 = tpu.memref_slice %arg8[%multiple_of3A_40, %dma_start3A] : memref<10000x128xf32, #tpu.memory_space<vmem_shared>> -> memref<128x128xf32, #tpu.memory_space<vmem_shared>>
          tpu.enqueue_dma source(%arg4 : memref<128x128xf32, #tpu.memory_space<hbm>>) target(%dma_start3A_41 : memref<128x128xf32, #tpu.memory_space<vmem_shared>>) target_semaphore(%run_scoped3A : memref<!tpu.dma_semaphore, #tpu.memory_space<semaphore_mem>>)
          %dma_wait3A = arith.constant 0 : i32
          %dma_wait3A_42 = tpu.memref_slice %arg8[%multiple_of3A_40, %dma_wait3A] : memref<10000x128xf32, #tpu.memory_space<vmem_shared>> -> memref<128x128xf32, #tpu.memory_space<vmem_shared>>
          tpu.wait_dma2 semaphore(%run_scoped3A : memref<!tpu.dma_semaphore, #tpu.memory_space<semaphore_mem>>) src(%arg4 : memref<128x128xf32, #tpu.memory_space<hbm>>) dst(%dma_wait3A_42 : memref<128x128xf32, #tpu.memory_space<vmem_shared>>)
          tpu.yield
        }) : () -> ()
      }
      %scan3A_28 = arith.constant 3 : i32
      %add3A_29 = arith.constant 384 : i32
      %add3A_30 = arith.addi %multiple_of3A, %add3A_29 : i32
      %multiple_of3A_31 = tpu.assume_multiple %add3A_30, 8 : i32
      "tpu.region"() ({
        %run_scoped3A = tpu.sem_alloc : memref<!tpu.dma_semaphore, #tpu.memory_space<semaphore_mem>>
        %dma_start3A = arith.constant 0 : i32
        %dma_start3A_32 = tpu.memref_slice %arg8[%multiple_of3A_31, %dma_start3A] : memref<10000x128xf32, #tpu.memory_space<vmem_shared>> -> memref<16x128xf32, #tpu.memory_space<vmem_shared>>
        %dma_start3A_33 = arith.constant 0 : i32
        %dma_start3A_34 = arith.constant 0 : i32
        %dma_start3A_35 = tpu.memref_slice %arg4[%dma_start3A_33, %dma_start3A_34] : memref<128x128xf32, #tpu.memory_space<hbm>> -> memref<16x128xf32, #tpu.memory_space<hbm>>
        tpu.enqueue_dma source(%dma_start3A_35 : memref<16x128xf32, #tpu.memory_space<hbm>>) target(%dma_start3A_32 : memref<16x128xf32, #tpu.memory_space<vmem_shared>>) target_semaphore(%run_scoped3A : memref<!tpu.dma_semaphore, #tpu.memory_space<semaphore_mem>>)
        %dma_wait3A = arith.constant 0 : i32
        %dma_wait3A_36 = tpu.memref_slice %arg8[%multiple_of3A_31, %dma_wait3A] : memref<10000x128xf32, #tpu.memory_space<vmem_shared>> -> memref<16x128xf32, #tpu.memory_space<vmem_shared>>
        %dma_wait3A_37 = arith.constant 0 : i32
        %dma_wait3A_38 = arith.constant 0 : i32
        %dma_wait3A_39 = tpu.memref_slice %arg4[%dma_wait3A_37, %dma_wait3A_38] : memref<128x128xf32, #tpu.memory_space<hbm>> -> memref<16x128xf32, #tpu.memory_space<hbm>>
        tpu.wait_dma2 semaphore(%run_scoped3A : memref<!tpu.dma_semaphore, #tpu.memory_space<semaphore_mem>>) src(%dma_wait3A_39 : memref<16x128xf32, #tpu.memory_space<hbm>>) dst(%dma_wait3A_36 : memref<16x128xf32, #tpu.memory_space<vmem_shared>>)
        tpu.yield
      }) : () -> ()
    } else {
    }
    %barrier3A = arith.constant 0 : index
    tpu.barrier barrier_id(%barrier3A)
    %scan3A = arith.constant 0 : i32
    %scan3A_9 = arith.constant 8 : i32
    %scan3A_10 = arith.addi %scan3A, %scan3A_9 : i32
    %scan3A_11 = arith.constant 1 : i32
    scf.for %scan3A_24 = %scan3A to %scan3A_10 step %scan3A_11  : i32 {
      %mul3A_25 = arith.constant 1 : i32
      %mul3A_26 = arith.muli %scan3A_24, %mul3A_25 : i32
      %add3A_27 = arith.constant 0 : i32
      %add3A_28 = arith.addi %add3A_27, %mul3A_26 : i32
      %mul3A_29 = arith.constant 32 : i32
      %mul3A_30 = arith.muli %add3A_28, %mul3A_29 : i32
      %add3A_31 = arith.addi %add3A, %mul3A_30 : i32
      %lt3A_32 = arith.constant 250 : i32
      %lt3A_33 = arith.cmpi slt, %add3A_31, %lt3A_32 : i32
      %convert_element_type3A_34 = arith.extui %lt3A_33 : i1 to i32
      %cond3A_35 = arith.constant 0 : i32
      %cond3A_36 = arith.cmpi ne, %convert_element_type3A_34, %cond3A_35 : i32
      scf.if %cond3A_36 {
        %mul3A_37 = arith.constant 128 : i32
        %mul3A_38 = arith.muli %add3A_31, %mul3A_37 : i32
        %multiple_of3A_39 = tpu.assume_multiple %mul3A_38, 128 : i32
        "tpu.region"() ({
          %run_scoped3A = tpu.sem_alloc : memref<!tpu.dma_semaphore, #tpu.memory_space<semaphore_mem>>
          %dma_start3A = tpu.memref_slice %arg3[%multiple_of3A_39] : memref<32000xi32, #tpu.memory_space<hbm>> -> memref<128xi32, #tpu.memory_space<hbm>>
          %dma_start3A_40 = tpu.memref_slice %arg3[%multiple_of3A_39] : memref<32000xi32, #tpu.memory_space<hbm>> -> memref<128xi32, #tpu.memory_space<hbm>>
          tpu.enqueue_dma source(%dma_start3A_40 : memref<128xi32, #tpu.memory_space<hbm>>) target(%arg6 : memref<128xi32, #tpu.memory_space<vmem>>) target_semaphore(%run_scoped3A : memref<!tpu.dma_semaphore, #tpu.memory_space<semaphore_mem>>)
          %dma_wait3A = tpu.memref_slice %arg3[%multiple_of3A_39] : memref<32000xi32, #tpu.memory_space<hbm>> -> memref<128xi32, #tpu.memory_space<hbm>>
          %dma_wait3A_41 = tpu.memref_slice %arg3[%multiple_of3A_39] : memref<32000xi32, #tpu.memory_space<hbm>> -> memref<128xi32, #tpu.memory_space<hbm>>
          tpu.wait_dma2 semaphore(%run_scoped3A : memref<!tpu.dma_semaphore, #tpu.memory_space<semaphore_mem>>) src(%dma_wait3A_41 : memref<128xi32, #tpu.memory_space<hbm>>) dst(%arg6 : memref<128xi32, #tpu.memory_space<vmem>>)
          tpu.yield
        }) : () -> ()
        "tpu.region"() ({
          %run_scoped3A = tpu.sem_alloc : memref<!tpu.dma_semaphore, #tpu.memory_space<semaphore_mem>>
          %dma_start3A = arith.constant 0 : i32
          %dma_start3A_40 = tpu.memref_slice %arg2[%multiple_of3A_39, %dma_start3A] : memref<32000x128xf32, #tpu.memory_space<hbm>> -> memref<128x128xf32, #tpu.memory_space<hbm>>
          %dma_start3A_41 = arith.constant 0 : i32
          %dma_start3A_42 = tpu.memref_slice %arg2[%multiple_of3A_39, %dma_start3A_41] : memref<32000x128xf32, #tpu.memory_space<hbm>> -> memref<128x128xf32, #tpu.memory_space<hbm>>
          tpu.enqueue_dma source(%dma_start3A_42 : memref<128x128xf32, #tpu.memory_space<hbm>>) target(%arg7 : memref<128x128xf32, #tpu.memory_space<vmem>>) target_semaphore(%run_scoped3A : memref<!tpu.dma_semaphore, #tpu.memory_space<semaphore_mem>>)
          %dma_wait3A = arith.constant 0 : i32
          %dma_wait3A_43 = tpu.memref_slice %arg2[%multiple_of3A_39, %dma_wait3A] : memref<32000x128xf32, #tpu.memory_space<hbm>> -> memref<128x128xf32, #tpu.memory_space<hbm>>
          %dma_wait3A_44 = arith.constant 0 : i32
          %dma_wait3A_45 = tpu.memref_slice %arg2[%multiple_of3A_39, %dma_wait3A_44] : memref<32000x128xf32, #tpu.memory_space<hbm>> -> memref<128x128xf32, #tpu.memory_space<hbm>>
          tpu.wait_dma2 semaphore(%run_scoped3A : memref<!tpu.dma_semaphore, #tpu.memory_space<semaphore_mem>>) src(%dma_wait3A_45 : memref<128x128xf32, #tpu.memory_space<hbm>>) dst(%arg7 : memref<128x128xf32, #tpu.memory_space<vmem>>)
          tpu.yield
        }) : () -> ()
        "tpu.region"() ({
          %run_scoped3A = tpu.sem_alloc : memref<!tpu.dma_semaphore, #tpu.memory_space<semaphore_mem>>
          %dma_start3A = arith.constant 0 : i32
          %dma_start3A_40 = arith.constant 0 : i32
          %dma_start3A_41 = tpu.memref_slice %arg8[%dma_start3A, %dma_start3A_40] : memref<10000x128xf32, #tpu.memory_space<vmem_shared>> -> memref<10000x128xf32, #tpu.memory_space<vmem_shared>>
          tpu.enqueue_indirect_dma source(%arg7 : memref<128x128xf32, #tpu.memory_space<vmem>>) target(%dma_start3A_41 : memref<10000x128xf32, #tpu.memory_space<vmem_shared>>) offsets(%arg6 : memref<128xi32, #tpu.memory_space<vmem>>) semaphore(%run_scoped3A : memref<!tpu.dma_semaphore, #tpu.memory_space<semaphore_mem>>) {add = true}
          %dma_wait3A = arith.constant 0 : i32
          %dma_wait3A_42 = arith.constant 0 : i32
          %dma_wait3A_43 = tpu.memref_slice %arg8[%dma_wait3A, %dma_wait3A_42] : memref<10000x128xf32, #tpu.memory_space<vmem_shared>> -> memref<10000x128xf32, #tpu.memory_space<vmem_shared>>
          tpu.wait_indirect_dma semaphore(%run_scoped3A : memref<!tpu.dma_semaphore, #tpu.memory_space<semaphore_mem>>) src(%arg7 : memref<128x128xf32, #tpu.memory_space<vmem>>) dst(%dma_wait3A_43 : memref<10000x128xf32, #tpu.memory_space<vmem_shared>>)
          tpu.yield
        }) : () -> ()
      } else {
      }
    }
    %scan3A_12 = arith.constant 8 : i32
    %barrier3A_13 = arith.constant 0 : index
    tpu.barrier barrier_id(%barrier3A_13)
    %lt3A_14 = arith.constant 15 : i32
    %lt3A_15 = arith.cmpi slt, %arg1, %lt3A_14 : i32
    %convert_element_type3A_16 = arith.extui %lt3A_15 : i1 to i32
    %cond3A_17 = arith.constant 0 : i32
    %cond3A_18 = arith.cmpi ne, %convert_element_type3A_16, %cond3A_17 : i32
    scf.if %cond3A_18 {
      "tpu.region"() ({
        %run_scoped3A = tpu.sem_alloc : memref<!tpu.dma_semaphore, #tpu.memory_space<semaphore_mem>>
        %dma_start3A = arith.constant 0 : i32
        %dma_start3A_24 = tpu.memref_slice %arg5[%arg0, %multiple_of3A, %dma_start3A] : memref<2x10000x128xf32, #tpu.memory_space<hbm>> -> memref<1x640x128xf32, #tpu.memory_space<hbm>>
        %dma_start3A_25 = tpu.memref_squeeze %dma_start3A_24 : memref<1x640x128xf32, #tpu.memory_space<hbm>> -> memref<640x128xf32, #tpu.memory_space<hbm>>
        %dma_start3A_26 = arith.constant 0 : i32
        %dma_start3A_27 = tpu.memref_slice %arg8[%multiple_of3A, %dma_start3A_26] : memref<10000x128xf32, #tpu.memory_space<vmem_shared>> -> memref<640x128xf32, #tpu.memory_space<vmem_shared>>
        tpu.enqueue_dma source(%dma_start3A_27 : memref<640x128xf32, #tpu.memory_space<vmem_shared>>) target(%dma_start3A_25 : memref<640x128xf32, #tpu.memory_space<hbm>>) target_semaphore(%run_scoped3A : memref<!tpu.dma_semaphore, #tpu.memory_space<semaphore_mem>>)
        %dma_wait3A = arith.constant 0 : i32
        %dma_wait3A_28 = tpu.memref_slice %arg5[%arg0, %multiple_of3A, %dma_wait3A] : memref<2x10000x128xf32, #tpu.memory_space<hbm>> -> memref<1x640x128xf32, #tpu.memory_space<hbm>>
        %dma_wait3A_29 = tpu.memref_squeeze %dma_wait3A_28 : memref<1x640x128xf32, #tpu.memory_space<hbm>> -> memref<640x128xf32, #tpu.memory_space<hbm>>
        %dma_wait3A_30 = arith.constant 0 : i32
        %dma_wait3A_31 = tpu.memref_slice %arg8[%multiple_of3A, %dma_wait3A_30] : memref<10000x128xf32, #tpu.memory_space<vmem_shared>> -> memref<640x128xf32, #tpu.memory_space<vmem_shared>>
        tpu.wait_dma2 semaphore(%run_scoped3A : memref<!tpu.dma_semaphore, #tpu.memory_space<semaphore_mem>>) src(%dma_wait3A_31 : memref<640x128xf32, #tpu.memory_space<vmem_shared>>) dst(%dma_wait3A_29 : memref<640x128xf32, #tpu.memory_space<hbm>>)
        tpu.yield
      }) : () -> ()
    } else {
    }
    %eq3A_19 = arith.constant 15 : i32
    %eq3A_20 = arith.cmpi eq, %arg1, %eq3A_19 : i32
    %convert_element_type3A_21 = arith.extui %eq3A_20 : i1 to i32
    %cond3A_22 = arith.constant 0 : i32
    %cond3A_23 = arith.cmpi ne, %convert_element_type3A_21, %cond3A_22 : i32
    scf.if %cond3A_23 {
      "tpu.region"() ({
        %run_scoped3A = tpu.sem_alloc : memref<!tpu.dma_semaphore, #tpu.memory_space<semaphore_mem>>
        %dma_start3A = arith.constant 0 : i32
        %dma_start3A_24 = tpu.memref_slice %arg5[%arg0, %multiple_of3A, %dma_start3A] : memref<2x10000x128xf32, #tpu.memory_space<hbm>> -> memref<1x400x128xf32, #tpu.memory_space<hbm>>
        %dma_start3A_25 = tpu.memref_squeeze %dma_start3A_24 : memref<1x400x128xf32, #tpu.memory_space<hbm>> -> memref<400x128xf32, #tpu.memory_space<hbm>>
        %dma_start3A_26 = arith.constant 0 : i32
        %dma_start3A_27 = tpu.memref_slice %arg8[%multiple_of3A, %dma_start3A_26] : memref<10000x128xf32, #tpu.memory_space<vmem_shared>> -> memref<400x128xf32, #tpu.memory_space<vmem_shared>>
        tpu.enqueue_dma source(%dma_start3A_27 : memref<400x128xf32, #tpu.memory_space<vmem_shared>>) target(%dma_start3A_25 : memref<400x128xf32, #tpu.memory_space<hbm>>) target_semaphore(%run_scoped3A : memref<!tpu.dma_semaphore, #tpu.memory_space<semaphore_mem>>)
        %dma_wait3A = arith.constant 0 : i32
        %dma_wait3A_28 = tpu.memref_slice %arg5[%arg0, %multiple_of3A, %dma_wait3A] : memref<2x10000x128xf32, #tpu.memory_space<hbm>> -> memref<1x400x128xf32, #tpu.memory_space<hbm>>
        %dma_wait3A_29 = tpu.memref_squeeze %dma_wait3A_28 : memref<1x400x128xf32, #tpu.memory_space<hbm>> -> memref<400x128xf32, #tpu.memory_space<hbm>>
        %dma_wait3A_30 = arith.constant 0 : i32
        %dma_wait3A_31 = tpu.memref_slice %arg8[%multiple_of3A, %dma_wait3A_30] : memref<10000x128xf32, #tpu.memory_space<vmem_shared>> -> memref<400x128xf32, #tpu.memory_space<vmem_shared>>
        tpu.wait_dma2 semaphore(%run_scoped3A : memref<!tpu.dma_semaphore, #tpu.memory_space<semaphore_mem>>) src(%dma_wait3A_31 : memref<400x128xf32, #tpu.memory_space<vmem_shared>>) dst(%dma_wait3A_29 : memref<400x128xf32, #tpu.memory_space<hbm>>)
        tpu.yield
      }) : () -> ()
    } else {
    }
    return
  }
}

#map = affine_map<(d0, d1) -> (0, 0)>
#map1 = affine_map<(d0, d1) -> (0)>
#map2 = affine_map<(d0, d1) -> (0, 0, 0)>
module attributes {stable_mosaic.version = 14 : i64} {
  func.func @scatter_kernel(%arg0: i32, %arg1: i32, %arg2: memref<32000x128xf32, #tpu.memory_space<hbm>>, %arg3: memref<32000xi32, #tpu.memory_space<hbm>>, %arg4: memref<2x10000x128xf32, #tpu.memory_space<hbm>>, %arg5: memref<2x10000x128xf32, #tpu.memory_space<hbm>>, %arg6: memref<128xi32, #tpu.memory_space<vmem>>, %arg7: memref<128x128xf32, #tpu.memory_space<vmem>>, %arg8: memref<10000x128xf32, #tpu.memory_space<vmem_shared>>) attributes {dimension_semantics = [#tpu.dimension_semantics<core_parallel>, #tpu.dimension_semantics<subcore_parallel>], iteration_bounds = array<i64: 2, 16>, scalar_prefetch = 0 : i64, scratch_operands = 3 : i64, tpu.core_type = #tpu.core_type<sc_vector_subcore>, window_params = [{transform_indices = #map}, {transform_indices = #map1}, {transform_indices = #map2}, {transform_indices = #map2}]} {
    %mul3A = arith.constant 16 : i32
    %mul3A_0 = arith.muli %arg0, %mul3A : i32
    %add3A = arith.addi %mul3A_0, %arg1 : i32
    %mul3A_1 = arith.constant 640 : i32
    %mul3A_2 = arith.muli %arg1, %mul3A_1 : i32
    %multiple_of3A = tpu.assume_multiple %mul3A_2, 8 : i32
    %lt3A = arith.constant 15 : i32
    %lt3A_3 = arith.cmpi slt, %arg1, %lt3A : i32
    %convert_element_type3A = arith.extui %lt3A_3 : i1 to i32
    %cond3A = arith.constant 0 : i32
    %cond3A_4 = arith.cmpi ne, %convert_element_type3A, %cond3A : i32
    scf.if %cond3A_4 {
      "tpu.region"() ({
        %run_scoped3A = tpu.sem_alloc : memref<!tpu.dma_semaphore, #tpu.memory_space<semaphore_mem>>
        %dma_start3A = arith.constant 0 : i32
        %dma_start3A_24 = tpu.memref_slice %arg8[%multiple_of3A, %dma_start3A] : memref<10000x128xf32, #tpu.memory_space<vmem_shared>> -> memref<640x128xf32, #tpu.memory_space<vmem_shared>>
        %dma_start3A_25 = arith.constant 0 : i32
        %dma_start3A_26 = tpu.memref_slice %arg4[%arg0, %multiple_of3A, %dma_start3A_25] : memref<2x10000x128xf32, #tpu.memory_space<hbm>> -> memref<1x640x128xf32, #tpu.memory_space<hbm>>
        %dma_start3A_27 = tpu.memref_squeeze %dma_start3A_26 : memref<1x640x128xf32, #tpu.memory_space<hbm>> -> memref<640x128xf32, #tpu.memory_space<hbm>>
        tpu.enqueue_dma source(%dma_start3A_27 : memref<640x128xf32, #tpu.memory_space<hbm>>) target(%dma_start3A_24 : memref<640x128xf32, #tpu.memory_space<vmem_shared>>) target_semaphore(%run_scoped3A : memref<!tpu.dma_semaphore, #tpu.memory_space<semaphore_mem>>)
        %dma_wait3A = arith.constant 0 : i32
        %dma_wait3A_28 = tpu.memref_slice %arg8[%multiple_of3A, %dma_wait3A] : memref<10000x128xf32, #tpu.memory_space<vmem_shared>> -> memref<640x128xf32, #tpu.memory_space<vmem_shared>>
        %dma_wait3A_29 = arith.constant 0 : i32
        %dma_wait3A_30 = tpu.memref_slice %arg4[%arg0, %multiple_of3A, %dma_wait3A_29] : memref<2x10000x128xf32, #tpu.memory_space<hbm>> -> memref<1x640x128xf32, #tpu.memory_space<hbm>>
        %dma_wait3A_31 = tpu.memref_squeeze %dma_wait3A_30 : memref<1x640x128xf32, #tpu.memory_space<hbm>> -> memref<640x128xf32, #tpu.memory_space<hbm>>
        tpu.wait_dma2 semaphore(%run_scoped3A : memref<!tpu.dma_semaphore, #tpu.memory_space<semaphore_mem>>) src(%dma_wait3A_31 : memref<640x128xf32, #tpu.memory_space<hbm>>) dst(%dma_wait3A_28 : memref<640x128xf32, #tpu.memory_space<vmem_shared>>)
        tpu.yield
      }) : () -> ()
    } else {
    }
    %eq3A = arith.constant 15 : i32
    %eq3A_5 = arith.cmpi eq, %arg1, %eq3A : i32
    %convert_element_type3A_6 = arith.extui %eq3A_5 : i1 to i32
    %cond3A_7 = arith.constant 0 : i32
    %cond3A_8 = arith.cmpi ne, %convert_element_type3A_6, %cond3A_7 : i32
    scf.if %cond3A_8 {
      "tpu.region"() ({
        %run_scoped3A = tpu.sem_alloc : memref<!tpu.dma_semaphore, #tpu.memory_space<semaphore_mem>>
        %dma_start3A = arith.constant 0 : i32
        %dma_start3A_24 = tpu.memref_slice %arg8[%multiple_of3A, %dma_start3A] : memref<10000x128xf32, #tpu.memory_space<vmem_shared>> -> memref<400x128xf32, #tpu.memory_space<vmem_shared>>
        %dma_start3A_25 = arith.constant 0 : i32
        %dma_start3A_26 = tpu.memref_slice %arg4[%arg0, %multiple_of3A, %dma_start3A_25] : memref<2x10000x128xf32, #tpu.memory_space<hbm>> -> memref<1x400x128xf32, #tpu.memory_space<hbm>>
        %dma_start3A_27 = tpu.memref_squeeze %dma_start3A_26 : memref<1x400x128xf32, #tpu.memory_space<hbm>> -> memref<400x128xf32, #tpu.memory_space<hbm>>
        tpu.enqueue_dma source(%dma_start3A_27 : memref<400x128xf32, #tpu.memory_space<hbm>>) target(%dma_start3A_24 : memref<400x128xf32, #tpu.memory_space<vmem_shared>>) target_semaphore(%run_scoped3A : memref<!tpu.dma_semaphore, #tpu.memory_space<semaphore_mem>>)
        %dma_wait3A = arith.constant 0 : i32
        %dma_wait3A_28 = tpu.memref_slice %arg8[%multiple_of3A, %dma_wait3A] : memref<10000x128xf32, #tpu.memory_space<vmem_shared>> -> memref<400x128xf32, #tpu.memory_space<vmem_shared>>
        %dma_wait3A_29 = arith.constant 0 : i32
        %dma_wait3A_30 = tpu.memref_slice %arg4[%arg0, %multiple_of3A, %dma_wait3A_29] : memref<2x10000x128xf32, #tpu.memory_space<hbm>> -> memref<1x400x128xf32, #tpu.memory_space<hbm>>
        %dma_wait3A_31 = tpu.memref_squeeze %dma_wait3A_30 : memref<1x400x128xf32, #tpu.memory_space<hbm>> -> memref<400x128xf32, #tpu.memory_space<hbm>>
        tpu.wait_dma2 semaphore(%run_scoped3A : memref<!tpu.dma_semaphore, #tpu.memory_space<semaphore_mem>>) src(%dma_wait3A_31 : memref<400x128xf32, #tpu.memory_space<hbm>>) dst(%dma_wait3A_28 : memref<400x128xf32, #tpu.memory_space<vmem_shared>>)
        tpu.yield
      }) : () -> ()
    } else {
    }
    %barrier3A = arith.constant 0 : index
    tpu.barrier barrier_id(%barrier3A)
    %scan3A = arith.constant 0 : i32
    %scan3A_9 = arith.constant 8 : i32
    %scan3A_10 = arith.addi %scan3A, %scan3A_9 : i32
    %scan3A_11 = arith.constant 1 : i32
    scf.for %scan3A_24 = %scan3A to %scan3A_10 step %scan3A_11  : i32 {
      %mul3A_25 = arith.constant 1 : i32
      %mul3A_26 = arith.muli %scan3A_24, %mul3A_25 : i32
      %add3A_27 = arith.constant 0 : i32
      %add3A_28 = arith.addi %add3A_27, %mul3A_26 : i32
      %mul3A_29 = arith.constant 32 : i32
      %mul3A_30 = arith.muli %add3A_28, %mul3A_29 : i32
      %add3A_31 = arith.addi %add3A, %mul3A_30 : i32
      %lt3A_32 = arith.constant 250 : i32
      %lt3A_33 = arith.cmpi slt, %add3A_31, %lt3A_32 : i32
      %convert_element_type3A_34 = arith.extui %lt3A_33 : i1 to i32
      %cond3A_35 = arith.constant 0 : i32
      %cond3A_36 = arith.cmpi ne, %convert_element_type3A_34, %cond3A_35 : i32
      scf.if %cond3A_36 {
        %mul3A_37 = arith.constant 128 : i32
        %mul3A_38 = arith.muli %add3A_31, %mul3A_37 : i32
        %multiple_of3A_39 = tpu.assume_multiple %mul3A_38, 128 : i32
        "tpu.region"() ({
          %run_scoped3A = tpu.sem_alloc : memref<!tpu.dma_semaphore, #tpu.memory_space<semaphore_mem>>
          %dma_start3A = tpu.memref_slice %arg3[%multiple_of3A_39] : memref<32000xi32, #tpu.memory_space<hbm>> -> memref<128xi32, #tpu.memory_space<hbm>>
          %dma_start3A_40 = tpu.memref_slice %arg3[%multiple_of3A_39] : memref<32000xi32, #tpu.memory_space<hbm>> -> memref<128xi32, #tpu.memory_space<hbm>>
          tpu.enqueue_dma source(%dma_start3A_40 : memref<128xi32, #tpu.memory_space<hbm>>) target(%arg6 : memref<128xi32, #tpu.memory_space<vmem>>) target_semaphore(%run_scoped3A : memref<!tpu.dma_semaphore, #tpu.memory_space<semaphore_mem>>)
          %dma_wait3A = tpu.memref_slice %arg3[%multiple_of3A_39] : memref<32000xi32, #tpu.memory_space<hbm>> -> memref<128xi32, #tpu.memory_space<hbm>>
          %dma_wait3A_41 = tpu.memref_slice %arg3[%multiple_of3A_39] : memref<32000xi32, #tpu.memory_space<hbm>> -> memref<128xi32, #tpu.memory_space<hbm>>
          tpu.wait_dma2 semaphore(%run_scoped3A : memref<!tpu.dma_semaphore, #tpu.memory_space<semaphore_mem>>) src(%dma_wait3A_41 : memref<128xi32, #tpu.memory_space<hbm>>) dst(%arg6 : memref<128xi32, #tpu.memory_space<vmem>>)
          tpu.yield
        }) : () -> ()
        "tpu.region"() ({
          %run_scoped3A = tpu.sem_alloc : memref<!tpu.dma_semaphore, #tpu.memory_space<semaphore_mem>>
          %dma_start3A = arith.constant 0 : i32
          %dma_start3A_40 = tpu.memref_slice %arg2[%multiple_of3A_39, %dma_start3A] : memref<32000x128xf32, #tpu.memory_space<hbm>> -> memref<128x128xf32, #tpu.memory_space<hbm>>
          %dma_start3A_41 = arith.constant 0 : i32
          %dma_start3A_42 = tpu.memref_slice %arg2[%multiple_of3A_39, %dma_start3A_41] : memref<32000x128xf32, #tpu.memory_space<hbm>> -> memref<128x128xf32, #tpu.memory_space<hbm>>
          tpu.enqueue_dma source(%dma_start3A_42 : memref<128x128xf32, #tpu.memory_space<hbm>>) target(%arg7 : memref<128x128xf32, #tpu.memory_space<vmem>>) target_semaphore(%run_scoped3A : memref<!tpu.dma_semaphore, #tpu.memory_space<semaphore_mem>>)
          %dma_wait3A = arith.constant 0 : i32
          %dma_wait3A_43 = tpu.memref_slice %arg2[%multiple_of3A_39, %dma_wait3A] : memref<32000x128xf32, #tpu.memory_space<hbm>> -> memref<128x128xf32, #tpu.memory_space<hbm>>
          %dma_wait3A_44 = arith.constant 0 : i32
          %dma_wait3A_45 = tpu.memref_slice %arg2[%multiple_of3A_39, %dma_wait3A_44] : memref<32000x128xf32, #tpu.memory_space<hbm>> -> memref<128x128xf32, #tpu.memory_space<hbm>>
          tpu.wait_dma2 semaphore(%run_scoped3A : memref<!tpu.dma_semaphore, #tpu.memory_space<semaphore_mem>>) src(%dma_wait3A_45 : memref<128x128xf32, #tpu.memory_space<hbm>>) dst(%arg7 : memref<128x128xf32, #tpu.memory_space<vmem>>)
          tpu.yield
        }) : () -> ()
        "tpu.region"() ({
          %run_scoped3A = tpu.sem_alloc : memref<!tpu.dma_semaphore, #tpu.memory_space<semaphore_mem>>
          %dma_start3A = arith.constant 0 : i32
          %dma_start3A_40 = arith.constant 0 : i32
          %dma_start3A_41 = tpu.memref_slice %arg8[%dma_start3A, %dma_start3A_40] : memref<10000x128xf32, #tpu.memory_space<vmem_shared>> -> memref<10000x128xf32, #tpu.memory_space<vmem_shared>>
          tpu.enqueue_indirect_dma source(%arg7 : memref<128x128xf32, #tpu.memory_space<vmem>>) target(%dma_start3A_41 : memref<10000x128xf32, #tpu.memory_space<vmem_shared>>) offsets(%arg6 : memref<128xi32, #tpu.memory_space<vmem>>) semaphore(%run_scoped3A : memref<!tpu.dma_semaphore, #tpu.memory_space<semaphore_mem>>) {add = true}
          %dma_wait3A = arith.constant 0 : i32
          %dma_wait3A_42 = arith.constant 0 : i32
          %dma_wait3A_43 = tpu.memref_slice %arg8[%dma_wait3A, %dma_wait3A_42] : memref<10000x128xf32, #tpu.memory_space<vmem_shared>> -> memref<10000x128xf32, #tpu.memory_space<vmem_shared>>
          tpu.wait_indirect_dma semaphore(%run_scoped3A : memref<!tpu.dma_semaphore, #tpu.memory_space<semaphore_mem>>) src(%arg7 : memref<128x128xf32, #tpu.memory_space<vmem>>) dst(%dma_wait3A_43 : memref<10000x128xf32, #tpu.memory_space<vmem_shared>>)
          tpu.yield
        }) : () -> ()
      } else {
      }
    }
    %scan3A_12 = arith.constant 8 : i32
    %barrier3A_13 = arith.constant 0 : index
    tpu.barrier barrier_id(%barrier3A_13)
    %lt3A_14 = arith.constant 15 : i32
    %lt3A_15 = arith.cmpi slt, %arg1, %lt3A_14 : i32
    %convert_element_type3A_16 = arith.extui %lt3A_15 : i1 to i32
    %cond3A_17 = arith.constant 0 : i32
    %cond3A_18 = arith.cmpi ne, %convert_element_type3A_16, %cond3A_17 : i32
    scf.if %cond3A_18 {
      "tpu.region"() ({
        %run_scoped3A = tpu.sem_alloc : memref<!tpu.dma_semaphore, #tpu.memory_space<semaphore_mem>>
        %dma_start3A = arith.constant 0 : i32
        %dma_start3A_24 = tpu.memref_slice %arg5[%arg0, %multiple_of3A, %dma_start3A] : memref<2x10000x128xf32, #tpu.memory_space<hbm>> -> memref<1x640x128xf32, #tpu.memory_space<hbm>>
        %dma_start3A_25 = tpu.memref_squeeze %dma_start3A_24 : memref<1x640x128xf32, #tpu.memory_space<hbm>> -> memref<640x128xf32, #tpu.memory_space<hbm>>
        %dma_start3A_26 = arith.constant 0 : i32
        %dma_start3A_27 = tpu.memref_slice %arg8[%multiple_of3A, %dma_start3A_26] : memref<10000x128xf32, #tpu.memory_space<vmem_shared>> -> memref<640x128xf32, #tpu.memory_space<vmem_shared>>
        tpu.enqueue_dma source(%dma_start3A_27 : memref<640x128xf32, #tpu.memory_space<vmem_shared>>) target(%dma_start3A_25 : memref<640x128xf32, #tpu.memory_space<hbm>>) target_semaphore(%run_scoped3A : memref<!tpu.dma_semaphore, #tpu.memory_space<semaphore_mem>>)
        %dma_wait3A = arith.constant 0 : i32
        %dma_wait3A_28 = tpu.memref_slice %arg5[%arg0, %multiple_of3A, %dma_wait3A] : memref<2x10000x128xf32, #tpu.memory_space<hbm>> -> memref<1x640x128xf32, #tpu.memory_space<hbm>>
        %dma_wait3A_29 = tpu.memref_squeeze %dma_wait3A_28 : memref<1x640x128xf32, #tpu.memory_space<hbm>> -> memref<640x128xf32, #tpu.memory_space<hbm>>
        %dma_wait3A_30 = arith.constant 0 : i32
        %dma_wait3A_31 = tpu.memref_slice %arg8[%multiple_of3A, %dma_wait3A_30] : memref<10000x128xf32, #tpu.memory_space<vmem_shared>> -> memref<640x128xf32, #tpu.memory_space<vmem_shared>>
        tpu.wait_dma2 semaphore(%run_scoped3A : memref<!tpu.dma_semaphore, #tpu.memory_space<semaphore_mem>>) src(%dma_wait3A_31 : memref<640x128xf32, #tpu.memory_space<vmem_shared>>) dst(%dma_wait3A_29 : memref<640x128xf32, #tpu.memory_space<hbm>>)
        tpu.yield
      }) : () -> ()
    } else {
    }
    %eq3A_19 = arith.constant 15 : i32
    %eq3A_20 = arith.cmpi eq, %arg1, %eq3A_19 : i32
    %convert_element_type3A_21 = arith.extui %eq3A_20 : i1 to i32
    %cond3A_22 = arith.constant 0 : i32
    %cond3A_23 = arith.cmpi ne, %convert_element_type3A_21, %cond3A_22 : i32
    scf.if %cond3A_23 {
      "tpu.region"() ({
        %run_scoped3A = tpu.sem_alloc : memref<!tpu.dma_semaphore, #tpu.memory_space<semaphore_mem>>
        %dma_start3A = arith.constant 0 : i32
        %dma_start3A_24 = tpu.memref_slice %arg5[%arg0, %multiple_of3A, %dma_start3A] : memref<2x10000x128xf32, #tpu.memory_space<hbm>> -> memref<1x400x128xf32, #tpu.memory_space<hbm>>
        %dma_start3A_25 = tpu.memref_squeeze %dma_start3A_24 : memref<1x400x128xf32, #tpu.memory_space<hbm>> -> memref<400x128xf32, #tpu.memory_space<hbm>>
        %dma_start3A_26 = arith.constant 0 : i32
        %dma_start3A_27 = tpu.memref_slice %arg8[%multiple_of3A, %dma_start3A_26] : memref<10000x128xf32, #tpu.memory_space<vmem_shared>> -> memref<400x128xf32, #tpu.memory_space<vmem_shared>>
        tpu.enqueue_dma source(%dma_start3A_27 : memref<400x128xf32, #tpu.memory_space<vmem_shared>>) target(%dma_start3A_25 : memref<400x128xf32, #tpu.memory_space<hbm>>) target_semaphore(%run_scoped3A : memref<!tpu.dma_semaphore, #tpu.memory_space<semaphore_mem>>)
        %dma_wait3A = arith.constant 0 : i32
        %dma_wait3A_28 = tpu.memref_slice %arg5[%arg0, %multiple_of3A, %dma_wait3A] : memref<2x10000x128xf32, #tpu.memory_space<hbm>> -> memref<1x400x128xf32, #tpu.memory_space<hbm>>
        %dma_wait3A_29 = tpu.memref_squeeze %dma_wait3A_28 : memref<1x400x128xf32, #tpu.memory_space<hbm>> -> memref<400x128xf32, #tpu.memory_space<hbm>>
        %dma_wait3A_30 = arith.constant 0 : i32
        %dma_wait3A_31 = tpu.memref_slice %arg8[%multiple_of3A, %dma_wait3A_30] : memref<10000x128xf32, #tpu.memory_space<vmem_shared>> -> memref<400x128xf32, #tpu.memory_space<vmem_shared>>
        tpu.wait_dma2 semaphore(%run_scoped3A : memref<!tpu.dma_semaphore, #tpu.memory_space<semaphore_mem>>) src(%dma_wait3A_31 : memref<400x128xf32, #tpu.memory_space<vmem_shared>>) dst(%dma_wait3A_29 : memref<400x128xf32, #tpu.memory_space<hbm>>)
        tpu.yield
      }) : () -> ()
    } else {
    }
    return
  }
}

#map = affine_map<(d0, d1) -> (0, 0)>
#map1 = affine_map<(d0, d1) -> (0)>
module attributes {stable_mosaic.version = 14 : i64} {
  func.func @gather_kernel(%arg0: i32, %arg1: i32, %arg2: memref<10000x128xf32, #tpu.memory_space<hbm>>, %arg3: memref<32000xi32, #tpu.memory_space<hbm>>, %arg4: memref<32000x128xf32, #tpu.memory_space<hbm>>, %arg5: memref<128xi32, #tpu.memory_space<vmem>>, %arg6: memref<128x128xf32, #tpu.memory_space<vmem>>, %arg7: memref<10000x128xf32, #tpu.memory_space<vmem_shared>>) attributes {dimension_semantics = [#tpu.dimension_semantics<core_parallel>, #tpu.dimension_semantics<subcore_parallel>], iteration_bounds = array<i64: 2, 16>, scalar_prefetch = 0 : i64, scratch_operands = 3 : i64, tpu.core_type = #tpu.core_type<sc_vector_subcore>, window_params = [{transform_indices = #map}, {transform_indices = #map1}, {transform_indices = #map}]} {
    %mul3A = arith.constant 16 : i32
    %mul3A_0 = arith.muli %arg0, %mul3A : i32
    %add3A = arith.addi %mul3A_0, %arg1 : i32
    %mul3A_1 = arith.constant 640 : i32
    %mul3A_2 = arith.muli %arg1, %mul3A_1 : i32
    %multiple_of3A = tpu.assume_multiple %mul3A_2, 8 : i32
    %lt3A = arith.constant 15 : i32
    %lt3A_3 = arith.cmpi slt, %arg1, %lt3A : i32
    %convert_element_type3A = arith.extui %lt3A_3 : i1 to i32
    %cond3A = arith.constant 0 : i32
    %cond3A_4 = arith.cmpi ne, %convert_element_type3A, %cond3A : i32
    scf.if %cond3A_4 {
      "tpu.region"() ({
        %run_scoped3A = tpu.sem_alloc : memref<!tpu.dma_semaphore, #tpu.memory_space<semaphore_mem>>
        %dma_start3A = arith.constant 0 : i32
        %dma_start3A_13 = tpu.memref_slice %arg7[%multiple_of3A, %dma_start3A] : memref<10000x128xf32, #tpu.memory_space<vmem_shared>> -> memref<640x128xf32, #tpu.memory_space<vmem_shared>>
        %dma_start3A_14 = arith.constant 0 : i32
        %dma_start3A_15 = tpu.memref_slice %arg2[%multiple_of3A, %dma_start3A_14] : memref<10000x128xf32, #tpu.memory_space<hbm>> -> memref<640x128xf32, #tpu.memory_space<hbm>>
        tpu.enqueue_dma source(%dma_start3A_15 : memref<640x128xf32, #tpu.memory_space<hbm>>) target(%dma_start3A_13 : memref<640x128xf32, #tpu.memory_space<vmem_shared>>) target_semaphore(%run_scoped3A : memref<!tpu.dma_semaphore, #tpu.memory_space<semaphore_mem>>)
        %dma_wait3A = arith.constant 0 : i32
        %dma_wait3A_16 = tpu.memref_slice %arg7[%multiple_of3A, %dma_wait3A] : memref<10000x128xf32, #tpu.memory_space<vmem_shared>> -> memref<640x128xf32, #tpu.memory_space<vmem_shared>>
        %dma_wait3A_17 = arith.constant 0 : i32
        %dma_wait3A_18 = tpu.memref_slice %arg2[%multiple_of3A, %dma_wait3A_17] : memref<10000x128xf32, #tpu.memory_space<hbm>> -> memref<640x128xf32, #tpu.memory_space<hbm>>
        tpu.wait_dma2 semaphore(%run_scoped3A : memref<!tpu.dma_semaphore, #tpu.memory_space<semaphore_mem>>) src(%dma_wait3A_18 : memref<640x128xf32, #tpu.memory_space<hbm>>) dst(%dma_wait3A_16 : memref<640x128xf32, #tpu.memory_space<vmem_shared>>)
        tpu.yield
      }) : () -> ()
    } else {
    }
    %eq3A = arith.constant 15 : i32
    %eq3A_5 = arith.cmpi eq, %arg1, %eq3A : i32
    %convert_element_type3A_6 = arith.extui %eq3A_5 : i1 to i32
    %cond3A_7 = arith.constant 0 : i32
    %cond3A_8 = arith.cmpi ne, %convert_element_type3A_6, %cond3A_7 : i32
    scf.if %cond3A_8 {
      "tpu.region"() ({
        %run_scoped3A = tpu.sem_alloc : memref<!tpu.dma_semaphore, #tpu.memory_space<semaphore_mem>>
        %dma_start3A = arith.constant 0 : i32
        %dma_start3A_13 = tpu.memref_slice %arg7[%multiple_of3A, %dma_start3A] : memref<10000x128xf32, #tpu.memory_space<vmem_shared>> -> memref<400x128xf32, #tpu.memory_space<vmem_shared>>
        %dma_start3A_14 = arith.constant 0 : i32
        %dma_start3A_15 = tpu.memref_slice %arg2[%multiple_of3A, %dma_start3A_14] : memref<10000x128xf32, #tpu.memory_space<hbm>> -> memref<400x128xf32, #tpu.memory_space<hbm>>
        tpu.enqueue_dma source(%dma_start3A_15 : memref<400x128xf32, #tpu.memory_space<hbm>>) target(%dma_start3A_13 : memref<400x128xf32, #tpu.memory_space<vmem_shared>>) target_semaphore(%run_scoped3A : memref<!tpu.dma_semaphore, #tpu.memory_space<semaphore_mem>>)
        %dma_wait3A = arith.constant 0 : i32
        %dma_wait3A_16 = tpu.memref_slice %arg7[%multiple_of3A, %dma_wait3A] : memref<10000x128xf32, #tpu.memory_space<vmem_shared>> -> memref<400x128xf32, #tpu.memory_space<vmem_shared>>
        %dma_wait3A_17 = arith.constant 0 : i32
        %dma_wait3A_18 = tpu.memref_slice %arg2[%multiple_of3A, %dma_wait3A_17] : memref<10000x128xf32, #tpu.memory_space<hbm>> -> memref<400x128xf32, #tpu.memory_space<hbm>>
        tpu.wait_dma2 semaphore(%run_scoped3A : memref<!tpu.dma_semaphore, #tpu.memory_space<semaphore_mem>>) src(%dma_wait3A_18 : memref<400x128xf32, #tpu.memory_space<hbm>>) dst(%dma_wait3A_16 : memref<400x128xf32, #tpu.memory_space<vmem_shared>>)
        tpu.yield
      }) : () -> ()
    } else {
    }
    %barrier3A = arith.constant 0 : index
    tpu.barrier barrier_id(%barrier3A)
    %scan3A = arith.constant 0 : i32
    %scan3A_9 = arith.constant 8 : i32
    %scan3A_10 = arith.addi %scan3A, %scan3A_9 : i32
    %scan3A_11 = arith.constant 1 : i32
    scf.for %scan3A_13 = %scan3A to %scan3A_10 step %scan3A_11  : i32 {
      %mul3A_14 = arith.constant 1 : i32
      %mul3A_15 = arith.muli %scan3A_13, %mul3A_14 : i32
      %add3A_16 = arith.constant 0 : i32
      %add3A_17 = arith.addi %add3A_16, %mul3A_15 : i32
      %mul3A_18 = arith.constant 32 : i32
      %mul3A_19 = arith.muli %add3A_17, %mul3A_18 : i32
      %add3A_20 = arith.addi %add3A, %mul3A_19 : i32
      %lt3A_21 = arith.constant 250 : i32
      %lt3A_22 = arith.cmpi slt, %add3A_20, %lt3A_21 : i32
      %convert_element_type3A_23 = arith.extui %lt3A_22 : i1 to i32
      %cond3A_24 = arith.constant 0 : i32
      %cond3A_25 = arith.cmpi ne, %convert_element_type3A_23, %cond3A_24 : i32
      scf.if %cond3A_25 {
        %mul3A_26 = arith.constant 128 : i32
        %mul3A_27 = arith.muli %add3A_20, %mul3A_26 : i32
        %multiple_of3A_28 = tpu.assume_multiple %mul3A_27, 128 : i32
        "tpu.region"() ({
          %run_scoped3A = tpu.sem_alloc : memref<!tpu.dma_semaphore, #tpu.memory_space<semaphore_mem>>
          %dma_start3A = tpu.memref_slice %arg3[%multiple_of3A_28] : memref<32000xi32, #tpu.memory_space<hbm>> -> memref<128xi32, #tpu.memory_space<hbm>>
          %dma_start3A_29 = tpu.memref_slice %arg3[%multiple_of3A_28] : memref<32000xi32, #tpu.memory_space<hbm>> -> memref<128xi32, #tpu.memory_space<hbm>>
          tpu.enqueue_dma source(%dma_start3A_29 : memref<128xi32, #tpu.memory_space<hbm>>) target(%arg5 : memref<128xi32, #tpu.memory_space<vmem>>) target_semaphore(%run_scoped3A : memref<!tpu.dma_semaphore, #tpu.memory_space<semaphore_mem>>)
          %dma_wait3A = tpu.memref_slice %arg3[%multiple_of3A_28] : memref<32000xi32, #tpu.memory_space<hbm>> -> memref<128xi32, #tpu.memory_space<hbm>>
          %dma_wait3A_30 = tpu.memref_slice %arg3[%multiple_of3A_28] : memref<32000xi32, #tpu.memory_space<hbm>> -> memref<128xi32, #tpu.memory_space<hbm>>
          tpu.wait_dma2 semaphore(%run_scoped3A : memref<!tpu.dma_semaphore, #tpu.memory_space<semaphore_mem>>) src(%dma_wait3A_30 : memref<128xi32, #tpu.memory_space<hbm>>) dst(%arg5 : memref<128xi32, #tpu.memory_space<vmem>>)
          tpu.yield
        }) : () -> ()
        "tpu.region"() ({
          %run_scoped3A = tpu.sem_alloc : memref<!tpu.dma_semaphore, #tpu.memory_space<semaphore_mem>>
          %dma_start3A = arith.constant 0 : i32
          %dma_start3A_29 = arith.constant 0 : i32
          %dma_start3A_30 = tpu.memref_slice %arg7[%dma_start3A, %dma_start3A_29] : memref<10000x128xf32, #tpu.memory_space<vmem_shared>> -> memref<10000x128xf32, #tpu.memory_space<vmem_shared>>
          tpu.enqueue_indirect_dma source(%dma_start3A_30 : memref<10000x128xf32, #tpu.memory_space<vmem_shared>>) target(%arg6 : memref<128x128xf32, #tpu.memory_space<vmem>>) offsets(%arg5 : memref<128xi32, #tpu.memory_space<vmem>>) semaphore(%run_scoped3A : memref<!tpu.dma_semaphore, #tpu.memory_space<semaphore_mem>>)
          %dma_wait3A = arith.constant 0 : i32
          %dma_wait3A_31 = arith.constant 0 : i32
          %dma_wait3A_32 = tpu.memref_slice %arg7[%dma_wait3A, %dma_wait3A_31] : memref<10000x128xf32, #tpu.memory_space<vmem_shared>> -> memref<10000x128xf32, #tpu.memory_space<vmem_shared>>
          tpu.wait_indirect_dma semaphore(%run_scoped3A : memref<!tpu.dma_semaphore, #tpu.memory_space<semaphore_mem>>) src(%dma_wait3A_32 : memref<10000x128xf32, #tpu.memory_space<vmem_shared>>) dst(%arg6 : memref<128x128xf32, #tpu.memory_space<vmem>>)
          tpu.yield
        }) : () -> ()
        "tpu.region"() ({
          %run_scoped3A = tpu.sem_alloc : memref<!tpu.dma_semaphore, #tpu.memory_space<semaphore_mem>>
          %dma_start3A = arith.constant 0 : i32
          %dma_start3A_29 = tpu.memref_slice %arg4[%multiple_of3A_28, %dma_start3A] : memref<32000x128xf32, #tpu.memory_space<hbm>> -> memref<128x128xf32, #tpu.memory_space<hbm>>
          %dma_start3A_30 = arith.constant 0 : i32
          %dma_start3A_31 = tpu.memref_slice %arg4[%multiple_of3A_28, %dma_start3A_30] : memref<32000x128xf32, #tpu.memory_space<hbm>> -> memref<128x128xf32, #tpu.memory_space<hbm>>
          tpu.enqueue_dma source(%arg6 : memref<128x128xf32, #tpu.memory_space<vmem>>) target(%dma_start3A_31 : memref<128x128xf32, #tpu.memory_space<hbm>>) target_semaphore(%run_scoped3A : memref<!tpu.dma_semaphore, #tpu.memory_space<semaphore_mem>>)
          %dma_wait3A = arith.constant 0 : i32
          %dma_wait3A_32 = tpu.memref_slice %arg4[%multiple_of3A_28, %dma_wait3A] : memref<32000x128xf32, #tpu.memory_space<hbm>> -> memref<128x128xf32, #tpu.memory_space<hbm>>
          %dma_wait3A_33 = arith.constant 0 : i32
          %dma_wait3A_34 = tpu.memref_slice %arg4[%multiple_of3A_28, %dma_wait3A_33] : memref<32000x128xf32, #tpu.memory_space<hbm>> -> memref<128x128xf32, #tpu.memory_space<hbm>>
          tpu.wait_dma2 semaphore(%run_scoped3A : memref<!tpu.dma_semaphore, #tpu.memory_space<semaphore_mem>>) src(%arg6 : memref<128x128xf32, #tpu.memory_space<vmem>>) dst(%dma_wait3A_34 : memref<128x128xf32, #tpu.memory_space<hbm>>)
          tpu.yield
        }) : () -> ()
      } else {
      }
    }
    %scan3A_12 = arith.constant 8 : i32
    return
  }
}

#map = affine_map<(d0, d1) -> (0, 0)>
#map1 = affine_map<(d0, d1) -> (0)>
#map2 = affine_map<(d0, d1) -> (0, 0, 0)>
module attributes {stable_mosaic.version = 14 : i64} {
  func.func @scatter_kernel(%arg0: i32, %arg1: i32, %arg2: memref<32000x128xf32, #tpu.memory_space<hbm>>, %arg3: memref<32000xi32, #tpu.memory_space<hbm>>, %arg4: memref<2x10000x128xf32, #tpu.memory_space<hbm>>, %arg5: memref<2x10000x128xf32, #tpu.memory_space<hbm>>, %arg6: memref<128xi32, #tpu.memory_space<vmem>>, %arg7: memref<128x128xf32, #tpu.memory_space<vmem>>, %arg8: memref<10000x128xf32, #tpu.memory_space<vmem_shared>>) attributes {dimension_semantics = [#tpu.dimension_semantics<core_parallel>, #tpu.dimension_semantics<subcore_parallel>], iteration_bounds = array<i64: 2, 16>, scalar_prefetch = 0 : i64, scratch_operands = 3 : i64, tpu.core_type = #tpu.core_type<sc_vector_subcore>, window_params = [{transform_indices = #map}, {transform_indices = #map1}, {transform_indices = #map2}, {transform_indices = #map2}]} {
    %mul3A = arith.constant 16 : i32
    %mul3A_0 = arith.muli %arg0, %mul3A : i32
    %add3A = arith.addi %mul3A_0, %arg1 : i32
    %mul3A_1 = arith.constant 640 : i32
    %mul3A_2 = arith.muli %arg1, %mul3A_1 : i32
    %multiple_of3A = tpu.assume_multiple %mul3A_2, 8 : i32
    %lt3A = arith.constant 15 : i32
    %lt3A_3 = arith.cmpi slt, %arg1, %lt3A : i32
    %convert_element_type3A = arith.extui %lt3A_3 : i1 to i32
    %cond3A = arith.constant 0 : i32
    %cond3A_4 = arith.cmpi ne, %convert_element_type3A, %cond3A : i32
    scf.if %cond3A_4 {
      "tpu.region"() ({
        %run_scoped3A = tpu.sem_alloc : memref<!tpu.dma_semaphore, #tpu.memory_space<semaphore_mem>>
        %dma_start3A = arith.constant 0 : i32
        %dma_start3A_24 = tpu.memref_slice %arg8[%multiple_of3A, %dma_start3A] : memref<10000x128xf32, #tpu.memory_space<vmem_shared>> -> memref<640x128xf32, #tpu.memory_space<vmem_shared>>
        %dma_start3A_25 = arith.constant 0 : i32
        %dma_start3A_26 = tpu.memref_slice %arg4[%arg0, %multiple_of3A, %dma_start3A_25] : memref<2x10000x128xf32, #tpu.memory_space<hbm>> -> memref<1x640x128xf32, #tpu.memory_space<hbm>>
        %dma_start3A_27 = tpu.memref_squeeze %dma_start3A_26 : memref<1x640x128xf32, #tpu.memory_space<hbm>> -> memref<640x128xf32, #tpu.memory_space<hbm>>
        tpu.enqueue_dma source(%dma_start3A_27 : memref<640x128xf32, #tpu.memory_space<hbm>>) target(%dma_start3A_24 : memref<640x128xf32, #tpu.memory_space<vmem_shared>>) target_semaphore(%run_scoped3A : memref<!tpu.dma_semaphore, #tpu.memory_space<semaphore_mem>>)
        %dma_wait3A = arith.constant 0 : i32
        %dma_wait3A_28 = tpu.memref_slice %arg8[%multiple_of3A, %dma_wait3A] : memref<10000x128xf32, #tpu.memory_space<vmem_shared>> -> memref<640x128xf32, #tpu.memory_space<vmem_shared>>
        %dma_wait3A_29 = arith.constant 0 : i32
        %dma_wait3A_30 = tpu.memref_slice %arg4[%arg0, %multiple_of3A, %dma_wait3A_29] : memref<2x10000x128xf32, #tpu.memory_space<hbm>> -> memref<1x640x128xf32, #tpu.memory_space<hbm>>
        %dma_wait3A_31 = tpu.memref_squeeze %dma_wait3A_30 : memref<1x640x128xf32, #tpu.memory_space<hbm>> -> memref<640x128xf32, #tpu.memory_space<hbm>>
        tpu.wait_dma2 semaphore(%run_scoped3A : memref<!tpu.dma_semaphore, #tpu.memory_space<semaphore_mem>>) src(%dma_wait3A_31 : memref<640x128xf32, #tpu.memory_space<hbm>>) dst(%dma_wait3A_28 : memref<640x128xf32, #tpu.memory_space<vmem_shared>>)
        tpu.yield
      }) : () -> ()
    } else {
    }
    %eq3A = arith.constant 15 : i32
    %eq3A_5 = arith.cmpi eq, %arg1, %eq3A : i32
    %convert_element_type3A_6 = arith.extui %eq3A_5 : i1 to i32
    %cond3A_7 = arith.constant 0 : i32
    %cond3A_8 = arith.cmpi ne, %convert_element_type3A_6, %cond3A_7 : i32
    scf.if %cond3A_8 {
      "tpu.region"() ({
        %run_scoped3A = tpu.sem_alloc : memref<!tpu.dma_semaphore, #tpu.memory_space<semaphore_mem>>
        %dma_start3A = arith.constant 0 : i32
        %dma_start3A_24 = tpu.memref_slice %arg8[%multiple_of3A, %dma_start3A] : memref<10000x128xf32, #tpu.memory_space<vmem_shared>> -> memref<400x128xf32, #tpu.memory_space<vmem_shared>>
        %dma_start3A_25 = arith.constant 0 : i32
        %dma_start3A_26 = tpu.memref_slice %arg4[%arg0, %multiple_of3A, %dma_start3A_25] : memref<2x10000x128xf32, #tpu.memory_space<hbm>> -> memref<1x400x128xf32, #tpu.memory_space<hbm>>
        %dma_start3A_27 = tpu.memref_squeeze %dma_start3A_26 : memref<1x400x128xf32, #tpu.memory_space<hbm>> -> memref<400x128xf32, #tpu.memory_space<hbm>>
        tpu.enqueue_dma source(%dma_start3A_27 : memref<400x128xf32, #tpu.memory_space<hbm>>) target(%dma_start3A_24 : memref<400x128xf32, #tpu.memory_space<vmem_shared>>) target_semaphore(%run_scoped3A : memref<!tpu.dma_semaphore, #tpu.memory_space<semaphore_mem>>)
        %dma_wait3A = arith.constant 0 : i32
        %dma_wait3A_28 = tpu.memref_slice %arg8[%multiple_of3A, %dma_wait3A] : memref<10000x128xf32, #tpu.memory_space<vmem_shared>> -> memref<400x128xf32, #tpu.memory_space<vmem_shared>>
        %dma_wait3A_29 = arith.constant 0 : i32
        %dma_wait3A_30 = tpu.memref_slice %arg4[%arg0, %multiple_of3A, %dma_wait3A_29] : memref<2x10000x128xf32, #tpu.memory_space<hbm>> -> memref<1x400x128xf32, #tpu.memory_space<hbm>>
        %dma_wait3A_31 = tpu.memref_squeeze %dma_wait3A_30 : memref<1x400x128xf32, #tpu.memory_space<hbm>> -> memref<400x128xf32, #tpu.memory_space<hbm>>
        tpu.wait_dma2 semaphore(%run_scoped3A : memref<!tpu.dma_semaphore, #tpu.memory_space<semaphore_mem>>) src(%dma_wait3A_31 : memref<400x128xf32, #tpu.memory_space<hbm>>) dst(%dma_wait3A_28 : memref<400x128xf32, #tpu.memory_space<vmem_shared>>)
        tpu.yield
      }) : () -> ()
    } else {
    }
    %barrier3A = arith.constant 0 : index
    tpu.barrier barrier_id(%barrier3A)
    %scan3A = arith.constant 0 : i32
    %scan3A_9 = arith.constant 8 : i32
    %scan3A_10 = arith.addi %scan3A, %scan3A_9 : i32
    %scan3A_11 = arith.constant 1 : i32
    scf.for %scan3A_24 = %scan3A to %scan3A_10 step %scan3A_11  : i32 {
      %mul3A_25 = arith.constant 1 : i32
      %mul3A_26 = arith.muli %scan3A_24, %mul3A_25 : i32
      %add3A_27 = arith.constant 0 : i32
      %add3A_28 = arith.addi %add3A_27, %mul3A_26 : i32
      %mul3A_29 = arith.constant 32 : i32
      %mul3A_30 = arith.muli %add3A_28, %mul3A_29 : i32
      %add3A_31 = arith.addi %add3A, %mul3A_30 : i32
      %lt3A_32 = arith.constant 250 : i32
      %lt3A_33 = arith.cmpi slt, %add3A_31, %lt3A_32 : i32
      %convert_element_type3A_34 = arith.extui %lt3A_33 : i1 to i32
      %cond3A_35 = arith.constant 0 : i32
      %cond3A_36 = arith.cmpi ne, %convert_element_type3A_34, %cond3A_35 : i32
      scf.if %cond3A_36 {
        %mul3A_37 = arith.constant 128 : i32
        %mul3A_38 = arith.muli %add3A_31, %mul3A_37 : i32
        %multiple_of3A_39 = tpu.assume_multiple %mul3A_38, 128 : i32
        "tpu.region"() ({
          %run_scoped3A = tpu.sem_alloc : memref<!tpu.dma_semaphore, #tpu.memory_space<semaphore_mem>>
          %dma_start3A = tpu.memref_slice %arg3[%multiple_of3A_39] : memref<32000xi32, #tpu.memory_space<hbm>> -> memref<128xi32, #tpu.memory_space<hbm>>
          %dma_start3A_40 = tpu.memref_slice %arg3[%multiple_of3A_39] : memref<32000xi32, #tpu.memory_space<hbm>> -> memref<128xi32, #tpu.memory_space<hbm>>
          tpu.enqueue_dma source(%dma_start3A_40 : memref<128xi32, #tpu.memory_space<hbm>>) target(%arg6 : memref<128xi32, #tpu.memory_space<vmem>>) target_semaphore(%run_scoped3A : memref<!tpu.dma_semaphore, #tpu.memory_space<semaphore_mem>>)
          %dma_wait3A = tpu.memref_slice %arg3[%multiple_of3A_39] : memref<32000xi32, #tpu.memory_space<hbm>> -> memref<128xi32, #tpu.memory_space<hbm>>
          %dma_wait3A_41 = tpu.memref_slice %arg3[%multiple_of3A_39] : memref<32000xi32, #tpu.memory_space<hbm>> -> memref<128xi32, #tpu.memory_space<hbm>>
          tpu.wait_dma2 semaphore(%run_scoped3A : memref<!tpu.dma_semaphore, #tpu.memory_space<semaphore_mem>>) src(%dma_wait3A_41 : memref<128xi32, #tpu.memory_space<hbm>>) dst(%arg6 : memref<128xi32, #tpu.memory_space<vmem>>)
          tpu.yield
        }) : () -> ()
        "tpu.region"() ({
          %run_scoped3A = tpu.sem_alloc : memref<!tpu.dma_semaphore, #tpu.memory_space<semaphore_mem>>
          %dma_start3A = arith.constant 0 : i32
          %dma_start3A_40 = tpu.memref_slice %arg2[%multiple_of3A_39, %dma_start3A] : memref<32000x128xf32, #tpu.memory_space<hbm>> -> memref<128x128xf32, #tpu.memory_space<hbm>>
          %dma_start3A_41 = arith.constant 0 : i32
          %dma_start3A_42 = tpu.memref_slice %arg2[%multiple_of3A_39, %dma_start3A_41] : memref<32000x128xf32, #tpu.memory_space<hbm>> -> memref<128x128xf32, #tpu.memory_space<hbm>>
          tpu.enqueue_dma source(%dma_start3A_42 : memref<128x128xf32, #tpu.memory_space<hbm>>) target(%arg7 : memref<128x128xf32, #tpu.memory_space<vmem>>) target_semaphore(%run_scoped3A : memref<!tpu.dma_semaphore, #tpu.memory_space<semaphore_mem>>)
          %dma_wait3A = arith.constant 0 : i32
          %dma_wait3A_43 = tpu.memref_slice %arg2[%multiple_of3A_39, %dma_wait3A] : memref<32000x128xf32, #tpu.memory_space<hbm>> -> memref<128x128xf32, #tpu.memory_space<hbm>>
          %dma_wait3A_44 = arith.constant 0 : i32
          %dma_wait3A_45 = tpu.memref_slice %arg2[%multiple_of3A_39, %dma_wait3A_44] : memref<32000x128xf32, #tpu.memory_space<hbm>> -> memref<128x128xf32, #tpu.memory_space<hbm>>
          tpu.wait_dma2 semaphore(%run_scoped3A : memref<!tpu.dma_semaphore, #tpu.memory_space<semaphore_mem>>) src(%dma_wait3A_45 : memref<128x128xf32, #tpu.memory_space<hbm>>) dst(%arg7 : memref<128x128xf32, #tpu.memory_space<vmem>>)
          tpu.yield
        }) : () -> ()
        "tpu.region"() ({
          %run_scoped3A = tpu.sem_alloc : memref<!tpu.dma_semaphore, #tpu.memory_space<semaphore_mem>>
          %dma_start3A = arith.constant 0 : i32
          %dma_start3A_40 = arith.constant 0 : i32
          %dma_start3A_41 = tpu.memref_slice %arg8[%dma_start3A, %dma_start3A_40] : memref<10000x128xf32, #tpu.memory_space<vmem_shared>> -> memref<10000x128xf32, #tpu.memory_space<vmem_shared>>
          tpu.enqueue_indirect_dma source(%arg7 : memref<128x128xf32, #tpu.memory_space<vmem>>) target(%dma_start3A_41 : memref<10000x128xf32, #tpu.memory_space<vmem_shared>>) offsets(%arg6 : memref<128xi32, #tpu.memory_space<vmem>>) semaphore(%run_scoped3A : memref<!tpu.dma_semaphore, #tpu.memory_space<semaphore_mem>>) {add = true}
          %dma_wait3A = arith.constant 0 : i32
          %dma_wait3A_42 = arith.constant 0 : i32
          %dma_wait3A_43 = tpu.memref_slice %arg8[%dma_wait3A, %dma_wait3A_42] : memref<10000x128xf32, #tpu.memory_space<vmem_shared>> -> memref<10000x128xf32, #tpu.memory_space<vmem_shared>>
          tpu.wait_indirect_dma semaphore(%run_scoped3A : memref<!tpu.dma_semaphore, #tpu.memory_space<semaphore_mem>>) src(%arg7 : memref<128x128xf32, #tpu.memory_space<vmem>>) dst(%dma_wait3A_43 : memref<10000x128xf32, #tpu.memory_space<vmem_shared>>)
          tpu.yield
        }) : () -> ()
      } else {
      }
    }
    %scan3A_12 = arith.constant 8 : i32
    %barrier3A_13 = arith.constant 0 : index
    tpu.barrier barrier_id(%barrier3A_13)
    %lt3A_14 = arith.constant 15 : i32
    %lt3A_15 = arith.cmpi slt, %arg1, %lt3A_14 : i32
    %convert_element_type3A_16 = arith.extui %lt3A_15 : i1 to i32
    %cond3A_17 = arith.constant 0 : i32
    %cond3A_18 = arith.cmpi ne, %convert_element_type3A_16, %cond3A_17 : i32
    scf.if %cond3A_18 {
      "tpu.region"() ({
        %run_scoped3A = tpu.sem_alloc : memref<!tpu.dma_semaphore, #tpu.memory_space<semaphore_mem>>
        %dma_start3A = arith.constant 0 : i32
        %dma_start3A_24 = tpu.memref_slice %arg5[%arg0, %multiple_of3A, %dma_start3A] : memref<2x10000x128xf32, #tpu.memory_space<hbm>> -> memref<1x640x128xf32, #tpu.memory_space<hbm>>
        %dma_start3A_25 = tpu.memref_squeeze %dma_start3A_24 : memref<1x640x128xf32, #tpu.memory_space<hbm>> -> memref<640x128xf32, #tpu.memory_space<hbm>>
        %dma_start3A_26 = arith.constant 0 : i32
        %dma_start3A_27 = tpu.memref_slice %arg8[%multiple_of3A, %dma_start3A_26] : memref<10000x128xf32, #tpu.memory_space<vmem_shared>> -> memref<640x128xf32, #tpu.memory_space<vmem_shared>>
        tpu.enqueue_dma source(%dma_start3A_27 : memref<640x128xf32, #tpu.memory_space<vmem_shared>>) target(%dma_start3A_25 : memref<640x128xf32, #tpu.memory_space<hbm>>) target_semaphore(%run_scoped3A : memref<!tpu.dma_semaphore, #tpu.memory_space<semaphore_mem>>)
        %dma_wait3A = arith.constant 0 : i32
        %dma_wait3A_28 = tpu.memref_slice %arg5[%arg0, %multiple_of3A, %dma_wait3A] : memref<2x10000x128xf32, #tpu.memory_space<hbm>> -> memref<1x640x128xf32, #tpu.memory_space<hbm>>
        %dma_wait3A_29 = tpu.memref_squeeze %dma_wait3A_28 : memref<1x640x128xf32, #tpu.memory_space<hbm>> -> memref<640x128xf32, #tpu.memory_space<hbm>>
        %dma_wait3A_30 = arith.constant 0 : i32
        %dma_wait3A_31 = tpu.memref_slice %arg8[%multiple_of3A, %dma_wait3A_30] : memref<10000x128xf32, #tpu.memory_space<vmem_shared>> -> memref<640x128xf32, #tpu.memory_space<vmem_shared>>
        tpu.wait_dma2 semaphore(%run_scoped3A : memref<!tpu.dma_semaphore, #tpu.memory_space<semaphore_mem>>) src(%dma_wait3A_31 : memref<640x128xf32, #tpu.memory_space<vmem_shared>>) dst(%dma_wait3A_29 : memref<640x128xf32, #tpu.memory_space<hbm>>)
        tpu.yield
      }) : () -> ()
    } else {
    }
    %eq3A_19 = arith.constant 15 : i32
    %eq3A_20 = arith.cmpi eq, %arg1, %eq3A_19 : i32
    %convert_element_type3A_21 = arith.extui %eq3A_20 : i1 to i32
    %cond3A_22 = arith.constant 0 : i32
    %cond3A_23 = arith.cmpi ne, %convert_element_type3A_21, %cond3A_22 : i32
    scf.if %cond3A_23 {
      "tpu.region"() ({
        %run_scoped3A = tpu.sem_alloc : memref<!tpu.dma_semaphore, #tpu.memory_space<semaphore_mem>>
        %dma_start3A = arith.constant 0 : i32
        %dma_start3A_24 = tpu.memref_slice %arg5[%arg0, %multiple_of3A, %dma_start3A] : memref<2x10000x128xf32, #tpu.memory_space<hbm>> -> memref<1x400x128xf32, #tpu.memory_space<hbm>>
        %dma_start3A_25 = tpu.memref_squeeze %dma_start3A_24 : memref<1x400x128xf32, #tpu.memory_space<hbm>> -> memref<400x128xf32, #tpu.memory_space<hbm>>
        %dma_start3A_26 = arith.constant 0 : i32
        %dma_start3A_27 = tpu.memref_slice %arg8[%multiple_of3A, %dma_start3A_26] : memref<10000x128xf32, #tpu.memory_space<vmem_shared>> -> memref<400x128xf32, #tpu.memory_space<vmem_shared>>
        tpu.enqueue_dma source(%dma_start3A_27 : memref<400x128xf32, #tpu.memory_space<vmem_shared>>) target(%dma_start3A_25 : memref<400x128xf32, #tpu.memory_space<hbm>>) target_semaphore(%run_scoped3A : memref<!tpu.dma_semaphore, #tpu.memory_space<semaphore_mem>>)
        %dma_wait3A = arith.constant 0 : i32
        %dma_wait3A_28 = tpu.memref_slice %arg5[%arg0, %multiple_of3A, %dma_wait3A] : memref<2x10000x128xf32, #tpu.memory_space<hbm>> -> memref<1x400x128xf32, #tpu.memory_space<hbm>>
        %dma_wait3A_29 = tpu.memref_squeeze %dma_wait3A_28 : memref<1x400x128xf32, #tpu.memory_space<hbm>> -> memref<400x128xf32, #tpu.memory_space<hbm>>
        %dma_wait3A_30 = arith.constant 0 : i32
        %dma_wait3A_31 = tpu.memref_slice %arg8[%multiple_of3A, %dma_wait3A_30] : memref<10000x128xf32, #tpu.memory_space<vmem_shared>> -> memref<400x128xf32, #tpu.memory_space<vmem_shared>>
        tpu.wait_dma2 semaphore(%run_scoped3A : memref<!tpu.dma_semaphore, #tpu.memory_space<semaphore_mem>>) src(%dma_wait3A_31 : memref<400x128xf32, #tpu.memory_space<vmem_shared>>) dst(%dma_wait3A_29 : memref<400x128xf32, #tpu.memory_space<hbm>>)
        tpu.yield
      }) : () -> ()
    } else {
    }
    return
  }
}

#map = affine_map<(d0, d1) -> (0, 0)>
#map1 = affine_map<(d0, d1) -> (0)>
module attributes {stable_mosaic.version = 14 : i64} {
  func.func @gather_kernel(%arg0: i32, %arg1: i32, %arg2: memref<10000x128xf32, #tpu.memory_space<hbm>>, %arg3: memref<32000xi32, #tpu.memory_space<hbm>>, %arg4: memref<32000x128xf32, #tpu.memory_space<hbm>>, %arg5: memref<128xi32, #tpu.memory_space<vmem>>, %arg6: memref<128x128xf32, #tpu.memory_space<vmem>>, %arg7: memref<10000x128xf32, #tpu.memory_space<vmem_shared>>) attributes {dimension_semantics = [#tpu.dimension_semantics<core_parallel>, #tpu.dimension_semantics<subcore_parallel>], iteration_bounds = array<i64: 2, 16>, scalar_prefetch = 0 : i64, scratch_operands = 3 : i64, tpu.core_type = #tpu.core_type<sc_vector_subcore>, window_params = [{transform_indices = #map}, {transform_indices = #map1}, {transform_indices = #map}]} {
    %mul3A = arith.constant 16 : i32
    %mul3A_0 = arith.muli %arg0, %mul3A : i32
    %add3A = arith.addi %mul3A_0, %arg1 : i32
    %mul3A_1 = arith.constant 640 : i32
    %mul3A_2 = arith.muli %arg1, %mul3A_1 : i32
    %multiple_of3A = tpu.assume_multiple %mul3A_2, 8 : i32
    %lt3A = arith.constant 15 : i32
    %lt3A_3 = arith.cmpi slt, %arg1, %lt3A : i32
    %convert_element_type3A = arith.extui %lt3A_3 : i1 to i32
    %cond3A = arith.constant 0 : i32
    %cond3A_4 = arith.cmpi ne, %convert_element_type3A, %cond3A : i32
    scf.if %cond3A_4 {
      "tpu.region"() ({
        %run_scoped3A = tpu.sem_alloc : memref<!tpu.dma_semaphore, #tpu.memory_space<semaphore_mem>>
        %dma_start3A = arith.constant 0 : i32
        %dma_start3A_13 = tpu.memref_slice %arg7[%multiple_of3A, %dma_start3A] : memref<10000x128xf32, #tpu.memory_space<vmem_shared>> -> memref<640x128xf32, #tpu.memory_space<vmem_shared>>
        %dma_start3A_14 = arith.constant 0 : i32
        %dma_start3A_15 = tpu.memref_slice %arg2[%multiple_of3A, %dma_start3A_14] : memref<10000x128xf32, #tpu.memory_space<hbm>> -> memref<640x128xf32, #tpu.memory_space<hbm>>
        tpu.enqueue_dma source(%dma_start3A_15 : memref<640x128xf32, #tpu.memory_space<hbm>>) target(%dma_start3A_13 : memref<640x128xf32, #tpu.memory_space<vmem_shared>>) target_semaphore(%run_scoped3A : memref<!tpu.dma_semaphore, #tpu.memory_space<semaphore_mem>>)
        %dma_wait3A = arith.constant 0 : i32
        %dma_wait3A_16 = tpu.memref_slice %arg7[%multiple_of3A, %dma_wait3A] : memref<10000x128xf32, #tpu.memory_space<vmem_shared>> -> memref<640x128xf32, #tpu.memory_space<vmem_shared>>
        %dma_wait3A_17 = arith.constant 0 : i32
        %dma_wait3A_18 = tpu.memref_slice %arg2[%multiple_of3A, %dma_wait3A_17] : memref<10000x128xf32, #tpu.memory_space<hbm>> -> memref<640x128xf32, #tpu.memory_space<hbm>>
        tpu.wait_dma2 semaphore(%run_scoped3A : memref<!tpu.dma_semaphore, #tpu.memory_space<semaphore_mem>>) src(%dma_wait3A_18 : memref<640x128xf32, #tpu.memory_space<hbm>>) dst(%dma_wait3A_16 : memref<640x128xf32, #tpu.memory_space<vmem_shared>>)
        tpu.yield
      }) : () -> ()
    } else {
    }
    %eq3A = arith.constant 15 : i32
    %eq3A_5 = arith.cmpi eq, %arg1, %eq3A : i32
    %convert_element_type3A_6 = arith.extui %eq3A_5 : i1 to i32
    %cond3A_7 = arith.constant 0 : i32
    %cond3A_8 = arith.cmpi ne, %convert_element_type3A_6, %cond3A_7 : i32
    scf.if %cond3A_8 {
      "tpu.region"() ({
        %run_scoped3A = tpu.sem_alloc : memref<!tpu.dma_semaphore, #tpu.memory_space<semaphore_mem>>
        %dma_start3A = arith.constant 0 : i32
        %dma_start3A_13 = tpu.memref_slice %arg7[%multiple_of3A, %dma_start3A] : memref<10000x128xf32, #tpu.memory_space<vmem_shared>> -> memref<400x128xf32, #tpu.memory_space<vmem_shared>>
        %dma_start3A_14 = arith.constant 0 : i32
        %dma_start3A_15 = tpu.memref_slice %arg2[%multiple_of3A, %dma_start3A_14] : memref<10000x128xf32, #tpu.memory_space<hbm>> -> memref<400x128xf32, #tpu.memory_space<hbm>>
        tpu.enqueue_dma source(%dma_start3A_15 : memref<400x128xf32, #tpu.memory_space<hbm>>) target(%dma_start3A_13 : memref<400x128xf32, #tpu.memory_space<vmem_shared>>) target_semaphore(%run_scoped3A : memref<!tpu.dma_semaphore, #tpu.memory_space<semaphore_mem>>)
        %dma_wait3A = arith.constant 0 : i32
        %dma_wait3A_16 = tpu.memref_slice %arg7[%multiple_of3A, %dma_wait3A] : memref<10000x128xf32, #tpu.memory_space<vmem_shared>> -> memref<400x128xf32, #tpu.memory_space<vmem_shared>>
        %dma_wait3A_17 = arith.constant 0 : i32
        %dma_wait3A_18 = tpu.memref_slice %arg2[%multiple_of3A, %dma_wait3A_17] : memref<10000x128xf32, #tpu.memory_space<hbm>> -> memref<400x128xf32, #tpu.memory_space<hbm>>
        tpu.wait_dma2 semaphore(%run_scoped3A : memref<!tpu.dma_semaphore, #tpu.memory_space<semaphore_mem>>) src(%dma_wait3A_18 : memref<400x128xf32, #tpu.memory_space<hbm>>) dst(%dma_wait3A_16 : memref<400x128xf32, #tpu.memory_space<vmem_shared>>)
        tpu.yield
      }) : () -> ()
    } else {
    }
    %barrier3A = arith.constant 0 : index
    tpu.barrier barrier_id(%barrier3A)
    %scan3A = arith.constant 0 : i32
    %scan3A_9 = arith.constant 8 : i32
    %scan3A_10 = arith.addi %scan3A, %scan3A_9 : i32
    %scan3A_11 = arith.constant 1 : i32
    scf.for %scan3A_13 = %scan3A to %scan3A_10 step %scan3A_11  : i32 {
      %mul3A_14 = arith.constant 1 : i32
      %mul3A_15 = arith.muli %scan3A_13, %mul3A_14 : i32
      %add3A_16 = arith.constant 0 : i32
      %add3A_17 = arith.addi %add3A_16, %mul3A_15 : i32
      %mul3A_18 = arith.constant 32 : i32
      %mul3A_19 = arith.muli %add3A_17, %mul3A_18 : i32
      %add3A_20 = arith.addi %add3A, %mul3A_19 : i32
      %lt3A_21 = arith.constant 250 : i32
      %lt3A_22 = arith.cmpi slt, %add3A_20, %lt3A_21 : i32
      %convert_element_type3A_23 = arith.extui %lt3A_22 : i1 to i32
      %cond3A_24 = arith.constant 0 : i32
      %cond3A_25 = arith.cmpi ne, %convert_element_type3A_23, %cond3A_24 : i32
      scf.if %cond3A_25 {
        %mul3A_26 = arith.constant 128 : i32
        %mul3A_27 = arith.muli %add3A_20, %mul3A_26 : i32
        %multiple_of3A_28 = tpu.assume_multiple %mul3A_27, 128 : i32
        "tpu.region"() ({
          %run_scoped3A = tpu.sem_alloc : memref<!tpu.dma_semaphore, #tpu.memory_space<semaphore_mem>>
          %dma_start3A = tpu.memref_slice %arg3[%multiple_of3A_28] : memref<32000xi32, #tpu.memory_space<hbm>> -> memref<128xi32, #tpu.memory_space<hbm>>
          %dma_start3A_29 = tpu.memref_slice %arg3[%multiple_of3A_28] : memref<32000xi32, #tpu.memory_space<hbm>> -> memref<128xi32, #tpu.memory_space<hbm>>
          tpu.enqueue_dma source(%dma_start3A_29 : memref<128xi32, #tpu.memory_space<hbm>>) target(%arg5 : memref<128xi32, #tpu.memory_space<vmem>>) target_semaphore(%run_scoped3A : memref<!tpu.dma_semaphore, #tpu.memory_space<semaphore_mem>>)
          %dma_wait3A = tpu.memref_slice %arg3[%multiple_of3A_28] : memref<32000xi32, #tpu.memory_space<hbm>> -> memref<128xi32, #tpu.memory_space<hbm>>
          %dma_wait3A_30 = tpu.memref_slice %arg3[%multiple_of3A_28] : memref<32000xi32, #tpu.memory_space<hbm>> -> memref<128xi32, #tpu.memory_space<hbm>>
          tpu.wait_dma2 semaphore(%run_scoped3A : memref<!tpu.dma_semaphore, #tpu.memory_space<semaphore_mem>>) src(%dma_wait3A_30 : memref<128xi32, #tpu.memory_space<hbm>>) dst(%arg5 : memref<128xi32, #tpu.memory_space<vmem>>)
          tpu.yield
        }) : () -> ()
        "tpu.region"() ({
          %run_scoped3A = tpu.sem_alloc : memref<!tpu.dma_semaphore, #tpu.memory_space<semaphore_mem>>
          %dma_start3A = arith.constant 0 : i32
          %dma_start3A_29 = arith.constant 0 : i32
          %dma_start3A_30 = tpu.memref_slice %arg7[%dma_start3A, %dma_start3A_29] : memref<10000x128xf32, #tpu.memory_space<vmem_shared>> -> memref<10000x128xf32, #tpu.memory_space<vmem_shared>>
          tpu.enqueue_indirect_dma source(%dma_start3A_30 : memref<10000x128xf32, #tpu.memory_space<vmem_shared>>) target(%arg6 : memref<128x128xf32, #tpu.memory_space<vmem>>) offsets(%arg5 : memref<128xi32, #tpu.memory_space<vmem>>) semaphore(%run_scoped3A : memref<!tpu.dma_semaphore, #tpu.memory_space<semaphore_mem>>)
          %dma_wait3A = arith.constant 0 : i32
          %dma_wait3A_31 = arith.constant 0 : i32
          %dma_wait3A_32 = tpu.memref_slice %arg7[%dma_wait3A, %dma_wait3A_31] : memref<10000x128xf32, #tpu.memory_space<vmem_shared>> -> memref<10000x128xf32, #tpu.memory_space<vmem_shared>>
          tpu.wait_indirect_dma semaphore(%run_scoped3A : memref<!tpu.dma_semaphore, #tpu.memory_space<semaphore_mem>>) src(%dma_wait3A_32 : memref<10000x128xf32, #tpu.memory_space<vmem_shared>>) dst(%arg6 : memref<128x128xf32, #tpu.memory_space<vmem>>)
          tpu.yield
        }) : () -> ()
        "tpu.region"() ({
          %run_scoped3A = tpu.sem_alloc : memref<!tpu.dma_semaphore, #tpu.memory_space<semaphore_mem>>
          %dma_start3A = arith.constant 0 : i32
          %dma_start3A_29 = tpu.memref_slice %arg4[%multiple_of3A_28, %dma_start3A] : memref<32000x128xf32, #tpu.memory_space<hbm>> -> memref<128x128xf32, #tpu.memory_space<hbm>>
          %dma_start3A_30 = arith.constant 0 : i32
          %dma_start3A_31 = tpu.memref_slice %arg4[%multiple_of3A_28, %dma_start3A_30] : memref<32000x128xf32, #tpu.memory_space<hbm>> -> memref<128x128xf32, #tpu.memory_space<hbm>>
          tpu.enqueue_dma source(%arg6 : memref<128x128xf32, #tpu.memory_space<vmem>>) target(%dma_start3A_31 : memref<128x128xf32, #tpu.memory_space<hbm>>) target_semaphore(%run_scoped3A : memref<!tpu.dma_semaphore, #tpu.memory_space<semaphore_mem>>)
          %dma_wait3A = arith.constant 0 : i32
          %dma_wait3A_32 = tpu.memref_slice %arg4[%multiple_of3A_28, %dma_wait3A] : memref<32000x128xf32, #tpu.memory_space<hbm>> -> memref<128x128xf32, #tpu.memory_space<hbm>>
          %dma_wait3A_33 = arith.constant 0 : i32
          %dma_wait3A_34 = tpu.memref_slice %arg4[%multiple_of3A_28, %dma_wait3A_33] : memref<32000x128xf32, #tpu.memory_space<hbm>> -> memref<128x128xf32, #tpu.memory_space<hbm>>
          tpu.wait_dma2 semaphore(%run_scoped3A : memref<!tpu.dma_semaphore, #tpu.memory_space<semaphore_mem>>) src(%arg6 : memref<128x128xf32, #tpu.memory_space<vmem>>) dst(%dma_wait3A_34 : memref<128x128xf32, #tpu.memory_space<hbm>>)
          tpu.yield
        }) : () -> ()
      } else {
      }
    }
    %scan3A_12 = arith.constant 8 : i32
    return
  }
}

#map = affine_map<(d0, d1) -> (0, 0)>
#map1 = affine_map<(d0, d1) -> (0)>
#map2 = affine_map<(d0, d1) -> (0, 0, 0)>
module attributes {stable_mosaic.version = 14 : i64} {
  func.func @scatter_kernel(%arg0: i32, %arg1: i32, %arg2: memref<32000x128xf32, #tpu.memory_space<hbm>>, %arg3: memref<32000xi32, #tpu.memory_space<hbm>>, %arg4: memref<2x10000x128xf32, #tpu.memory_space<hbm>>, %arg5: memref<2x10000x128xf32, #tpu.memory_space<hbm>>, %arg6: memref<128xi32, #tpu.memory_space<vmem>>, %arg7: memref<128x128xf32, #tpu.memory_space<vmem>>, %arg8: memref<10000x128xf32, #tpu.memory_space<vmem_shared>>) attributes {dimension_semantics = [#tpu.dimension_semantics<core_parallel>, #tpu.dimension_semantics<subcore_parallel>], iteration_bounds = array<i64: 2, 16>, scalar_prefetch = 0 : i64, scratch_operands = 3 : i64, tpu.core_type = #tpu.core_type<sc_vector_subcore>, window_params = [{transform_indices = #map}, {transform_indices = #map1}, {transform_indices = #map2}, {transform_indices = #map2}]} {
    %mul3A = arith.constant 16 : i32
    %mul3A_0 = arith.muli %arg0, %mul3A : i32
    %add3A = arith.addi %mul3A_0, %arg1 : i32
    %mul3A_1 = arith.constant 640 : i32
    %mul3A_2 = arith.muli %arg1, %mul3A_1 : i32
    %multiple_of3A = tpu.assume_multiple %mul3A_2, 8 : i32
    %lt3A = arith.constant 15 : i32
    %lt3A_3 = arith.cmpi slt, %arg1, %lt3A : i32
    %convert_element_type3A = arith.extui %lt3A_3 : i1 to i32
    %cond3A = arith.constant 0 : i32
    %cond3A_4 = arith.cmpi ne, %convert_element_type3A, %cond3A : i32
    scf.if %cond3A_4 {
      "tpu.region"() ({
        %run_scoped3A = tpu.sem_alloc : memref<!tpu.dma_semaphore, #tpu.memory_space<semaphore_mem>>
        %dma_start3A = arith.constant 0 : i32
        %dma_start3A_24 = tpu.memref_slice %arg8[%multiple_of3A, %dma_start3A] : memref<10000x128xf32, #tpu.memory_space<vmem_shared>> -> memref<640x128xf32, #tpu.memory_space<vmem_shared>>
        %dma_start3A_25 = arith.constant 0 : i32
        %dma_start3A_26 = tpu.memref_slice %arg4[%arg0, %multiple_of3A, %dma_start3A_25] : memref<2x10000x128xf32, #tpu.memory_space<hbm>> -> memref<1x640x128xf32, #tpu.memory_space<hbm>>
        %dma_start3A_27 = tpu.memref_squeeze %dma_start3A_26 : memref<1x640x128xf32, #tpu.memory_space<hbm>> -> memref<640x128xf32, #tpu.memory_space<hbm>>
        tpu.enqueue_dma source(%dma_start3A_27 : memref<640x128xf32, #tpu.memory_space<hbm>>) target(%dma_start3A_24 : memref<640x128xf32, #tpu.memory_space<vmem_shared>>) target_semaphore(%run_scoped3A : memref<!tpu.dma_semaphore, #tpu.memory_space<semaphore_mem>>)
        %dma_wait3A = arith.constant 0 : i32
        %dma_wait3A_28 = tpu.memref_slice %arg8[%multiple_of3A, %dma_wait3A] : memref<10000x128xf32, #tpu.memory_space<vmem_shared>> -> memref<640x128xf32, #tpu.memory_space<vmem_shared>>
        %dma_wait3A_29 = arith.constant 0 : i32
        %dma_wait3A_30 = tpu.memref_slice %arg4[%arg0, %multiple_of3A, %dma_wait3A_29] : memref<2x10000x128xf32, #tpu.memory_space<hbm>> -> memref<1x640x128xf32, #tpu.memory_space<hbm>>
        %dma_wait3A_31 = tpu.memref_squeeze %dma_wait3A_30 : memref<1x640x128xf32, #tpu.memory_space<hbm>> -> memref<640x128xf32, #tpu.memory_space<hbm>>
        tpu.wait_dma2 semaphore(%run_scoped3A : memref<!tpu.dma_semaphore, #tpu.memory_space<semaphore_mem>>) src(%dma_wait3A_31 : memref<640x128xf32, #tpu.memory_space<hbm>>) dst(%dma_wait3A_28 : memref<640x128xf32, #tpu.memory_space<vmem_shared>>)
        tpu.yield
      }) : () -> ()
    } else {
    }
    %eq3A = arith.constant 15 : i32
    %eq3A_5 = arith.cmpi eq, %arg1, %eq3A : i32
    %convert_element_type3A_6 = arith.extui %eq3A_5 : i1 to i32
    %cond3A_7 = arith.constant 0 : i32
    %cond3A_8 = arith.cmpi ne, %convert_element_type3A_6, %cond3A_7 : i32
    scf.if %cond3A_8 {
      "tpu.region"() ({
        %run_scoped3A = tpu.sem_alloc : memref<!tpu.dma_semaphore, #tpu.memory_space<semaphore_mem>>
        %dma_start3A = arith.constant 0 : i32
        %dma_start3A_24 = tpu.memref_slice %arg8[%multiple_of3A, %dma_start3A] : memref<10000x128xf32, #tpu.memory_space<vmem_shared>> -> memref<400x128xf32, #tpu.memory_space<vmem_shared>>
        %dma_start3A_25 = arith.constant 0 : i32
        %dma_start3A_26 = tpu.memref_slice %arg4[%arg0, %multiple_of3A, %dma_start3A_25] : memref<2x10000x128xf32, #tpu.memory_space<hbm>> -> memref<1x400x128xf32, #tpu.memory_space<hbm>>
        %dma_start3A_27 = tpu.memref_squeeze %dma_start3A_26 : memref<1x400x128xf32, #tpu.memory_space<hbm>> -> memref<400x128xf32, #tpu.memory_space<hbm>>
        tpu.enqueue_dma source(%dma_start3A_27 : memref<400x128xf32, #tpu.memory_space<hbm>>) target(%dma_start3A_24 : memref<400x128xf32, #tpu.memory_space<vmem_shared>>) target_semaphore(%run_scoped3A : memref<!tpu.dma_semaphore, #tpu.memory_space<semaphore_mem>>)
        %dma_wait3A = arith.constant 0 : i32
        %dma_wait3A_28 = tpu.memref_slice %arg8[%multiple_of3A, %dma_wait3A] : memref<10000x128xf32, #tpu.memory_space<vmem_shared>> -> memref<400x128xf32, #tpu.memory_space<vmem_shared>>
        %dma_wait3A_29 = arith.constant 0 : i32
        %dma_wait3A_30 = tpu.memref_slice %arg4[%arg0, %multiple_of3A, %dma_wait3A_29] : memref<2x10000x128xf32, #tpu.memory_space<hbm>> -> memref<1x400x128xf32, #tpu.memory_space<hbm>>
        %dma_wait3A_31 = tpu.memref_squeeze %dma_wait3A_30 : memref<1x400x128xf32, #tpu.memory_space<hbm>> -> memref<400x128xf32, #tpu.memory_space<hbm>>
        tpu.wait_dma2 semaphore(%run_scoped3A : memref<!tpu.dma_semaphore, #tpu.memory_space<semaphore_mem>>) src(%dma_wait3A_31 : memref<400x128xf32, #tpu.memory_space<hbm>>) dst(%dma_wait3A_28 : memref<400x128xf32, #tpu.memory_space<vmem_shared>>)
        tpu.yield
      }) : () -> ()
    } else {
    }
    %barrier3A = arith.constant 0 : index
    tpu.barrier barrier_id(%barrier3A)
    %scan3A = arith.constant 0 : i32
    %scan3A_9 = arith.constant 8 : i32
    %scan3A_10 = arith.addi %scan3A, %scan3A_9 : i32
    %scan3A_11 = arith.constant 1 : i32
    scf.for %scan3A_24 = %scan3A to %scan3A_10 step %scan3A_11  : i32 {
      %mul3A_25 = arith.constant 1 : i32
      %mul3A_26 = arith.muli %scan3A_24, %mul3A_25 : i32
      %add3A_27 = arith.constant 0 : i32
      %add3A_28 = arith.addi %add3A_27, %mul3A_26 : i32
      %mul3A_29 = arith.constant 32 : i32
      %mul3A_30 = arith.muli %add3A_28, %mul3A_29 : i32
      %add3A_31 = arith.addi %add3A, %mul3A_30 : i32
      %lt3A_32 = arith.constant 250 : i32
      %lt3A_33 = arith.cmpi slt, %add3A_31, %lt3A_32 : i32
      %convert_element_type3A_34 = arith.extui %lt3A_33 : i1 to i32
      %cond3A_35 = arith.constant 0 : i32
      %cond3A_36 = arith.cmpi ne, %convert_element_type3A_34, %cond3A_35 : i32
      scf.if %cond3A_36 {
        %mul3A_37 = arith.constant 128 : i32
        %mul3A_38 = arith.muli %add3A_31, %mul3A_37 : i32
        %multiple_of3A_39 = tpu.assume_multiple %mul3A_38, 128 : i32
        "tpu.region"() ({
          %run_scoped3A = tpu.sem_alloc : memref<!tpu.dma_semaphore, #tpu.memory_space<semaphore_mem>>
          %dma_start3A = tpu.memref_slice %arg3[%multiple_of3A_39] : memref<32000xi32, #tpu.memory_space<hbm>> -> memref<128xi32, #tpu.memory_space<hbm>>
          %dma_start3A_40 = tpu.memref_slice %arg3[%multiple_of3A_39] : memref<32000xi32, #tpu.memory_space<hbm>> -> memref<128xi32, #tpu.memory_space<hbm>>
          tpu.enqueue_dma source(%dma_start3A_40 : memref<128xi32, #tpu.memory_space<hbm>>) target(%arg6 : memref<128xi32, #tpu.memory_space<vmem>>) target_semaphore(%run_scoped3A : memref<!tpu.dma_semaphore, #tpu.memory_space<semaphore_mem>>)
          %dma_wait3A = tpu.memref_slice %arg3[%multiple_of3A_39] : memref<32000xi32, #tpu.memory_space<hbm>> -> memref<128xi32, #tpu.memory_space<hbm>>
          %dma_wait3A_41 = tpu.memref_slice %arg3[%multiple_of3A_39] : memref<32000xi32, #tpu.memory_space<hbm>> -> memref<128xi32, #tpu.memory_space<hbm>>
          tpu.wait_dma2 semaphore(%run_scoped3A : memref<!tpu.dma_semaphore, #tpu.memory_space<semaphore_mem>>) src(%dma_wait3A_41 : memref<128xi32, #tpu.memory_space<hbm>>) dst(%arg6 : memref<128xi32, #tpu.memory_space<vmem>>)
          tpu.yield
        }) : () -> ()
        "tpu.region"() ({
          %run_scoped3A = tpu.sem_alloc : memref<!tpu.dma_semaphore, #tpu.memory_space<semaphore_mem>>
          %dma_start3A = arith.constant 0 : i32
          %dma_start3A_40 = tpu.memref_slice %arg2[%multiple_of3A_39, %dma_start3A] : memref<32000x128xf32, #tpu.memory_space<hbm>> -> memref<128x128xf32, #tpu.memory_space<hbm>>
          %dma_start3A_41 = arith.constant 0 : i32
          %dma_start3A_42 = tpu.memref_slice %arg2[%multiple_of3A_39, %dma_start3A_41] : memref<32000x128xf32, #tpu.memory_space<hbm>> -> memref<128x128xf32, #tpu.memory_space<hbm>>
          tpu.enqueue_dma source(%dma_start3A_42 : memref<128x128xf32, #tpu.memory_space<hbm>>) target(%arg7 : memref<128x128xf32, #tpu.memory_space<vmem>>) target_semaphore(%run_scoped3A : memref<!tpu.dma_semaphore, #tpu.memory_space<semaphore_mem>>)
          %dma_wait3A = arith.constant 0 : i32
          %dma_wait3A_43 = tpu.memref_slice %arg2[%multiple_of3A_39, %dma_wait3A] : memref<32000x128xf32, #tpu.memory_space<hbm>> -> memref<128x128xf32, #tpu.memory_space<hbm>>
          %dma_wait3A_44 = arith.constant 0 : i32
          %dma_wait3A_45 = tpu.memref_slice %arg2[%multiple_of3A_39, %dma_wait3A_44] : memref<32000x128xf32, #tpu.memory_space<hbm>> -> memref<128x128xf32, #tpu.memory_space<hbm>>
          tpu.wait_dma2 semaphore(%run_scoped3A : memref<!tpu.dma_semaphore, #tpu.memory_space<semaphore_mem>>) src(%dma_wait3A_45 : memref<128x128xf32, #tpu.memory_space<hbm>>) dst(%arg7 : memref<128x128xf32, #tpu.memory_space<vmem>>)
          tpu.yield
        }) : () -> ()
        "tpu.region"() ({
          %run_scoped3A = tpu.sem_alloc : memref<!tpu.dma_semaphore, #tpu.memory_space<semaphore_mem>>
          %dma_start3A = arith.constant 0 : i32
          %dma_start3A_40 = arith.constant 0 : i32
          %dma_start3A_41 = tpu.memref_slice %arg8[%dma_start3A, %dma_start3A_40] : memref<10000x128xf32, #tpu.memory_space<vmem_shared>> -> memref<10000x128xf32, #tpu.memory_space<vmem_shared>>
          tpu.enqueue_indirect_dma source(%arg7 : memref<128x128xf32, #tpu.memory_space<vmem>>) target(%dma_start3A_41 : memref<10000x128xf32, #tpu.memory_space<vmem_shared>>) offsets(%arg6 : memref<128xi32, #tpu.memory_space<vmem>>) semaphore(%run_scoped3A : memref<!tpu.dma_semaphore, #tpu.memory_space<semaphore_mem>>) {add = true}
          %dma_wait3A = arith.constant 0 : i32
          %dma_wait3A_42 = arith.constant 0 : i32
          %dma_wait3A_43 = tpu.memref_slice %arg8[%dma_wait3A, %dma_wait3A_42] : memref<10000x128xf32, #tpu.memory_space<vmem_shared>> -> memref<10000x128xf32, #tpu.memory_space<vmem_shared>>
          tpu.wait_indirect_dma semaphore(%run_scoped3A : memref<!tpu.dma_semaphore, #tpu.memory_space<semaphore_mem>>) src(%arg7 : memref<128x128xf32, #tpu.memory_space<vmem>>) dst(%dma_wait3A_43 : memref<10000x128xf32, #tpu.memory_space<vmem_shared>>)
          tpu.yield
        }) : () -> ()
      } else {
      }
    }
    %scan3A_12 = arith.constant 8 : i32
    %barrier3A_13 = arith.constant 0 : index
    tpu.barrier barrier_id(%barrier3A_13)
    %lt3A_14 = arith.constant 15 : i32
    %lt3A_15 = arith.cmpi slt, %arg1, %lt3A_14 : i32
    %convert_element_type3A_16 = arith.extui %lt3A_15 : i1 to i32
    %cond3A_17 = arith.constant 0 : i32
    %cond3A_18 = arith.cmpi ne, %convert_element_type3A_16, %cond3A_17 : i32
    scf.if %cond3A_18 {
      "tpu.region"() ({
        %run_scoped3A = tpu.sem_alloc : memref<!tpu.dma_semaphore, #tpu.memory_space<semaphore_mem>>
        %dma_start3A = arith.constant 0 : i32
        %dma_start3A_24 = tpu.memref_slice %arg5[%arg0, %multiple_of3A, %dma_start3A] : memref<2x10000x128xf32, #tpu.memory_space<hbm>> -> memref<1x640x128xf32, #tpu.memory_space<hbm>>
        %dma_start3A_25 = tpu.memref_squeeze %dma_start3A_24 : memref<1x640x128xf32, #tpu.memory_space<hbm>> -> memref<640x128xf32, #tpu.memory_space<hbm>>
        %dma_start3A_26 = arith.constant 0 : i32
        %dma_start3A_27 = tpu.memref_slice %arg8[%multiple_of3A, %dma_start3A_26] : memref<10000x128xf32, #tpu.memory_space<vmem_shared>> -> memref<640x128xf32, #tpu.memory_space<vmem_shared>>
        tpu.enqueue_dma source(%dma_start3A_27 : memref<640x128xf32, #tpu.memory_space<vmem_shared>>) target(%dma_start3A_25 : memref<640x128xf32, #tpu.memory_space<hbm>>) target_semaphore(%run_scoped3A : memref<!tpu.dma_semaphore, #tpu.memory_space<semaphore_mem>>)
        %dma_wait3A = arith.constant 0 : i32
        %dma_wait3A_28 = tpu.memref_slice %arg5[%arg0, %multiple_of3A, %dma_wait3A] : memref<2x10000x128xf32, #tpu.memory_space<hbm>> -> memref<1x640x128xf32, #tpu.memory_space<hbm>>
        %dma_wait3A_29 = tpu.memref_squeeze %dma_wait3A_28 : memref<1x640x128xf32, #tpu.memory_space<hbm>> -> memref<640x128xf32, #tpu.memory_space<hbm>>
        %dma_wait3A_30 = arith.constant 0 : i32
        %dma_wait3A_31 = tpu.memref_slice %arg8[%multiple_of3A, %dma_wait3A_30] : memref<10000x128xf32, #tpu.memory_space<vmem_shared>> -> memref<640x128xf32, #tpu.memory_space<vmem_shared>>
        tpu.wait_dma2 semaphore(%run_scoped3A : memref<!tpu.dma_semaphore, #tpu.memory_space<semaphore_mem>>) src(%dma_wait3A_31 : memref<640x128xf32, #tpu.memory_space<vmem_shared>>) dst(%dma_wait3A_29 : memref<640x128xf32, #tpu.memory_space<hbm>>)
        tpu.yield
      }) : () -> ()
    } else {
    }
    %eq3A_19 = arith.constant 15 : i32
    %eq3A_20 = arith.cmpi eq, %arg1, %eq3A_19 : i32
    %convert_element_type3A_21 = arith.extui %eq3A_20 : i1 to i32
    %cond3A_22 = arith.constant 0 : i32
    %cond3A_23 = arith.cmpi ne, %convert_element_type3A_21, %cond3A_22 : i32
    scf.if %cond3A_23 {
      "tpu.region"() ({
        %run_scoped3A = tpu.sem_alloc : memref<!tpu.dma_semaphore, #tpu.memory_space<semaphore_mem>>
        %dma_start3A = arith.constant 0 : i32
        %dma_start3A_24 = tpu.memref_slice %arg5[%arg0, %multiple_of3A, %dma_start3A] : memref<2x10000x128xf32, #tpu.memory_space<hbm>> -> memref<1x400x128xf32, #tpu.memory_space<hbm>>
        %dma_start3A_25 = tpu.memref_squeeze %dma_start3A_24 : memref<1x400x128xf32, #tpu.memory_space<hbm>> -> memref<400x128xf32, #tpu.memory_space<hbm>>
        %dma_start3A_26 = arith.constant 0 : i32
        %dma_start3A_27 = tpu.memref_slice %arg8[%multiple_of3A, %dma_start3A_26] : memref<10000x128xf32, #tpu.memory_space<vmem_shared>> -> memref<400x128xf32, #tpu.memory_space<vmem_shared>>
        tpu.enqueue_dma source(%dma_start3A_27 : memref<400x128xf32, #tpu.memory_space<vmem_shared>>) target(%dma_start3A_25 : memref<400x128xf32, #tpu.memory_space<hbm>>) target_semaphore(%run_scoped3A : memref<!tpu.dma_semaphore, #tpu.memory_space<semaphore_mem>>)
        %dma_wait3A = arith.constant 0 : i32
        %dma_wait3A_28 = tpu.memref_slice %arg5[%arg0, %multiple_of3A, %dma_wait3A] : memref<2x10000x128xf32, #tpu.memory_space<hbm>> -> memref<1x400x128xf32, #tpu.memory_space<hbm>>
        %dma_wait3A_29 = tpu.memref_squeeze %dma_wait3A_28 : memref<1x400x128xf32, #tpu.memory_space<hbm>> -> memref<400x128xf32, #tpu.memory_space<hbm>>
        %dma_wait3A_30 = arith.constant 0 : i32
        %dma_wait3A_31 = tpu.memref_slice %arg8[%multiple_of3A, %dma_wait3A_30] : memref<10000x128xf32, #tpu.memory_space<vmem_shared>> -> memref<400x128xf32, #tpu.memory_space<vmem_shared>>
        tpu.wait_dma2 semaphore(%run_scoped3A : memref<!tpu.dma_semaphore, #tpu.memory_space<semaphore_mem>>) src(%dma_wait3A_31 : memref<400x128xf32, #tpu.memory_space<vmem_shared>>) dst(%dma_wait3A_29 : memref<400x128xf32, #tpu.memory_space<hbm>>)
        tpu.yield
      }) : () -> ()
    } else {
    }
    return
  }
}

#map = affine_map<(d0, d1) -> (0, 0)>
#map1 = affine_map<(d0, d1) -> (0)>
#map2 = affine_map<(d0, d1) -> (0, 0, 0)>
module attributes {stable_mosaic.version = 14 : i64} {
  func.func @scatter_kernel(%arg0: i32, %arg1: i32, %arg2: memref<32000x128xf32, #tpu.memory_space<hbm>>, %arg3: memref<32000xi32, #tpu.memory_space<hbm>>, %arg4: memref<2x10000x128xf32, #tpu.memory_space<hbm>>, %arg5: memref<2x10000x128xf32, #tpu.memory_space<hbm>>, %arg6: memref<128xi32, #tpu.memory_space<vmem>>, %arg7: memref<128x128xf32, #tpu.memory_space<vmem>>, %arg8: memref<10000x128xf32, #tpu.memory_space<vmem_shared>>) attributes {dimension_semantics = [#tpu.dimension_semantics<core_parallel>, #tpu.dimension_semantics<subcore_parallel>], iteration_bounds = array<i64: 2, 16>, scalar_prefetch = 0 : i64, scratch_operands = 3 : i64, tpu.core_type = #tpu.core_type<sc_vector_subcore>, window_params = [{transform_indices = #map}, {transform_indices = #map1}, {transform_indices = #map2}, {transform_indices = #map2}]} {
    %mul3A = arith.constant 16 : i32
    %mul3A_0 = arith.muli %arg0, %mul3A : i32
    %add3A = arith.addi %mul3A_0, %arg1 : i32
    %mul3A_1 = arith.constant 640 : i32
    %mul3A_2 = arith.muli %arg1, %mul3A_1 : i32
    %multiple_of3A = tpu.assume_multiple %mul3A_2, 8 : i32
    %lt3A = arith.constant 15 : i32
    %lt3A_3 = arith.cmpi slt, %arg1, %lt3A : i32
    %convert_element_type3A = arith.extui %lt3A_3 : i1 to i32
    %cond3A = arith.constant 0 : i32
    %cond3A_4 = arith.cmpi ne, %convert_element_type3A, %cond3A : i32
    scf.if %cond3A_4 {
      "tpu.region"() ({
        %run_scoped3A = tpu.sem_alloc : memref<!tpu.dma_semaphore, #tpu.memory_space<semaphore_mem>>
        %dma_start3A = arith.constant 0 : i32
        %dma_start3A_24 = tpu.memref_slice %arg8[%multiple_of3A, %dma_start3A] : memref<10000x128xf32, #tpu.memory_space<vmem_shared>> -> memref<640x128xf32, #tpu.memory_space<vmem_shared>>
        %dma_start3A_25 = arith.constant 0 : i32
        %dma_start3A_26 = tpu.memref_slice %arg4[%arg0, %multiple_of3A, %dma_start3A_25] : memref<2x10000x128xf32, #tpu.memory_space<hbm>> -> memref<1x640x128xf32, #tpu.memory_space<hbm>>
        %dma_start3A_27 = tpu.memref_squeeze %dma_start3A_26 : memref<1x640x128xf32, #tpu.memory_space<hbm>> -> memref<640x128xf32, #tpu.memory_space<hbm>>
        tpu.enqueue_dma source(%dma_start3A_27 : memref<640x128xf32, #tpu.memory_space<hbm>>) target(%dma_start3A_24 : memref<640x128xf32, #tpu.memory_space<vmem_shared>>) target_semaphore(%run_scoped3A : memref<!tpu.dma_semaphore, #tpu.memory_space<semaphore_mem>>)
        %dma_wait3A = arith.constant 0 : i32
        %dma_wait3A_28 = tpu.memref_slice %arg8[%multiple_of3A, %dma_wait3A] : memref<10000x128xf32, #tpu.memory_space<vmem_shared>> -> memref<640x128xf32, #tpu.memory_space<vmem_shared>>
        %dma_wait3A_29 = arith.constant 0 : i32
        %dma_wait3A_30 = tpu.memref_slice %arg4[%arg0, %multiple_of3A, %dma_wait3A_29] : memref<2x10000x128xf32, #tpu.memory_space<hbm>> -> memref<1x640x128xf32, #tpu.memory_space<hbm>>
        %dma_wait3A_31 = tpu.memref_squeeze %dma_wait3A_30 : memref<1x640x128xf32, #tpu.memory_space<hbm>> -> memref<640x128xf32, #tpu.memory_space<hbm>>
        tpu.wait_dma2 semaphore(%run_scoped3A : memref<!tpu.dma_semaphore, #tpu.memory_space<semaphore_mem>>) src(%dma_wait3A_31 : memref<640x128xf32, #tpu.memory_space<hbm>>) dst(%dma_wait3A_28 : memref<640x128xf32, #tpu.memory_space<vmem_shared>>)
        tpu.yield
      }) : () -> ()
    } else {
    }
    %eq3A = arith.constant 15 : i32
    %eq3A_5 = arith.cmpi eq, %arg1, %eq3A : i32
    %convert_element_type3A_6 = arith.extui %eq3A_5 : i1 to i32
    %cond3A_7 = arith.constant 0 : i32
    %cond3A_8 = arith.cmpi ne, %convert_element_type3A_6, %cond3A_7 : i32
    scf.if %cond3A_8 {
      "tpu.region"() ({
        %run_scoped3A = tpu.sem_alloc : memref<!tpu.dma_semaphore, #tpu.memory_space<semaphore_mem>>
        %dma_start3A = arith.constant 0 : i32
        %dma_start3A_24 = tpu.memref_slice %arg8[%multiple_of3A, %dma_start3A] : memref<10000x128xf32, #tpu.memory_space<vmem_shared>> -> memref<400x128xf32, #tpu.memory_space<vmem_shared>>
        %dma_start3A_25 = arith.constant 0 : i32
        %dma_start3A_26 = tpu.memref_slice %arg4[%arg0, %multiple_of3A, %dma_start3A_25] : memref<2x10000x128xf32, #tpu.memory_space<hbm>> -> memref<1x400x128xf32, #tpu.memory_space<hbm>>
        %dma_start3A_27 = tpu.memref_squeeze %dma_start3A_26 : memref<1x400x128xf32, #tpu.memory_space<hbm>> -> memref<400x128xf32, #tpu.memory_space<hbm>>
        tpu.enqueue_dma source(%dma_start3A_27 : memref<400x128xf32, #tpu.memory_space<hbm>>) target(%dma_start3A_24 : memref<400x128xf32, #tpu.memory_space<vmem_shared>>) target_semaphore(%run_scoped3A : memref<!tpu.dma_semaphore, #tpu.memory_space<semaphore_mem>>)
        %dma_wait3A = arith.constant 0 : i32
        %dma_wait3A_28 = tpu.memref_slice %arg8[%multiple_of3A, %dma_wait3A] : memref<10000x128xf32, #tpu.memory_space<vmem_shared>> -> memref<400x128xf32, #tpu.memory_space<vmem_shared>>
        %dma_wait3A_29 = arith.constant 0 : i32
        %dma_wait3A_30 = tpu.memref_slice %arg4[%arg0, %multiple_of3A, %dma_wait3A_29] : memref<2x10000x128xf32, #tpu.memory_space<hbm>> -> memref<1x400x128xf32, #tpu.memory_space<hbm>>
        %dma_wait3A_31 = tpu.memref_squeeze %dma_wait3A_30 : memref<1x400x128xf32, #tpu.memory_space<hbm>> -> memref<400x128xf32, #tpu.memory_space<hbm>>
        tpu.wait_dma2 semaphore(%run_scoped3A : memref<!tpu.dma_semaphore, #tpu.memory_space<semaphore_mem>>) src(%dma_wait3A_31 : memref<400x128xf32, #tpu.memory_space<hbm>>) dst(%dma_wait3A_28 : memref<400x128xf32, #tpu.memory_space<vmem_shared>>)
        tpu.yield
      }) : () -> ()
    } else {
    }
    %barrier3A = arith.constant 0 : index
    tpu.barrier barrier_id(%barrier3A)
    %scan3A = arith.constant 0 : i32
    %scan3A_9 = arith.constant 8 : i32
    %scan3A_10 = arith.addi %scan3A, %scan3A_9 : i32
    %scan3A_11 = arith.constant 1 : i32
    scf.for %scan3A_24 = %scan3A to %scan3A_10 step %scan3A_11  : i32 {
      %mul3A_25 = arith.constant 1 : i32
      %mul3A_26 = arith.muli %scan3A_24, %mul3A_25 : i32
      %add3A_27 = arith.constant 0 : i32
      %add3A_28 = arith.addi %add3A_27, %mul3A_26 : i32
      %mul3A_29 = arith.constant 32 : i32
      %mul3A_30 = arith.muli %add3A_28, %mul3A_29 : i32
      %add3A_31 = arith.addi %add3A, %mul3A_30 : i32
      %lt3A_32 = arith.constant 250 : i32
      %lt3A_33 = arith.cmpi slt, %add3A_31, %lt3A_32 : i32
      %convert_element_type3A_34 = arith.extui %lt3A_33 : i1 to i32
      %cond3A_35 = arith.constant 0 : i32
      %cond3A_36 = arith.cmpi ne, %convert_element_type3A_34, %cond3A_35 : i32
      scf.if %cond3A_36 {
        %mul3A_37 = arith.constant 128 : i32
        %mul3A_38 = arith.muli %add3A_31, %mul3A_37 : i32
        %multiple_of3A_39 = tpu.assume_multiple %mul3A_38, 128 : i32
        "tpu.region"() ({
          %run_scoped3A = tpu.sem_alloc : memref<!tpu.dma_semaphore, #tpu.memory_space<semaphore_mem>>
          %dma_start3A = tpu.memref_slice %arg3[%multiple_of3A_39] : memref<32000xi32, #tpu.memory_space<hbm>> -> memref<128xi32, #tpu.memory_space<hbm>>
          %dma_start3A_40 = tpu.memref_slice %arg3[%multiple_of3A_39] : memref<32000xi32, #tpu.memory_space<hbm>> -> memref<128xi32, #tpu.memory_space<hbm>>
          tpu.enqueue_dma source(%dma_start3A_40 : memref<128xi32, #tpu.memory_space<hbm>>) target(%arg6 : memref<128xi32, #tpu.memory_space<vmem>>) target_semaphore(%run_scoped3A : memref<!tpu.dma_semaphore, #tpu.memory_space<semaphore_mem>>)
          %dma_wait3A = tpu.memref_slice %arg3[%multiple_of3A_39] : memref<32000xi32, #tpu.memory_space<hbm>> -> memref<128xi32, #tpu.memory_space<hbm>>
          %dma_wait3A_41 = tpu.memref_slice %arg3[%multiple_of3A_39] : memref<32000xi32, #tpu.memory_space<hbm>> -> memref<128xi32, #tpu.memory_space<hbm>>
          tpu.wait_dma2 semaphore(%run_scoped3A : memref<!tpu.dma_semaphore, #tpu.memory_space<semaphore_mem>>) src(%dma_wait3A_41 : memref<128xi32, #tpu.memory_space<hbm>>) dst(%arg6 : memref<128xi32, #tpu.memory_space<vmem>>)
          tpu.yield
        }) : () -> ()
        "tpu.region"() ({
          %run_scoped3A = tpu.sem_alloc : memref<!tpu.dma_semaphore, #tpu.memory_space<semaphore_mem>>
          %dma_start3A = arith.constant 0 : i32
          %dma_start3A_40 = tpu.memref_slice %arg2[%multiple_of3A_39, %dma_start3A] : memref<32000x128xf32, #tpu.memory_space<hbm>> -> memref<128x128xf32, #tpu.memory_space<hbm>>
          %dma_start3A_41 = arith.constant 0 : i32
          %dma_start3A_42 = tpu.memref_slice %arg2[%multiple_of3A_39, %dma_start3A_41] : memref<32000x128xf32, #tpu.memory_space<hbm>> -> memref<128x128xf32, #tpu.memory_space<hbm>>
          tpu.enqueue_dma source(%dma_start3A_42 : memref<128x128xf32, #tpu.memory_space<hbm>>) target(%arg7 : memref<128x128xf32, #tpu.memory_space<vmem>>) target_semaphore(%run_scoped3A : memref<!tpu.dma_semaphore, #tpu.memory_space<semaphore_mem>>)
          %dma_wait3A = arith.constant 0 : i32
          %dma_wait3A_43 = tpu.memref_slice %arg2[%multiple_of3A_39, %dma_wait3A] : memref<32000x128xf32, #tpu.memory_space<hbm>> -> memref<128x128xf32, #tpu.memory_space<hbm>>
          %dma_wait3A_44 = arith.constant 0 : i32
          %dma_wait3A_45 = tpu.memref_slice %arg2[%multiple_of3A_39, %dma_wait3A_44] : memref<32000x128xf32, #tpu.memory_space<hbm>> -> memref<128x128xf32, #tpu.memory_space<hbm>>
          tpu.wait_dma2 semaphore(%run_scoped3A : memref<!tpu.dma_semaphore, #tpu.memory_space<semaphore_mem>>) src(%dma_wait3A_45 : memref<128x128xf32, #tpu.memory_space<hbm>>) dst(%arg7 : memref<128x128xf32, #tpu.memory_space<vmem>>)
          tpu.yield
        }) : () -> ()
        "tpu.region"() ({
          %run_scoped3A = tpu.sem_alloc : memref<!tpu.dma_semaphore, #tpu.memory_space<semaphore_mem>>
          %dma_start3A = arith.constant 0 : i32
          %dma_start3A_40 = arith.constant 0 : i32
          %dma_start3A_41 = tpu.memref_slice %arg8[%dma_start3A, %dma_start3A_40] : memref<10000x128xf32, #tpu.memory_space<vmem_shared>> -> memref<10000x128xf32, #tpu.memory_space<vmem_shared>>
          tpu.enqueue_indirect_dma source(%arg7 : memref<128x128xf32, #tpu.memory_space<vmem>>) target(%dma_start3A_41 : memref<10000x128xf32, #tpu.memory_space<vmem_shared>>) offsets(%arg6 : memref<128xi32, #tpu.memory_space<vmem>>) semaphore(%run_scoped3A : memref<!tpu.dma_semaphore, #tpu.memory_space<semaphore_mem>>) {add = true}
          %dma_wait3A = arith.constant 0 : i32
          %dma_wait3A_42 = arith.constant 0 : i32
          %dma_wait3A_43 = tpu.memref_slice %arg8[%dma_wait3A, %dma_wait3A_42] : memref<10000x128xf32, #tpu.memory_space<vmem_shared>> -> memref<10000x128xf32, #tpu.memory_space<vmem_shared>>
          tpu.wait_indirect_dma semaphore(%run_scoped3A : memref<!tpu.dma_semaphore, #tpu.memory_space<semaphore_mem>>) src(%arg7 : memref<128x128xf32, #tpu.memory_space<vmem>>) dst(%dma_wait3A_43 : memref<10000x128xf32, #tpu.memory_space<vmem_shared>>)
          tpu.yield
        }) : () -> ()
      } else {
      }
    }
    %scan3A_12 = arith.constant 8 : i32
    %barrier3A_13 = arith.constant 0 : index
    tpu.barrier barrier_id(%barrier3A_13)
    %lt3A_14 = arith.constant 15 : i32
    %lt3A_15 = arith.cmpi slt, %arg1, %lt3A_14 : i32
    %convert_element_type3A_16 = arith.extui %lt3A_15 : i1 to i32
    %cond3A_17 = arith.constant 0 : i32
    %cond3A_18 = arith.cmpi ne, %convert_element_type3A_16, %cond3A_17 : i32
    scf.if %cond3A_18 {
      "tpu.region"() ({
        %run_scoped3A = tpu.sem_alloc : memref<!tpu.dma_semaphore, #tpu.memory_space<semaphore_mem>>
        %dma_start3A = arith.constant 0 : i32
        %dma_start3A_24 = tpu.memref_slice %arg5[%arg0, %multiple_of3A, %dma_start3A] : memref<2x10000x128xf32, #tpu.memory_space<hbm>> -> memref<1x640x128xf32, #tpu.memory_space<hbm>>
        %dma_start3A_25 = tpu.memref_squeeze %dma_start3A_24 : memref<1x640x128xf32, #tpu.memory_space<hbm>> -> memref<640x128xf32, #tpu.memory_space<hbm>>
        %dma_start3A_26 = arith.constant 0 : i32
        %dma_start3A_27 = tpu.memref_slice %arg8[%multiple_of3A, %dma_start3A_26] : memref<10000x128xf32, #tpu.memory_space<vmem_shared>> -> memref<640x128xf32, #tpu.memory_space<vmem_shared>>
        tpu.enqueue_dma source(%dma_start3A_27 : memref<640x128xf32, #tpu.memory_space<vmem_shared>>) target(%dma_start3A_25 : memref<640x128xf32, #tpu.memory_space<hbm>>) target_semaphore(%run_scoped3A : memref<!tpu.dma_semaphore, #tpu.memory_space<semaphore_mem>>)
        %dma_wait3A = arith.constant 0 : i32
        %dma_wait3A_28 = tpu.memref_slice %arg5[%arg0, %multiple_of3A, %dma_wait3A] : memref<2x10000x128xf32, #tpu.memory_space<hbm>> -> memref<1x640x128xf32, #tpu.memory_space<hbm>>
        %dma_wait3A_29 = tpu.memref_squeeze %dma_wait3A_28 : memref<1x640x128xf32, #tpu.memory_space<hbm>> -> memref<640x128xf32, #tpu.memory_space<hbm>>
        %dma_wait3A_30 = arith.constant 0 : i32
        %dma_wait3A_31 = tpu.memref_slice %arg8[%multiple_of3A, %dma_wait3A_30] : memref<10000x128xf32, #tpu.memory_space<vmem_shared>> -> memref<640x128xf32, #tpu.memory_space<vmem_shared>>
        tpu.wait_dma2 semaphore(%run_scoped3A : memref<!tpu.dma_semaphore, #tpu.memory_space<semaphore_mem>>) src(%dma_wait3A_31 : memref<640x128xf32, #tpu.memory_space<vmem_shared>>) dst(%dma_wait3A_29 : memref<640x128xf32, #tpu.memory_space<hbm>>)
        tpu.yield
      }) : () -> ()
    } else {
    }
    %eq3A_19 = arith.constant 15 : i32
    %eq3A_20 = arith.cmpi eq, %arg1, %eq3A_19 : i32
    %convert_element_type3A_21 = arith.extui %eq3A_20 : i1 to i32
    %cond3A_22 = arith.constant 0 : i32
    %cond3A_23 = arith.cmpi ne, %convert_element_type3A_21, %cond3A_22 : i32
    scf.if %cond3A_23 {
      "tpu.region"() ({
        %run_scoped3A = tpu.sem_alloc : memref<!tpu.dma_semaphore, #tpu.memory_space<semaphore_mem>>
        %dma_start3A = arith.constant 0 : i32
        %dma_start3A_24 = tpu.memref_slice %arg5[%arg0, %multiple_of3A, %dma_start3A] : memref<2x10000x128xf32, #tpu.memory_space<hbm>> -> memref<1x400x128xf32, #tpu.memory_space<hbm>>
        %dma_start3A_25 = tpu.memref_squeeze %dma_start3A_24 : memref<1x400x128xf32, #tpu.memory_space<hbm>> -> memref<400x128xf32, #tpu.memory_space<hbm>>
        %dma_start3A_26 = arith.constant 0 : i32
        %dma_start3A_27 = tpu.memref_slice %arg8[%multiple_of3A, %dma_start3A_26] : memref<10000x128xf32, #tpu.memory_space<vmem_shared>> -> memref<400x128xf32, #tpu.memory_space<vmem_shared>>
        tpu.enqueue_dma source(%dma_start3A_27 : memref<400x128xf32, #tpu.memory_space<vmem_shared>>) target(%dma_start3A_25 : memref<400x128xf32, #tpu.memory_space<hbm>>) target_semaphore(%run_scoped3A : memref<!tpu.dma_semaphore, #tpu.memory_space<semaphore_mem>>)
        %dma_wait3A = arith.constant 0 : i32
        %dma_wait3A_28 = tpu.memref_slice %arg5[%arg0, %multiple_of3A, %dma_wait3A] : memref<2x10000x128xf32, #tpu.memory_space<hbm>> -> memref<1x400x128xf32, #tpu.memory_space<hbm>>
        %dma_wait3A_29 = tpu.memref_squeeze %dma_wait3A_28 : memref<1x400x128xf32, #tpu.memory_space<hbm>> -> memref<400x128xf32, #tpu.memory_space<hbm>>
        %dma_wait3A_30 = arith.constant 0 : i32
        %dma_wait3A_31 = tpu.memref_slice %arg8[%multiple_of3A, %dma_wait3A_30] : memref<10000x128xf32, #tpu.memory_space<vmem_shared>> -> memref<400x128xf32, #tpu.memory_space<vmem_shared>>
        tpu.wait_dma2 semaphore(%run_scoped3A : memref<!tpu.dma_semaphore, #tpu.memory_space<semaphore_mem>>) src(%dma_wait3A_31 : memref<400x128xf32, #tpu.memory_space<vmem_shared>>) dst(%dma_wait3A_29 : memref<400x128xf32, #tpu.memory_space<hbm>>)
        tpu.yield
      }) : () -> ()
    } else {
    }
    return
  }
}

module attributes {stable_mosaic.version = 14 : i64} {
  func.func @_mlp_body(%arg0: i32, %arg1: memref<4000x16xf32, #tpu.memory_space<vmem>>, %arg2: memref<4000x128xf32, #tpu.memory_space<vmem>>, %arg3: memref<16x128xbf16, #tpu.memory_space<vmem>>, %arg4: memref<1x128xf32, #tpu.memory_space<vmem>>, %arg5: memref<128x128xbf16, #tpu.memory_space<vmem>>, %arg6: memref<1x128xf32, #tpu.memory_space<vmem>>, %arg7: memref<128x1024xbf16, #tpu.memory_space<vmem>>, %arg8: memref<1x1024xf32, #tpu.memory_space<vmem>>, %arg9: memref<128x1024xbf16, #tpu.memory_space<vmem>>, %arg10: memref<1024x128xbf16, #tpu.memory_space<vmem>>, %arg11: memref<128x128xbf16, #tpu.memory_space<vmem>>, %arg12: memref<128x128xbf16, #tpu.memory_space<vmem>>, %arg13: memref<1x128xf32, #tpu.memory_space<vmem>>, %arg14: memref<4000x128xf32, #tpu.memory_space<vmem>>) attributes {dimension_semantics = [#tpu.dimension_semantics<arbitrary>], iteration_bounds = array<i64: 8>, scalar_prefetch = 0 : i64, scratch_operands = 0 : i64, tpu.core_type = #tpu.core_type<tc>, window_params = [{transform_indices = @transform_0, window_bounds = array<i64: 4000, 16>}, {transform_indices = @transform_1, window_bounds = array<i64: 4000, 128>}, {pipeline_mode = #tpu.pipeline_mode<synchronous>, transform_indices = @transform_2, window_bounds = array<i64: 16, 128>}, {pipeline_mode = #tpu.pipeline_mode<synchronous>, transform_indices = @transform_3, window_bounds = array<i64: 1, 128>}, {pipeline_mode = #tpu.pipeline_mode<synchronous>, transform_indices = @transform_4, window_bounds = array<i64: 128, 128>}, {pipeline_mode = #tpu.pipeline_mode<synchronous>, transform_indices = @transform_5, window_bounds = array<i64: 1, 128>}, {pipeline_mode = #tpu.pipeline_mode<synchronous>, transform_indices = @transform_6, window_bounds = array<i64: 128, 1024>}, {pipeline_mode = #tpu.pipeline_mode<synchronous>, transform_indices = @transform_7, window_bounds = array<i64: 1, 1024>}, {pipeline_mode = #tpu.pipeline_mode<synchronous>, transform_indices = @transform_8, window_bounds = array<i64: 128, 1024>}, {pipeline_mode = #tpu.pipeline_mode<synchronous>, transform_indices = @transform_9, window_bounds = array<i64: 1024, 128>}, {pipeline_mode = #tpu.pipeline_mode<synchronous>, transform_indices = @transform_10, window_bounds = array<i64: 128, 128>}, {pipeline_mode = #tpu.pipeline_mode<synchronous>, transform_indices = @transform_11, window_bounds = array<i64: 128, 128>}, {pipeline_mode = #tpu.pipeline_mode<synchronous>, transform_indices = @transform_12, window_bounds = array<i64: 1, 128>}, {transform_indices = @transform_13, window_bounds = array<i64: 4000, 128>}]} {
    %get3A = arith.constant 0 : index
    %get3A_0 = arith.constant 0 : index
    %get3A_1 = vector.load %arg1[%get3A, %get3A_0] : memref<4000x16xf32, #tpu.memory_space<vmem>>, vector<4000x16xf32>
    %convert_element_type3A = arith.truncf %get3A_1 : vector<4000x16xf32> to vector<4000x16xbf16>
    %get3A_2 = arith.constant 0 : index
    %get3A_3 = arith.constant 0 : index
    %get3A_4 = vector.load %arg3[%get3A_2, %get3A_3] : memref<16x128xbf16, #tpu.memory_space<vmem>>, vector<16x128xbf16>
    %dot_general3A = arith.constant dense<0.000000e+00> : vector<4000x128xf32>
    %dot_general3A_5 = tpu.matmul %convert_element_type3A, %get3A_4, %dot_general3A {dimension_numbers = #tpu.dot_dimension_numbers<[1], [0], [0], [1], [0, 0, 1, 1], [], []>, transpose_lhs_hint = false} : vector<4000x16xbf16>, vector<16x128xbf16>, vector<4000x128xf32> -> vector<4000x128xf32>
    %get3A_6 = arith.constant 0 : index
    %get3A_7 = arith.constant 0 : index
    %get3A_8 = vector.load %arg4[%get3A_6, %get3A_7] : memref<1x128xf32, #tpu.memory_space<vmem>>, vector<1x128xf32>
    %add3A = vector.broadcast %get3A_8 : vector<1x128xf32> to vector<4000x128xf32>
    %add3A_9 = arith.addf %dot_general3A_5, %add3A : vector<4000x128xf32>
    %max3A = arith.constant 0.000000e+00 : f32
    %max3A_10 = vector.broadcast %max3A : f32 to vector<4000x128xf32>
    %max3A_11 = arith.maximumf %add3A_9, %max3A_10 : vector<4000x128xf32>
    %convert_element_type3A_12 = arith.truncf %max3A_11 : vector<4000x128xf32> to vector<4000x128xbf16>
    %get3A_13 = arith.constant 0 : index
    %get3A_14 = arith.constant 0 : index
    %get3A_15 = vector.load %arg5[%get3A_13, %get3A_14] : memref<128x128xbf16, #tpu.memory_space<vmem>>, vector<128x128xbf16>
    %dot_general3A_16 = arith.constant dense<0.000000e+00> : vector<4000x128xf32>
    %dot_general3A_17 = tpu.matmul %convert_element_type3A_12, %get3A_15, %dot_general3A_16 {dimension_numbers = #tpu.dot_dimension_numbers<[1], [0], [0], [1], [0, 0, 1, 1], [], []>, transpose_lhs_hint = false} : vector<4000x128xbf16>, vector<128x128xbf16>, vector<4000x128xf32> -> vector<4000x128xf32>
    %get3A_18 = arith.constant 0 : index
    %get3A_19 = arith.constant 0 : index
    %get3A_20 = vector.load %arg6[%get3A_18, %get3A_19] : memref<1x128xf32, #tpu.memory_space<vmem>>, vector<1x128xf32>
    %add3A_21 = vector.broadcast %get3A_20 : vector<1x128xf32> to vector<4000x128xf32>
    %add3A_22 = arith.addf %dot_general3A_17, %add3A_21 : vector<4000x128xf32>
    %max3A_23 = arith.constant 0.000000e+00 : f32
    %max3A_24 = vector.broadcast %max3A_23 : f32 to vector<4000x128xf32>
    %max3A_25 = arith.maximumf %add3A_22, %max3A_24 : vector<4000x128xf32>
    %convert_element_type3A_26 = arith.truncf %max3A_25 : vector<4000x128xf32> to vector<4000x128xbf16>
    %get3A_27 = arith.constant 0 : index
    %get3A_28 = arith.constant 0 : index
    %get3A_29 = vector.load %arg7[%get3A_27, %get3A_28] : memref<128x1024xbf16, #tpu.memory_space<vmem>>, vector<128x1024xbf16>
    %dot_general3A_30 = arith.constant dense<0.000000e+00> : vector<4000x1024xf32>
    %dot_general3A_31 = tpu.matmul %convert_element_type3A_26, %get3A_29, %dot_general3A_30 {dimension_numbers = #tpu.dot_dimension_numbers<[1], [0], [0], [1], [0, 0, 1, 1], [], []>, transpose_lhs_hint = false} : vector<4000x128xbf16>, vector<128x1024xbf16>, vector<4000x1024xf32> -> vector<4000x1024xf32>
    %get3A_32 = arith.constant 0 : index
    %get3A_33 = arith.constant 0 : index
    %get3A_34 = vector.load %arg8[%get3A_32, %get3A_33] : memref<1x1024xf32, #tpu.memory_space<vmem>>, vector<1x1024xf32>
    %add3A_35 = vector.broadcast %get3A_34 : vector<1x1024xf32> to vector<4000x1024xf32>
    %add3A_36 = arith.addf %dot_general3A_31, %add3A_35 : vector<4000x1024xf32>
    %reduce_sum3A = arith.constant dense<0.000000e+00> : vector<4000xf32>
    %reduce_sum3A_37 = vector.multi_reduction <add>, %add3A_36, %reduce_sum3A [1] : vector<4000x1024xf32> to vector<4000xf32>
    %broadcast_in_dim3A = vector.shape_cast %reduce_sum3A_37 : vector<4000xf32> to vector<4000x1xf32>
    %div3A = arith.constant 1.024000e+03 : f32
    %div3A_38 = vector.broadcast %div3A : f32 to vector<4000x1xf32>
    %div3A_39 = arith.divf %broadcast_in_dim3A, %div3A_38 : vector<4000x1xf32>
    %mul3A = arith.mulf %add3A_36, %add3A_36 : vector<4000x1024xf32>
    %reduce_sum3A_40 = arith.constant dense<0.000000e+00> : vector<4000xf32>
    %reduce_sum3A_41 = vector.multi_reduction <add>, %mul3A, %reduce_sum3A_40 [1] : vector<4000x1024xf32> to vector<4000xf32>
    %broadcast_in_dim3A_42 = vector.shape_cast %reduce_sum3A_41 : vector<4000xf32> to vector<4000x1xf32>
    %div3A_43 = arith.constant 1.024000e+03 : f32
    %div3A_44 = vector.broadcast %div3A_43 : f32 to vector<4000x1xf32>
    %div3A_45 = arith.divf %broadcast_in_dim3A_42, %div3A_44 : vector<4000x1xf32>
    %mul3A_46 = arith.mulf %div3A_39, %div3A_39 : vector<4000x1xf32>
    %sub3A = arith.subf %div3A_45, %mul3A_46 : vector<4000x1xf32>
    %max3A_47 = arith.constant 0.000000e+00 : f32
    %max3A_48 = vector.broadcast %max3A_47 : f32 to vector<4000x1xf32>
    %max3A_49 = arith.maximumf %sub3A, %max3A_48 : vector<4000x1xf32>
    %add3A_50 = arith.constant 9.99999974E-6 : f32
    %add3A_51 = vector.broadcast %add3A_50 : f32 to vector<4000x1xf32>
    %add3A_52 = arith.addf %max3A_49, %add3A_51 : vector<4000x1xf32>
    %rsqrt3A = math.rsqrt %add3A_52 : vector<4000x1xf32>
    %get3A_53 = arith.constant 0 : index
    %get3A_54 = arith.constant 0 : index
    %get3A_55 = vector.load %arg2[%get3A_53, %get3A_54] : memref<4000x128xf32, #tpu.memory_space<vmem>>, vector<4000x128xf32>
    %convert_element_type3A_56 = arith.truncf %get3A_55 : vector<4000x128xf32> to vector<4000x128xbf16>
    %get3A_57 = arith.constant 0 : index
    %get3A_58 = arith.constant 0 : index
    %get3A_59 = vector.load %arg9[%get3A_57, %get3A_58] : memref<128x1024xbf16, #tpu.memory_space<vmem>>, vector<128x1024xbf16>
    %dot_general3A_60 = arith.constant dense<0.000000e+00> : vector<4000x1024xf32>
    %dot_general3A_61 = tpu.matmul %convert_element_type3A_56, %get3A_59, %dot_general3A_60 {dimension_numbers = #tpu.dot_dimension_numbers<[1], [0], [0], [1], [0, 0, 1, 1], [], []>, transpose_lhs_hint = false} : vector<4000x128xbf16>, vector<128x1024xbf16>, vector<4000x1024xf32> -> vector<4000x1024xf32>
    %mul3A_62 = arith.mulf %add3A_36, %dot_general3A_61 : vector<4000x1024xf32>
    %convert_element_type3A_63 = arith.truncf %mul3A_62 : vector<4000x1024xf32> to vector<4000x1024xbf16>
    %get3A_64 = arith.constant 0 : index
    %get3A_65 = arith.constant 0 : index
    %get3A_66 = vector.load %arg10[%get3A_64, %get3A_65] : memref<1024x128xbf16, #tpu.memory_space<vmem>>, vector<1024x128xbf16>
    %dot_general3A_67 = arith.constant dense<0.000000e+00> : vector<4000x128xf32>
    %dot_general3A_68 = tpu.matmul %convert_element_type3A_63, %get3A_66, %dot_general3A_67 {dimension_numbers = #tpu.dot_dimension_numbers<[1], [0], [0], [1], [0, 0, 1, 1], [], []>, transpose_lhs_hint = false} : vector<4000x1024xbf16>, vector<1024x128xbf16>, vector<4000x128xf32> -> vector<4000x128xf32>
    %get3A_69 = arith.constant 0 : index
    %get3A_70 = arith.constant 0 : index
    %get3A_71 = vector.load %arg11[%get3A_69, %get3A_70] : memref<128x128xbf16, #tpu.memory_space<vmem>>, vector<128x128xbf16>
    %dot_general3A_72 = arith.constant dense<0.000000e+00> : vector<4000x128xf32>
    %dot_general3A_73 = tpu.matmul %convert_element_type3A_56, %get3A_71, %dot_general3A_72 {dimension_numbers = #tpu.dot_dimension_numbers<[1], [0], [0], [1], [0, 0, 1, 1], [], []>, transpose_lhs_hint = false} : vector<4000x128xbf16>, vector<128x128xbf16>, vector<4000x128xf32> -> vector<4000x128xf32>
    %get3A_74 = arith.constant 0 : index
    %get3A_75 = arith.constant 0 : index
    %get3A_76 = vector.load %arg12[%get3A_74, %get3A_75] : memref<128x128xbf16, #tpu.memory_space<vmem>>, vector<128x128xbf16>
    %dot_general3A_77 = arith.constant dense<0.000000e+00> : vector<4000x128xf32>
    %dot_general3A_78 = tpu.matmul %convert_element_type3A_56, %get3A_76, %dot_general3A_77 {dimension_numbers = #tpu.dot_dimension_numbers<[1], [0], [0], [1], [0, 0, 1, 1], [], []>, transpose_lhs_hint = false} : vector<4000x128xbf16>, vector<128x128xbf16>, vector<4000x128xf32> -> vector<4000x128xf32>
    %mul3A_79 = vector.broadcast %rsqrt3A : vector<4000x1xf32> to vector<4000x128xf32>
    %mul3A_80 = arith.mulf %dot_general3A_68, %mul3A_79 : vector<4000x128xf32>
    %mul3A_81 = arith.mulf %div3A_39, %rsqrt3A : vector<4000x1xf32>
    %mul3A_82 = vector.broadcast %mul3A_81 : vector<4000x1xf32> to vector<4000x128xf32>
    %mul3A_83 = arith.mulf %mul3A_82, %dot_general3A_73 : vector<4000x128xf32>
    %sub3A_84 = arith.subf %mul3A_80, %mul3A_83 : vector<4000x128xf32>
    %add3A_85 = arith.addf %sub3A_84, %dot_general3A_78 : vector<4000x128xf32>
    %get3A_86 = arith.constant 0 : index
    %get3A_87 = arith.constant 0 : index
    %get3A_88 = vector.load %arg13[%get3A_86, %get3A_87] : memref<1x128xf32, #tpu.memory_space<vmem>>, vector<1x128xf32>
    %add3A_89 = vector.broadcast %get3A_88 : vector<1x128xf32> to vector<4000x128xf32>
    %add3A_90 = arith.addf %add3A_85, %add3A_89 : vector<4000x128xf32>
    %swap3A = arith.constant 0 : index
    %swap3A_91 = arith.constant 0 : index
    %swap3A_92 = vector.load %arg14[%swap3A, %swap3A_91] : memref<4000x128xf32, #tpu.memory_space<vmem>>, vector<4000x128xf32>
    tpu.vector_store %arg14[%swap3A, %swap3A_91], %add3A_90 {strides = array<i32>} : memref<4000x128xf32, #tpu.memory_space<vmem>>, vector<4000x128xf32>,
    return
  }
  func.func @transform_0(%arg0: i32) -> (i32, i32) {
    %add3A = arith.constant 0 : i32
    %add3A_0 = arith.addi %arg0, %add3A : i32
    %c0_i32 = arith.constant 0 : i32
    %c0_i32_1 = arith.constant 0 : i32
    return %add3A_0, %c0_i32 : i32, i32
  }
  func.func @transform_1(%arg0: i32) -> (i32, i32) {
    %c0_i32 = arith.constant 0 : i32
    %c0_i32_0 = arith.constant 0 : i32
    return %arg0, %c0_i32 : i32, i32
  }
  func.func @transform_2(%arg0: i32) -> (i32, i32) {
    %c0_i32 = arith.constant 0 : i32
    %c0_i32_0 = arith.constant 0 : i32
    %c0_i32_1 = arith.constant 0 : i32
    return %c0_i32, %c0_i32_0 : i32, i32
  }
  func.func @transform_3(%arg0: i32) -> (i32, i32) {
    %c0_i32 = arith.constant 0 : i32
    %c0_i32_0 = arith.constant 0 : i32
    %c0_i32_1 = arith.constant 0 : i32
    return %c0_i32, %c0_i32_0 : i32, i32
  }
  func.func @transform_4(%arg0: i32) -> (i32, i32) {
    %c0_i32 = arith.constant 0 : i32
    %c0_i32_0 = arith.constant 0 : i32
    %c0_i32_1 = arith.constant 0 : i32
    return %c0_i32, %c0_i32_0 : i32, i32
  }
  func.func @transform_5(%arg0: i32) -> (i32, i32) {
    %c0_i32 = arith.constant 0 : i32
    %c0_i32_0 = arith.constant 0 : i32
    %c0_i32_1 = arith.constant 0 : i32
    return %c0_i32, %c0_i32_0 : i32, i32
  }
  func.func @transform_6(%arg0: i32) -> (i32, i32) {
    %c0_i32 = arith.constant 0 : i32
    %c0_i32_0 = arith.constant 0 : i32
    %c0_i32_1 = arith.constant 0 : i32
    return %c0_i32, %c0_i32_0 : i32, i32
  }
  func.func @transform_7(%arg0: i32) -> (i32, i32) {
    %c0_i32 = arith.constant 0 : i32
    %c0_i32_0 = arith.constant 0 : i32
    %c0_i32_1 = arith.constant 0 : i32
    return %c0_i32, %c0_i32_0 : i32, i32
  }
  func.func @transform_8(%arg0: i32) -> (i32, i32) {
    %c0_i32 = arith.constant 0 : i32
    %c0_i32_0 = arith.constant 0 : i32
    %c0_i32_1 = arith.constant 0 : i32
    return %c0_i32, %c0_i32_0 : i32, i32
  }
  func.func @transform_9(%arg0: i32) -> (i32, i32) {
    %c0_i32 = arith.constant 0 : i32
    %c0_i32_0 = arith.constant 0 : i32
    %c0_i32_1 = arith.constant 0 : i32
    return %c0_i32, %c0_i32_0 : i32, i32
  }
  func.func @transform_10(%arg0: i32) -> (i32, i32) {
    %c0_i32 = arith.constant 0 : i32
    %c0_i32_0 = arith.constant 0 : i32
    %c0_i32_1 = arith.constant 0 : i32
    return %c0_i32, %c0_i32_0 : i32, i32
  }
  func.func @transform_11(%arg0: i32) -> (i32, i32) {
    %c0_i32 = arith.constant 0 : i32
    %c0_i32_0 = arith.constant 0 : i32
    %c0_i32_1 = arith.constant 0 : i32
    return %c0_i32, %c0_i32_0 : i32, i32
  }
  func.func @transform_12(%arg0: i32) -> (i32, i32) {
    %c0_i32 = arith.constant 0 : i32
    %c0_i32_0 = arith.constant 0 : i32
    %c0_i32_1 = arith.constant 0 : i32
    return %c0_i32, %c0_i32_0 : i32, i32
  }
  func.func @transform_13(%arg0: i32) -> (i32, i32) {
    %c0_i32 = arith.constant 0 : i32
    %c0_i32_0 = arith.constant 0 : i32
    return %arg0, %c0_i32 : i32, i32
  }
}

module attributes {stable_mosaic.version = 14 : i64} {
  func.func @_mlp_body(%arg0: i32, %arg1: memref<4000x16xf32, #tpu.memory_space<vmem>>, %arg2: memref<4000x128xf32, #tpu.memory_space<vmem>>, %arg3: memref<16x128xbf16, #tpu.memory_space<vmem>>, %arg4: memref<1x128xf32, #tpu.memory_space<vmem>>, %arg5: memref<128x128xbf16, #tpu.memory_space<vmem>>, %arg6: memref<1x128xf32, #tpu.memory_space<vmem>>, %arg7: memref<128x1024xbf16, #tpu.memory_space<vmem>>, %arg8: memref<1x1024xf32, #tpu.memory_space<vmem>>, %arg9: memref<128x1024xbf16, #tpu.memory_space<vmem>>, %arg10: memref<1024x128xbf16, #tpu.memory_space<vmem>>, %arg11: memref<128x128xbf16, #tpu.memory_space<vmem>>, %arg12: memref<128x128xbf16, #tpu.memory_space<vmem>>, %arg13: memref<1x128xf32, #tpu.memory_space<vmem>>, %arg14: memref<4000x128xf32, #tpu.memory_space<vmem>>) attributes {dimension_semantics = [#tpu.dimension_semantics<arbitrary>], iteration_bounds = array<i64: 8>, scalar_prefetch = 0 : i64, scratch_operands = 0 : i64, tpu.core_type = #tpu.core_type<tc>, window_params = [{transform_indices = @transform_0, window_bounds = array<i64: 4000, 16>}, {transform_indices = @transform_1, window_bounds = array<i64: 4000, 128>}, {pipeline_mode = #tpu.pipeline_mode<synchronous>, transform_indices = @transform_2, window_bounds = array<i64: 16, 128>}, {pipeline_mode = #tpu.pipeline_mode<synchronous>, transform_indices = @transform_3, window_bounds = array<i64: 1, 128>}, {pipeline_mode = #tpu.pipeline_mode<synchronous>, transform_indices = @transform_4, window_bounds = array<i64: 128, 128>}, {pipeline_mode = #tpu.pipeline_mode<synchronous>, transform_indices = @transform_5, window_bounds = array<i64: 1, 128>}, {pipeline_mode = #tpu.pipeline_mode<synchronous>, transform_indices = @transform_6, window_bounds = array<i64: 128, 1024>}, {pipeline_mode = #tpu.pipeline_mode<synchronous>, transform_indices = @transform_7, window_bounds = array<i64: 1, 1024>}, {pipeline_mode = #tpu.pipeline_mode<synchronous>, transform_indices = @transform_8, window_bounds = array<i64: 128, 1024>}, {pipeline_mode = #tpu.pipeline_mode<synchronous>, transform_indices = @transform_9, window_bounds = array<i64: 1024, 128>}, {pipeline_mode = #tpu.pipeline_mode<synchronous>, transform_indices = @transform_10, window_bounds = array<i64: 128, 128>}, {pipeline_mode = #tpu.pipeline_mode<synchronous>, transform_indices = @transform_11, window_bounds = array<i64: 128, 128>}, {pipeline_mode = #tpu.pipeline_mode<synchronous>, transform_indices = @transform_12, window_bounds = array<i64: 1, 128>}, {transform_indices = @transform_13, window_bounds = array<i64: 4000, 128>}]} {
    %get3A = arith.constant 0 : index
    %get3A_0 = arith.constant 0 : index
    %get3A_1 = vector.load %arg1[%get3A, %get3A_0] : memref<4000x16xf32, #tpu.memory_space<vmem>>, vector<4000x16xf32>
    %convert_element_type3A = arith.truncf %get3A_1 : vector<4000x16xf32> to vector<4000x16xbf16>
    %get3A_2 = arith.constant 0 : index
    %get3A_3 = arith.constant 0 : index
    %get3A_4 = vector.load %arg3[%get3A_2, %get3A_3] : memref<16x128xbf16, #tpu.memory_space<vmem>>, vector<16x128xbf16>
    %dot_general3A = arith.constant dense<0.000000e+00> : vector<4000x128xf32>
    %dot_general3A_5 = tpu.matmul %convert_element_type3A, %get3A_4, %dot_general3A {dimension_numbers = #tpu.dot_dimension_numbers<[1], [0], [0], [1], [0, 0, 1, 1], [], []>, transpose_lhs_hint = false} : vector<4000x16xbf16>, vector<16x128xbf16>, vector<4000x128xf32> -> vector<4000x128xf32>
    %get3A_6 = arith.constant 0 : index
    %get3A_7 = arith.constant 0 : index
    %get3A_8 = vector.load %arg4[%get3A_6, %get3A_7] : memref<1x128xf32, #tpu.memory_space<vmem>>, vector<1x128xf32>
    %add3A = vector.broadcast %get3A_8 : vector<1x128xf32> to vector<4000x128xf32>
    %add3A_9 = arith.addf %dot_general3A_5, %add3A : vector<4000x128xf32>
    %max3A = arith.constant 0.000000e+00 : f32
    %max3A_10 = vector.broadcast %max3A : f32 to vector<4000x128xf32>
    %max3A_11 = arith.maximumf %add3A_9, %max3A_10 : vector<4000x128xf32>
    %convert_element_type3A_12 = arith.truncf %max3A_11 : vector<4000x128xf32> to vector<4000x128xbf16>
    %get3A_13 = arith.constant 0 : index
    %get3A_14 = arith.constant 0 : index
    %get3A_15 = vector.load %arg5[%get3A_13, %get3A_14] : memref<128x128xbf16, #tpu.memory_space<vmem>>, vector<128x128xbf16>
    %dot_general3A_16 = arith.constant dense<0.000000e+00> : vector<4000x128xf32>
    %dot_general3A_17 = tpu.matmul %convert_element_type3A_12, %get3A_15, %dot_general3A_16 {dimension_numbers = #tpu.dot_dimension_numbers<[1], [0], [0], [1], [0, 0, 1, 1], [], []>, transpose_lhs_hint = false} : vector<4000x128xbf16>, vector<128x128xbf16>, vector<4000x128xf32> -> vector<4000x128xf32>
    %get3A_18 = arith.constant 0 : index
    %get3A_19 = arith.constant 0 : index
    %get3A_20 = vector.load %arg6[%get3A_18, %get3A_19] : memref<1x128xf32, #tpu.memory_space<vmem>>, vector<1x128xf32>
    %add3A_21 = vector.broadcast %get3A_20 : vector<1x128xf32> to vector<4000x128xf32>
    %add3A_22 = arith.addf %dot_general3A_17, %add3A_21 : vector<4000x128xf32>
    %max3A_23 = arith.constant 0.000000e+00 : f32
    %max3A_24 = vector.broadcast %max3A_23 : f32 to vector<4000x128xf32>
    %max3A_25 = arith.maximumf %add3A_22, %max3A_24 : vector<4000x128xf32>
    %convert_element_type3A_26 = arith.truncf %max3A_25 : vector<4000x128xf32> to vector<4000x128xbf16>
    %get3A_27 = arith.constant 0 : index
    %get3A_28 = arith.constant 0 : index
    %get3A_29 = vector.load %arg7[%get3A_27, %get3A_28] : memref<128x1024xbf16, #tpu.memory_space<vmem>>, vector<128x1024xbf16>
    %dot_general3A_30 = arith.constant dense<0.000000e+00> : vector<4000x1024xf32>
    %dot_general3A_31 = tpu.matmul %convert_element_type3A_26, %get3A_29, %dot_general3A_30 {dimension_numbers = #tpu.dot_dimension_numbers<[1], [0], [0], [1], [0, 0, 1, 1], [], []>, transpose_lhs_hint = false} : vector<4000x128xbf16>, vector<128x1024xbf16>, vector<4000x1024xf32> -> vector<4000x1024xf32>
    %get3A_32 = arith.constant 0 : index
    %get3A_33 = arith.constant 0 : index
    %get3A_34 = vector.load %arg8[%get3A_32, %get3A_33] : memref<1x1024xf32, #tpu.memory_space<vmem>>, vector<1x1024xf32>
    %add3A_35 = vector.broadcast %get3A_34 : vector<1x1024xf32> to vector<4000x1024xf32>
    %add3A_36 = arith.addf %dot_general3A_31, %add3A_35 : vector<4000x1024xf32>
    %reduce_sum3A = arith.constant dense<0.000000e+00> : vector<4000xf32>
    %reduce_sum3A_37 = vector.multi_reduction <add>, %add3A_36, %reduce_sum3A [1] : vector<4000x1024xf32> to vector<4000xf32>
    %broadcast_in_dim3A = vector.shape_cast %reduce_sum3A_37 : vector<4000xf32> to vector<4000x1xf32>
    %div3A = arith.constant 1.024000e+03 : f32
    %div3A_38 = vector.broadcast %div3A : f32 to vector<4000x1xf32>
    %div3A_39 = arith.divf %broadcast_in_dim3A, %div3A_38 : vector<4000x1xf32>
    %mul3A = arith.mulf %add3A_36, %add3A_36 : vector<4000x1024xf32>
    %reduce_sum3A_40 = arith.constant dense<0.000000e+00> : vector<4000xf32>
    %reduce_sum3A_41 = vector.multi_reduction <add>, %mul3A, %reduce_sum3A_40 [1] : vector<4000x1024xf32> to vector<4000xf32>
    %broadcast_in_dim3A_42 = vector.shape_cast %reduce_sum3A_41 : vector<4000xf32> to vector<4000x1xf32>
    %div3A_43 = arith.constant 1.024000e+03 : f32
    %div3A_44 = vector.broadcast %div3A_43 : f32 to vector<4000x1xf32>
    %div3A_45 = arith.divf %broadcast_in_dim3A_42, %div3A_44 : vector<4000x1xf32>
    %mul3A_46 = arith.mulf %div3A_39, %div3A_39 : vector<4000x1xf32>
    %sub3A = arith.subf %div3A_45, %mul3A_46 : vector<4000x1xf32>
    %max3A_47 = arith.constant 0.000000e+00 : f32
    %max3A_48 = vector.broadcast %max3A_47 : f32 to vector<4000x1xf32>
    %max3A_49 = arith.maximumf %sub3A, %max3A_48 : vector<4000x1xf32>
    %add3A_50 = arith.constant 9.99999974E-6 : f32
    %add3A_51 = vector.broadcast %add3A_50 : f32 to vector<4000x1xf32>
    %add3A_52 = arith.addf %max3A_49, %add3A_51 : vector<4000x1xf32>
    %rsqrt3A = math.rsqrt %add3A_52 : vector<4000x1xf32>
    %get3A_53 = arith.constant 0 : index
    %get3A_54 = arith.constant 0 : index
    %get3A_55 = vector.load %arg2[%get3A_53, %get3A_54] : memref<4000x128xf32, #tpu.memory_space<vmem>>, vector<4000x128xf32>
    %convert_element_type3A_56 = arith.truncf %get3A_55 : vector<4000x128xf32> to vector<4000x128xbf16>
    %get3A_57 = arith.constant 0 : index
    %get3A_58 = arith.constant 0 : index
    %get3A_59 = vector.load %arg9[%get3A_57, %get3A_58] : memref<128x1024xbf16, #tpu.memory_space<vmem>>, vector<128x1024xbf16>
    %dot_general3A_60 = arith.constant dense<0.000000e+00> : vector<4000x1024xf32>
    %dot_general3A_61 = tpu.matmul %convert_element_type3A_56, %get3A_59, %dot_general3A_60 {dimension_numbers = #tpu.dot_dimension_numbers<[1], [0], [0], [1], [0, 0, 1, 1], [], []>, transpose_lhs_hint = false} : vector<4000x128xbf16>, vector<128x1024xbf16>, vector<4000x1024xf32> -> vector<4000x1024xf32>
    %mul3A_62 = arith.mulf %add3A_36, %dot_general3A_61 : vector<4000x1024xf32>
    %convert_element_type3A_63 = arith.truncf %mul3A_62 : vector<4000x1024xf32> to vector<4000x1024xbf16>
    %get3A_64 = arith.constant 0 : index
    %get3A_65 = arith.constant 0 : index
    %get3A_66 = vector.load %arg10[%get3A_64, %get3A_65] : memref<1024x128xbf16, #tpu.memory_space<vmem>>, vector<1024x128xbf16>
    %dot_general3A_67 = arith.constant dense<0.000000e+00> : vector<4000x128xf32>
    %dot_general3A_68 = tpu.matmul %convert_element_type3A_63, %get3A_66, %dot_general3A_67 {dimension_numbers = #tpu.dot_dimension_numbers<[1], [0], [0], [1], [0, 0, 1, 1], [], []>, transpose_lhs_hint = false} : vector<4000x1024xbf16>, vector<1024x128xbf16>, vector<4000x128xf32> -> vector<4000x128xf32>
    %get3A_69 = arith.constant 0 : index
    %get3A_70 = arith.constant 0 : index
    %get3A_71 = vector.load %arg11[%get3A_69, %get3A_70] : memref<128x128xbf16, #tpu.memory_space<vmem>>, vector<128x128xbf16>
    %dot_general3A_72 = arith.constant dense<0.000000e+00> : vector<4000x128xf32>
    %dot_general3A_73 = tpu.matmul %convert_element_type3A_56, %get3A_71, %dot_general3A_72 {dimension_numbers = #tpu.dot_dimension_numbers<[1], [0], [0], [1], [0, 0, 1, 1], [], []>, transpose_lhs_hint = false} : vector<4000x128xbf16>, vector<128x128xbf16>, vector<4000x128xf32> -> vector<4000x128xf32>
    %get3A_74 = arith.constant 0 : index
    %get3A_75 = arith.constant 0 : index
    %get3A_76 = vector.load %arg12[%get3A_74, %get3A_75] : memref<128x128xbf16, #tpu.memory_space<vmem>>, vector<128x128xbf16>
    %dot_general3A_77 = arith.constant dense<0.000000e+00> : vector<4000x128xf32>
    %dot_general3A_78 = tpu.matmul %convert_element_type3A_56, %get3A_76, %dot_general3A_77 {dimension_numbers = #tpu.dot_dimension_numbers<[1], [0], [0], [1], [0, 0, 1, 1], [], []>, transpose_lhs_hint = false} : vector<4000x128xbf16>, vector<128x128xbf16>, vector<4000x128xf32> -> vector<4000x128xf32>
    %mul3A_79 = vector.broadcast %rsqrt3A : vector<4000x1xf32> to vector<4000x128xf32>
    %mul3A_80 = arith.mulf %dot_general3A_68, %mul3A_79 : vector<4000x128xf32>
    %mul3A_81 = arith.mulf %div3A_39, %rsqrt3A : vector<4000x1xf32>
    %mul3A_82 = vector.broadcast %mul3A_81 : vector<4000x1xf32> to vector<4000x128xf32>
    %mul3A_83 = arith.mulf %mul3A_82, %dot_general3A_73 : vector<4000x128xf32>
    %sub3A_84 = arith.subf %mul3A_80, %mul3A_83 : vector<4000x128xf32>
    %add3A_85 = arith.addf %sub3A_84, %dot_general3A_78 : vector<4000x128xf32>
    %get3A_86 = arith.constant 0 : index
    %get3A_87 = arith.constant 0 : index
    %get3A_88 = vector.load %arg13[%get3A_86, %get3A_87] : memref<1x128xf32, #tpu.memory_space<vmem>>, vector<1x128xf32>
    %add3A_89 = vector.broadcast %get3A_88 : vector<1x128xf32> to vector<4000x128xf32>
    %add3A_90 = arith.addf %add3A_85, %add3A_89 : vector<4000x128xf32>
    %swap3A = arith.constant 0 : index
    %swap3A_91 = arith.constant 0 : index
    %swap3A_92 = vector.load %arg14[%swap3A, %swap3A_91] : memref<4000x128xf32, #tpu.memory_space<vmem>>, vector<4000x128xf32>
    tpu.vector_store %arg14[%swap3A, %swap3A_91], %add3A_90 {strides = array<i32>} : memref<4000x128xf32, #tpu.memory_space<vmem>>, vector<4000x128xf32>,
    return
  }
  func.func @transform_0(%arg0: i32) -> (i32, i32) {
    %add3A = arith.constant 8 : i32
    %add3A_0 = arith.addi %arg0, %add3A : i32
    %c0_i32 = arith.constant 0 : i32
    %c0_i32_1 = arith.constant 0 : i32
    return %add3A_0, %c0_i32 : i32, i32
  }
  func.func @transform_1(%arg0: i32) -> (i32, i32) {
    %c0_i32 = arith.constant 0 : i32
    %c0_i32_0 = arith.constant 0 : i32
    return %arg0, %c0_i32 : i32, i32
  }
  func.func @transform_2(%arg0: i32) -> (i32, i32) {
    %c0_i32 = arith.constant 0 : i32
    %c0_i32_0 = arith.constant 0 : i32
    %c0_i32_1 = arith.constant 0 : i32
    return %c0_i32, %c0_i32_0 : i32, i32
  }
  func.func @transform_3(%arg0: i32) -> (i32, i32) {
    %c0_i32 = arith.constant 0 : i32
    %c0_i32_0 = arith.constant 0 : i32
    %c0_i32_1 = arith.constant 0 : i32
    return %c0_i32, %c0_i32_0 : i32, i32
  }
  func.func @transform_4(%arg0: i32) -> (i32, i32) {
    %c0_i32 = arith.constant 0 : i32
    %c0_i32_0 = arith.constant 0 : i32
    %c0_i32_1 = arith.constant 0 : i32
    return %c0_i32, %c0_i32_0 : i32, i32
  }
  func.func @transform_5(%arg0: i32) -> (i32, i32) {
    %c0_i32 = arith.constant 0 : i32
    %c0_i32_0 = arith.constant 0 : i32
    %c0_i32_1 = arith.constant 0 : i32
    return %c0_i32, %c0_i32_0 : i32, i32
  }
  func.func @transform_6(%arg0: i32) -> (i32, i32) {
    %c0_i32 = arith.constant 0 : i32
    %c0_i32_0 = arith.constant 0 : i32
    %c0_i32_1 = arith.constant 0 : i32
    return %c0_i32, %c0_i32_0 : i32, i32
  }
  func.func @transform_7(%arg0: i32) -> (i32, i32) {
    %c0_i32 = arith.constant 0 : i32
    %c0_i32_0 = arith.constant 0 : i32
    %c0_i32_1 = arith.constant 0 : i32
    return %c0_i32, %c0_i32_0 : i32, i32
  }
  func.func @transform_8(%arg0: i32) -> (i32, i32) {
    %c0_i32 = arith.constant 0 : i32
    %c0_i32_0 = arith.constant 0 : i32
    %c0_i32_1 = arith.constant 0 : i32
    return %c0_i32, %c0_i32_0 : i32, i32
  }
  func.func @transform_9(%arg0: i32) -> (i32, i32) {
    %c0_i32 = arith.constant 0 : i32
    %c0_i32_0 = arith.constant 0 : i32
    %c0_i32_1 = arith.constant 0 : i32
    return %c0_i32, %c0_i32_0 : i32, i32
  }
  func.func @transform_10(%arg0: i32) -> (i32, i32) {
    %c0_i32 = arith.constant 0 : i32
    %c0_i32_0 = arith.constant 0 : i32
    %c0_i32_1 = arith.constant 0 : i32
    return %c0_i32, %c0_i32_0 : i32, i32
  }
  func.func @transform_11(%arg0: i32) -> (i32, i32) {
    %c0_i32 = arith.constant 0 : i32
    %c0_i32_0 = arith.constant 0 : i32
    %c0_i32_1 = arith.constant 0 : i32
    return %c0_i32, %c0_i32_0 : i32, i32
  }
  func.func @transform_12(%arg0: i32) -> (i32, i32) {
    %c0_i32 = arith.constant 0 : i32
    %c0_i32_0 = arith.constant 0 : i32
    %c0_i32_1 = arith.constant 0 : i32
    return %c0_i32, %c0_i32_0 : i32, i32
  }
  func.func @transform_13(%arg0: i32) -> (i32, i32) {
    %c0_i32 = arith.constant 0 : i32
    %c0_i32_0 = arith.constant 0 : i32
    return %arg0, %c0_i32 : i32, i32
  }
}

module attributes {stable_mosaic.version = 14 : i64} {
  func.func @_mlp_body(%arg0: i32, %arg1: memref<4000x16xf32, #tpu.memory_space<vmem>>, %arg2: memref<4000x128xf32, #tpu.memory_space<vmem>>, %arg3: memref<16x128xbf16, #tpu.memory_space<vmem>>, %arg4: memref<1x128xf32, #tpu.memory_space<vmem>>, %arg5: memref<128x128xbf16, #tpu.memory_space<vmem>>, %arg6: memref<1x128xf32, #tpu.memory_space<vmem>>, %arg7: memref<128x1024xbf16, #tpu.memory_space<vmem>>, %arg8: memref<1x1024xf32, #tpu.memory_space<vmem>>, %arg9: memref<128x1024xbf16, #tpu.memory_space<vmem>>, %arg10: memref<1024x128xbf16, #tpu.memory_space<vmem>>, %arg11: memref<128x128xbf16, #tpu.memory_space<vmem>>, %arg12: memref<128x128xbf16, #tpu.memory_space<vmem>>, %arg13: memref<1x128xf32, #tpu.memory_space<vmem>>, %arg14: memref<4000x128xf32, #tpu.memory_space<vmem>>) attributes {dimension_semantics = [#tpu.dimension_semantics<arbitrary>], iteration_bounds = array<i64: 8>, scalar_prefetch = 0 : i64, scratch_operands = 0 : i64, tpu.core_type = #tpu.core_type<tc>, window_params = [{transform_indices = @transform_0, window_bounds = array<i64: 4000, 16>}, {transform_indices = @transform_1, window_bounds = array<i64: 4000, 128>}, {pipeline_mode = #tpu.pipeline_mode<synchronous>, transform_indices = @transform_2, window_bounds = array<i64: 16, 128>}, {pipeline_mode = #tpu.pipeline_mode<synchronous>, transform_indices = @transform_3, window_bounds = array<i64: 1, 128>}, {pipeline_mode = #tpu.pipeline_mode<synchronous>, transform_indices = @transform_4, window_bounds = array<i64: 128, 128>}, {pipeline_mode = #tpu.pipeline_mode<synchronous>, transform_indices = @transform_5, window_bounds = array<i64: 1, 128>}, {pipeline_mode = #tpu.pipeline_mode<synchronous>, transform_indices = @transform_6, window_bounds = array<i64: 128, 1024>}, {pipeline_mode = #tpu.pipeline_mode<synchronous>, transform_indices = @transform_7, window_bounds = array<i64: 1, 1024>}, {pipeline_mode = #tpu.pipeline_mode<synchronous>, transform_indices = @transform_8, window_bounds = array<i64: 128, 1024>}, {pipeline_mode = #tpu.pipeline_mode<synchronous>, transform_indices = @transform_9, window_bounds = array<i64: 1024, 128>}, {pipeline_mode = #tpu.pipeline_mode<synchronous>, transform_indices = @transform_10, window_bounds = array<i64: 128, 128>}, {pipeline_mode = #tpu.pipeline_mode<synchronous>, transform_indices = @transform_11, window_bounds = array<i64: 128, 128>}, {pipeline_mode = #tpu.pipeline_mode<synchronous>, transform_indices = @transform_12, window_bounds = array<i64: 1, 128>}, {transform_indices = @transform_13, window_bounds = array<i64: 4000, 128>}]} {
    %get3A = arith.constant 0 : index
    %get3A_0 = arith.constant 0 : index
    %get3A_1 = vector.load %arg1[%get3A, %get3A_0] : memref<4000x16xf32, #tpu.memory_space<vmem>>, vector<4000x16xf32>
    %convert_element_type3A = arith.truncf %get3A_1 : vector<4000x16xf32> to vector<4000x16xbf16>
    %get3A_2 = arith.constant 0 : index
    %get3A_3 = arith.constant 0 : index
    %get3A_4 = vector.load %arg3[%get3A_2, %get3A_3] : memref<16x128xbf16, #tpu.memory_space<vmem>>, vector<16x128xbf16>
    %dot_general3A = arith.constant dense<0.000000e+00> : vector<4000x128xf32>
    %dot_general3A_5 = tpu.matmul %convert_element_type3A, %get3A_4, %dot_general3A {dimension_numbers = #tpu.dot_dimension_numbers<[1], [0], [0], [1], [0, 0, 1, 1], [], []>, transpose_lhs_hint = false} : vector<4000x16xbf16>, vector<16x128xbf16>, vector<4000x128xf32> -> vector<4000x128xf32>
    %get3A_6 = arith.constant 0 : index
    %get3A_7 = arith.constant 0 : index
    %get3A_8 = vector.load %arg4[%get3A_6, %get3A_7] : memref<1x128xf32, #tpu.memory_space<vmem>>, vector<1x128xf32>
    %add3A = vector.broadcast %get3A_8 : vector<1x128xf32> to vector<4000x128xf32>
    %add3A_9 = arith.addf %dot_general3A_5, %add3A : vector<4000x128xf32>
    %max3A = arith.constant 0.000000e+00 : f32
    %max3A_10 = vector.broadcast %max3A : f32 to vector<4000x128xf32>
    %max3A_11 = arith.maximumf %add3A_9, %max3A_10 : vector<4000x128xf32>
    %convert_element_type3A_12 = arith.truncf %max3A_11 : vector<4000x128xf32> to vector<4000x128xbf16>
    %get3A_13 = arith.constant 0 : index
    %get3A_14 = arith.constant 0 : index
    %get3A_15 = vector.load %arg5[%get3A_13, %get3A_14] : memref<128x128xbf16, #tpu.memory_space<vmem>>, vector<128x128xbf16>
    %dot_general3A_16 = arith.constant dense<0.000000e+00> : vector<4000x128xf32>
    %dot_general3A_17 = tpu.matmul %convert_element_type3A_12, %get3A_15, %dot_general3A_16 {dimension_numbers = #tpu.dot_dimension_numbers<[1], [0], [0], [1], [0, 0, 1, 1], [], []>, transpose_lhs_hint = false} : vector<4000x128xbf16>, vector<128x128xbf16>, vector<4000x128xf32> -> vector<4000x128xf32>
    %get3A_18 = arith.constant 0 : index
    %get3A_19 = arith.constant 0 : index
    %get3A_20 = vector.load %arg6[%get3A_18, %get3A_19] : memref<1x128xf32, #tpu.memory_space<vmem>>, vector<1x128xf32>
    %add3A_21 = vector.broadcast %get3A_20 : vector<1x128xf32> to vector<4000x128xf32>
    %add3A_22 = arith.addf %dot_general3A_17, %add3A_21 : vector<4000x128xf32>
    %max3A_23 = arith.constant 0.000000e+00 : f32
    %max3A_24 = vector.broadcast %max3A_23 : f32 to vector<4000x128xf32>
    %max3A_25 = arith.maximumf %add3A_22, %max3A_24 : vector<4000x128xf32>
    %convert_element_type3A_26 = arith.truncf %max3A_25 : vector<4000x128xf32> to vector<4000x128xbf16>
    %get3A_27 = arith.constant 0 : index
    %get3A_28 = arith.constant 0 : index
    %get3A_29 = vector.load %arg7[%get3A_27, %get3A_28] : memref<128x1024xbf16, #tpu.memory_space<vmem>>, vector<128x1024xbf16>
    %dot_general3A_30 = arith.constant dense<0.000000e+00> : vector<4000x1024xf32>
    %dot_general3A_31 = tpu.matmul %convert_element_type3A_26, %get3A_29, %dot_general3A_30 {dimension_numbers = #tpu.dot_dimension_numbers<[1], [0], [0], [1], [0, 0, 1, 1], [], []>, transpose_lhs_hint = false} : vector<4000x128xbf16>, vector<128x1024xbf16>, vector<4000x1024xf32> -> vector<4000x1024xf32>
    %get3A_32 = arith.constant 0 : index
    %get3A_33 = arith.constant 0 : index
    %get3A_34 = vector.load %arg8[%get3A_32, %get3A_33] : memref<1x1024xf32, #tpu.memory_space<vmem>>, vector<1x1024xf32>
    %add3A_35 = vector.broadcast %get3A_34 : vector<1x1024xf32> to vector<4000x1024xf32>
    %add3A_36 = arith.addf %dot_general3A_31, %add3A_35 : vector<4000x1024xf32>
    %reduce_sum3A = arith.constant dense<0.000000e+00> : vector<4000xf32>
    %reduce_sum3A_37 = vector.multi_reduction <add>, %add3A_36, %reduce_sum3A [1] : vector<4000x1024xf32> to vector<4000xf32>
    %broadcast_in_dim3A = vector.shape_cast %reduce_sum3A_37 : vector<4000xf32> to vector<4000x1xf32>
    %div3A = arith.constant 1.024000e+03 : f32
    %div3A_38 = vector.broadcast %div3A : f32 to vector<4000x1xf32>
    %div3A_39 = arith.divf %broadcast_in_dim3A, %div3A_38 : vector<4000x1xf32>
    %mul3A = arith.mulf %add3A_36, %add3A_36 : vector<4000x1024xf32>
    %reduce_sum3A_40 = arith.constant dense<0.000000e+00> : vector<4000xf32>
    %reduce_sum3A_41 = vector.multi_reduction <add>, %mul3A, %reduce_sum3A_40 [1] : vector<4000x1024xf32> to vector<4000xf32>
    %broadcast_in_dim3A_42 = vector.shape_cast %reduce_sum3A_41 : vector<4000xf32> to vector<4000x1xf32>
    %div3A_43 = arith.constant 1.024000e+03 : f32
    %div3A_44 = vector.broadcast %div3A_43 : f32 to vector<4000x1xf32>
    %div3A_45 = arith.divf %broadcast_in_dim3A_42, %div3A_44 : vector<4000x1xf32>
    %mul3A_46 = arith.mulf %div3A_39, %div3A_39 : vector<4000x1xf32>
    %sub3A = arith.subf %div3A_45, %mul3A_46 : vector<4000x1xf32>
    %max3A_47 = arith.constant 0.000000e+00 : f32
    %max3A_48 = vector.broadcast %max3A_47 : f32 to vector<4000x1xf32>
    %max3A_49 = arith.maximumf %sub3A, %max3A_48 : vector<4000x1xf32>
    %add3A_50 = arith.constant 9.99999974E-6 : f32
    %add3A_51 = vector.broadcast %add3A_50 : f32 to vector<4000x1xf32>
    %add3A_52 = arith.addf %max3A_49, %add3A_51 : vector<4000x1xf32>
    %rsqrt3A = math.rsqrt %add3A_52 : vector<4000x1xf32>
    %get3A_53 = arith.constant 0 : index
    %get3A_54 = arith.constant 0 : index
    %get3A_55 = vector.load %arg2[%get3A_53, %get3A_54] : memref<4000x128xf32, #tpu.memory_space<vmem>>, vector<4000x128xf32>
    %convert_element_type3A_56 = arith.truncf %get3A_55 : vector<4000x128xf32> to vector<4000x128xbf16>
    %get3A_57 = arith.constant 0 : index
    %get3A_58 = arith.constant 0 : index
    %get3A_59 = vector.load %arg9[%get3A_57, %get3A_58] : memref<128x1024xbf16, #tpu.memory_space<vmem>>, vector<128x1024xbf16>
    %dot_general3A_60 = arith.constant dense<0.000000e+00> : vector<4000x1024xf32>
    %dot_general3A_61 = tpu.matmul %convert_element_type3A_56, %get3A_59, %dot_general3A_60 {dimension_numbers = #tpu.dot_dimension_numbers<[1], [0], [0], [1], [0, 0, 1, 1], [], []>, transpose_lhs_hint = false} : vector<4000x128xbf16>, vector<128x1024xbf16>, vector<4000x1024xf32> -> vector<4000x1024xf32>
    %mul3A_62 = arith.mulf %add3A_36, %dot_general3A_61 : vector<4000x1024xf32>
    %convert_element_type3A_63 = arith.truncf %mul3A_62 : vector<4000x1024xf32> to vector<4000x1024xbf16>
    %get3A_64 = arith.constant 0 : index
    %get3A_65 = arith.constant 0 : index
    %get3A_66 = vector.load %arg10[%get3A_64, %get3A_65] : memref<1024x128xbf16, #tpu.memory_space<vmem>>, vector<1024x128xbf16>
    %dot_general3A_67 = arith.constant dense<0.000000e+00> : vector<4000x128xf32>
    %dot_general3A_68 = tpu.matmul %convert_element_type3A_63, %get3A_66, %dot_general3A_67 {dimension_numbers = #tpu.dot_dimension_numbers<[1], [0], [0], [1], [0, 0, 1, 1], [], []>, transpose_lhs_hint = false} : vector<4000x1024xbf16>, vector<1024x128xbf16>, vector<4000x128xf32> -> vector<4000x128xf32>
    %get3A_69 = arith.constant 0 : index
    %get3A_70 = arith.constant 0 : index
    %get3A_71 = vector.load %arg11[%get3A_69, %get3A_70] : memref<128x128xbf16, #tpu.memory_space<vmem>>, vector<128x128xbf16>
    %dot_general3A_72 = arith.constant dense<0.000000e+00> : vector<4000x128xf32>
    %dot_general3A_73 = tpu.matmul %convert_element_type3A_56, %get3A_71, %dot_general3A_72 {dimension_numbers = #tpu.dot_dimension_numbers<[1], [0], [0], [1], [0, 0, 1, 1], [], []>, transpose_lhs_hint = false} : vector<4000x128xbf16>, vector<128x128xbf16>, vector<4000x128xf32> -> vector<4000x128xf32>
    %get3A_74 = arith.constant 0 : index
    %get3A_75 = arith.constant 0 : index
    %get3A_76 = vector.load %arg12[%get3A_74, %get3A_75] : memref<128x128xbf16, #tpu.memory_space<vmem>>, vector<128x128xbf16>
    %dot_general3A_77 = arith.constant dense<0.000000e+00> : vector<4000x128xf32>
    %dot_general3A_78 = tpu.matmul %convert_element_type3A_56, %get3A_76, %dot_general3A_77 {dimension_numbers = #tpu.dot_dimension_numbers<[1], [0], [0], [1], [0, 0, 1, 1], [], []>, transpose_lhs_hint = false} : vector<4000x128xbf16>, vector<128x128xbf16>, vector<4000x128xf32> -> vector<4000x128xf32>
    %mul3A_79 = vector.broadcast %rsqrt3A : vector<4000x1xf32> to vector<4000x128xf32>
    %mul3A_80 = arith.mulf %dot_general3A_68, %mul3A_79 : vector<4000x128xf32>
    %mul3A_81 = arith.mulf %div3A_39, %rsqrt3A : vector<4000x1xf32>
    %mul3A_82 = vector.broadcast %mul3A_81 : vector<4000x1xf32> to vector<4000x128xf32>
    %mul3A_83 = arith.mulf %mul3A_82, %dot_general3A_73 : vector<4000x128xf32>
    %sub3A_84 = arith.subf %mul3A_80, %mul3A_83 : vector<4000x128xf32>
    %add3A_85 = arith.addf %sub3A_84, %dot_general3A_78 : vector<4000x128xf32>
    %get3A_86 = arith.constant 0 : index
    %get3A_87 = arith.constant 0 : index
    %get3A_88 = vector.load %arg13[%get3A_86, %get3A_87] : memref<1x128xf32, #tpu.memory_space<vmem>>, vector<1x128xf32>
    %add3A_89 = vector.broadcast %get3A_88 : vector<1x128xf32> to vector<4000x128xf32>
    %add3A_90 = arith.addf %add3A_85, %add3A_89 : vector<4000x128xf32>
    %swap3A = arith.constant 0 : index
    %swap3A_91 = arith.constant 0 : index
    %swap3A_92 = vector.load %arg14[%swap3A, %swap3A_91] : memref<4000x128xf32, #tpu.memory_space<vmem>>, vector<4000x128xf32>
    tpu.vector_store %arg14[%swap3A, %swap3A_91], %add3A_90 {strides = array<i32>} : memref<4000x128xf32, #tpu.memory_space<vmem>>, vector<4000x128xf32>,
    return
  }
  func.func @transform_0(%arg0: i32) -> (i32, i32) {
    %add3A = arith.constant 16 : i32
    %add3A_0 = arith.addi %arg0, %add3A : i32
    %c0_i32 = arith.constant 0 : i32
    %c0_i32_1 = arith.constant 0 : i32
    return %add3A_0, %c0_i32 : i32, i32
  }
  func.func @transform_1(%arg0: i32) -> (i32, i32) {
    %c0_i32 = arith.constant 0 : i32
    %c0_i32_0 = arith.constant 0 : i32
    return %arg0, %c0_i32 : i32, i32
  }
  func.func @transform_2(%arg0: i32) -> (i32, i32) {
    %c0_i32 = arith.constant 0 : i32
    %c0_i32_0 = arith.constant 0 : i32
    %c0_i32_1 = arith.constant 0 : i32
    return %c0_i32, %c0_i32_0 : i32, i32
  }
  func.func @transform_3(%arg0: i32) -> (i32, i32) {
    %c0_i32 = arith.constant 0 : i32
    %c0_i32_0 = arith.constant 0 : i32
    %c0_i32_1 = arith.constant 0 : i32
    return %c0_i32, %c0_i32_0 : i32, i32
  }
  func.func @transform_4(%arg0: i32) -> (i32, i32) {
    %c0_i32 = arith.constant 0 : i32
    %c0_i32_0 = arith.constant 0 : i32
    %c0_i32_1 = arith.constant 0 : i32
    return %c0_i32, %c0_i32_0 : i32, i32
  }
  func.func @transform_5(%arg0: i32) -> (i32, i32) {
    %c0_i32 = arith.constant 0 : i32
    %c0_i32_0 = arith.constant 0 : i32
    %c0_i32_1 = arith.constant 0 : i32
    return %c0_i32, %c0_i32_0 : i32, i32
  }
  func.func @transform_6(%arg0: i32) -> (i32, i32) {
    %c0_i32 = arith.constant 0 : i32
    %c0_i32_0 = arith.constant 0 : i32
    %c0_i32_1 = arith.constant 0 : i32
    return %c0_i32, %c0_i32_0 : i32, i32
  }
  func.func @transform_7(%arg0: i32) -> (i32, i32) {
    %c0_i32 = arith.constant 0 : i32
    %c0_i32_0 = arith.constant 0 : i32
    %c0_i32_1 = arith.constant 0 : i32
    return %c0_i32, %c0_i32_0 : i32, i32
  }
  func.func @transform_8(%arg0: i32) -> (i32, i32) {
    %c0_i32 = arith.constant 0 : i32
    %c0_i32_0 = arith.constant 0 : i32
    %c0_i32_1 = arith.constant 0 : i32
    return %c0_i32, %c0_i32_0 : i32, i32
  }
  func.func @transform_9(%arg0: i32) -> (i32, i32) {
    %c0_i32 = arith.constant 0 : i32
    %c0_i32_0 = arith.constant 0 : i32
    %c0_i32_1 = arith.constant 0 : i32
    return %c0_i32, %c0_i32_0 : i32, i32
  }
  func.func @transform_10(%arg0: i32) -> (i32, i32) {
    %c0_i32 = arith.constant 0 : i32
    %c0_i32_0 = arith.constant 0 : i32
    %c0_i32_1 = arith.constant 0 : i32
    return %c0_i32, %c0_i32_0 : i32, i32
  }
  func.func @transform_11(%arg0: i32) -> (i32, i32) {
    %c0_i32 = arith.constant 0 : i32
    %c0_i32_0 = arith.constant 0 : i32
    %c0_i32_1 = arith.constant 0 : i32
    return %c0_i32, %c0_i32_0 : i32, i32
  }
  func.func @transform_12(%arg0: i32) -> (i32, i32) {
    %c0_i32 = arith.constant 0 : i32
    %c0_i32_0 = arith.constant 0 : i32
    %c0_i32_1 = arith.constant 0 : i32
    return %c0_i32, %c0_i32_0 : i32, i32
  }
  func.func @transform_13(%arg0: i32) -> (i32, i32) {
    %c0_i32 = arith.constant 0 : i32
    %c0_i32_0 = arith.constant 0 : i32
    return %arg0, %c0_i32 : i32, i32
  }
}

module attributes {stable_mosaic.version = 14 : i64} {
  func.func @_mlp_body(%arg0: i32, %arg1: memref<4000x16xf32, #tpu.memory_space<vmem>>, %arg2: memref<4000x128xf32, #tpu.memory_space<vmem>>, %arg3: memref<16x128xbf16, #tpu.memory_space<vmem>>, %arg4: memref<1x128xf32, #tpu.memory_space<vmem>>, %arg5: memref<128x128xbf16, #tpu.memory_space<vmem>>, %arg6: memref<1x128xf32, #tpu.memory_space<vmem>>, %arg7: memref<128x1024xbf16, #tpu.memory_space<vmem>>, %arg8: memref<1x1024xf32, #tpu.memory_space<vmem>>, %arg9: memref<128x1024xbf16, #tpu.memory_space<vmem>>, %arg10: memref<1024x128xbf16, #tpu.memory_space<vmem>>, %arg11: memref<128x128xbf16, #tpu.memory_space<vmem>>, %arg12: memref<128x128xbf16, #tpu.memory_space<vmem>>, %arg13: memref<1x128xf32, #tpu.memory_space<vmem>>, %arg14: memref<4000x128xf32, #tpu.memory_space<vmem>>) attributes {dimension_semantics = [#tpu.dimension_semantics<arbitrary>], iteration_bounds = array<i64: 8>, scalar_prefetch = 0 : i64, scratch_operands = 0 : i64, tpu.core_type = #tpu.core_type<tc>, window_params = [{transform_indices = @transform_0, window_bounds = array<i64: 4000, 16>}, {transform_indices = @transform_1, window_bounds = array<i64: 4000, 128>}, {pipeline_mode = #tpu.pipeline_mode<synchronous>, transform_indices = @transform_2, window_bounds = array<i64: 16, 128>}, {pipeline_mode = #tpu.pipeline_mode<synchronous>, transform_indices = @transform_3, window_bounds = array<i64: 1, 128>}, {pipeline_mode = #tpu.pipeline_mode<synchronous>, transform_indices = @transform_4, window_bounds = array<i64: 128, 128>}, {pipeline_mode = #tpu.pipeline_mode<synchronous>, transform_indices = @transform_5, window_bounds = array<i64: 1, 128>}, {pipeline_mode = #tpu.pipeline_mode<synchronous>, transform_indices = @transform_6, window_bounds = array<i64: 128, 1024>}, {pipeline_mode = #tpu.pipeline_mode<synchronous>, transform_indices = @transform_7, window_bounds = array<i64: 1, 1024>}, {pipeline_mode = #tpu.pipeline_mode<synchronous>, transform_indices = @transform_8, window_bounds = array<i64: 128, 1024>}, {pipeline_mode = #tpu.pipeline_mode<synchronous>, transform_indices = @transform_9, window_bounds = array<i64: 1024, 128>}, {pipeline_mode = #tpu.pipeline_mode<synchronous>, transform_indices = @transform_10, window_bounds = array<i64: 128, 128>}, {pipeline_mode = #tpu.pipeline_mode<synchronous>, transform_indices = @transform_11, window_bounds = array<i64: 128, 128>}, {pipeline_mode = #tpu.pipeline_mode<synchronous>, transform_indices = @transform_12, window_bounds = array<i64: 1, 128>}, {transform_indices = @transform_13, window_bounds = array<i64: 4000, 128>}]} {
    %get3A = arith.constant 0 : index
    %get3A_0 = arith.constant 0 : index
    %get3A_1 = vector.load %arg1[%get3A, %get3A_0] : memref<4000x16xf32, #tpu.memory_space<vmem>>, vector<4000x16xf32>
    %convert_element_type3A = arith.truncf %get3A_1 : vector<4000x16xf32> to vector<4000x16xbf16>
    %get3A_2 = arith.constant 0 : index
    %get3A_3 = arith.constant 0 : index
    %get3A_4 = vector.load %arg3[%get3A_2, %get3A_3] : memref<16x128xbf16, #tpu.memory_space<vmem>>, vector<16x128xbf16>
    %dot_general3A = arith.constant dense<0.000000e+00> : vector<4000x128xf32>
    %dot_general3A_5 = tpu.matmul %convert_element_type3A, %get3A_4, %dot_general3A {dimension_numbers = #tpu.dot_dimension_numbers<[1], [0], [0], [1], [0, 0, 1, 1], [], []>, transpose_lhs_hint = false} : vector<4000x16xbf16>, vector<16x128xbf16>, vector<4000x128xf32> -> vector<4000x128xf32>
    %get3A_6 = arith.constant 0 : index
    %get3A_7 = arith.constant 0 : index
    %get3A_8 = vector.load %arg4[%get3A_6, %get3A_7] : memref<1x128xf32, #tpu.memory_space<vmem>>, vector<1x128xf32>
    %add3A = vector.broadcast %get3A_8 : vector<1x128xf32> to vector<4000x128xf32>
    %add3A_9 = arith.addf %dot_general3A_5, %add3A : vector<4000x128xf32>
    %max3A = arith.constant 0.000000e+00 : f32
    %max3A_10 = vector.broadcast %max3A : f32 to vector<4000x128xf32>
    %max3A_11 = arith.maximumf %add3A_9, %max3A_10 : vector<4000x128xf32>
    %convert_element_type3A_12 = arith.truncf %max3A_11 : vector<4000x128xf32> to vector<4000x128xbf16>
    %get3A_13 = arith.constant 0 : index
    %get3A_14 = arith.constant 0 : index
    %get3A_15 = vector.load %arg5[%get3A_13, %get3A_14] : memref<128x128xbf16, #tpu.memory_space<vmem>>, vector<128x128xbf16>
    %dot_general3A_16 = arith.constant dense<0.000000e+00> : vector<4000x128xf32>
    %dot_general3A_17 = tpu.matmul %convert_element_type3A_12, %get3A_15, %dot_general3A_16 {dimension_numbers = #tpu.dot_dimension_numbers<[1], [0], [0], [1], [0, 0, 1, 1], [], []>, transpose_lhs_hint = false} : vector<4000x128xbf16>, vector<128x128xbf16>, vector<4000x128xf32> -> vector<4000x128xf32>
    %get3A_18 = arith.constant 0 : index
    %get3A_19 = arith.constant 0 : index
    %get3A_20 = vector.load %arg6[%get3A_18, %get3A_19] : memref<1x128xf32, #tpu.memory_space<vmem>>, vector<1x128xf32>
    %add3A_21 = vector.broadcast %get3A_20 : vector<1x128xf32> to vector<4000x128xf32>
    %add3A_22 = arith.addf %dot_general3A_17, %add3A_21 : vector<4000x128xf32>
    %max3A_23 = arith.constant 0.000000e+00 : f32
    %max3A_24 = vector.broadcast %max3A_23 : f32 to vector<4000x128xf32>
    %max3A_25 = arith.maximumf %add3A_22, %max3A_24 : vector<4000x128xf32>
    %convert_element_type3A_26 = arith.truncf %max3A_25 : vector<4000x128xf32> to vector<4000x128xbf16>
    %get3A_27 = arith.constant 0 : index
    %get3A_28 = arith.constant 0 : index
    %get3A_29 = vector.load %arg7[%get3A_27, %get3A_28] : memref<128x1024xbf16, #tpu.memory_space<vmem>>, vector<128x1024xbf16>
    %dot_general3A_30 = arith.constant dense<0.000000e+00> : vector<4000x1024xf32>
    %dot_general3A_31 = tpu.matmul %convert_element_type3A_26, %get3A_29, %dot_general3A_30 {dimension_numbers = #tpu.dot_dimension_numbers<[1], [0], [0], [1], [0, 0, 1, 1], [], []>, transpose_lhs_hint = false} : vector<4000x128xbf16>, vector<128x1024xbf16>, vector<4000x1024xf32> -> vector<4000x1024xf32>
    %get3A_32 = arith.constant 0 : index
    %get3A_33 = arith.constant 0 : index
    %get3A_34 = vector.load %arg8[%get3A_32, %get3A_33] : memref<1x1024xf32, #tpu.memory_space<vmem>>, vector<1x1024xf32>
    %add3A_35 = vector.broadcast %get3A_34 : vector<1x1024xf32> to vector<4000x1024xf32>
    %add3A_36 = arith.addf %dot_general3A_31, %add3A_35 : vector<4000x1024xf32>
    %reduce_sum3A = arith.constant dense<0.000000e+00> : vector<4000xf32>
    %reduce_sum3A_37 = vector.multi_reduction <add>, %add3A_36, %reduce_sum3A [1] : vector<4000x1024xf32> to vector<4000xf32>
    %broadcast_in_dim3A = vector.shape_cast %reduce_sum3A_37 : vector<4000xf32> to vector<4000x1xf32>
    %div3A = arith.constant 1.024000e+03 : f32
    %div3A_38 = vector.broadcast %div3A : f32 to vector<4000x1xf32>
    %div3A_39 = arith.divf %broadcast_in_dim3A, %div3A_38 : vector<4000x1xf32>
    %mul3A = arith.mulf %add3A_36, %add3A_36 : vector<4000x1024xf32>
    %reduce_sum3A_40 = arith.constant dense<0.000000e+00> : vector<4000xf32>
    %reduce_sum3A_41 = vector.multi_reduction <add>, %mul3A, %reduce_sum3A_40 [1] : vector<4000x1024xf32> to vector<4000xf32>
    %broadcast_in_dim3A_42 = vector.shape_cast %reduce_sum3A_41 : vector<4000xf32> to vector<4000x1xf32>
    %div3A_43 = arith.constant 1.024000e+03 : f32
    %div3A_44 = vector.broadcast %div3A_43 : f32 to vector<4000x1xf32>
    %div3A_45 = arith.divf %broadcast_in_dim3A_42, %div3A_44 : vector<4000x1xf32>
    %mul3A_46 = arith.mulf %div3A_39, %div3A_39 : vector<4000x1xf32>
    %sub3A = arith.subf %div3A_45, %mul3A_46 : vector<4000x1xf32>
    %max3A_47 = arith.constant 0.000000e+00 : f32
    %max3A_48 = vector.broadcast %max3A_47 : f32 to vector<4000x1xf32>
    %max3A_49 = arith.maximumf %sub3A, %max3A_48 : vector<4000x1xf32>
    %add3A_50 = arith.constant 9.99999974E-6 : f32
    %add3A_51 = vector.broadcast %add3A_50 : f32 to vector<4000x1xf32>
    %add3A_52 = arith.addf %max3A_49, %add3A_51 : vector<4000x1xf32>
    %rsqrt3A = math.rsqrt %add3A_52 : vector<4000x1xf32>
    %get3A_53 = arith.constant 0 : index
    %get3A_54 = arith.constant 0 : index
    %get3A_55 = vector.load %arg2[%get3A_53, %get3A_54] : memref<4000x128xf32, #tpu.memory_space<vmem>>, vector<4000x128xf32>
    %convert_element_type3A_56 = arith.truncf %get3A_55 : vector<4000x128xf32> to vector<4000x128xbf16>
    %get3A_57 = arith.constant 0 : index
    %get3A_58 = arith.constant 0 : index
    %get3A_59 = vector.load %arg9[%get3A_57, %get3A_58] : memref<128x1024xbf16, #tpu.memory_space<vmem>>, vector<128x1024xbf16>
    %dot_general3A_60 = arith.constant dense<0.000000e+00> : vector<4000x1024xf32>
    %dot_general3A_61 = tpu.matmul %convert_element_type3A_56, %get3A_59, %dot_general3A_60 {dimension_numbers = #tpu.dot_dimension_numbers<[1], [0], [0], [1], [0, 0, 1, 1], [], []>, transpose_lhs_hint = false} : vector<4000x128xbf16>, vector<128x1024xbf16>, vector<4000x1024xf32> -> vector<4000x1024xf32>
    %mul3A_62 = arith.mulf %add3A_36, %dot_general3A_61 : vector<4000x1024xf32>
    %convert_element_type3A_63 = arith.truncf %mul3A_62 : vector<4000x1024xf32> to vector<4000x1024xbf16>
    %get3A_64 = arith.constant 0 : index
    %get3A_65 = arith.constant 0 : index
    %get3A_66 = vector.load %arg10[%get3A_64, %get3A_65] : memref<1024x128xbf16, #tpu.memory_space<vmem>>, vector<1024x128xbf16>
    %dot_general3A_67 = arith.constant dense<0.000000e+00> : vector<4000x128xf32>
    %dot_general3A_68 = tpu.matmul %convert_element_type3A_63, %get3A_66, %dot_general3A_67 {dimension_numbers = #tpu.dot_dimension_numbers<[1], [0], [0], [1], [0, 0, 1, 1], [], []>, transpose_lhs_hint = false} : vector<4000x1024xbf16>, vector<1024x128xbf16>, vector<4000x128xf32> -> vector<4000x128xf32>
    %get3A_69 = arith.constant 0 : index
    %get3A_70 = arith.constant 0 : index
    %get3A_71 = vector.load %arg11[%get3A_69, %get3A_70] : memref<128x128xbf16, #tpu.memory_space<vmem>>, vector<128x128xbf16>
    %dot_general3A_72 = arith.constant dense<0.000000e+00> : vector<4000x128xf32>
    %dot_general3A_73 = tpu.matmul %convert_element_type3A_56, %get3A_71, %dot_general3A_72 {dimension_numbers = #tpu.dot_dimension_numbers<[1], [0], [0], [1], [0, 0, 1, 1], [], []>, transpose_lhs_hint = false} : vector<4000x128xbf16>, vector<128x128xbf16>, vector<4000x128xf32> -> vector<4000x128xf32>
    %get3A_74 = arith.constant 0 : index
    %get3A_75 = arith.constant 0 : index
    %get3A_76 = vector.load %arg12[%get3A_74, %get3A_75] : memref<128x128xbf16, #tpu.memory_space<vmem>>, vector<128x128xbf16>
    %dot_general3A_77 = arith.constant dense<0.000000e+00> : vector<4000x128xf32>
    %dot_general3A_78 = tpu.matmul %convert_element_type3A_56, %get3A_76, %dot_general3A_77 {dimension_numbers = #tpu.dot_dimension_numbers<[1], [0], [0], [1], [0, 0, 1, 1], [], []>, transpose_lhs_hint = false} : vector<4000x128xbf16>, vector<128x128xbf16>, vector<4000x128xf32> -> vector<4000x128xf32>
    %mul3A_79 = vector.broadcast %rsqrt3A : vector<4000x1xf32> to vector<4000x128xf32>
    %mul3A_80 = arith.mulf %dot_general3A_68, %mul3A_79 : vector<4000x128xf32>
    %mul3A_81 = arith.mulf %div3A_39, %rsqrt3A : vector<4000x1xf32>
    %mul3A_82 = vector.broadcast %mul3A_81 : vector<4000x1xf32> to vector<4000x128xf32>
    %mul3A_83 = arith.mulf %mul3A_82, %dot_general3A_73 : vector<4000x128xf32>
    %sub3A_84 = arith.subf %mul3A_80, %mul3A_83 : vector<4000x128xf32>
    %add3A_85 = arith.addf %sub3A_84, %dot_general3A_78 : vector<4000x128xf32>
    %get3A_86 = arith.constant 0 : index
    %get3A_87 = arith.constant 0 : index
    %get3A_88 = vector.load %arg13[%get3A_86, %get3A_87] : memref<1x128xf32, #tpu.memory_space<vmem>>, vector<1x128xf32>
    %add3A_89 = vector.broadcast %get3A_88 : vector<1x128xf32> to vector<4000x128xf32>
    %add3A_90 = arith.addf %add3A_85, %add3A_89 : vector<4000x128xf32>
    %swap3A = arith.constant 0 : index
    %swap3A_91 = arith.constant 0 : index
    %swap3A_92 = vector.load %arg14[%swap3A, %swap3A_91] : memref<4000x128xf32, #tpu.memory_space<vmem>>, vector<4000x128xf32>
    tpu.vector_store %arg14[%swap3A, %swap3A_91], %add3A_90 {strides = array<i32>} : memref<4000x128xf32, #tpu.memory_space<vmem>>, vector<4000x128xf32>,
    return
  }
  func.func @transform_0(%arg0: i32) -> (i32, i32) {
    %add3A = arith.constant 24 : i32
    %add3A_0 = arith.addi %arg0, %add3A : i32
    %c0_i32 = arith.constant 0 : i32
    %c0_i32_1 = arith.constant 0 : i32
    return %add3A_0, %c0_i32 : i32, i32
  }
  func.func @transform_1(%arg0: i32) -> (i32, i32) {
    %c0_i32 = arith.constant 0 : i32
    %c0_i32_0 = arith.constant 0 : i32
    return %arg0, %c0_i32 : i32, i32
  }
  func.func @transform_2(%arg0: i32) -> (i32, i32) {
    %c0_i32 = arith.constant 0 : i32
    %c0_i32_0 = arith.constant 0 : i32
    %c0_i32_1 = arith.constant 0 : i32
    return %c0_i32, %c0_i32_0 : i32, i32
  }
  func.func @transform_3(%arg0: i32) -> (i32, i32) {
    %c0_i32 = arith.constant 0 : i32
    %c0_i32_0 = arith.constant 0 : i32
    %c0_i32_1 = arith.constant 0 : i32
    return %c0_i32, %c0_i32_0 : i32, i32
  }
  func.func @transform_4(%arg0: i32) -> (i32, i32) {
    %c0_i32 = arith.constant 0 : i32
    %c0_i32_0 = arith.constant 0 : i32
    %c0_i32_1 = arith.constant 0 : i32
    return %c0_i32, %c0_i32_0 : i32, i32
  }
  func.func @transform_5(%arg0: i32) -> (i32, i32) {
    %c0_i32 = arith.constant 0 : i32
    %c0_i32_0 = arith.constant 0 : i32
    %c0_i32_1 = arith.constant 0 : i32
    return %c0_i32, %c0_i32_0 : i32, i32
  }
  func.func @transform_6(%arg0: i32) -> (i32, i32) {
    %c0_i32 = arith.constant 0 : i32
    %c0_i32_0 = arith.constant 0 : i32
    %c0_i32_1 = arith.constant 0 : i32
    return %c0_i32, %c0_i32_0 : i32, i32
  }
  func.func @transform_7(%arg0: i32) -> (i32, i32) {
    %c0_i32 = arith.constant 0 : i32
    %c0_i32_0 = arith.constant 0 : i32
    %c0_i32_1 = arith.constant 0 : i32
    return %c0_i32, %c0_i32_0 : i32, i32
  }
  func.func @transform_8(%arg0: i32) -> (i32, i32) {
    %c0_i32 = arith.constant 0 : i32
    %c0_i32_0 = arith.constant 0 : i32
    %c0_i32_1 = arith.constant 0 : i32
    return %c0_i32, %c0_i32_0 : i32, i32
  }
  func.func @transform_9(%arg0: i32) -> (i32, i32) {
    %c0_i32 = arith.constant 0 : i32
    %c0_i32_0 = arith.constant 0 : i32
    %c0_i32_1 = arith.constant 0 : i32
    return %c0_i32, %c0_i32_0 : i32, i32
  }
  func.func @transform_10(%arg0: i32) -> (i32, i32) {
    %c0_i32 = arith.constant 0 : i32
    %c0_i32_0 = arith.constant 0 : i32
    %c0_i32_1 = arith.constant 0 : i32
    return %c0_i32, %c0_i32_0 : i32, i32
  }
  func.func @transform_11(%arg0: i32) -> (i32, i32) {
    %c0_i32 = arith.constant 0 : i32
    %c0_i32_0 = arith.constant 0 : i32
    %c0_i32_1 = arith.constant 0 : i32
    return %c0_i32, %c0_i32_0 : i32, i32
  }
  func.func @transform_12(%arg0: i32) -> (i32, i32) {
    %c0_i32 = arith.constant 0 : i32
    %c0_i32_0 = arith.constant 0 : i32
    %c0_i32_1 = arith.constant 0 : i32
    return %c0_i32, %c0_i32_0 : i32, i32
  }
  func.func @transform_13(%arg0: i32) -> (i32, i32) {
    %c0_i32 = arith.constant 0 : i32
    %c0_i32_0 = arith.constant 0 : i32
    return %arg0, %c0_i32 : i32, i32
  }
}

module attributes {stable_mosaic.version = 14 : i64} {
  func.func @_mlp_body(%arg0: i32, %arg1: memref<4000x16xf32, #tpu.memory_space<vmem>>, %arg2: memref<4000x128xf32, #tpu.memory_space<vmem>>, %arg3: memref<16x128xbf16, #tpu.memory_space<vmem>>, %arg4: memref<1x128xf32, #tpu.memory_space<vmem>>, %arg5: memref<128x128xbf16, #tpu.memory_space<vmem>>, %arg6: memref<1x128xf32, #tpu.memory_space<vmem>>, %arg7: memref<128x1024xbf16, #tpu.memory_space<vmem>>, %arg8: memref<1x1024xf32, #tpu.memory_space<vmem>>, %arg9: memref<128x1024xbf16, #tpu.memory_space<vmem>>, %arg10: memref<1024x128xbf16, #tpu.memory_space<vmem>>, %arg11: memref<128x128xbf16, #tpu.memory_space<vmem>>, %arg12: memref<128x128xbf16, #tpu.memory_space<vmem>>, %arg13: memref<1x128xf32, #tpu.memory_space<vmem>>, %arg14: memref<4000x128xf32, #tpu.memory_space<vmem>>) attributes {dimension_semantics = [#tpu.dimension_semantics<arbitrary>], iteration_bounds = array<i64: 8>, scalar_prefetch = 0 : i64, scratch_operands = 0 : i64, tpu.core_type = #tpu.core_type<tc>, window_params = [{transform_indices = @transform_0, window_bounds = array<i64: 4000, 16>}, {transform_indices = @transform_1, window_bounds = array<i64: 4000, 128>}, {pipeline_mode = #tpu.pipeline_mode<synchronous>, transform_indices = @transform_2, window_bounds = array<i64: 16, 128>}, {pipeline_mode = #tpu.pipeline_mode<synchronous>, transform_indices = @transform_3, window_bounds = array<i64: 1, 128>}, {pipeline_mode = #tpu.pipeline_mode<synchronous>, transform_indices = @transform_4, window_bounds = array<i64: 128, 128>}, {pipeline_mode = #tpu.pipeline_mode<synchronous>, transform_indices = @transform_5, window_bounds = array<i64: 1, 128>}, {pipeline_mode = #tpu.pipeline_mode<synchronous>, transform_indices = @transform_6, window_bounds = array<i64: 128, 1024>}, {pipeline_mode = #tpu.pipeline_mode<synchronous>, transform_indices = @transform_7, window_bounds = array<i64: 1, 1024>}, {pipeline_mode = #tpu.pipeline_mode<synchronous>, transform_indices = @transform_8, window_bounds = array<i64: 128, 1024>}, {pipeline_mode = #tpu.pipeline_mode<synchronous>, transform_indices = @transform_9, window_bounds = array<i64: 1024, 128>}, {pipeline_mode = #tpu.pipeline_mode<synchronous>, transform_indices = @transform_10, window_bounds = array<i64: 128, 128>}, {pipeline_mode = #tpu.pipeline_mode<synchronous>, transform_indices = @transform_11, window_bounds = array<i64: 128, 128>}, {pipeline_mode = #tpu.pipeline_mode<synchronous>, transform_indices = @transform_12, window_bounds = array<i64: 1, 128>}, {transform_indices = @transform_13, window_bounds = array<i64: 4000, 128>}]} {
    %get3A = arith.constant 0 : index
    %get3A_0 = arith.constant 0 : index
    %get3A_1 = vector.load %arg1[%get3A, %get3A_0] : memref<4000x16xf32, #tpu.memory_space<vmem>>, vector<4000x16xf32>
    %convert_element_type3A = arith.truncf %get3A_1 : vector<4000x16xf32> to vector<4000x16xbf16>
    %get3A_2 = arith.constant 0 : index
    %get3A_3 = arith.constant 0 : index
    %get3A_4 = vector.load %arg3[%get3A_2, %get3A_3] : memref<16x128xbf16, #tpu.memory_space<vmem>>, vector<16x128xbf16>
    %dot_general3A = arith.constant dense<0.000000e+00> : vector<4000x128xf32>
    %dot_general3A_5 = tpu.matmul %convert_element_type3A, %get3A_4, %dot_general3A {dimension_numbers = #tpu.dot_dimension_numbers<[1], [0], [0], [1], [0, 0, 1, 1], [], []>, transpose_lhs_hint = false} : vector<4000x16xbf16>, vector<16x128xbf16>, vector<4000x128xf32> -> vector<4000x128xf32>
    %get3A_6 = arith.constant 0 : index
    %get3A_7 = arith.constant 0 : index
    %get3A_8 = vector.load %arg4[%get3A_6, %get3A_7] : memref<1x128xf32, #tpu.memory_space<vmem>>, vector<1x128xf32>
    %add3A = vector.broadcast %get3A_8 : vector<1x128xf32> to vector<4000x128xf32>
    %add3A_9 = arith.addf %dot_general3A_5, %add3A : vector<4000x128xf32>
    %max3A = arith.constant 0.000000e+00 : f32
    %max3A_10 = vector.broadcast %max3A : f32 to vector<4000x128xf32>
    %max3A_11 = arith.maximumf %add3A_9, %max3A_10 : vector<4000x128xf32>
    %convert_element_type3A_12 = arith.truncf %max3A_11 : vector<4000x128xf32> to vector<4000x128xbf16>
    %get3A_13 = arith.constant 0 : index
    %get3A_14 = arith.constant 0 : index
    %get3A_15 = vector.load %arg5[%get3A_13, %get3A_14] : memref<128x128xbf16, #tpu.memory_space<vmem>>, vector<128x128xbf16>
    %dot_general3A_16 = arith.constant dense<0.000000e+00> : vector<4000x128xf32>
    %dot_general3A_17 = tpu.matmul %convert_element_type3A_12, %get3A_15, %dot_general3A_16 {dimension_numbers = #tpu.dot_dimension_numbers<[1], [0], [0], [1], [0, 0, 1, 1], [], []>, transpose_lhs_hint = false} : vector<4000x128xbf16>, vector<128x128xbf16>, vector<4000x128xf32> -> vector<4000x128xf32>
    %get3A_18 = arith.constant 0 : index
    %get3A_19 = arith.constant 0 : index
    %get3A_20 = vector.load %arg6[%get3A_18, %get3A_19] : memref<1x128xf32, #tpu.memory_space<vmem>>, vector<1x128xf32>
    %add3A_21 = vector.broadcast %get3A_20 : vector<1x128xf32> to vector<4000x128xf32>
    %add3A_22 = arith.addf %dot_general3A_17, %add3A_21 : vector<4000x128xf32>
    %max3A_23 = arith.constant 0.000000e+00 : f32
    %max3A_24 = vector.broadcast %max3A_23 : f32 to vector<4000x128xf32>
    %max3A_25 = arith.maximumf %add3A_22, %max3A_24 : vector<4000x128xf32>
    %convert_element_type3A_26 = arith.truncf %max3A_25 : vector<4000x128xf32> to vector<4000x128xbf16>
    %get3A_27 = arith.constant 0 : index
    %get3A_28 = arith.constant 0 : index
    %get3A_29 = vector.load %arg7[%get3A_27, %get3A_28] : memref<128x1024xbf16, #tpu.memory_space<vmem>>, vector<128x1024xbf16>
    %dot_general3A_30 = arith.constant dense<0.000000e+00> : vector<4000x1024xf32>
    %dot_general3A_31 = tpu.matmul %convert_element_type3A_26, %get3A_29, %dot_general3A_30 {dimension_numbers = #tpu.dot_dimension_numbers<[1], [0], [0], [1], [0, 0, 1, 1], [], []>, transpose_lhs_hint = false} : vector<4000x128xbf16>, vector<128x1024xbf16>, vector<4000x1024xf32> -> vector<4000x1024xf32>
    %get3A_32 = arith.constant 0 : index
    %get3A_33 = arith.constant 0 : index
    %get3A_34 = vector.load %arg8[%get3A_32, %get3A_33] : memref<1x1024xf32, #tpu.memory_space<vmem>>, vector<1x1024xf32>
    %add3A_35 = vector.broadcast %get3A_34 : vector<1x1024xf32> to vector<4000x1024xf32>
    %add3A_36 = arith.addf %dot_general3A_31, %add3A_35 : vector<4000x1024xf32>
    %reduce_sum3A = arith.constant dense<0.000000e+00> : vector<4000xf32>
    %reduce_sum3A_37 = vector.multi_reduction <add>, %add3A_36, %reduce_sum3A [1] : vector<4000x1024xf32> to vector<4000xf32>
    %broadcast_in_dim3A = vector.shape_cast %reduce_sum3A_37 : vector<4000xf32> to vector<4000x1xf32>
    %div3A = arith.constant 1.024000e+03 : f32
    %div3A_38 = vector.broadcast %div3A : f32 to vector<4000x1xf32>
    %div3A_39 = arith.divf %broadcast_in_dim3A, %div3A_38 : vector<4000x1xf32>
    %mul3A = arith.mulf %add3A_36, %add3A_36 : vector<4000x1024xf32>
    %reduce_sum3A_40 = arith.constant dense<0.000000e+00> : vector<4000xf32>
    %reduce_sum3A_41 = vector.multi_reduction <add>, %mul3A, %reduce_sum3A_40 [1] : vector<4000x1024xf32> to vector<4000xf32>
    %broadcast_in_dim3A_42 = vector.shape_cast %reduce_sum3A_41 : vector<4000xf32> to vector<4000x1xf32>
    %div3A_43 = arith.constant 1.024000e+03 : f32
    %div3A_44 = vector.broadcast %div3A_43 : f32 to vector<4000x1xf32>
    %div3A_45 = arith.divf %broadcast_in_dim3A_42, %div3A_44 : vector<4000x1xf32>
    %mul3A_46 = arith.mulf %div3A_39, %div3A_39 : vector<4000x1xf32>
    %sub3A = arith.subf %div3A_45, %mul3A_46 : vector<4000x1xf32>
    %max3A_47 = arith.constant 0.000000e+00 : f32
    %max3A_48 = vector.broadcast %max3A_47 : f32 to vector<4000x1xf32>
    %max3A_49 = arith.maximumf %sub3A, %max3A_48 : vector<4000x1xf32>
    %add3A_50 = arith.constant 9.99999974E-6 : f32
    %add3A_51 = vector.broadcast %add3A_50 : f32 to vector<4000x1xf32>
    %add3A_52 = arith.addf %max3A_49, %add3A_51 : vector<4000x1xf32>
    %rsqrt3A = math.rsqrt %add3A_52 : vector<4000x1xf32>
    %get3A_53 = arith.constant 0 : index
    %get3A_54 = arith.constant 0 : index
    %get3A_55 = vector.load %arg2[%get3A_53, %get3A_54] : memref<4000x128xf32, #tpu.memory_space<vmem>>, vector<4000x128xf32>
    %convert_element_type3A_56 = arith.truncf %get3A_55 : vector<4000x128xf32> to vector<4000x128xbf16>
    %get3A_57 = arith.constant 0 : index
    %get3A_58 = arith.constant 0 : index
    %get3A_59 = vector.load %arg9[%get3A_57, %get3A_58] : memref<128x1024xbf16, #tpu.memory_space<vmem>>, vector<128x1024xbf16>
    %dot_general3A_60 = arith.constant dense<0.000000e+00> : vector<4000x1024xf32>
    %dot_general3A_61 = tpu.matmul %convert_element_type3A_56, %get3A_59, %dot_general3A_60 {dimension_numbers = #tpu.dot_dimension_numbers<[1], [0], [0], [1], [0, 0, 1, 1], [], []>, transpose_lhs_hint = false} : vector<4000x128xbf16>, vector<128x1024xbf16>, vector<4000x1024xf32> -> vector<4000x1024xf32>
    %mul3A_62 = arith.mulf %add3A_36, %dot_general3A_61 : vector<4000x1024xf32>
    %convert_element_type3A_63 = arith.truncf %mul3A_62 : vector<4000x1024xf32> to vector<4000x1024xbf16>
    %get3A_64 = arith.constant 0 : index
    %get3A_65 = arith.constant 0 : index
    %get3A_66 = vector.load %arg10[%get3A_64, %get3A_65] : memref<1024x128xbf16, #tpu.memory_space<vmem>>, vector<1024x128xbf16>
    %dot_general3A_67 = arith.constant dense<0.000000e+00> : vector<4000x128xf32>
    %dot_general3A_68 = tpu.matmul %convert_element_type3A_63, %get3A_66, %dot_general3A_67 {dimension_numbers = #tpu.dot_dimension_numbers<[1], [0], [0], [1], [0, 0, 1, 1], [], []>, transpose_lhs_hint = false} : vector<4000x1024xbf16>, vector<1024x128xbf16>, vector<4000x128xf32> -> vector<4000x128xf32>
    %get3A_69 = arith.constant 0 : index
    %get3A_70 = arith.constant 0 : index
    %get3A_71 = vector.load %arg11[%get3A_69, %get3A_70] : memref<128x128xbf16, #tpu.memory_space<vmem>>, vector<128x128xbf16>
    %dot_general3A_72 = arith.constant dense<0.000000e+00> : vector<4000x128xf32>
    %dot_general3A_73 = tpu.matmul %convert_element_type3A_56, %get3A_71, %dot_general3A_72 {dimension_numbers = #tpu.dot_dimension_numbers<[1], [0], [0], [1], [0, 0, 1, 1], [], []>, transpose_lhs_hint = false} : vector<4000x128xbf16>, vector<128x128xbf16>, vector<4000x128xf32> -> vector<4000x128xf32>
    %get3A_74 = arith.constant 0 : index
    %get3A_75 = arith.constant 0 : index
    %get3A_76 = vector.load %arg12[%get3A_74, %get3A_75] : memref<128x128xbf16, #tpu.memory_space<vmem>>, vector<128x128xbf16>
    %dot_general3A_77 = arith.constant dense<0.000000e+00> : vector<4000x128xf32>
    %dot_general3A_78 = tpu.matmul %convert_element_type3A_56, %get3A_76, %dot_general3A_77 {dimension_numbers = #tpu.dot_dimension_numbers<[1], [0], [0], [1], [0, 0, 1, 1], [], []>, transpose_lhs_hint = false} : vector<4000x128xbf16>, vector<128x128xbf16>, vector<4000x128xf32> -> vector<4000x128xf32>
    %mul3A_79 = vector.broadcast %rsqrt3A : vector<4000x1xf32> to vector<4000x128xf32>
    %mul3A_80 = arith.mulf %dot_general3A_68, %mul3A_79 : vector<4000x128xf32>
    %mul3A_81 = arith.mulf %div3A_39, %rsqrt3A : vector<4000x1xf32>
    %mul3A_82 = vector.broadcast %mul3A_81 : vector<4000x1xf32> to vector<4000x128xf32>
    %mul3A_83 = arith.mulf %mul3A_82, %dot_general3A_73 : vector<4000x128xf32>
    %sub3A_84 = arith.subf %mul3A_80, %mul3A_83 : vector<4000x128xf32>
    %add3A_85 = arith.addf %sub3A_84, %dot_general3A_78 : vector<4000x128xf32>
    %get3A_86 = arith.constant 0 : index
    %get3A_87 = arith.constant 0 : index
    %get3A_88 = vector.load %arg13[%get3A_86, %get3A_87] : memref<1x128xf32, #tpu.memory_space<vmem>>, vector<1x128xf32>
    %add3A_89 = vector.broadcast %get3A_88 : vector<1x128xf32> to vector<4000x128xf32>
    %add3A_90 = arith.addf %add3A_85, %add3A_89 : vector<4000x128xf32>
    %swap3A = arith.constant 0 : index
    %swap3A_91 = arith.constant 0 : index
    %swap3A_92 = vector.load %arg14[%swap3A, %swap3A_91] : memref<4000x128xf32, #tpu.memory_space<vmem>>, vector<4000x128xf32>
    tpu.vector_store %arg14[%swap3A, %swap3A_91], %add3A_90 {strides = array<i32>} : memref<4000x128xf32, #tpu.memory_space<vmem>>, vector<4000x128xf32>,
    return
  }
  func.func @transform_0(%arg0: i32) -> (i32, i32) {
    %add3A = arith.constant 32 : i32
    %add3A_0 = arith.addi %arg0, %add3A : i32
    %c0_i32 = arith.constant 0 : i32
    %c0_i32_1 = arith.constant 0 : i32
    return %add3A_0, %c0_i32 : i32, i32
  }
  func.func @transform_1(%arg0: i32) -> (i32, i32) {
    %c0_i32 = arith.constant 0 : i32
    %c0_i32_0 = arith.constant 0 : i32
    return %arg0, %c0_i32 : i32, i32
  }
  func.func @transform_2(%arg0: i32) -> (i32, i32) {
    %c0_i32 = arith.constant 0 : i32
    %c0_i32_0 = arith.constant 0 : i32
    %c0_i32_1 = arith.constant 0 : i32
    return %c0_i32, %c0_i32_0 : i32, i32
  }
  func.func @transform_3(%arg0: i32) -> (i32, i32) {
    %c0_i32 = arith.constant 0 : i32
    %c0_i32_0 = arith.constant 0 : i32
    %c0_i32_1 = arith.constant 0 : i32
    return %c0_i32, %c0_i32_0 : i32, i32
  }
  func.func @transform_4(%arg0: i32) -> (i32, i32) {
    %c0_i32 = arith.constant 0 : i32
    %c0_i32_0 = arith.constant 0 : i32
    %c0_i32_1 = arith.constant 0 : i32
    return %c0_i32, %c0_i32_0 : i32, i32
  }
  func.func @transform_5(%arg0: i32) -> (i32, i32) {
    %c0_i32 = arith.constant 0 : i32
    %c0_i32_0 = arith.constant 0 : i32
    %c0_i32_1 = arith.constant 0 : i32
    return %c0_i32, %c0_i32_0 : i32, i32
  }
  func.func @transform_6(%arg0: i32) -> (i32, i32) {
    %c0_i32 = arith.constant 0 : i32
    %c0_i32_0 = arith.constant 0 : i32
    %c0_i32_1 = arith.constant 0 : i32
    return %c0_i32, %c0_i32_0 : i32, i32
  }
  func.func @transform_7(%arg0: i32) -> (i32, i32) {
    %c0_i32 = arith.constant 0 : i32
    %c0_i32_0 = arith.constant 0 : i32
    %c0_i32_1 = arith.constant 0 : i32
    return %c0_i32, %c0_i32_0 : i32, i32
  }
  func.func @transform_8(%arg0: i32) -> (i32, i32) {
    %c0_i32 = arith.constant 0 : i32
    %c0_i32_0 = arith.constant 0 : i32
    %c0_i32_1 = arith.constant 0 : i32
    return %c0_i32, %c0_i32_0 : i32, i32
  }
  func.func @transform_9(%arg0: i32) -> (i32, i32) {
    %c0_i32 = arith.constant 0 : i32
    %c0_i32_0 = arith.constant 0 : i32
    %c0_i32_1 = arith.constant 0 : i32
    return %c0_i32, %c0_i32_0 : i32, i32
  }
  func.func @transform_10(%arg0: i32) -> (i32, i32) {
    %c0_i32 = arith.constant 0 : i32
    %c0_i32_0 = arith.constant 0 : i32
    %c0_i32_1 = arith.constant 0 : i32
    return %c0_i32, %c0_i32_0 : i32, i32
  }
  func.func @transform_11(%arg0: i32) -> (i32, i32) {
    %c0_i32 = arith.constant 0 : i32
    %c0_i32_0 = arith.constant 0 : i32
    %c0_i32_1 = arith.constant 0 : i32
    return %c0_i32, %c0_i32_0 : i32, i32
  }
  func.func @transform_12(%arg0: i32) -> (i32, i32) {
    %c0_i32 = arith.constant 0 : i32
    %c0_i32_0 = arith.constant 0 : i32
    %c0_i32_1 = arith.constant 0 : i32
    return %c0_i32, %c0_i32_0 : i32, i32
  }
  func.func @transform_13(%arg0: i32) -> (i32, i32) {
    %c0_i32 = arith.constant 0 : i32
    %c0_i32_0 = arith.constant 0 : i32
    return %arg0, %c0_i32 : i32, i32
  }
}

module attributes {stable_mosaic.version = 14 : i64} {
  func.func @_finish_body(%arg0: i32, %arg1: memref<10000x32xf32, #tpu.memory_space<vmem>>, %arg2: memref<2x10000x128xf32, #tpu.memory_space<vmem>>, %arg3: memref<32x32xf32, #tpu.memory_space<vmem>>, %arg4: memref<1x32xf32, #tpu.memory_space<vmem>>, %arg5: memref<1x32xf32, #tpu.memory_space<vmem>>, %arg6: memref<1x32xf32, #tpu.memory_space<vmem>>, %arg7: memref<10000x32xf32, #tpu.memory_space<vmem>>) attributes {dimension_semantics = [#tpu.dimension_semantics<arbitrary>], iteration_bounds = array<i64: 1>, scalar_prefetch = 0 : i64, scratch_operands = 0 : i64, tpu.core_type = #tpu.core_type<tc>, window_params = [{pipeline_mode = #tpu.pipeline_mode<synchronous>, transform_indices = @transform_0, window_bounds = array<i64: 10000, 32>}, {pipeline_mode = #tpu.pipeline_mode<synchronous>, transform_indices = @transform_1, window_bounds = array<i64: 2, 10000, 128>}, {pipeline_mode = #tpu.pipeline_mode<synchronous>, transform_indices = @transform_2, window_bounds = array<i64: 32, 32>}, {pipeline_mode = #tpu.pipeline_mode<synchronous>, transform_indices = @transform_3, window_bounds = array<i64: 1, 32>}, {pipeline_mode = #tpu.pipeline_mode<synchronous>, transform_indices = @transform_4, window_bounds = array<i64: 1, 32>}, {pipeline_mode = #tpu.pipeline_mode<synchronous>, transform_indices = @transform_5, window_bounds = array<i64: 1, 32>}, {pipeline_mode = #tpu.pipeline_mode<synchronous>, transform_indices = @transform_6, window_bounds = array<i64: 10000, 32>}]} {
    %get3A = arith.constant 0 : index
    %get3A_0 = arith.constant 0 : index
    %get3A_1 = arith.constant 0 : index
    %get3A_2 = vector.load %arg2[%get3A, %get3A_0, %get3A_1] : memref<2x10000x128xf32, #tpu.memory_space<vmem>>, vector<1x10000x128xf32>
    %get3A_3 = vector.shape_cast %get3A_2 : vector<1x10000x128xf32> to vector<10000x128xf32>
    %get3A_4 = arith.constant 1 : index
    %get3A_5 = arith.constant 0 : index
    %get3A_6 = arith.constant 0 : index
    %get3A_7 = vector.load %arg2[%get3A_4, %get3A_5, %get3A_6] : memref<2x10000x128xf32, #tpu.memory_space<vmem>>, vector<1x10000x128xf32>
    %get3A_8 = vector.shape_cast %get3A_7 : vector<1x10000x128xf32> to vector<10000x128xf32>
    %add3A = arith.addf %get3A_3, %get3A_8 : vector<10000x128xf32>
    %slice3A = vector.extract_strided_slice %add3A {offsets = [0, 0], sizes = [10000, 32], strides = [1, 1]} : vector<10000x128xf32> to vector<10000x32xf32>
    %slice3A_9 = vector.extract_strided_slice %add3A {offsets = [0, 32], sizes = [10000, 1], strides = [1, 1]} : vector<10000x128xf32> to vector<10000x1xf32>
    %max3A = arith.constant 1.000000e+00 : f32
    %max3A_10 = vector.broadcast %max3A : f32 to vector<10000x1xf32>
    %max3A_11 = arith.maximumf %slice3A_9, %max3A_10 : vector<10000x1xf32>
    %div3A = vector.broadcast %max3A_11 : vector<10000x1xf32> to vector<10000x32xf32>
    %div3A_12 = arith.divf %slice3A, %div3A : vector<10000x32xf32>
    %get3A_13 = arith.constant 0 : index
    %get3A_14 = arith.constant 0 : index
    %get3A_15 = vector.load %arg1[%get3A_13, %get3A_14] : memref<10000x32xf32, #tpu.memory_space<vmem>>, vector<10000x32xf32>
    %get3A_16 = arith.constant 0 : index
    %get3A_17 = arith.constant 0 : index
    %get3A_18 = vector.load %arg3[%get3A_16, %get3A_17] : memref<32x32xf32, #tpu.memory_space<vmem>>, vector<32x32xf32>
    %dot_general3A = arith.constant dense<0.000000e+00> : vector<10000x32xf32>
    %dot_general3A_19 = tpu.matmul %get3A_15, %get3A_18, %dot_general3A {dimension_numbers = #tpu.dot_dimension_numbers<[1], [0], [0], [1], [0, 0, 1, 1], [], []>, transpose_lhs_hint = false} : vector<10000x32xf32>, vector<32x32xf32>, vector<10000x32xf32> -> vector<10000x32xf32>
    %add3A_20 = arith.addf %div3A_12, %dot_general3A_19 : vector<10000x32xf32>
    %get3A_21 = arith.constant 0 : index
    %get3A_22 = arith.constant 0 : index
    %get3A_23 = vector.load %arg4[%get3A_21, %get3A_22] : memref<1x32xf32, #tpu.memory_space<vmem>>, vector<1x32xf32>
    %add3A_24 = vector.broadcast %get3A_23 : vector<1x32xf32> to vector<10000x32xf32>
    %add3A_25 = arith.addf %add3A_20, %add3A_24 : vector<10000x32xf32>
    %max3A_26 = arith.constant 0.000000e+00 : f32
    %max3A_27 = vector.broadcast %max3A_26 : f32 to vector<10000x32xf32>
    %max3A_28 = arith.maximumf %add3A_25, %max3A_27 : vector<10000x32xf32>
    %reduce_sum3A = vector.shape_cast %max3A_28 : vector<10000x32xf32> to vector<1x10000x32xf32>
    %reduce_sum3A_29 = arith.constant dense<0.000000e+00> : vector<1xf32>
    %reduce_sum3A_30 = vector.multi_reduction <add>, %reduce_sum3A, %reduce_sum3A_29 [1, 2] : vector<1x10000x32xf32> to vector<1xf32>
    %reduce_sum3A_31 = vector.shape_cast %reduce_sum3A_30 : vector<1xf32> to vector<1x1x1xf32>
    %reduce_sum3A_32 = vector.extract %reduce_sum3A_31[0, 0, 0] : f32 from vector<1x1x1xf32>
    %div3A_33 = arith.constant 3.200000e+05 : f32
    %div3A_34 = arith.divf %reduce_sum3A_32, %div3A_33 : f32
    %sub3A = vector.broadcast %div3A_34 : f32 to vector<10000x32xf32>
    %sub3A_35 = arith.subf %max3A_28, %sub3A : vector<10000x32xf32>
    %mul3A = arith.mulf %sub3A_35, %sub3A_35 : vector<10000x32xf32>
    %reduce_sum3A_36 = vector.shape_cast %mul3A : vector<10000x32xf32> to vector<1x10000x32xf32>
    %reduce_sum3A_37 = arith.constant dense<0.000000e+00> : vector<1xf32>
    %reduce_sum3A_38 = vector.multi_reduction <add>, %reduce_sum3A_36, %reduce_sum3A_37 [1, 2] : vector<1x10000x32xf32> to vector<1xf32>
    %reduce_sum3A_39 = vector.shape_cast %reduce_sum3A_38 : vector<1xf32> to vector<1x1x1xf32>
    %reduce_sum3A_40 = vector.extract %reduce_sum3A_39[0, 0, 0] : f32 from vector<1x1x1xf32>
    %div3A_41 = arith.constant 3.200000e+05 : f32
    %div3A_42 = arith.divf %reduce_sum3A_40, %div3A_41 : f32
    %get3A_43 = arith.constant 0 : index
    %get3A_44 = arith.constant 0 : index
    %get3A_45 = vector.load %arg1[%get3A_43, %get3A_44] : memref<10000x32xf32, #tpu.memory_space<vmem>>, vector<10000x32xf32>
    %add3A_46 = arith.constant 9.99999974E-6 : f32
    %add3A_47 = arith.addf %div3A_42, %add3A_46 : f32
    %rsqrt3A = math.rsqrt %add3A_47 : f32
    %mul3A_48 = vector.broadcast %rsqrt3A : f32 to vector<10000x32xf32>
    %mul3A_49 = arith.mulf %sub3A_35, %mul3A_48 : vector<10000x32xf32>
    %get3A_50 = arith.constant 0 : index
    %get3A_51 = arith.constant 0 : index
    %get3A_52 = vector.load %arg5[%get3A_50, %get3A_51] : memref<1x32xf32, #tpu.memory_space<vmem>>, vector<1x32xf32>
    %mul3A_53 = vector.broadcast %get3A_52 : vector<1x32xf32> to vector<10000x32xf32>
    %mul3A_54 = arith.mulf %mul3A_49, %mul3A_53 : vector<10000x32xf32>
    %add3A_55 = arith.addf %get3A_45, %mul3A_54 : vector<10000x32xf32>
    %get3A_56 = arith.constant 0 : index
    %get3A_57 = arith.constant 0 : index
    %get3A_58 = vector.load %arg6[%get3A_56, %get3A_57] : memref<1x32xf32, #tpu.memory_space<vmem>>, vector<1x32xf32>
    %add3A_59 = vector.broadcast %get3A_58 : vector<1x32xf32> to vector<10000x32xf32>
    %add3A_60 = arith.addf %add3A_55, %add3A_59 : vector<10000x32xf32>
    %swap3A = arith.constant 0 : index
    %swap3A_61 = arith.constant 0 : index
    %swap3A_62 = vector.load %arg7[%swap3A, %swap3A_61] : memref<10000x32xf32, #tpu.memory_space<vmem>>, vector<10000x32xf32>
    tpu.vector_store %arg7[%swap3A, %swap3A_61], %add3A_60 {strides = array<i32>} : memref<10000x32xf32, #tpu.memory_space<vmem>>, vector<10000x32xf32>,
    return
  }
  func.func @transform_0(%arg0: i32) -> (i32, i32) {
    %c0_i32 = arith.constant 0 : i32
    %c0_i32_0 = arith.constant 0 : i32
    %c0_i32_1 = arith.constant 0 : i32
    return %c0_i32, %c0_i32_0 : i32, i32
  }
  func.func @transform_1(%arg0: i32) -> (i32, i32, i32) {
    %c0_i32 = arith.constant 0 : i32
    %c0_i32_0 = arith.constant 0 : i32
    %c0_i32_1 = arith.constant 0 : i32
    %c0_i32_2 = arith.constant 0 : i32
    return %c0_i32, %c0_i32_0, %c0_i32_1 : i32, i32, i32
  }
  func.func @transform_2(%arg0: i32) -> (i32, i32) {
    %c0_i32 = arith.constant 0 : i32
    %c0_i32_0 = arith.constant 0 : i32
    %c0_i32_1 = arith.constant 0 : i32
    return %c0_i32, %c0_i32_0 : i32, i32
  }
  func.func @transform_3(%arg0: i32) -> (i32, i32) {
    %c0_i32 = arith.constant 0 : i32
    %c0_i32_0 = arith.constant 0 : i32
    %c0_i32_1 = arith.constant 0 : i32
    return %c0_i32, %c0_i32_0 : i32, i32
  }
  func.func @transform_4(%arg0: i32) -> (i32, i32) {
    %c0_i32 = arith.constant 0 : i32
    %c0_i32_0 = arith.constant 0 : i32
    %c0_i32_1 = arith.constant 0 : i32
    return %c0_i32, %c0_i32_0 : i32, i32
  }
  func.func @transform_5(%arg0: i32) -> (i32, i32) {
    %c0_i32 = arith.constant 0 : i32
    %c0_i32_0 = arith.constant 0 : i32
    %c0_i32_1 = arith.constant 0 : i32
    return %c0_i32, %c0_i32_0 : i32, i32
  }
  func.func @transform_6(%arg0: i32) -> (i32, i32) {
    %c0_i32 = arith.constant 0 : i32
    %c0_i32_0 = arith.constant 0 : i32
    %c0_i32_1 = arith.constant 0 : i32
    return %c0_i32, %c0_i32_0 : i32, i32
  }
}

</mosaic_0001>

<sc_bundles>
// kernel: kernel.18.cloned.1.call-start
scs
__scs_entry_jumppad:
0x0: {  	(pc) =	sbr.rel $0x88, $3  }
0x1: {  	(tag) =	ssettag $0x0;
	lr =	simm.s32 $0x1  }
0x2: {  	[smem:$0x3F92] =	sst lr;
	_ =	strace $0xD0000000  }
0x3: {  	_ = 	snop  }
0x4: {  	_ = 	snop  }
0x5: {  	_ = 	snop  }
0x6: {  	_ = 	snop  }
0x7: {  	_ = 	snop  }
__scs_overlays_trampoline_lowered:
0x8: {  	[smem:$0x3FA1] =	sst s0  }
0x9: {  	[smem:$0x3FA2] =	sst s1  }
0xa: {  	[smem:$0x3FA3] =	sst s2  }
0xb: {  	[smem:$0x3FA4] =	sst s3  }
0xc: {  	[smem:$0x3FA5] =	sst s4  }
0xd: {  	[smem:$0x3FA6] =	sst s5  }
0xe: {  	[smem:$0x3FA7] =	sst s6  }
0xf: {  	[smem:$0x3FA8] =	sst s7  }
0x10: {  	[smem:$0x3FA9] =	sst s8  }
0x11: {  	[smem:$0x3FAA] =	sst s9;
	s0 =	simm.s32 @!p0 $0x0  }
0x12: {  	s1 =	sld [smem:$0x3F90];
	s0 =	simm.s32 @p0 $0x1  }
0x13: {  	[smem:$0x3FAB] =	sst s0;
	s0 =	simm.s32 @!p1 $0x0  }
0x14: {  	s2 =	sld [smem:$0x3F8F];
	s0 =	simm.s32 @p1 $0x1  }
0x15: {  	[smem:$0x3FAC] =	sst s0;
	s0 =	simm.s32 @!p2 $0x0  }
0x16: {  	s3 =	sld [smem:$0x3FDB];
	s0 =	simm.s32 @p2 $0x1  }
0x17: {  	s4 =	simm.s32 $0x1BF5;
	[smem:$0x3FAE] =	sst s0  }
0x18: {  	s0 =	sld [smem:$0x3F91];
	_ =	swait.ge [sflag:s4], $0x0  }
0x19: {  	s7 =	sld [smem:$0x3F92]  }
0x1a: {  	s8 =	sadd.s32 $0xFFFFE003, lr  }
0x1b: {  	s9 =	sadd.s32 $0xFFFFFEF7, lr;
	s5 =	simm.s32 $0xFFFFFFFF;
	p2 =	slt.u32 s8, $0xFFFFF086  }
0x1c: {  	p1 =	slt.u32 s9, $0xF7A;
	s5 =	simm.s32 @!p2 $0x0  }
0x1d: {  	s5 =	simm.s32 @p1 $0x1;
	p0 =	seq.s32 s7, s2  }
0x1e: {  	s7 =	smul.u32 @!p0 $0xF7A, s2;
	p2 =	seq.s32 @!p0 s5, $0x0  }
0x1f: {  	s9 =	smul.u32 $0xF7A, s1;
	s8 =	simm.s32 @!p0 $0x1BF5;
	p2 =	por !p2, p0  }
0x20: {  	[sflag:s8] =	ssyncset.s32 @!p0 $0xFFFFF086;
	s6 =	sadd.s32 @!p0 s3, s7;
	s7 =	simm.s32 @!p0 $0x108  }
0x21: {  	s3 =	sadd.s32 s3, s9;
	s6 =	sadd.s32 @!p0 $0x88, s6;
	s7 =	simm.s32 @p2 $0x1082  }
0x22: {  	[simem:s7], [sflag:s8] =	dma.local @!p0 [hbm:s6], $0xF7A  }
0x23: {  	s9 =	sor.u32 $0xD0000000, s2;
	s6 =	simm.s32 $0x108;
	_ =	swait.ge @!p0 [sflag:s8], $0x0  }
0x24: {  	s3 =	sadd.s32 $0x88, s3;
	s6 =	simm.s32 @!p1 $0x1082;
	[sflag:s4] =	ssyncset.s32 $0xFFFFF086  }
0x25: {  	[simem:s6], [sflag:s4] =	dma.local [hbm:s3], $0xF7A  }
0x26: {  	[smem:$0x3F92] =	sst s1;
	(tag) =	ssettag s2;
	_ =	strace s9  }
0x27: {  	s1 =	sld [smem:$0x3FA2]  }
0x28: {  	s2 =	sld [smem:$0x3FA3]  }
0x29: {  	s4 =	sld [smem:$0x3FA5]  }
0x2a: {  	p0 =	seq.s32 s5, $0x0;
	s5 =	sld [smem:$0x3FA6]  }
0x2b: {  	s6 =	sld [smem:$0x3FA7]  }
0x2c: {  	s7 =	sld [smem:$0x3FA8]  }
0x2d: {  	s3 =	simm.s32 $0x108;
	s8 =	sld [smem:$0x3FA9]  }
0x2e: {  	s3 =	simm.s32 @!p0 $0x1082;
	s9 =	sld [smem:$0x3FAA]  }
0x2f: {  	lr =	sadd.s32 s0, s3;
	s0 =	sld [smem:$0x3FA1]  }
0x30: {  	s3 =	sld [smem:$0x3FA4]  }
0x31: {  	[smem:$0x3FAD] =	sst s10  }
0x32: {  	s10 =	sld [smem:$0x3FAB];
	_ =	sdelay $0x3  }
0x33: {  	p0 =	seq.s32 s10, $0x1;
	s10 =	sld [smem:$0x3FAD];
	_ =	sdelay $0x3  }
0x34: {  	[smem:$0x3FAD] =	sst s10  }
0x35: {  	s10 =	sld [smem:$0x3FAC];
	_ =	sdelay $0x3  }
0x36: {  	p1 =	seq.s32 s10, $0x1;
	s10 =	sld [smem:$0x3FAD];
	_ =	sdelay $0x3  }
0x37: {  	[smem:$0x3FAD] =	sst s10  }
0x38: {  	s10 =	sld [smem:$0x3FAE]  }
0x39: {  	_ = 	snop;
	(pc) =	sbr.ind lr, $3  }
0x3a: {  	_ = 	snop  }
0x3b: {  	_ = 	snop  }
0x3c: {  	p2 =	seq.s32 s10, $0x1;
	s10 =	sld [smem:$0x3FAD]  }
0x3d: {  	_ =	shalt  }
0x3e: {  	_ =	shalt  }
0x3f: {  	_ =	shalt  }
0x40: {  	_ =	shalt  }
0x41: {  	_ =	shalt  }
0x42: {  	_ =	shalt  }
0x43: {  	_ =	shalt  }
0x44: {  	_ =	shalt  }
0x45: {  	_ =	shalt  }
0x46: {  	_ =	shalt  }
0x47: {  	_ =	shalt  }
0x48: {  	_ =	shalt  }
0x49: {  	_ =	shalt  }
0x4a: {  	_ =	shalt  }
0x4b: {  	_ =	shalt  }
0x4c: {  	_ =	shalt  }
0x4d: {  	_ =	shalt  }
0x4e: {  	_ =	shalt  }
0x4f: {  	_ =	shalt  }
0x50: {  	_ =	shalt  }
0x51: {  	_ =	shalt  }
0x52: {  	_ =	shalt  }
0x53: {  	_ =	shalt  }
0x54: {  	_ =	shalt  }
0x55: {  	_ =	shalt  }
0x56: {  	_ =	shalt  }
0x57: {  	_ =	shalt  }
0x58: {  	_ =	shalt  }
0x59: {  	_ =	shalt  }
0x5a: {  	_ =	shalt  }
0x5b: {  	_ =	shalt  }
0x5c: {  	_ =	shalt  }
0x5d: {  	_ =	shalt  }
0x5e: {  	_ =	shalt  }
0x5f: {  	_ =	shalt  }
0x60: {  	_ =	shalt  }
0x61: {  	_ =	shalt  }
0x62: {  	_ =	shalt  }
0x63: {  	_ =	shalt  }
0x64: {  	_ =	shalt  }
0x65: {  	_ =	shalt  }
0x66: {  	_ =	shalt  }
0x67: {  	_ =	shalt  }
0x68: {  	_ =	shalt  }
0x69: {  	_ =	shalt  }
0x6a: {  	_ =	shalt  }
0x6b: {  	_ =	shalt  }
0x6c: {  	_ =	shalt  }
0x6d: {  	_ =	shalt  }
0x6e: {  	_ =	shalt  }
0x6f: {  	_ =	shalt  }
0x70: {  	_ =	shalt  }
0x71: {  	_ =	shalt  }
0x72: {  	_ =	shalt  }
0x73: {  	_ =	shalt  }
0x74: {  	_ =	shalt  }
0x75: {  	_ =	shalt  }
0x76: {  	_ =	shalt  }
0x77: {  	_ =	shalt  }
0x78: {  	_ =	shalt  }
0x79: {  	_ =	shalt  }
0x7a: {  	_ =	shalt  }
0x7b: {  	_ =	shalt  }
0x7c: {  	_ =	shalt  }
0x7d: {  	_ =	shalt  }
0x7e: {  	_ =	shalt  }
0x7f: {  	_ =	shalt  }
0x80: {  	_ =	shalt  }
0x81: {  	_ =	shalt  }
0x82: {  	_ =	shalt  }
0x83: {  	_ =	shalt  }
0x84: {  	_ =	shalt  }
0x85: {  	_ =	shalt  }
0x86: {  	_ =	shalt  }
0x87: {  	_ =	shalt  }
.Lfunc_end0:
.L_simem_size_0:
called_computation_lowered:
.L_overlay_start_0:
0x88: {  	s2 =	sld [smem:$0x3FD9]  }
0x89: {  	s3 =	sld [smem:$0x3FFE];
	_ =	sdelay $0x1  }
0x8a: {  	s1 =	srdreg.scid  }
0x8b: {  	s0 =	sand.u32 $0x1, s1  }
0x8c: {  	s16 =	sshll.u32 s0, $0xA;
	s2 =	sadd.s32 s3, s2  }
0x8d: {  	s2 =	sadd.s32 s2, s16  }
0x8e: {  	[smem:$0x3FB9] =	sst s2  }
0x8f: {  	_ = 	snop  }
0x90: {  	(tm) =	ssettm $0x1  }
0x91: {  	s17 =	sld [smem:$0x3FFB];
	_ =	sdelay $0x3  }
0x92: {  	_ =	strace s17  }
0x93: {  	s2 =	sld [smem:$0x3FFC];
	_ =	sdelay $0x3  }
0x94: {  	_ =	strace s2  }
0x95: {  	s2 =	sld [smem:$0x3FFD];
	_ =	sdelay $0x3  }
0x96: {  	_ =	strace s2  }
0x97: {  	_ =	strace $0x8FFFFFFF  }
0x98: {  	s18 =	sld [smem:$0x3FDB];
	_ =	sdelay $0x1  }
0x99: {  	s19 =	simm.s32 $_scs_section_size  }
0x9a: {  	s4 =	simm.s32 $_size__tile_overlayer_lowered;
	s5 =	simm.s32 $_tile_overlayer_lowered  }
0x9b: {  	s22 =	simm.s32 $0x1BFF;
	s21 =	sshll.u32 s5, $0x1;
	s2 =	sadd.s32 s19, s18  }
0x9c: {  	s6 =	simm.s32 $0x0;
	s20 =	sshll.u32 s4, $0x1;
	s4 =	sadd.s32 s21, s2  }
0x9d: {  	[timem:s6], [sflag:s22] =	dma.local [hbm:s4], s20  }
0x9e: {  	_ =	swait.ge [sflag:s22], s20  }
0x9f: {  	s3 =	ssub.s32 $0x0, s20;
	[sflag:s22] =	ssyncset.done $0x0  }
0xa0: {  	[sflag:s22] =	ssyncadd.s32 s3;
	_ =	sdelay $0x1  }
0xa1: {  	s23 =	simm.s32 $0x1B8B  }
0xa2: {  	_ =	swait.ge [sflag:s23], $0x1  }
0xa3: {  	[sflag:s23] =	ssyncset.done $0x0  }
0xa4: {  	s25 =	simm.s32 $0x1B8E;
	s24 =	sld [smem:$0x3FFE];
	[sflag:s23] =	ssyncadd.s32 $0xFFFFFFFF  }
0xa5: {  	s26 =	simm.s32 $execute0_lowered;
	[smem:$0x3FD2] =	sst s25  }
0xa6: {  	s4 =	sshll.u32 s26, $0x1;
	_ =	strace $0x80000046;
	[dreg:$0x1] =	wrdreg $0xFFFFFFFF  }
0xa7: {  	s28 =	simm.s32 $_size_execute0_lowered;
	s2 =	sadd.s32 s2, s4;
	[dreg:$0x0] =	wrdreg $0x0  }
0xa8: {  	s4 =	sshll.u32 s28, $0x1;
	[dreg:$0x2] =	wrdreg s2  }
0xa9: {  	[dreg:$0x3] =	wrdreg s4  }
0xaa: {  	[dreg:$0x4] =	wrdreg $0xC0  }
0xab: {  	_ =	task [dreg:s6], $0x5FFFF  }
0xac: {  	[dreg:$0x1] =	wrdreg $0xFFFFFFFF  }
0xad: {  	[dreg:$0x0] =	wrdreg $0x60  }
0xae: {  	[dreg:$0x2] =	wrdreg s24  }
0xaf: {  	[dreg:$0x3] =	wrdreg $0x40800  }
0xb0: {  	[dreg:$0x4] =	wrdreg $0x9  }
0xb1: {  	_ =	task.clear_ibuf [dreg:s6], $0x5FFFF;
	_ =	strace $0x90000046  }
0xb2: {  	s29 =	simm.s32 $0x9;
	_ =	strace $0x80000048  }
0xb3: {  	_ =	swait.ge [sflag:s29], $0x1  }
0xb4: {  	[sflag:s29] =	ssyncadd.s32 $0xFFFFFFFF  }
0xb5: {  	_ =	strace $0x90000048  }
0xb6: {  	_ =	sfence  }
0xb7: {  	s30 =	sld [smem:$0x0];
	_ =	sdelay $0x2  }
0xb8: {  	s31 =	sshll.u32 s1, $0xD;
	s1 =	sshrl.u32 s1, $0x2  }
0xb9: {  	s3 =	sand.u32 $0x4000, s31;
	s1 =	sadd.s32 s1, s30  }
0xba: {  	s0 =	sor.u32 s3, s0;
	s1 =	sshll.u32 s1, $0x11  }
0xbb: {  	s0 =	sor.u32 s1, s0  }
0xbc: {  	s0 =	sadd.s32 $0x8F2B, s0  }
0xbd: {  	[sflag:s0] =	ssyncadd.remote.s32 $0x1  }
0xbe: {  	_ =	sfence.sel $0xFFFF  }
0xbf: {  	[dreg:$0x0] =	wrdreg $0xFFFFFFFF;
	(pc) =	sbr.abs _section_cstart, $3  }
0xc0: {  	[dreg:$0x1] =	wrdreg $0xFFFFFFFF  }
0xc1: {  	_ =	task.clear_ibuf [dreg:s6], $0x2FFFF;
	_ =	strace $0x9FFFFFFF  }
0xc2: {  	(tm) =	ssettm $0x7FFFFFFF  }
0xc3: {  	_ =	shalt  }
tec
execute0_lowered:
.L_overlay_start_1:
0x0: {  	(tag) =	ssettag $0x1  }
0x1: {  	s5 =	rddreg [dreg:$0x0]  }
0x2: {  	s2 =	rddreg [dreg:$0x1];
	s1 =	stileid.u32  }
0x3: {  	s0 =	rddreg [dreg:$0x2];
	s3 =	simm.s32 $0x0;
	s6 =	srdreg.scid  }
0x4: {  	s4 =	smul.u32 $0x2800, s1;
	[smem:$0x7FF] =	sst s3  }
0x5: {  	s6 =	sand.u32 $0x1, s6;
	s9 =	smul.u32 $0x50000, s1;
	s13 =	sadd.s32 $0x12C000, s2  }
0x6: {  	s30 =	sshll.u32 s1, $0x4;
	s31 =	sshll.u32 s1, $0xB;
	p0 =	seq.s32 s1, $0xF  }
0x7: {  	_ =	strace $0x80000047;
	s7 =	sshll.u32 s6, $0x8;
	s8 =	ssub.s32 $0x2, s6  }
0x8: {  	s10 =	sshll.u32 s6, $0xF;
	s29 =	sshll.u32 s6, $0x4;
	s4 =	sadd.s32 s4, s5  }
0x9: {  	s7 =	sadd.s32 s7, s5;
	s11 =	sshrl.u32 s8, $0x1;
	s10 =	sadd.s32 s10, s5  }
0xa: {  	s9 =	sshrl.u32 s9, $0x2;
	s5 =	sadd.s32 $0x54600, s5;
	s8 =	ssub.s32 s8, s11  }
0xb: {  	s12 =	sadd.s32 s9, s2;
	s4 =	sadd.s32 $0x2EE00, s4;
	s7 =	sadd.s32 s30, s7  }
0xc: {  	s9 =	sor.u32 s29, s1;
	s11 =	sshll.u32 @!p0 s1, $0x6;
	s6 =	smax.u32 s8, $0x1  }
0xd: {  	s7 =	sadd.s32 $0x2CE00, s7;
	s8 =	sadd.s32 s31, s10;
	s10 =	sshrl.u32 @p0 s13, $0x3  }
0xe: {  	s11 =	sor.u32 @!p0 $0x1C01, s11;
	s12 =	sshrl.u32 @!p0 s12, $0x3;
	s8 =	sadd.s32 $0x56000, s8  }
.LBB2_1:
0xf: {  	s13 =	simm.s32 @p0 $0x1FC1  }
0x10: {  	[spmem:s10], [sflag:s13] =	dma.local @p0 [hbm:s5], $0x1900  }
0x11: {  	s13 =	simm.s32 @p0 $0x1  }
0x12: {  	_ =	swait.ge @p0 [sflag:s13], $0x1900  }
0x13: {  	[sflag:s13] =	ssyncset.done @p0 $0x0  }
0x14: {  	[sflag:s13] =	ssyncadd.s32 @p0 $0xFFFFE700;
	s13 =	simm.s32 @!p0 $0x1  }
0x15: {  	[spmem:s12], [sflag:s11] =	dma.local @!p0 [hbm:s4], $0x2800  }
0x16: {  	_ =	swait.ge @!p0 [sflag:s13], $0x2800  }
0x17: {  	s14 =	sadd.s32 $0x0, s9;
	[sflag:s13] =	ssyncset.done @!p0 $0x0  }
0x18: {  	p1 =	sgt.u32 s14, $0xF9;
	[sflag:s13] =	ssyncadd.s32 @!p0 $0xFFFFD800  }
0x19: {  	s15 =	simm.s32 @!p1 $0x2;
	s13 =	simm.s32 @!p1 $0x0;
	[bflag:$0x0] =	sbarrier.arrive $0xFFFF  }
0x1a: {  	[tilespmem:s13], [sflag:$0x2] =	stream.linear.gather @!p1 [hbm4b:s7+s13], $0x80, $0x38;
	[tilespmem:$0x17900] =	vst v63  }
0x1b: {  	_ =	swait.ge @!p1 [sflag:s15], $0x80  }
0x1c: {  	[sflag:s15] =	ssyncset.done @!p1 $0x0;
	p1 =	por p1, p1  }
0x1d: {  	[sflag:s15] =	ssyncadd.s32 @!p1 $0xFFFFFF80;
	s17 =	simm.s32 @!p1 $0x80  }
0x1e: {  	[tilespmem:s17], [sflag:$0x2] =	stream.indirect.gather @!p1 [spmem:s2], $0x80, s13, s17, $0xb8;
	[tilespmem:$0x17900] =	vst v63  }
0x1f: {  	_ =	swait.ge @!p1 [sflag:s15], $0x4000  }
0x20: {  	[sflag:s15] =	ssyncset.done @!p1 $0x0  }
0x21: {  	s31 =	sadd.s32 $0x20, s9;
	s16 =	simm.s32 @!p1 $0x1;
	[sflag:s15] =	ssyncadd.s32 @!p1 $0xFFFFC000  }
0x22: {  	[hbm4b:s8+s13] =	stream.linear.scatter @!p1 [tilespmem:s17], [sflag:$0x1], $0x4000, $0x38;
	[tilespmem:$0x17900] =	vst v63  }
0x23: {  	s14 =	simm.s32 $0x40;
	p2 =	sgt.u32 s31, $0xF9;
	_ =	swait.ge @!p1 [sflag:s16], $0x4000  }
0x24: {  	s15 =	sadd.s32 $0x200, s7;
	s13 =	sadd.s32 $0x10000, s8;
	[sflag:s16] =	ssyncset.done @!p1 $0x0  }
.LBB2_2:
0x25: {  	s17 =	simm.s32 @!p2 $0x0;
	s18 =	simm.s32 @!p2 $0x2;
	[sflag:s16] =	ssyncadd.s32 @!p1 $0xFFFFC000  }
0x26: {  	[tilespmem:s17], [sflag:$0x2] =	stream.linear.gather @!p2 [hbm4b:s15+s17], $0x80, $0x38;
	[tilespmem:$0x17900] =	vst v63  }
0x27: {  	s19 =	smov.u32 s14;
	s14 =	sadd.s32 $0x20, s14;
	_ =	swait.ge @!p2 [sflag:s18], $0x80  }
0x28: {  	p1 =	por p2, p2;
	p3 =	sne.s32 s14, $0x100;
	[sflag:s18] =	ssyncset.done @!p2 $0x0  }
0x29: {  	s20 =	simm.s32 @!p1 $0x80;
	[sflag:s18] =	ssyncadd.s32 @!p1 $0xFFFFFF80  }
0x2a: {  	[tilespmem:s20], [sflag:$0x2] =	stream.indirect.gather @!p1 [spmem:s2], $0x80, s17, s20, $0xb8;
	[tilespmem:$0x17900] =	vst v63  }
0x2b: {  	_ =	swait.ge @!p1 [sflag:s18], $0x4000  }
.Ltmp0:
0x2c: {  	[sflag:s18] =	ssyncset.done @!p1 $0x0;
	(pc) =	sbr.rel @p3 .LBB2_2-.Ltmp0, $4  }
0x2d: {  	s16 =	simm.s32 @!p1 $0x1;
	[sflag:s18] =	ssyncadd.s32 @!p1 $0xFFFFC000  }
0x2e: {  	[hbm4b:s13+s17] =	stream.linear.scatter @!p1 [tilespmem:s20], [sflag:$0x1], $0x4000, $0x38;
	[tilespmem:$0x17900] =	vst v63  }
0x2f: {  	s17 =	sadd.s32 s19, s9;
	s13 =	sadd.s32 $0x10000, s13;
	_ =	swait.ge @!p1 [sflag:s16], $0x4000  }
0x30: {  	s15 =	sadd.s32 $0x200, s15;
	p2 =	sgt.u32 s17, $0xF9;
	[sflag:s16] =	ssyncset.done @!p1 $0x0  }
0x31: {  	s14 =	simm.s32 @!p2 $0x0;
	s17 =	simm.s32 @!p2 $0x2;
	[sflag:s16] =	ssyncadd.s32 @!p1 $0xFFFFC000  }
0x32: {  	[tilespmem:s14], [sflag:$0x2] =	stream.linear.gather @!p2 [hbm4b:s15+s14], $0x80, $0x38;
	[tilespmem:$0x17900] =	vst v63  }
0x33: {  	_ =	swait.ge @!p2 [sflag:s17], $0x80  }
0x34: {  	p1 =	por p2, p2;
	[sflag:s17] =	ssyncset.done @!p2 $0x0  }
0x35: {  	s15 =	simm.s32 @!p1 $0x80;
	[sflag:s17] =	ssyncadd.s32 @!p1 $0xFFFFFF80  }
0x36: {  	[tilespmem:s15], [sflag:$0x2] =	stream.indirect.gather @!p1 [spmem:s2], $0x80, s14, s15, $0xb8;
	[tilespmem:$0x17900] =	vst v63  }
0x37: {  	s3 =	sadd.s32 $0x1, s3;
	_ =	swait.ge @!p1 [sflag:s17], $0x4000  }
0x38: {  	p2 =	sne.s32 s3, s6;
	[sflag:s17] =	ssyncset.done @!p1 $0x0  }
.Ltmp1:
0x39: {  	s16 =	simm.s32 @!p1 $0x1;
	[sflag:s17] =	ssyncadd.s32 @!p1 $0xFFFFC000;
	(pc) =	sbr.rel @p2 .LBB2_1-.Ltmp1, $4  }
0x3a: {  	[hbm4b:s13+s14] =	stream.linear.scatter @!p1 [tilespmem:s15], [sflag:$0x1], $0x4000, $0x38;
	[tilespmem:$0x17900] =	vst v63  }
0x3b: {  	_ =	swait.ge @!p1 [sflag:s16], $0x4000  }
0x3c: {  	[sflag:s16] =	ssyncset.done @!p1 $0x0  }
0x3d: {  	[sflag:s16] =	ssyncadd.s32 @!p1 $0xFFFFC000  }
0x3e: {  	_ =	sfence.sel $0x180000  }
0x3f: {  	[bflag:$0x0] =	sbarrier.arrive $0xFFFF  }
0x40: {  	p0 =	sne.s32 s1, $0x0;
	_ =	strace $0x90000047  }
0x41: {  	s0 =	sadd.s32 @!p0 $0x100000, s0;
	[bflag:$0x2] =	sbarrier.arrive $0xFFFF  }
0x42: {  	[sflag:s0] =	ssyncadd.tile.s32 @!p0 $0x1;
	_ =	shalt  }
.Lfunc_end2:
_tile_overlayer_lowered:
.L_overlay_start_2:
0x43: {  	(tag) =	ssettag $0x2  }
0x44: {  	s0 =	rddreg [dreg:$0x0];
	s2 =	stileid.u32  }
0x45: {  	s1 =	rddreg [dreg:$0x1];
	p0 =	sne.s32 s2, $0x0  }
0x46: {  	s3 =	rddreg [dreg:$0x2];
	[bflag:$0x3] =	sbarrier.arrive $0xFFFF;
	s2 =	simm.s32 @!p0 $0x1C01  }
0x47: {  	[timem:s3], [sflag:s2] =	dma.local @!p0 [hbm:s0], s1  }
0x48: {  	s0 =	simm.s32 @!p0 $0x1  }
0x49: {  	_ =	swait.ge @!p0 [sflag:s0], s1  }
0x4a: {  	s1 =	ssub.s32 @!p0 $0x0, s1;
	[sflag:s0] =	ssyncset.done @!p0 $0x0  }
0x4b: {  	[sflag:s0] =	ssyncadd.s32 @!p0 s1  }
0x4c: {  	[bflag:$0x3] =	sbarrier.arrive $0xFFFF  }
0x4d: {  	_ =	shalt  }

// kernel: kernel.21.cloned.1.call-start
scs
__scs_entry_jumppad:
0x0: {  	(pc) =	sbr.rel $0x88, $3  }
0x1: {  	(tag) =	ssettag $0x0;
	lr =	simm.s32 $0x1  }
0x2: {  	[smem:$0x3F92] =	sst lr;
	_ =	strace $0xD0000000  }
0x3: {  	_ = 	snop  }
0x4: {  	_ = 	snop  }
0x5: {  	_ = 	snop  }
0x6: {  	_ = 	snop  }
0x7: {  	_ = 	snop  }
__scs_overlays_trampoline_lowered:
0x8: {  	[smem:$0x3FA1] =	sst s0  }
0x9: {  	[smem:$0x3FA2] =	sst s1  }
0xa: {  	[smem:$0x3FA3] =	sst s2  }
0xb: {  	[smem:$0x3FA4] =	sst s3  }
0xc: {  	[smem:$0x3FA5] =	sst s4  }
0xd: {  	[smem:$0x3FA6] =	sst s5  }
0xe: {  	[smem:$0x3FA7] =	sst s6  }
0xf: {  	[smem:$0x3FA8] =	sst s7  }
0x10: {  	[smem:$0x3FA9] =	sst s8  }
0x11: {  	[smem:$0x3FAA] =	sst s9;
	s0 =	simm.s32 @!p0 $0x0  }
0x12: {  	s1 =	sld [smem:$0x3F90];
	s0 =	simm.s32 @p0 $0x1  }
0x13: {  	[smem:$0x3FAB] =	sst s0;
	s0 =	simm.s32 @!p1 $0x0  }
0x14: {  	s2 =	sld [smem:$0x3F8F];
	s0 =	simm.s32 @p1 $0x1  }
0x15: {  	[smem:$0x3FAC] =	sst s0;
	s0 =	simm.s32 @!p2 $0x0  }
0x16: {  	s3 =	sld [smem:$0x3FDB];
	s0 =	simm.s32 @p2 $0x1  }
0x17: {  	s4 =	simm.s32 $0x1BF5;
	[smem:$0x3FAE] =	sst s0  }
0x18: {  	s0 =	sld [smem:$0x3F91];
	_ =	swait.ge [sflag:s4], $0x0  }
0x19: {  	s7 =	sld [smem:$0x3F92]  }
0x1a: {  	s8 =	sadd.s32 $0xFFFFE003, lr  }
0x1b: {  	s9 =	sadd.s32 $0xFFFFFEF7, lr;
	s5 =	simm.s32 $0xFFFFFFFF;
	p2 =	slt.u32 s8, $0xFFFFF086  }
0x1c: {  	p1 =	slt.u32 s9, $0xF7A;
	s5 =	simm.s32 @!p2 $0x0  }
0x1d: {  	s5 =	simm.s32 @p1 $0x1;
	p0 =	seq.s32 s7, s2  }
0x1e: {  	s7 =	smul.u32 @!p0 $0xF7A, s2;
	p2 =	seq.s32 @!p0 s5, $0x0  }
0x1f: {  	s9 =	smul.u32 $0xF7A, s1;
	s8 =	simm.s32 @!p0 $0x1BF5;
	p2 =	por !p2, p0  }
0x20: {  	[sflag:s8] =	ssyncset.s32 @!p0 $0xFFFFF086;
	s6 =	sadd.s32 @!p0 s3, s7;
	s7 =	simm.s32 @!p0 $0x108  }
0x21: {  	s3 =	sadd.s32 s3, s9;
	s6 =	sadd.s32 @!p0 $0x88, s6;
	s7 =	simm.s32 @p2 $0x1082  }
0x22: {  	[simem:s7], [sflag:s8] =	dma.local @!p0 [hbm:s6], $0xF7A  }
0x23: {  	s9 =	sor.u32 $0xD0000000, s2;
	s6 =	simm.s32 $0x108;
	_ =	swait.ge @!p0 [sflag:s8], $0x0  }
0x24: {  	s3 =	sadd.s32 $0x88, s3;
	s6 =	simm.s32 @!p1 $0x1082;
	[sflag:s4] =	ssyncset.s32 $0xFFFFF086  }
0x25: {  	[simem:s6], [sflag:s4] =	dma.local [hbm:s3], $0xF7A  }
0x26: {  	[smem:$0x3F92] =	sst s1;
	(tag) =	ssettag s2;
	_ =	strace s9  }
0x27: {  	s1 =	sld [smem:$0x3FA2]  }
0x28: {  	s2 =	sld [smem:$0x3FA3]  }
0x29: {  	s4 =	sld [smem:$0x3FA5]  }
0x2a: {  	p0 =	seq.s32 s5, $0x0;
	s5 =	sld [smem:$0x3FA6]  }
0x2b: {  	s6 =	sld [smem:$0x3FA7]  }
0x2c: {  	s7 =	sld [smem:$0x3FA8]  }
0x2d: {  	s3 =	simm.s32 $0x108;
	s8 =	sld [smem:$0x3FA9]  }
0x2e: {  	s3 =	simm.s32 @!p0 $0x1082;
	s9 =	sld [smem:$0x3FAA]  }
0x2f: {  	lr =	sadd.s32 s0, s3;
	s0 =	sld [smem:$0x3FA1]  }
0x30: {  	s3 =	sld [smem:$0x3FA4]  }
0x31: {  	[smem:$0x3FAD] =	sst s10  }
0x32: {  	s10 =	sld [smem:$0x3FAB];
	_ =	sdelay $0x3  }
0x33: {  	p0 =	seq.s32 s10, $0x1;
	s10 =	sld [smem:$0x3FAD];
	_ =	sdelay $0x3  }
0x34: {  	[smem:$0x3FAD] =	sst s10  }
0x35: {  	s10 =	sld [smem:$0x3FAC];
	_ =	sdelay $0x3  }
0x36: {  	p1 =	seq.s32 s10, $0x1;
	s10 =	sld [smem:$0x3FAD];
	_ =	sdelay $0x3  }
0x37: {  	[smem:$0x3FAD] =	sst s10  }
0x38: {  	s10 =	sld [smem:$0x3FAE]  }
0x39: {  	_ = 	snop;
	(pc) =	sbr.ind lr, $3  }
0x3a: {  	_ = 	snop  }
0x3b: {  	_ = 	snop  }
0x3c: {  	p2 =	seq.s32 s10, $0x1;
	s10 =	sld [smem:$0x3FAD]  }
0x3d: {  	_ =	shalt  }
0x3e: {  	_ =	shalt  }
0x3f: {  	_ =	shalt  }
0x40: {  	_ =	shalt  }
0x41: {  	_ =	shalt  }
0x42: {  	_ =	shalt  }
0x43: {  	_ =	shalt  }
0x44: {  	_ =	shalt  }
0x45: {  	_ =	shalt  }
0x46: {  	_ =	shalt  }
0x47: {  	_ =	shalt  }
0x48: {  	_ =	shalt  }
0x49: {  	_ =	shalt  }
0x4a: {  	_ =	shalt  }
0x4b: {  	_ =	shalt  }
0x4c: {  	_ =	shalt  }
0x4d: {  	_ =	shalt  }
0x4e: {  	_ =	shalt  }
0x4f: {  	_ =	shalt  }
0x50: {  	_ =	shalt  }
0x51: {  	_ =	shalt  }
0x52: {  	_ =	shalt  }
0x53: {  	_ =	shalt  }
0x54: {  	_ =	shalt  }
0x55: {  	_ =	shalt  }
0x56: {  	_ =	shalt  }
0x57: {  	_ =	shalt  }
0x58: {  	_ =	shalt  }
0x59: {  	_ =	shalt  }
0x5a: {  	_ =	shalt  }
0x5b: {  	_ =	shalt  }
0x5c: {  	_ =	shalt  }
0x5d: {  	_ =	shalt  }
0x5e: {  	_ =	shalt  }
0x5f: {  	_ =	shalt  }
0x60: {  	_ =	shalt  }
0x61: {  	_ =	shalt  }
0x62: {  	_ =	shalt  }
0x63: {  	_ =	shalt  }
0x64: {  	_ =	shalt  }
0x65: {  	_ =	shalt  }
0x66: {  	_ =	shalt  }
0x67: {  	_ =	shalt  }
0x68: {  	_ =	shalt  }
0x69: {  	_ =	shalt  }
0x6a: {  	_ =	shalt  }
0x6b: {  	_ =	shalt  }
0x6c: {  	_ =	shalt  }
0x6d: {  	_ =	shalt  }
0x6e: {  	_ =	shalt  }
0x6f: {  	_ =	shalt  }
0x70: {  	_ =	shalt  }
0x71: {  	_ =	shalt  }
0x72: {  	_ =	shalt  }
0x73: {  	_ =	shalt  }
0x74: {  	_ =	shalt  }
0x75: {  	_ =	shalt  }
0x76: {  	_ =	shalt  }
0x77: {  	_ =	shalt  }
0x78: {  	_ =	shalt  }
0x79: {  	_ =	shalt  }
0x7a: {  	_ =	shalt  }
0x7b: {  	_ =	shalt  }
0x7c: {  	_ =	shalt  }
0x7d: {  	_ =	shalt  }
0x7e: {  	_ =	shalt  }
0x7f: {  	_ =	shalt  }
0x80: {  	_ =	shalt  }
0x81: {  	_ =	shalt  }
0x82: {  	_ =	shalt  }
0x83: {  	_ =	shalt  }
0x84: {  	_ =	shalt  }
0x85: {  	_ =	shalt  }
0x86: {  	_ =	shalt  }
0x87: {  	_ =	shalt  }
.Lfunc_end0:
.L_simem_size_0:
called_computation.1_lowered:
.L_overlay_start_0:
0x88: {  	s2 =	sld [smem:$0x3FD9]  }
0x89: {  	s3 =	sld [smem:$0x3FFE];
	_ =	sdelay $0x1  }
0x8a: {  	s1 =	srdreg.scid  }
0x8b: {  	s0 =	sand.u32 $0x1, s1  }
0x8c: {  	s17 =	sshll.u32 s0, $0xA;
	s2 =	sadd.s32 s3, s2  }
0x8d: {  	s2 =	sadd.s32 s2, s17  }
0x8e: {  	[smem:$0x3FB9] =	sst s2  }
0x8f: {  	_ = 	snop  }
0x90: {  	(tm) =	ssettm $0x1  }
0x91: {  	s18 =	sld [smem:$0x3FFB];
	_ =	sdelay $0x3  }
0x92: {  	_ =	strace s18  }
0x93: {  	s2 =	sld [smem:$0x3FFC];
	_ =	sdelay $0x3  }
0x94: {  	_ =	strace s2  }
0x95: {  	s2 =	sld [smem:$0x3FFD];
	_ =	sdelay $0x3  }
0x96: {  	_ =	strace s2  }
0x97: {  	_ =	strace $0x8FFFFFFF  }
0x98: {  	s19 =	sld [smem:$0x3FDB];
	_ =	sdelay $0x1  }
0x99: {  	s20 =	simm.s32 $_scs_section_size  }
0x9a: {  	s4 =	simm.s32 $_size__tile_overlayer_lowered;
	s5 =	simm.s32 $_tile_overlayer_lowered  }
0x9b: {  	s6 =	simm.s32 $0x1BFF;
	s21 =	sshll.u32 s5, $0x1;
	s3 =	sadd.s32 s20, s19  }
0x9c: {  	s22 =	simm.s32 $0x0;
	s4 =	sshll.u32 s4, $0x1;
	s5 =	sadd.s32 s21, s3  }
0x9d: {  	[timem:s22], [sflag:s6] =	dma.local [hbm:s5], s4  }
0x9e: {  	_ =	swait.ge [sflag:s6], s4  }
0x9f: {  	s4 =	ssub.s32 $0x0, s4;
	[sflag:s6] =	ssyncset.done $0x0  }
0xa0: {  	[sflag:s6] =	ssyncadd.s32 s4;
	_ =	sdelay $0x1  }
0xa1: {  	s23 =	simm.s32 $0x1B8B  }
0xa2: {  	_ =	swait.ge [sflag:s23], $0x1  }
0xa3: {  	[sflag:s23] =	ssyncset.done $0x0  }
0xa4: {  	[sflag:s23] =	ssyncadd.s32 $0xFFFFFFFF  }
0xa5: {  	s4 =	sld [smem:$0x0]  }
0xa6: {  	s5 =	sand.u32 $0xFFFFFFFE, s1  }
0xa7: {  	p0 =	sne.s32 s1, s5  }
0xa8: {  	s5 =	sshll.u32 @p0 s5, $0xE  }
0xa9: {  	s5 =	sadd.s32 @p0 $0x11B8D, s5;
	s6 =	sshll.u32 @p0 s4, $0x11  }
0xaa: {  	s5 =	sor.u32 @p0 s6, s5  }
0xab: {  	[sflag:s5] =	ssyncadd.remote.s32 @p0 $0x1;
	_ =	sdelay $0x1  }
0xac: {  	s5 =	simm.s32 @p0 $0x1B8D  }
0xad: {  	_ =	swait.eq @p0 [sflag:s5], $0x1  }
0xae: {  	[sflag:s5] =	ssyncadd.s32 @p0 $0xFFFFFFFF  }
0xaf: {  	s6 =	sshll.u32 @!p0 s1, $0xE  }
0xb0: {  	s6 =	sor.u32 @!p0 $0x4000, s6;
	s5 =	simm.s32 @!p0 $0x1B8D  }
0xb1: {  	s4 =	sshll.u32 @!p0 s4, $0x11;
	s6 =	sadd.s32 @!p0 $0x11B8D, s6;
	_ =	swait.eq @!p0 [sflag:s5], $0x1  }
0xb2: {  	s4 =	sor.u32 @!p0 s4, s6;
	[sflag:s5] =	ssyncadd.s32 @!p0 $0xFFFFFFFF  }
0xb3: {  	s25 =	simm.s32 $0x1B8E;
	s24 =	sld [smem:$0x3FFE];
	[sflag:s4] =	ssyncadd.remote.s32 @!p0 $0x1  }
0xb4: {  	s26 =	simm.s32 $execute0_lowered;
	[smem:$0x3FD2] =	sst s25  }
0xb5: {  	s5 =	sshll.u32 s26, $0x1;
	_ =	strace $0x80000049;
	[dreg:$0x1] =	wrdreg $0xFFFFFFFF  }
0xb6: {  	s28 =	simm.s32 $_size_execute0_lowered;
	s3 =	sadd.s32 s3, s5;
	[dreg:$0x0] =	wrdreg $0x0  }
0xb7: {  	s5 =	sshll.u32 s28, $0x1;
	[dreg:$0x2] =	wrdreg s3  }
0xb8: {  	[dreg:$0x3] =	wrdreg s5  }
0xb9: {  	[dreg:$0x4] =	wrdreg $0xC0  }
0xba: {  	_ =	task [dreg:s22], $0x5FFFF  }
0xbb: {  	[dreg:$0x1] =	wrdreg $0xFFFFFFFF  }
0xbc: {  	[dreg:$0x0] =	wrdreg $0x60  }
0xbd: {  	[dreg:$0x2] =	wrdreg s24  }
0xbe: {  	[dreg:$0x3] =	wrdreg $0x40800  }
0xbf: {  	[dreg:$0x4] =	wrdreg $0xA  }
0xc0: {  	_ =	task.clear_ibuf [dreg:s22], $0x5FFFF;
	_ =	strace $0x90000049  }
0xc1: {  	s29 =	simm.s32 $0xA;
	_ =	strace $0x8000004B  }
0xc2: {  	_ =	swait.ge [sflag:s29], $0x1  }
0xc3: {  	[sflag:s29] =	ssyncadd.s32 $0xFFFFFFFF  }
0xc4: {  	_ =	strace $0x9000004B  }
0xc5: {  	_ =	sfence  }
0xc6: {  	s30 =	sld [smem:$0x0];
	_ =	sdelay $0x2  }
0xc7: {  	s31 =	sshll.u32 s1, $0xD;
	s1 =	sshrl.u32 s1, $0x2  }
0xc8: {  	s4 =	sand.u32 $0x4000, s31;
	s1 =	sadd.s32 s1, s30  }
0xc9: {  	s0 =	sor.u32 s4, s0;
	s1 =	sshll.u32 s1, $0x11  }
0xca: {  	s0 =	sor.u32 s1, s0  }
0xcb: {  	s0 =	sadd.s32 $0x8F2B, s0  }
0xcc: {  	[sflag:s0] =	ssyncadd.remote.s32 $0x1  }
0xcd: {  	_ =	sfence.sel $0xFFFF  }
0xce: {  	[dreg:$0x0] =	wrdreg $0xFFFFFFFF;
	(pc) =	sbr.abs _section_cstart, $3  }
0xcf: {  	[dreg:$0x1] =	wrdreg $0xFFFFFFFF  }
0xd0: {  	_ =	task.clear_ibuf [dreg:s22], $0x2FFFF;
	_ =	strace $0x9FFFFFFF  }
0xd1: {  	(tm) =	ssettm $0x7FFFFFFF  }
tec
execute0_lowered:
.L_overlay_start_1:
0x0: {  	(tag) =	ssettag $0x1  }
0x1: {  	s5 =	rddreg [dreg:$0x0]  }
0x2: {  	s2 =	rddreg [dreg:$0x1];
	s1 =	stileid.u32  }
0x3: {  	s0 =	rddreg [dreg:$0x2];
	s3 =	simm.s32 $0x0;
	s6 =	srdreg.scid  }
0x4: {  	s4 =	smul.u32 $0x2800, s1;
	[smem:$0x7FF] =	sst s3  }
0x5: {  	s6 =	sand.u32 $0x1, s6;
	s9 =	smul.u32 $0x50000, s1;
	s13 =	sadd.s32 $0x12C000, s2  }
0x6: {  	s30 =	sshll.u32 s1, $0x4;
	s31 =	sshll.u32 s1, $0xB;
	p0 =	seq.s32 s1, $0xF  }
0x7: {  	_ =	strace $0x8000004A;
	s7 =	sshll.u32 s6, $0x8;
	s8 =	ssub.s32 $0x2, s6  }
0x8: {  	s10 =	sshll.u32 s6, $0xF;
	s29 =	sshll.u32 s6, $0x4;
	s4 =	sadd.s32 s4, s5  }
0x9: {  	s7 =	sadd.s32 s7, s5;
	s11 =	sshrl.u32 s8, $0x1;
	s10 =	sadd.s32 s10, s5  }
0xa: {  	s9 =	sshrl.u32 s9, $0x2;
	s5 =	sadd.s32 $0x54600, s5;
	s8 =	ssub.s32 s8, s11  }
0xb: {  	s12 =	sadd.s32 s9, s2;
	s4 =	sadd.s32 $0x2EE00, s4;
	s7 =	sadd.s32 s30, s7  }
0xc: {  	s9 =	sor.u32 s29, s1;
	s11 =	sshll.u32 @!p0 s1, $0x6;
	s6 =	smax.u32 s8, $0x1  }
0xd: {  	s7 =	sadd.s32 $0xD3000, s7;
	s8 =	sadd.s32 s31, s10;
	s10 =	sshrl.u32 @p0 s13, $0x3  }
0xe: {  	s11 =	sor.u32 @!p0 $0x1C01, s11;
	s12 =	sshrl.u32 @!p0 s12, $0x3;
	s8 =	sadd.s32 $0xDA000, s8  }
.LBB2_1:
0xf: {  	s13 =	simm.s32 @p0 $0x1FC1  }
0x10: {  	[spmem:s10], [sflag:s13] =	dma.local @p0 [hbm:s5], $0x1900  }
0x11: {  	s13 =	simm.s32 @p0 $0x1  }
0x12: {  	_ =	swait.ge @p0 [sflag:s13], $0x1900  }
0x13: {  	[sflag:s13] =	ssyncset.done @p0 $0x0  }
0x14: {  	[sflag:s13] =	ssyncadd.s32 @p0 $0xFFFFE700;
	s13 =	simm.s32 @!p0 $0x1  }
0x15: {  	[spmem:s12], [sflag:s11] =	dma.local @!p0 [hbm:s4], $0x2800  }
0x16: {  	_ =	swait.ge @!p0 [sflag:s13], $0x2800  }
0x17: {  	s14 =	sadd.s32 $0x0, s9;
	[sflag:s13] =	ssyncset.done @!p0 $0x0  }
0x18: {  	p1 =	sgt.u32 s14, $0xF9;
	[sflag:s13] =	ssyncadd.s32 @!p0 $0xFFFFD800  }
0x19: {  	s15 =	simm.s32 @!p1 $0x2;
	s13 =	simm.s32 @!p1 $0x0;
	[bflag:$0x0] =	sbarrier.arrive $0xFFFF  }
0x1a: {  	[tilespmem:s13], [sflag:$0x2] =	stream.linear.gather @!p1 [hbm4b:s7+s13], $0x80, $0x38;
	[tilespmem:$0x17900] =	vst v63  }
0x1b: {  	_ =	swait.ge @!p1 [sflag:s15], $0x80  }
0x1c: {  	[sflag:s15] =	ssyncset.done @!p1 $0x0;
	p1 =	por p1, p1  }
0x1d: {  	[sflag:s15] =	ssyncadd.s32 @!p1 $0xFFFFFF80;
	s17 =	simm.s32 @!p1 $0x80  }
0x1e: {  	[tilespmem:s17], [sflag:$0x2] =	stream.indirect.gather @!p1 [spmem:s2], $0x80, s13, s17, $0xb8;
	[tilespmem:$0x17900] =	vst v63  }
0x1f: {  	_ =	swait.ge @!p1 [sflag:s15], $0x4000  }
0x20: {  	[sflag:s15] =	ssyncset.done @!p1 $0x0  }
0x21: {  	s31 =	sadd.s32 $0x20, s9;
	s16 =	simm.s32 @!p1 $0x1;
	[sflag:s15] =	ssyncadd.s32 @!p1 $0xFFFFC000  }
0x22: {  	[hbm4b:s8+s13] =	stream.linear.scatter @!p1 [tilespmem:s17], [sflag:$0x1], $0x4000, $0x38;
	[tilespmem:$0x17900] =	vst v63  }
0x23: {  	s14 =	simm.s32 $0x40;
	p2 =	sgt.u32 s31, $0xF9;
	_ =	swait.ge @!p1 [sflag:s16], $0x4000  }
0x24: {  	s15 =	sadd.s32 $0x200, s7;
	s13 =	sadd.s32 $0x10000, s8;
	[sflag:s16] =	ssyncset.done @!p1 $0x0  }
.LBB2_2:
0x25: {  	s17 =	simm.s32 @!p2 $0x0;
	s18 =	simm.s32 @!p2 $0x2;
	[sflag:s16] =	ssyncadd.s32 @!p1 $0xFFFFC000  }
0x26: {  	[tilespmem:s17], [sflag:$0x2] =	stream.linear.gather @!p2 [hbm4b:s15+s17], $0x80, $0x38;
	[tilespmem:$0x17900] =	vst v63  }
0x27: {  	s19 =	smov.u32 s14;
	s14 =	sadd.s32 $0x20, s14;
	_ =	swait.ge @!p2 [sflag:s18], $0x80  }
0x28: {  	p1 =	por p2, p2;
	p3 =	sne.s32 s14, $0x100;
	[sflag:s18] =	ssyncset.done @!p2 $0x0  }
0x29: {  	s20 =	simm.s32 @!p1 $0x80;
	[sflag:s18] =	ssyncadd.s32 @!p1 $0xFFFFFF80  }
0x2a: {  	[tilespmem:s20], [sflag:$0x2] =	stream.indirect.gather @!p1 [spmem:s2], $0x80, s17, s20, $0xb8;
	[tilespmem:$0x17900] =	vst v63  }
0x2b: {  	_ =	swait.ge @!p1 [sflag:s18], $0x4000  }
.Ltmp0:
0x2c: {  	[sflag:s18] =	ssyncset.done @!p1 $0x0;
	(pc) =	sbr.rel @p3 .LBB2_2-.Ltmp0, $4  }
0x2d: {  	s16 =	simm.s32 @!p1 $0x1;
	[sflag:s18] =	ssyncadd.s32 @!p1 $0xFFFFC000  }
0x2e: {  	[hbm4b:s13+s17] =	stream.linear.scatter @!p1 [tilespmem:s20], [sflag:$0x1], $0x4000, $0x38;
	[tilespmem:$0x17900] =	vst v63  }
0x2f: {  	s17 =	sadd.s32 s19, s9;
	s13 =	sadd.s32 $0x10000, s13;
	_ =	swait.ge @!p1 [sflag:s16], $0x4000  }
0x30: {  	s15 =	sadd.s32 $0x200, s15;
	p2 =	sgt.u32 s17, $0xF9;
	[sflag:s16] =	ssyncset.done @!p1 $0x0  }
0x31: {  	s14 =	simm.s32 @!p2 $0x0;
	s17 =	simm.s32 @!p2 $0x2;
	[sflag:s16] =	ssyncadd.s32 @!p1 $0xFFFFC000  }
0x32: {  	[tilespmem:s14], [sflag:$0x2] =	stream.linear.gather @!p2 [hbm4b:s15+s14], $0x80, $0x38;
	[tilespmem:$0x17900] =	vst v63  }
0x33: {  	_ =	swait.ge @!p2 [sflag:s17], $0x80  }
0x34: {  	p1 =	por p2, p2;
	[sflag:s17] =	ssyncset.done @!p2 $0x0  }
0x35: {  	s15 =	simm.s32 @!p1 $0x80;
	[sflag:s17] =	ssyncadd.s32 @!p1 $0xFFFFFF80  }
0x36: {  	[tilespmem:s15], [sflag:$0x2] =	stream.indirect.gather @!p1 [spmem:s2], $0x80, s14, s15, $0xb8;
	[tilespmem:$0x17900] =	vst v63  }
0x37: {  	s3 =	sadd.s32 $0x1, s3;
	_ =	swait.ge @!p1 [sflag:s17], $0x4000  }
0x38: {  	p2 =	sne.s32 s3, s6;
	[sflag:s17] =	ssyncset.done @!p1 $0x0  }
.Ltmp1:
0x39: {  	s16 =	simm.s32 @!p1 $0x1;
	[sflag:s17] =	ssyncadd.s32 @!p1 $0xFFFFC000;
	(pc) =	sbr.rel @p2 .LBB2_1-.Ltmp1, $4  }
0x3a: {  	[hbm4b:s13+s14] =	stream.linear.scatter @!p1 [tilespmem:s15], [sflag:$0x1], $0x4000, $0x38;
	[tilespmem:$0x17900] =	vst v63  }
0x3b: {  	_ =	swait.ge @!p1 [sflag:s16], $0x4000  }
0x3c: {  	[sflag:s16] =	ssyncset.done @!p1 $0x0  }
0x3d: {  	[sflag:s16] =	ssyncadd.s32 @!p1 $0xFFFFC000  }
0x3e: {  	_ =	sfence.sel $0x180000  }
0x3f: {  	[bflag:$0x0] =	sbarrier.arrive $0xFFFF  }
0x40: {  	p0 =	sne.s32 s1, $0x0;
	_ =	strace $0x9000004A  }
0x41: {  	s0 =	sadd.s32 @!p0 $0x100000, s0;
	[bflag:$0x2] =	sbarrier.arrive $0xFFFF  }
0x42: {  	[sflag:s0] =	ssyncadd.tile.s32 @!p0 $0x1;
	_ =	shalt  }
.Lfunc_end2:
_tile_overlayer_lowered:
.L_overlay_start_2:
0x43: {  	(tag) =	ssettag $0x2  }
0x44: {  	s0 =	rddreg [dreg:$0x0];
	s2 =	stileid.u32  }
0x45: {  	s1 =	rddreg [dreg:$0x1];
	p0 =	sne.s32 s2, $0x0  }
0x46: {  	s3 =	rddreg [dreg:$0x2];
	[bflag:$0x3] =	sbarrier.arrive $0xFFFF;
	s2 =	simm.s32 @!p0 $0x1C01  }
0x47: {  	[timem:s3], [sflag:s2] =	dma.local @!p0 [hbm:s0], s1  }
0x48: {  	s0 =	simm.s32 @!p0 $0x1  }
0x49: {  	_ =	swait.ge @!p0 [sflag:s0], s1  }
0x4a: {  	s1 =	ssub.s32 @!p0 $0x0, s1;
	[sflag:s0] =	ssyncset.done @!p0 $0x0  }
0x4b: {  	[sflag:s0] =	ssyncadd.s32 @!p0 s1  }
0x4c: {  	[bflag:$0x3] =	sbarrier.arrive $0xFFFF  }
0x4d: {  	_ =	shalt  }

// kernel: kernel.24.cloned.1.call-start
scs
__scs_entry_jumppad:
0x0: {  	(pc) =	sbr.rel $0x88, $3  }
0x1: {  	(tag) =	ssettag $0x0;
	lr =	simm.s32 $0x1  }
0x2: {  	[smem:$0x3F92] =	sst lr;
	_ =	strace $0xD0000000  }
0x3: {  	_ = 	snop  }
0x4: {  	_ = 	snop  }
0x5: {  	_ = 	snop  }
0x6: {  	_ = 	snop  }
0x7: {  	_ = 	snop  }
__scs_overlays_trampoline_lowered:
0x8: {  	[smem:$0x3FA1] =	sst s0  }
0x9: {  	[smem:$0x3FA2] =	sst s1  }
0xa: {  	[smem:$0x3FA3] =	sst s2  }
0xb: {  	[smem:$0x3FA4] =	sst s3  }
0xc: {  	[smem:$0x3FA5] =	sst s4  }
0xd: {  	[smem:$0x3FA6] =	sst s5  }
0xe: {  	[smem:$0x3FA7] =	sst s6  }
0xf: {  	[smem:$0x3FA8] =	sst s7  }
0x10: {  	[smem:$0x3FA9] =	sst s8  }
0x11: {  	[smem:$0x3FAA] =	sst s9;
	s0 =	simm.s32 @!p0 $0x0  }
0x12: {  	s1 =	sld [smem:$0x3F90];
	s0 =	simm.s32 @p0 $0x1  }
0x13: {  	[smem:$0x3FAB] =	sst s0;
	s0 =	simm.s32 @!p1 $0x0  }
0x14: {  	s2 =	sld [smem:$0x3F8F];
	s0 =	simm.s32 @p1 $0x1  }
0x15: {  	[smem:$0x3FAC] =	sst s0;
	s0 =	simm.s32 @!p2 $0x0  }
0x16: {  	s3 =	sld [smem:$0x3FDB];
	s0 =	simm.s32 @p2 $0x1  }
0x17: {  	s4 =	simm.s32 $0x1BF5;
	[smem:$0x3FAE] =	sst s0  }
0x18: {  	s0 =	sld [smem:$0x3F91];
	_ =	swait.ge [sflag:s4], $0x0  }
0x19: {  	s7 =	sld [smem:$0x3F92]  }
0x1a: {  	s8 =	sadd.s32 $0xFFFFE003, lr  }
0x1b: {  	s9 =	sadd.s32 $0xFFFFFEF7, lr;
	s5 =	simm.s32 $0xFFFFFFFF;
	p2 =	slt.u32 s8, $0xFFFFF086  }
0x1c: {  	p1 =	slt.u32 s9, $0xF7A;
	s5 =	simm.s32 @!p2 $0x0  }
0x1d: {  	s5 =	simm.s32 @p1 $0x1;
	p0 =	seq.s32 s7, s2  }
0x1e: {  	s7 =	smul.u32 @!p0 $0xF7A, s2;
	p2 =	seq.s32 @!p0 s5, $0x0  }
0x1f: {  	s9 =	smul.u32 $0xF7A, s1;
	s8 =	simm.s32 @!p0 $0x1BF5;
	p2 =	por !p2, p0  }
0x20: {  	[sflag:s8] =	ssyncset.s32 @!p0 $0xFFFFF086;
	s6 =	sadd.s32 @!p0 s3, s7;
	s7 =	simm.s32 @!p0 $0x108  }
0x21: {  	s3 =	sadd.s32 s3, s9;
	s6 =	sadd.s32 @!p0 $0x88, s6;
	s7 =	simm.s32 @p2 $0x1082  }
0x22: {  	[simem:s7], [sflag:s8] =	dma.local @!p0 [hbm:s6], $0xF7A  }
0x23: {  	s9 =	sor.u32 $0xD0000000, s2;
	s6 =	simm.s32 $0x108;
	_ =	swait.ge @!p0 [sflag:s8], $0x0  }
0x24: {  	s3 =	sadd.s32 $0x88, s3;
	s6 =	simm.s32 @!p1 $0x1082;
	[sflag:s4] =	ssyncset.s32 $0xFFFFF086  }
0x25: {  	[simem:s6], [sflag:s4] =	dma.local [hbm:s3], $0xF7A  }
0x26: {  	[smem:$0x3F92] =	sst s1;
	(tag) =	ssettag s2;
	_ =	strace s9  }
0x27: {  	s1 =	sld [smem:$0x3FA2]  }
0x28: {  	s2 =	sld [smem:$0x3FA3]  }
0x29: {  	s4 =	sld [smem:$0x3FA5]  }
0x2a: {  	p0 =	seq.s32 s5, $0x0;
	s5 =	sld [smem:$0x3FA6]  }
0x2b: {  	s6 =	sld [smem:$0x3FA7]  }
0x2c: {  	s7 =	sld [smem:$0x3FA8]  }
0x2d: {  	s3 =	simm.s32 $0x108;
	s8 =	sld [smem:$0x3FA9]  }
0x2e: {  	s3 =	simm.s32 @!p0 $0x1082;
	s9 =	sld [smem:$0x3FAA]  }
0x2f: {  	lr =	sadd.s32 s0, s3;
	s0 =	sld [smem:$0x3FA1]  }
0x30: {  	s3 =	sld [smem:$0x3FA4]  }
0x31: {  	[smem:$0x3FAD] =	sst s10  }
0x32: {  	s10 =	sld [smem:$0x3FAB];
	_ =	sdelay $0x3  }
0x33: {  	p0 =	seq.s32 s10, $0x1;
	s10 =	sld [smem:$0x3FAD];
	_ =	sdelay $0x3  }
0x34: {  	[smem:$0x3FAD] =	sst s10  }
0x35: {  	s10 =	sld [smem:$0x3FAC];
	_ =	sdelay $0x3  }
0x36: {  	p1 =	seq.s32 s10, $0x1;
	s10 =	sld [smem:$0x3FAD];
	_ =	sdelay $0x3  }
0x37: {  	[smem:$0x3FAD] =	sst s10  }
0x38: {  	s10 =	sld [smem:$0x3FAE]  }
0x39: {  	_ = 	snop;
	(pc) =	sbr.ind lr, $3  }
0x3a: {  	_ = 	snop  }
0x3b: {  	_ = 	snop  }
0x3c: {  	p2 =	seq.s32 s10, $0x1;
	s10 =	sld [smem:$0x3FAD]  }
0x3d: {  	_ =	shalt  }
0x3e: {  	_ =	shalt  }
0x3f: {  	_ =	shalt  }
0x40: {  	_ =	shalt  }
0x41: {  	_ =	shalt  }
0x42: {  	_ =	shalt  }
0x43: {  	_ =	shalt  }
0x44: {  	_ =	shalt  }
0x45: {  	_ =	shalt  }
0x46: {  	_ =	shalt  }
0x47: {  	_ =	shalt  }
0x48: {  	_ =	shalt  }
0x49: {  	_ =	shalt  }
0x4a: {  	_ =	shalt  }
0x4b: {  	_ =	shalt  }
0x4c: {  	_ =	shalt  }
0x4d: {  	_ =	shalt  }
0x4e: {  	_ =	shalt  }
0x4f: {  	_ =	shalt  }
0x50: {  	_ =	shalt  }
0x51: {  	_ =	shalt  }
0x52: {  	_ =	shalt  }
0x53: {  	_ =	shalt  }
0x54: {  	_ =	shalt  }
0x55: {  	_ =	shalt  }
0x56: {  	_ =	shalt  }
0x57: {  	_ =	shalt  }
0x58: {  	_ =	shalt  }
0x59: {  	_ =	shalt  }
0x5a: {  	_ =	shalt  }
0x5b: {  	_ =	shalt  }
0x5c: {  	_ =	shalt  }
0x5d: {  	_ =	shalt  }
0x5e: {  	_ =	shalt  }
0x5f: {  	_ =	shalt  }
0x60: {  	_ =	shalt  }
0x61: {  	_ =	shalt  }
0x62: {  	_ =	shalt  }
0x63: {  	_ =	shalt  }
0x64: {  	_ =	shalt  }
0x65: {  	_ =	shalt  }
0x66: {  	_ =	shalt  }
0x67: {  	_ =	shalt  }
0x68: {  	_ =	shalt  }
0x69: {  	_ =	shalt  }
0x6a: {  	_ =	shalt  }
0x6b: {  	_ =	shalt  }
0x6c: {  	_ =	shalt  }
0x6d: {  	_ =	shalt  }
0x6e: {  	_ =	shalt  }
0x6f: {  	_ =	shalt  }
0x70: {  	_ =	shalt  }
0x71: {  	_ =	shalt  }
0x72: {  	_ =	shalt  }
0x73: {  	_ =	shalt  }
0x74: {  	_ =	shalt  }
0x75: {  	_ =	shalt  }
0x76: {  	_ =	shalt  }
0x77: {  	_ =	shalt  }
0x78: {  	_ =	shalt  }
0x79: {  	_ =	shalt  }
0x7a: {  	_ =	shalt  }
0x7b: {  	_ =	shalt  }
0x7c: {  	_ =	shalt  }
0x7d: {  	_ =	shalt  }
0x7e: {  	_ =	shalt  }
0x7f: {  	_ =	shalt  }
0x80: {  	_ =	shalt  }
0x81: {  	_ =	shalt  }
0x82: {  	_ =	shalt  }
0x83: {  	_ =	shalt  }
0x84: {  	_ =	shalt  }
0x85: {  	_ =	shalt  }
0x86: {  	_ =	shalt  }
0x87: {  	_ =	shalt  }
.Lfunc_end0:
.L_simem_size_0:
called_computation.2_lowered:
.L_overlay_start_0:
0x88: {  	s2 =	sld [smem:$0x3FD9]  }
0x89: {  	s3 =	sld [smem:$0x3FFE];
	_ =	sdelay $0x1  }
0x8a: {  	s1 =	srdreg.scid  }
0x8b: {  	s0 =	sand.u32 $0x1, s1  }
0x8c: {  	s17 =	sshll.u32 s0, $0xA;
	s2 =	sadd.s32 s3, s2  }
0x8d: {  	s2 =	sadd.s32 s2, s17  }
0x8e: {  	[smem:$0x3FB9] =	sst s2  }
0x8f: {  	_ = 	snop  }
0x90: {  	(tm) =	ssettm $0x1  }
0x91: {  	s18 =	sld [smem:$0x3FFB];
	_ =	sdelay $0x3  }
0x92: {  	_ =	strace s18  }
0x93: {  	s2 =	sld [smem:$0x3FFC];
	_ =	sdelay $0x3  }
0x94: {  	_ =	strace s2  }
0x95: {  	s2 =	sld [smem:$0x3FFD];
	_ =	sdelay $0x3  }
0x96: {  	_ =	strace s2  }
0x97: {  	_ =	strace $0x8FFFFFFF  }
0x98: {  	s19 =	sld [smem:$0x3FDB];
	_ =	sdelay $0x1  }
0x99: {  	s20 =	simm.s32 $_scs_section_size  }
0x9a: {  	s4 =	simm.s32 $_size__tile_overlayer_lowered;
	s5 =	simm.s32 $_tile_overlayer_lowered  }
0x9b: {  	s6 =	simm.s32 $0x1BFF;
	s21 =	sshll.u32 s5, $0x1;
	s3 =	sadd.s32 s20, s19  }
0x9c: {  	s22 =	simm.s32 $0x0;
	s4 =	sshll.u32 s4, $0x1;
	s5 =	sadd.s32 s21, s3  }
0x9d: {  	[timem:s22], [sflag:s6] =	dma.local [hbm:s5], s4  }
0x9e: {  	_ =	swait.ge [sflag:s6], s4  }
0x9f: {  	s4 =	ssub.s32 $0x0, s4;
	[sflag:s6] =	ssyncset.done $0x0  }
0xa0: {  	[sflag:s6] =	ssyncadd.s32 s4;
	_ =	sdelay $0x1  }
0xa1: {  	s23 =	simm.s32 $0x1B8B  }
0xa2: {  	_ =	swait.ge [sflag:s23], $0x1  }
0xa3: {  	[sflag:s23] =	ssyncset.done $0x0  }
0xa4: {  	[sflag:s23] =	ssyncadd.s32 $0xFFFFFFFF  }
0xa5: {  	s4 =	sld [smem:$0x0]  }
0xa6: {  	s5 =	sand.u32 $0xFFFFFFFE, s1  }
0xa7: {  	p0 =	sne.s32 s1, s5  }
0xa8: {  	s5 =	sshll.u32 @p0 s5, $0xE  }
0xa9: {  	s5 =	sadd.s32 @p0 $0x11B8D, s5;
	s6 =	sshll.u32 @p0 s4, $0x11  }
0xaa: {  	s5 =	sor.u32 @p0 s6, s5  }
0xab: {  	[sflag:s5] =	ssyncadd.remote.s32 @p0 $0x1;
	_ =	sdelay $0x1  }
0xac: {  	s5 =	simm.s32 @p0 $0x1B8D  }
0xad: {  	_ =	swait.eq @p0 [sflag:s5], $0x1  }
0xae: {  	[sflag:s5] =	ssyncadd.s32 @p0 $0xFFFFFFFF  }
0xaf: {  	s6 =	sshll.u32 @!p0 s1, $0xE  }
0xb0: {  	s6 =	sor.u32 @!p0 $0x4000, s6;
	s5 =	simm.s32 @!p0 $0x1B8D  }
0xb1: {  	s4 =	sshll.u32 @!p0 s4, $0x11;
	s6 =	sadd.s32 @!p0 $0x11B8D, s6;
	_ =	swait.eq @!p0 [sflag:s5], $0x1  }
0xb2: {  	s4 =	sor.u32 @!p0 s4, s6;
	[sflag:s5] =	ssyncadd.s32 @!p0 $0xFFFFFFFF  }
0xb3: {  	s25 =	simm.s32 $0x1B8E;
	s24 =	sld [smem:$0x3FFE];
	[sflag:s4] =	ssyncadd.remote.s32 @!p0 $0x1  }
0xb4: {  	s26 =	simm.s32 $execute0_lowered;
	[smem:$0x3FD2] =	sst s25  }
0xb5: {  	s5 =	sshll.u32 s26, $0x1;
	_ =	strace $0x8000004F;
	[dreg:$0x1] =	wrdreg $0xFFFFFFFF  }
0xb6: {  	s28 =	simm.s32 $_size_execute0_lowered;
	s3 =	sadd.s32 s3, s5;
	[dreg:$0x0] =	wrdreg $0x0  }
0xb7: {  	s5 =	sshll.u32 s28, $0x1;
	[dreg:$0x2] =	wrdreg s3  }
0xb8: {  	[dreg:$0x3] =	wrdreg s5  }
0xb9: {  	[dreg:$0x4] =	wrdreg $0xC0  }
0xba: {  	_ =	task [dreg:s22], $0x5FFFF  }
0xbb: {  	[dreg:$0x1] =	wrdreg $0xFFFFFFFF  }
0xbc: {  	[dreg:$0x0] =	wrdreg $0x60  }
0xbd: {  	[dreg:$0x2] =	wrdreg s24  }
0xbe: {  	[dreg:$0x3] =	wrdreg $0x40800  }
0xbf: {  	[dreg:$0x4] =	wrdreg $0x9  }
0xc0: {  	_ =	task.clear_ibuf [dreg:s22], $0x5FFFF;
	_ =	strace $0x9000004F  }
0xc1: {  	s29 =	simm.s32 $0x9;
	_ =	strace $0x80000051  }
0xc2: {  	_ =	swait.ge [sflag:s29], $0x1  }
0xc3: {  	[sflag:s29] =	ssyncadd.s32 $0xFFFFFFFF  }
0xc4: {  	_ =	strace $0x90000051  }
0xc5: {  	_ =	sfence  }
0xc6: {  	s30 =	sld [smem:$0x0];
	_ =	sdelay $0x2  }
0xc7: {  	s31 =	sshll.u32 s1, $0xD;
	s1 =	sshrl.u32 s1, $0x2  }
0xc8: {  	s4 =	sand.u32 $0x4000, s31;
	s1 =	sadd.s32 s1, s30  }
0xc9: {  	s0 =	sor.u32 s4, s0;
	s1 =	sshll.u32 s1, $0x11  }
0xca: {  	s0 =	sor.u32 s1, s0  }
0xcb: {  	s0 =	sadd.s32 $0x8F2B, s0  }
0xcc: {  	[sflag:s0] =	ssyncadd.remote.s32 $0x1  }
0xcd: {  	_ =	sfence.sel $0xFFFF  }
0xce: {  	[dreg:$0x0] =	wrdreg $0xFFFFFFFF;
	(pc) =	sbr.abs _section_cstart, $3  }
0xcf: {  	[dreg:$0x1] =	wrdreg $0xFFFFFFFF  }
0xd0: {  	_ =	task.clear_ibuf [dreg:s22], $0x2FFFF;
	_ =	strace $0x9FFFFFFF  }
0xd1: {  	(tm) =	ssettm $0x7FFFFFFF  }
tec
execute0_lowered:
.L_overlay_start_1:
0x0: {  	(tag) =	ssettag $0x1  }
0x1: {  	s5 =	rddreg [dreg:$0x0]  }
0x2: {  	s2 =	rddreg [dreg:$0x1];
	s1 =	stileid.u32  }
0x3: {  	s0 =	rddreg [dreg:$0x2];
	s3 =	simm.s32 $0x0;
	s6 =	srdreg.scid  }
0x4: {  	s4 =	smul.u32 $0x2800, s1;
	[smem:$0x7FF] =	sst s3  }
0x5: {  	s6 =	sand.u32 $0x1, s6;
	s9 =	smul.u32 $0x50000, s1;
	s13 =	sadd.s32 $0x12C000, s2  }
0x6: {  	s30 =	sshll.u32 s1, $0x4;
	s31 =	sshll.u32 s1, $0xB;
	p0 =	seq.s32 s1, $0xF  }
0x7: {  	_ =	strace $0x80000050;
	s7 =	sshll.u32 s6, $0x8;
	s8 =	ssub.s32 $0x2, s6  }
0x8: {  	s10 =	sshll.u32 s6, $0xF;
	s29 =	sshll.u32 s6, $0x4;
	s4 =	sadd.s32 s4, s5  }
0x9: {  	s7 =	sadd.s32 s7, s5;
	s11 =	sshrl.u32 s8, $0x1;
	s10 =	sadd.s32 s10, s5  }
0xa: {  	s9 =	sshrl.u32 s9, $0x2;
	s5 =	sadd.s32 $0x54600, s5;
	s8 =	ssub.s32 s8, s11  }
0xb: {  	s12 =	sadd.s32 s9, s2;
	s4 =	sadd.s32 $0x2EE00, s4;
	s7 =	sadd.s32 s30, s7  }
0xc: {  	s9 =	sor.u32 s29, s1;
	s11 =	sshll.u32 @!p0 s1, $0x6;
	s6 =	smax.u32 s8, $0x1  }
0xd: {  	s7 =	sadd.s32 $0xD4000, s7;
	s8 =	sadd.s32 s31, s10;
	s10 =	sshrl.u32 @p0 s13, $0x3  }
0xe: {  	s11 =	sor.u32 @!p0 $0x1C01, s11;
	s12 =	sshrl.u32 @!p0 s12, $0x3;
	s8 =	sadd.s32 $0x416200, s8  }
.LBB2_1:
0xf: {  	s13 =	simm.s32 @p0 $0x1FC1  }
0x10: {  	[spmem:s10], [sflag:s13] =	dma.local @p0 [hbm:s5], $0x1900  }
0x11: {  	s13 =	simm.s32 @p0 $0x1  }
0x12: {  	_ =	swait.ge @p0 [sflag:s13], $0x1900  }
0x13: {  	[sflag:s13] =	ssyncset.done @p0 $0x0  }
0x14: {  	[sflag:s13] =	ssyncadd.s32 @p0 $0xFFFFE700;
	s13 =	simm.s32 @!p0 $0x1  }
0x15: {  	[spmem:s12], [sflag:s11] =	dma.local @!p0 [hbm:s4], $0x2800  }
0x16: {  	_ =	swait.ge @!p0 [sflag:s13], $0x2800  }
0x17: {  	s14 =	sadd.s32 $0x0, s9;
	[sflag:s13] =	ssyncset.done @!p0 $0x0  }
0x18: {  	p1 =	sgt.u32 s14, $0xF9;
	[sflag:s13] =	ssyncadd.s32 @!p0 $0xFFFFD800  }
0x19: {  	s15 =	simm.s32 @!p1 $0x2;
	s13 =	simm.s32 @!p1 $0x0;
	[bflag:$0x0] =	sbarrier.arrive $0xFFFF  }
0x1a: {  	[tilespmem:s13], [sflag:$0x2] =	stream.linear.gather @!p1 [hbm4b:s7+s13], $0x80, $0x38;
	[tilespmem:$0x17900] =	vst v63  }
0x1b: {  	_ =	swait.ge @!p1 [sflag:s15], $0x80  }
0x1c: {  	[sflag:s15] =	ssyncset.done @!p1 $0x0;
	p1 =	por p1, p1  }
0x1d: {  	[sflag:s15] =	ssyncadd.s32 @!p1 $0xFFFFFF80;
	s17 =	simm.s32 @!p1 $0x80  }
0x1e: {  	[tilespmem:s17], [sflag:$0x2] =	stream.indirect.gather @!p1 [spmem:s2], $0x80, s13, s17, $0xb8;
	[tilespmem:$0x17900] =	vst v63  }
0x1f: {  	_ =	swait.ge @!p1 [sflag:s15], $0x4000  }
0x20: {  	[sflag:s15] =	ssyncset.done @!p1 $0x0  }
0x21: {  	s31 =	sadd.s32 $0x20, s9;
	s16 =	simm.s32 @!p1 $0x1;
	[sflag:s15] =	ssyncadd.s32 @!p1 $0xFFFFC000  }
0x22: {  	[hbm4b:s8+s13] =	stream.linear.scatter @!p1 [tilespmem:s17], [sflag:$0x1], $0x4000, $0x38;
	[tilespmem:$0x17900] =	vst v63  }
0x23: {  	s14 =	simm.s32 $0x40;
	p2 =	sgt.u32 s31, $0xF9;
	_ =	swait.ge @!p1 [sflag:s16], $0x4000  }
0x24: {  	s15 =	sadd.s32 $0x200, s7;
	s13 =	sadd.s32 $0x10000, s8;
	[sflag:s16] =	ssyncset.done @!p1 $0x0  }
.LBB2_2:
0x25: {  	s17 =	simm.s32 @!p2 $0x0;
	s18 =	simm.s32 @!p2 $0x2;
	[sflag:s16] =	ssyncadd.s32 @!p1 $0xFFFFC000  }
0x26: {  	[tilespmem:s17], [sflag:$0x2] =	stream.linear.gather @!p2 [hbm4b:s15+s17], $0x80, $0x38;
	[tilespmem:$0x17900] =	vst v63  }
0x27: {  	s19 =	smov.u32 s14;
	s14 =	sadd.s32 $0x20, s14;
	_ =	swait.ge @!p2 [sflag:s18], $0x80  }
0x28: {  	p1 =	por p2, p2;
	p3 =	sne.s32 s14, $0x100;
	[sflag:s18] =	ssyncset.done @!p2 $0x0  }
0x29: {  	s20 =	simm.s32 @!p1 $0x80;
	[sflag:s18] =	ssyncadd.s32 @!p1 $0xFFFFFF80  }
0x2a: {  	[tilespmem:s20], [sflag:$0x2] =	stream.indirect.gather @!p1 [spmem:s2], $0x80, s17, s20, $0xb8;
	[tilespmem:$0x17900] =	vst v63  }
0x2b: {  	_ =	swait.ge @!p1 [sflag:s18], $0x4000  }
.Ltmp0:
0x2c: {  	[sflag:s18] =	ssyncset.done @!p1 $0x0;
	(pc) =	sbr.rel @p3 .LBB2_2-.Ltmp0, $4  }
0x2d: {  	s16 =	simm.s32 @!p1 $0x1;
	[sflag:s18] =	ssyncadd.s32 @!p1 $0xFFFFC000  }
0x2e: {  	[hbm4b:s13+s17] =	stream.linear.scatter @!p1 [tilespmem:s20], [sflag:$0x1], $0x4000, $0x38;
	[tilespmem:$0x17900] =	vst v63  }
0x2f: {  	s17 =	sadd.s32 s19, s9;
	s13 =	sadd.s32 $0x10000, s13;
	_ =	swait.ge @!p1 [sflag:s16], $0x4000  }
0x30: {  	s15 =	sadd.s32 $0x200, s15;
	p2 =	sgt.u32 s17, $0xF9;
	[sflag:s16] =	ssyncset.done @!p1 $0x0  }
0x31: {  	s14 =	simm.s32 @!p2 $0x0;
	s17 =	simm.s32 @!p2 $0x2;
	[sflag:s16] =	ssyncadd.s32 @!p1 $0xFFFFC000  }
0x32: {  	[tilespmem:s14], [sflag:$0x2] =	stream.linear.gather @!p2 [hbm4b:s15+s14], $0x80, $0x38;
	[tilespmem:$0x17900] =	vst v63  }
0x33: {  	_ =	swait.ge @!p2 [sflag:s17], $0x80  }
0x34: {  	p1 =	por p2, p2;
	[sflag:s17] =	ssyncset.done @!p2 $0x0  }
0x35: {  	s15 =	simm.s32 @!p1 $0x80;
	[sflag:s17] =	ssyncadd.s32 @!p1 $0xFFFFFF80  }
0x36: {  	[tilespmem:s15], [sflag:$0x2] =	stream.indirect.gather @!p1 [spmem:s2], $0x80, s14, s15, $0xb8;
	[tilespmem:$0x17900] =	vst v63  }
0x37: {  	s3 =	sadd.s32 $0x1, s3;
	_ =	swait.ge @!p1 [sflag:s17], $0x4000  }
0x38: {  	p2 =	sne.s32 s3, s6;
	[sflag:s17] =	ssyncset.done @!p1 $0x0  }
.Ltmp1:
0x39: {  	s16 =	simm.s32 @!p1 $0x1;
	[sflag:s17] =	ssyncadd.s32 @!p1 $0xFFFFC000;
	(pc) =	sbr.rel @p2 .LBB2_1-.Ltmp1, $4  }
0x3a: {  	[hbm4b:s13+s14] =	stream.linear.scatter @!p1 [tilespmem:s15], [sflag:$0x1], $0x4000, $0x38;
	[tilespmem:$0x17900] =	vst v63  }
0x3b: {  	_ =	swait.ge @!p1 [sflag:s16], $0x4000  }
0x3c: {  	[sflag:s16] =	ssyncset.done @!p1 $0x0  }
0x3d: {  	[sflag:s16] =	ssyncadd.s32 @!p1 $0xFFFFC000  }
0x3e: {  	_ =	sfence.sel $0x180000  }
0x3f: {  	[bflag:$0x0] =	sbarrier.arrive $0xFFFF  }
0x40: {  	p0 =	sne.s32 s1, $0x0;
	_ =	strace $0x90000050  }
0x41: {  	s0 =	sadd.s32 @!p0 $0x100000, s0;
	[bflag:$0x2] =	sbarrier.arrive $0xFFFF  }
0x42: {  	[sflag:s0] =	ssyncadd.tile.s32 @!p0 $0x1;
	_ =	shalt  }
.Lfunc_end2:
_tile_overlayer_lowered:
.L_overlay_start_2:
0x43: {  	(tag) =	ssettag $0x2  }
0x44: {  	s0 =	rddreg [dreg:$0x0];
	s2 =	stileid.u32  }
0x45: {  	s1 =	rddreg [dreg:$0x1];
	p0 =	sne.s32 s2, $0x0  }
0x46: {  	s3 =	rddreg [dreg:$0x2];
	[bflag:$0x3] =	sbarrier.arrive $0xFFFF;
	s2 =	simm.s32 @!p0 $0x1C01  }
0x47: {  	[timem:s3], [sflag:s2] =	dma.local @!p0 [hbm:s0], s1  }
0x48: {  	s0 =	simm.s32 @!p0 $0x1  }
0x49: {  	_ =	swait.ge @!p0 [sflag:s0], s1  }
0x4a: {  	s1 =	ssub.s32 @!p0 $0x0, s1;
	[sflag:s0] =	ssyncset.done @!p0 $0x0  }
0x4b: {  	[sflag:s0] =	ssyncadd.s32 @!p0 s1  }
0x4c: {  	[bflag:$0x3] =	sbarrier.arrive $0xFFFF  }
0x4d: {  	_ =	shalt  }

// kernel: kernel.27.cloned.1.call-start
scs
__scs_entry_jumppad:
0x0: {  	(pc) =	sbr.rel $0x88, $3  }
0x1: {  	(tag) =	ssettag $0x0;
	lr =	simm.s32 $0x1  }
0x2: {  	[smem:$0x3F92] =	sst lr;
	_ =	strace $0xD0000000  }
0x3: {  	_ = 	snop  }
0x4: {  	_ = 	snop  }
0x5: {  	_ = 	snop  }
0x6: {  	_ = 	snop  }
0x7: {  	_ = 	snop  }
__scs_overlays_trampoline_lowered:
0x8: {  	[smem:$0x3FA1] =	sst s0  }
0x9: {  	[smem:$0x3FA2] =	sst s1  }
0xa: {  	[smem:$0x3FA3] =	sst s2  }
0xb: {  	[smem:$0x3FA4] =	sst s3  }
0xc: {  	[smem:$0x3FA5] =	sst s4  }
0xd: {  	[smem:$0x3FA6] =	sst s5  }
0xe: {  	[smem:$0x3FA7] =	sst s6  }
0xf: {  	[smem:$0x3FA8] =	sst s7  }
0x10: {  	[smem:$0x3FA9] =	sst s8  }
0x11: {  	[smem:$0x3FAA] =	sst s9;
	s0 =	simm.s32 @!p0 $0x0  }
0x12: {  	s1 =	sld [smem:$0x3F90];
	s0 =	simm.s32 @p0 $0x1  }
0x13: {  	[smem:$0x3FAB] =	sst s0;
	s0 =	simm.s32 @!p1 $0x0  }
0x14: {  	s2 =	sld [smem:$0x3F8F];
	s0 =	simm.s32 @p1 $0x1  }
0x15: {  	[smem:$0x3FAC] =	sst s0;
	s0 =	simm.s32 @!p2 $0x0  }
0x16: {  	s3 =	sld [smem:$0x3FDB];
	s0 =	simm.s32 @p2 $0x1  }
0x17: {  	s4 =	simm.s32 $0x1BF5;
	[smem:$0x3FAE] =	sst s0  }
0x18: {  	s0 =	sld [smem:$0x3F91];
	_ =	swait.ge [sflag:s4], $0x0  }
0x19: {  	s7 =	sld [smem:$0x3F92]  }
0x1a: {  	s8 =	sadd.s32 $0xFFFFE003, lr  }
0x1b: {  	s9 =	sadd.s32 $0xFFFFFEF7, lr;
	s5 =	simm.s32 $0xFFFFFFFF;
	p2 =	slt.u32 s8, $0xFFFFF086  }
0x1c: {  	p1 =	slt.u32 s9, $0xF7A;
	s5 =	simm.s32 @!p2 $0x0  }
0x1d: {  	s5 =	simm.s32 @p1 $0x1;
	p0 =	seq.s32 s7, s2  }
0x1e: {  	s7 =	smul.u32 @!p0 $0xF7A, s2;
	p2 =	seq.s32 @!p0 s5, $0x0  }
0x1f: {  	s9 =	smul.u32 $0xF7A, s1;
	s8 =	simm.s32 @!p0 $0x1BF5;
	p2 =	por !p2, p0  }
0x20: {  	[sflag:s8] =	ssyncset.s32 @!p0 $0xFFFFF086;
	s6 =	sadd.s32 @!p0 s3, s7;
	s7 =	simm.s32 @!p0 $0x108  }
0x21: {  	s3 =	sadd.s32 s3, s9;
	s6 =	sadd.s32 @!p0 $0x88, s6;
	s7 =	simm.s32 @p2 $0x1082  }
0x22: {  	[simem:s7], [sflag:s8] =	dma.local @!p0 [hbm:s6], $0xF7A  }
0x23: {  	s9 =	sor.u32 $0xD0000000, s2;
	s6 =	simm.s32 $0x108;
	_ =	swait.ge @!p0 [sflag:s8], $0x0  }
0x24: {  	s3 =	sadd.s32 $0x88, s3;
	s6 =	simm.s32 @!p1 $0x1082;
	[sflag:s4] =	ssyncset.s32 $0xFFFFF086  }
0x25: {  	[simem:s6], [sflag:s4] =	dma.local [hbm:s3], $0xF7A  }
0x26: {  	[smem:$0x3F92] =	sst s1;
	(tag) =	ssettag s2;
	_ =	strace s9  }
0x27: {  	s1 =	sld [smem:$0x3FA2]  }
0x28: {  	s2 =	sld [smem:$0x3FA3]  }
0x29: {  	s4 =	sld [smem:$0x3FA5]  }
0x2a: {  	p0 =	seq.s32 s5, $0x0;
	s5 =	sld [smem:$0x3FA6]  }
0x2b: {  	s6 =	sld [smem:$0x3FA7]  }
0x2c: {  	s7 =	sld [smem:$0x3FA8]  }
0x2d: {  	s3 =	simm.s32 $0x108;
	s8 =	sld [smem:$0x3FA9]  }
0x2e: {  	s3 =	simm.s32 @!p0 $0x1082;
	s9 =	sld [smem:$0x3FAA]  }
0x2f: {  	lr =	sadd.s32 s0, s3;
	s0 =	sld [smem:$0x3FA1]  }
0x30: {  	s3 =	sld [smem:$0x3FA4]  }
0x31: {  	[smem:$0x3FAD] =	sst s10  }
0x32: {  	s10 =	sld [smem:$0x3FAB];
	_ =	sdelay $0x3  }
0x33: {  	p0 =	seq.s32 s10, $0x1;
	s10 =	sld [smem:$0x3FAD];
	_ =	sdelay $0x3  }
0x34: {  	[smem:$0x3FAD] =	sst s10  }
0x35: {  	s10 =	sld [smem:$0x3FAC];
	_ =	sdelay $0x3  }
0x36: {  	p1 =	seq.s32 s10, $0x1;
	s10 =	sld [smem:$0x3FAD];
	_ =	sdelay $0x3  }
0x37: {  	[smem:$0x3FAD] =	sst s10  }
0x38: {  	s10 =	sld [smem:$0x3FAE]  }
0x39: {  	_ = 	snop;
	(pc) =	sbr.ind lr, $3  }
0x3a: {  	_ = 	snop  }
0x3b: {  	_ = 	snop  }
0x3c: {  	p2 =	seq.s32 s10, $0x1;
	s10 =	sld [smem:$0x3FAD]  }
0x3d: {  	_ =	shalt  }
0x3e: {  	_ =	shalt  }
0x3f: {  	_ =	shalt  }
0x40: {  	_ =	shalt  }
0x41: {  	_ =	shalt  }
0x42: {  	_ =	shalt  }
0x43: {  	_ =	shalt  }
0x44: {  	_ =	shalt  }
0x45: {  	_ =	shalt  }
0x46: {  	_ =	shalt  }
0x47: {  	_ =	shalt  }
0x48: {  	_ =	shalt  }
0x49: {  	_ =	shalt  }
0x4a: {  	_ =	shalt  }
0x4b: {  	_ =	shalt  }
0x4c: {  	_ =	shalt  }
0x4d: {  	_ =	shalt  }
0x4e: {  	_ =	shalt  }
0x4f: {  	_ =	shalt  }
0x50: {  	_ =	shalt  }
0x51: {  	_ =	shalt  }
0x52: {  	_ =	shalt  }
0x53: {  	_ =	shalt  }
0x54: {  	_ =	shalt  }
0x55: {  	_ =	shalt  }
0x56: {  	_ =	shalt  }
0x57: {  	_ =	shalt  }
0x58: {  	_ =	shalt  }
0x59: {  	_ =	shalt  }
0x5a: {  	_ =	shalt  }
0x5b: {  	_ =	shalt  }
0x5c: {  	_ =	shalt  }
0x5d: {  	_ =	shalt  }
0x5e: {  	_ =	shalt  }
0x5f: {  	_ =	shalt  }
0x60: {  	_ =	shalt  }
0x61: {  	_ =	shalt  }
0x62: {  	_ =	shalt  }
0x63: {  	_ =	shalt  }
0x64: {  	_ =	shalt  }
0x65: {  	_ =	shalt  }
0x66: {  	_ =	shalt  }
0x67: {  	_ =	shalt  }
0x68: {  	_ =	shalt  }
0x69: {  	_ =	shalt  }
0x6a: {  	_ =	shalt  }
0x6b: {  	_ =	shalt  }
0x6c: {  	_ =	shalt  }
0x6d: {  	_ =	shalt  }
0x6e: {  	_ =	shalt  }
0x6f: {  	_ =	shalt  }
0x70: {  	_ =	shalt  }
0x71: {  	_ =	shalt  }
0x72: {  	_ =	shalt  }
0x73: {  	_ =	shalt  }
0x74: {  	_ =	shalt  }
0x75: {  	_ =	shalt  }
0x76: {  	_ =	shalt  }
0x77: {  	_ =	shalt  }
0x78: {  	_ =	shalt  }
0x79: {  	_ =	shalt  }
0x7a: {  	_ =	shalt  }
0x7b: {  	_ =	shalt  }
0x7c: {  	_ =	shalt  }
0x7d: {  	_ =	shalt  }
0x7e: {  	_ =	shalt  }
0x7f: {  	_ =	shalt  }
0x80: {  	_ =	shalt  }
0x81: {  	_ =	shalt  }
0x82: {  	_ =	shalt  }
0x83: {  	_ =	shalt  }
0x84: {  	_ =	shalt  }
0x85: {  	_ =	shalt  }
0x86: {  	_ =	shalt  }
0x87: {  	_ =	shalt  }
.Lfunc_end0:
.L_simem_size_0:
called_computation.3_lowered:
.L_overlay_start_0:
0x88: {  	s2 =	sld [smem:$0x3FD9]  }
0x89: {  	s3 =	sld [smem:$0x3FFE];
	_ =	sdelay $0x1  }
0x8a: {  	s1 =	srdreg.scid  }
0x8b: {  	s0 =	sand.u32 $0x1, s1  }
0x8c: {  	s17 =	sshll.u32 s0, $0xA;
	s2 =	sadd.s32 s3, s2  }
0x8d: {  	s2 =	sadd.s32 s2, s17  }
0x8e: {  	[smem:$0x3FB9] =	sst s2  }
0x8f: {  	_ = 	snop  }
0x90: {  	(tm) =	ssettm $0x1  }
0x91: {  	s18 =	sld [smem:$0x3FFB];
	_ =	sdelay $0x3  }
0x92: {  	_ =	strace s18  }
0x93: {  	s2 =	sld [smem:$0x3FFC];
	_ =	sdelay $0x3  }
0x94: {  	_ =	strace s2  }
0x95: {  	s2 =	sld [smem:$0x3FFD];
	_ =	sdelay $0x3  }
0x96: {  	_ =	strace s2  }
0x97: {  	_ =	strace $0x8FFFFFFF  }
0x98: {  	s19 =	sld [smem:$0x3FDB];
	_ =	sdelay $0x1  }
0x99: {  	s20 =	simm.s32 $_scs_section_size  }
0x9a: {  	s4 =	simm.s32 $_size__tile_overlayer_lowered;
	s5 =	simm.s32 $_tile_overlayer_lowered  }
0x9b: {  	s6 =	simm.s32 $0x1BFF;
	s21 =	sshll.u32 s5, $0x1;
	s3 =	sadd.s32 s20, s19  }
0x9c: {  	s22 =	simm.s32 $0x0;
	s4 =	sshll.u32 s4, $0x1;
	s5 =	sadd.s32 s21, s3  }
0x9d: {  	[timem:s22], [sflag:s6] =	dma.local [hbm:s5], s4  }
0x9e: {  	_ =	swait.ge [sflag:s6], s4  }
0x9f: {  	s4 =	ssub.s32 $0x0, s4;
	[sflag:s6] =	ssyncset.done $0x0  }
0xa0: {  	[sflag:s6] =	ssyncadd.s32 s4;
	_ =	sdelay $0x1  }
0xa1: {  	s23 =	simm.s32 $0x1B8B  }
0xa2: {  	_ =	swait.ge [sflag:s23], $0x1  }
0xa3: {  	[sflag:s23] =	ssyncset.done $0x0  }
0xa4: {  	[sflag:s23] =	ssyncadd.s32 $0xFFFFFFFF  }
0xa5: {  	s4 =	sld [smem:$0x0]  }
0xa6: {  	s5 =	sand.u32 $0xFFFFFFFE, s1  }
0xa7: {  	p0 =	sne.s32 s1, s5  }
0xa8: {  	s5 =	sshll.u32 @p0 s5, $0xE  }
0xa9: {  	s5 =	sadd.s32 @p0 $0x11B8D, s5;
	s6 =	sshll.u32 @p0 s4, $0x11  }
0xaa: {  	s5 =	sor.u32 @p0 s6, s5  }
0xab: {  	[sflag:s5] =	ssyncadd.remote.s32 @p0 $0x1;
	_ =	sdelay $0x1  }
0xac: {  	s5 =	simm.s32 @p0 $0x1B8D  }
0xad: {  	_ =	swait.eq @p0 [sflag:s5], $0x1  }
0xae: {  	[sflag:s5] =	ssyncadd.s32 @p0 $0xFFFFFFFF  }
0xaf: {  	s6 =	sshll.u32 @!p0 s1, $0xE  }
0xb0: {  	s6 =	sor.u32 @!p0 $0x4000, s6;
	s5 =	simm.s32 @!p0 $0x1B8D  }
0xb1: {  	s4 =	sshll.u32 @!p0 s4, $0x11;
	s6 =	sadd.s32 @!p0 $0x11B8D, s6;
	_ =	swait.eq @!p0 [sflag:s5], $0x1  }
0xb2: {  	s4 =	sor.u32 @!p0 s4, s6;
	[sflag:s5] =	ssyncadd.s32 @!p0 $0xFFFFFFFF  }
0xb3: {  	s25 =	simm.s32 $0x1B8E;
	s24 =	sld [smem:$0x3FFE];
	[sflag:s4] =	ssyncadd.remote.s32 @!p0 $0x1  }
0xb4: {  	s26 =	simm.s32 $execute0_lowered;
	[smem:$0x3FD2] =	sst s25  }
0xb5: {  	s5 =	sshll.u32 s26, $0x1;
	_ =	strace $0x80000055;
	[dreg:$0x1] =	wrdreg $0xFFFFFFFF  }
0xb6: {  	s28 =	simm.s32 $_size_execute0_lowered;
	s3 =	sadd.s32 s3, s5;
	[dreg:$0x0] =	wrdreg $0x0  }
0xb7: {  	s5 =	sshll.u32 s28, $0x1;
	[dreg:$0x2] =	wrdreg s3  }
0xb8: {  	[dreg:$0x3] =	wrdreg s5  }
0xb9: {  	[dreg:$0x4] =	wrdreg $0xC0  }
0xba: {  	_ =	task [dreg:s22], $0x5FFFF  }
0xbb: {  	[dreg:$0x1] =	wrdreg $0xFFFFFFFF  }
0xbc: {  	[dreg:$0x0] =	wrdreg $0x60  }
0xbd: {  	[dreg:$0x2] =	wrdreg s24  }
0xbe: {  	[dreg:$0x3] =	wrdreg $0x40800  }
0xbf: {  	[dreg:$0x4] =	wrdreg $0xA  }
0xc0: {  	_ =	task.clear_ibuf [dreg:s22], $0x5FFFF;
	_ =	strace $0x90000055  }
0xc1: {  	s29 =	simm.s32 $0xA;
	_ =	strace $0x80000057  }
0xc2: {  	_ =	swait.ge [sflag:s29], $0x1  }
0xc3: {  	[sflag:s29] =	ssyncadd.s32 $0xFFFFFFFF  }
0xc4: {  	_ =	strace $0x90000057  }
0xc5: {  	_ =	sfence  }
0xc6: {  	s30 =	sld [smem:$0x0];
	_ =	sdelay $0x2  }
0xc7: {  	s31 =	sshll.u32 s1, $0xD;
	s1 =	sshrl.u32 s1, $0x2  }
0xc8: {  	s4 =	sand.u32 $0x4000, s31;
	s1 =	sadd.s32 s1, s30  }
0xc9: {  	s0 =	sor.u32 s4, s0;
	s1 =	sshll.u32 s1, $0x11  }
0xca: {  	s0 =	sor.u32 s1, s0  }
0xcb: {  	s0 =	sadd.s32 $0x8F2B, s0  }
0xcc: {  	[sflag:s0] =	ssyncadd.remote.s32 $0x1  }
0xcd: {  	_ =	sfence.sel $0xFFFF  }
0xce: {  	[dreg:$0x0] =	wrdreg $0xFFFFFFFF;
	(pc) =	sbr.abs _section_cstart, $3  }
0xcf: {  	[dreg:$0x1] =	wrdreg $0xFFFFFFFF  }
0xd0: {  	_ =	task.clear_ibuf [dreg:s22], $0x2FFFF;
	_ =	strace $0x9FFFFFFF  }
0xd1: {  	(tm) =	ssettm $0x7FFFFFFF  }
tec
execute0_lowered:
.L_overlay_start_1:
0x0: {  	(tag) =	ssettag $0x1  }
0x1: {  	s5 =	rddreg [dreg:$0x0]  }
0x2: {  	s2 =	rddreg [dreg:$0x1];
	s1 =	stileid.u32  }
0x3: {  	s0 =	rddreg [dreg:$0x2];
	s3 =	simm.s32 $0x0;
	s6 =	srdreg.scid  }
0x4: {  	s4 =	smul.u32 $0x2800, s1;
	[smem:$0x7FF] =	sst s3  }
0x5: {  	s6 =	sand.u32 $0x1, s6;
	s9 =	smul.u32 $0x50000, s1;
	s13 =	sadd.s32 $0x12C000, s2  }
0x6: {  	s30 =	sshll.u32 s1, $0x4;
	s31 =	sshll.u32 s1, $0xB;
	p0 =	seq.s32 s1, $0xF  }
0x7: {  	_ =	strace $0x80000056;
	s7 =	sshll.u32 s6, $0x8;
	s8 =	ssub.s32 $0x2, s6  }
0x8: {  	s10 =	sshll.u32 s6, $0xF;
	s29 =	sshll.u32 s6, $0x4;
	s4 =	sadd.s32 s4, s5  }
0x9: {  	s7 =	sadd.s32 s7, s5;
	s11 =	sshrl.u32 s8, $0x1;
	s10 =	sadd.s32 s10, s5  }
0xa: {  	s9 =	sshrl.u32 s9, $0x2;
	s5 =	sadd.s32 $0x54600, s5;
	s8 =	ssub.s32 s8, s11  }
0xb: {  	s12 =	sadd.s32 s9, s2;
	s4 =	sadd.s32 $0x2EE00, s4;
	s7 =	sadd.s32 s30, s7  }
0xc: {  	s9 =	sor.u32 s29, s1;
	s11 =	sshll.u32 @!p0 s1, $0x6;
	s6 =	smax.u32 s8, $0x1  }
0xd: {  	s7 =	sadd.s32 $0xD5000, s7;
	s8 =	sadd.s32 s31, s10;
	s10 =	sshrl.u32 @p0 s13, $0x3  }
0xe: {  	s11 =	sor.u32 @!p0 $0x1C01, s11;
	s12 =	sshrl.u32 @!p0 s12, $0x3;
	s8 =	sadd.s32 $0x493200, s8  }
.LBB2_1:
0xf: {  	s13 =	simm.s32 @p0 $0x1FC1  }
0x10: {  	[spmem:s10], [sflag:s13] =	dma.local @p0 [hbm:s5], $0x1900  }
0x11: {  	s13 =	simm.s32 @p0 $0x1  }
0x12: {  	_ =	swait.ge @p0 [sflag:s13], $0x1900  }
0x13: {  	[sflag:s13] =	ssyncset.done @p0 $0x0  }
0x14: {  	[sflag:s13] =	ssyncadd.s32 @p0 $0xFFFFE700;
	s13 =	simm.s32 @!p0 $0x1  }
0x15: {  	[spmem:s12], [sflag:s11] =	dma.local @!p0 [hbm:s4], $0x2800  }
0x16: {  	_ =	swait.ge @!p0 [sflag:s13], $0x2800  }
0x17: {  	s14 =	sadd.s32 $0x0, s9;
	[sflag:s13] =	ssyncset.done @!p0 $0x0  }
0x18: {  	p1 =	sgt.u32 s14, $0xF9;
	[sflag:s13] =	ssyncadd.s32 @!p0 $0xFFFFD800  }
0x19: {  	s15 =	simm.s32 @!p1 $0x2;
	s13 =	simm.s32 @!p1 $0x0;
	[bflag:$0x0] =	sbarrier.arrive $0xFFFF  }
0x1a: {  	[tilespmem:s13], [sflag:$0x2] =	stream.linear.gather @!p1 [hbm4b:s7+s13], $0x80, $0x38;
	[tilespmem:$0x17900] =	vst v63  }
0x1b: {  	_ =	swait.ge @!p1 [sflag:s15], $0x80  }
0x1c: {  	[sflag:s15] =	ssyncset.done @!p1 $0x0;
	p1 =	por p1, p1  }
0x1d: {  	[sflag:s15] =	ssyncadd.s32 @!p1 $0xFFFFFF80;
	s17 =	simm.s32 @!p1 $0x80  }
0x1e: {  	[tilespmem:s17], [sflag:$0x2] =	stream.indirect.gather @!p1 [spmem:s2], $0x80, s13, s17, $0xb8;
	[tilespmem:$0x17900] =	vst v63  }
0x1f: {  	_ =	swait.ge @!p1 [sflag:s15], $0x4000  }
0x20: {  	[sflag:s15] =	ssyncset.done @!p1 $0x0  }
0x21: {  	s31 =	sadd.s32 $0x20, s9;
	s16 =	simm.s32 @!p1 $0x1;
	[sflag:s15] =	ssyncadd.s32 @!p1 $0xFFFFC000  }
0x22: {  	[hbm4b:s8+s13] =	stream.linear.scatter @!p1 [tilespmem:s17], [sflag:$0x1], $0x4000, $0x38;
	[tilespmem:$0x17900] =	vst v63  }
0x23: {  	s14 =	simm.s32 $0x40;
	p2 =	sgt.u32 s31, $0xF9;
	_ =	swait.ge @!p1 [sflag:s16], $0x4000  }
0x24: {  	s15 =	sadd.s32 $0x200, s7;
	s13 =	sadd.s32 $0x10000, s8;
	[sflag:s16] =	ssyncset.done @!p1 $0x0  }
.LBB2_2:
0x25: {  	s17 =	simm.s32 @!p2 $0x0;
	s18 =	simm.s32 @!p2 $0x2;
	[sflag:s16] =	ssyncadd.s32 @!p1 $0xFFFFC000  }
0x26: {  	[tilespmem:s17], [sflag:$0x2] =	stream.linear.gather @!p2 [hbm4b:s15+s17], $0x80, $0x38;
	[tilespmem:$0x17900] =	vst v63  }
0x27: {  	s19 =	smov.u32 s14;
	s14 =	sadd.s32 $0x20, s14;
	_ =	swait.ge @!p2 [sflag:s18], $0x80  }
0x28: {  	p1 =	por p2, p2;
	p3 =	sne.s32 s14, $0x100;
	[sflag:s18] =	ssyncset.done @!p2 $0x0  }
0x29: {  	s20 =	simm.s32 @!p1 $0x80;
	[sflag:s18] =	ssyncadd.s32 @!p1 $0xFFFFFF80  }
0x2a: {  	[tilespmem:s20], [sflag:$0x2] =	stream.indirect.gather @!p1 [spmem:s2], $0x80, s17, s20, $0xb8;
	[tilespmem:$0x17900] =	vst v63  }
0x2b: {  	_ =	swait.ge @!p1 [sflag:s18], $0x4000  }
.Ltmp0:
0x2c: {  	[sflag:s18] =	ssyncset.done @!p1 $0x0;
	(pc) =	sbr.rel @p3 .LBB2_2-.Ltmp0, $4  }
0x2d: {  	s16 =	simm.s32 @!p1 $0x1;
	[sflag:s18] =	ssyncadd.s32 @!p1 $0xFFFFC000  }
0x2e: {  	[hbm4b:s13+s17] =	stream.linear.scatter @!p1 [tilespmem:s20], [sflag:$0x1], $0x4000, $0x38;
	[tilespmem:$0x17900] =	vst v63  }
0x2f: {  	s17 =	sadd.s32 s19, s9;
	s13 =	sadd.s32 $0x10000, s13;
	_ =	swait.ge @!p1 [sflag:s16], $0x4000  }
0x30: {  	s15 =	sadd.s32 $0x200, s15;
	p2 =	sgt.u32 s17, $0xF9;
	[sflag:s16] =	ssyncset.done @!p1 $0x0  }
0x31: {  	s14 =	simm.s32 @!p2 $0x0;
	s17 =	simm.s32 @!p2 $0x2;
	[sflag:s16] =	ssyncadd.s32 @!p1 $0xFFFFC000  }
0x32: {  	[tilespmem:s14], [sflag:$0x2] =	stream.linear.gather @!p2 [hbm4b:s15+s14], $0x80, $0x38;
	[tilespmem:$0x17900] =	vst v63  }
0x33: {  	_ =	swait.ge @!p2 [sflag:s17], $0x80  }
0x34: {  	p1 =	por p2, p2;
	[sflag:s17] =	ssyncset.done @!p2 $0x0  }
0x35: {  	s15 =	simm.s32 @!p1 $0x80;
	[sflag:s17] =	ssyncadd.s32 @!p1 $0xFFFFFF80  }
0x36: {  	[tilespmem:s15], [sflag:$0x2] =	stream.indirect.gather @!p1 [spmem:s2], $0x80, s14, s15, $0xb8;
	[tilespmem:$0x17900] =	vst v63  }
0x37: {  	s3 =	sadd.s32 $0x1, s3;
	_ =	swait.ge @!p1 [sflag:s17], $0x4000  }
0x38: {  	p2 =	sne.s32 s3, s6;
	[sflag:s17] =	ssyncset.done @!p1 $0x0  }
.Ltmp1:
0x39: {  	s16 =	simm.s32 @!p1 $0x1;
	[sflag:s17] =	ssyncadd.s32 @!p1 $0xFFFFC000;
	(pc) =	sbr.rel @p2 .LBB2_1-.Ltmp1, $4  }
0x3a: {  	[hbm4b:s13+s14] =	stream.linear.scatter @!p1 [tilespmem:s15], [sflag:$0x1], $0x4000, $0x38;
	[tilespmem:$0x17900] =	vst v63  }
0x3b: {  	_ =	swait.ge @!p1 [sflag:s16], $0x4000  }
0x3c: {  	[sflag:s16] =	ssyncset.done @!p1 $0x0  }
0x3d: {  	[sflag:s16] =	ssyncadd.s32 @!p1 $0xFFFFC000  }
0x3e: {  	_ =	sfence.sel $0x180000  }
0x3f: {  	[bflag:$0x0] =	sbarrier.arrive $0xFFFF  }
0x40: {  	p0 =	sne.s32 s1, $0x0;
	_ =	strace $0x90000056  }
0x41: {  	s0 =	sadd.s32 @!p0 $0x100000, s0;
	[bflag:$0x2] =	sbarrier.arrive $0xFFFF  }
0x42: {  	[sflag:s0] =	ssyncadd.tile.s32 @!p0 $0x1;
	_ =	shalt  }
.Lfunc_end2:
_tile_overlayer_lowered:
.L_overlay_start_2:
0x43: {  	(tag) =	ssettag $0x2  }
0x44: {  	s0 =	rddreg [dreg:$0x0];
	s2 =	stileid.u32  }
0x45: {  	s1 =	rddreg [dreg:$0x1];
	p0 =	sne.s32 s2, $0x0  }
0x46: {  	s3 =	rddreg [dreg:$0x2];
	[bflag:$0x3] =	sbarrier.arrive $0xFFFF;
	s2 =	simm.s32 @!p0 $0x1C01  }
0x47: {  	[timem:s3], [sflag:s2] =	dma.local @!p0 [hbm:s0], s1  }
0x48: {  	s0 =	simm.s32 @!p0 $0x1  }
0x49: {  	_ =	swait.ge @!p0 [sflag:s0], s1  }
0x4a: {  	s1 =	ssub.s32 @!p0 $0x0, s1;
	[sflag:s0] =	ssyncset.done @!p0 $0x0  }
0x4b: {  	[sflag:s0] =	ssyncadd.s32 @!p0 s1  }
0x4c: {  	[bflag:$0x3] =	sbarrier.arrive $0xFFFF  }
0x4d: {  	_ =	shalt  }

// kernel: kernel.30.cloned.1.call-start
scs
__scs_entry_jumppad:
0x0: {  	(pc) =	sbr.rel $0x88, $3  }
0x1: {  	(tag) =	ssettag $0x0;
	lr =	simm.s32 $0x1  }
0x2: {  	[smem:$0x3F92] =	sst lr;
	_ =	strace $0xD0000000  }
0x3: {  	_ = 	snop  }
0x4: {  	_ = 	snop  }
0x5: {  	_ = 	snop  }
0x6: {  	_ = 	snop  }
0x7: {  	_ = 	snop  }
__scs_overlays_trampoline_lowered:
0x8: {  	[smem:$0x3FA1] =	sst s0  }
0x9: {  	[smem:$0x3FA2] =	sst s1  }
0xa: {  	[smem:$0x3FA3] =	sst s2  }
0xb: {  	[smem:$0x3FA4] =	sst s3  }
0xc: {  	[smem:$0x3FA5] =	sst s4  }
0xd: {  	[smem:$0x3FA6] =	sst s5  }
0xe: {  	[smem:$0x3FA7] =	sst s6  }
0xf: {  	[smem:$0x3FA8] =	sst s7  }
0x10: {  	[smem:$0x3FA9] =	sst s8  }
0x11: {  	[smem:$0x3FAA] =	sst s9;
	s0 =	simm.s32 @!p0 $0x0  }
0x12: {  	s1 =	sld [smem:$0x3F90];
	s0 =	simm.s32 @p0 $0x1  }
0x13: {  	[smem:$0x3FAB] =	sst s0;
	s0 =	simm.s32 @!p1 $0x0  }
0x14: {  	s2 =	sld [smem:$0x3F8F];
	s0 =	simm.s32 @p1 $0x1  }
0x15: {  	[smem:$0x3FAC] =	sst s0;
	s0 =	simm.s32 @!p2 $0x0  }
0x16: {  	s3 =	sld [smem:$0x3FDB];
	s0 =	simm.s32 @p2 $0x1  }
0x17: {  	s4 =	simm.s32 $0x1BF5;
	[smem:$0x3FAE] =	sst s0  }
0x18: {  	s0 =	sld [smem:$0x3F91];
	_ =	swait.ge [sflag:s4], $0x0  }
0x19: {  	s7 =	sld [smem:$0x3F92]  }
0x1a: {  	s8 =	sadd.s32 $0xFFFFE003, lr  }
0x1b: {  	s9 =	sadd.s32 $0xFFFFFEF7, lr;
	s5 =	simm.s32 $0xFFFFFFFF;
	p2 =	slt.u32 s8, $0xFFFFF086  }
0x1c: {  	p1 =	slt.u32 s9, $0xF7A;
	s5 =	simm.s32 @!p2 $0x0  }
0x1d: {  	s5 =	simm.s32 @p1 $0x1;
	p0 =	seq.s32 s7, s2  }
0x1e: {  	s7 =	smul.u32 @!p0 $0xF7A, s2;
	p2 =	seq.s32 @!p0 s5, $0x0  }
0x1f: {  	s9 =	smul.u32 $0xF7A, s1;
	s8 =	simm.s32 @!p0 $0x1BF5;
	p2 =	por !p2, p0  }
0x20: {  	[sflag:s8] =	ssyncset.s32 @!p0 $0xFFFFF086;
	s6 =	sadd.s32 @!p0 s3, s7;
	s7 =	simm.s32 @!p0 $0x108  }
0x21: {  	s3 =	sadd.s32 s3, s9;
	s6 =	sadd.s32 @!p0 $0x88, s6;
	s7 =	simm.s32 @p2 $0x1082  }
0x22: {  	[simem:s7], [sflag:s8] =	dma.local @!p0 [hbm:s6], $0xF7A  }
0x23: {  	s9 =	sor.u32 $0xD0000000, s2;
	s6 =	simm.s32 $0x108;
	_ =	swait.ge @!p0 [sflag:s8], $0x0  }
0x24: {  	s3 =	sadd.s32 $0x88, s3;
	s6 =	simm.s32 @!p1 $0x1082;
	[sflag:s4] =	ssyncset.s32 $0xFFFFF086  }
0x25: {  	[simem:s6], [sflag:s4] =	dma.local [hbm:s3], $0xF7A  }
0x26: {  	[smem:$0x3F92] =	sst s1;
	(tag) =	ssettag s2;
	_ =	strace s9  }
0x27: {  	s1 =	sld [smem:$0x3FA2]  }
0x28: {  	s2 =	sld [smem:$0x3FA3]  }
0x29: {  	s4 =	sld [smem:$0x3FA5]  }
0x2a: {  	p0 =	seq.s32 s5, $0x0;
	s5 =	sld [smem:$0x3FA6]  }
0x2b: {  	s6 =	sld [smem:$0x3FA7]  }
0x2c: {  	s7 =	sld [smem:$0x3FA8]  }
0x2d: {  	s3 =	simm.s32 $0x108;
	s8 =	sld [smem:$0x3FA9]  }
0x2e: {  	s3 =	simm.s32 @!p0 $0x1082;
	s9 =	sld [smem:$0x3FAA]  }
0x2f: {  	lr =	sadd.s32 s0, s3;
	s0 =	sld [smem:$0x3FA1]  }
0x30: {  	s3 =	sld [smem:$0x3FA4]  }
0x31: {  	[smem:$0x3FAD] =	sst s10  }
0x32: {  	s10 =	sld [smem:$0x3FAB];
	_ =	sdelay $0x3  }
0x33: {  	p0 =	seq.s32 s10, $0x1;
	s10 =	sld [smem:$0x3FAD];
	_ =	sdelay $0x3  }
0x34: {  	[smem:$0x3FAD] =	sst s10  }
0x35: {  	s10 =	sld [smem:$0x3FAC];
	_ =	sdelay $0x3  }
0x36: {  	p1 =	seq.s32 s10, $0x1;
	s10 =	sld [smem:$0x3FAD];
	_ =	sdelay $0x3  }
0x37: {  	[smem:$0x3FAD] =	sst s10  }
0x38: {  	s10 =	sld [smem:$0x3FAE]  }
0x39: {  	_ = 	snop;
	(pc) =	sbr.ind lr, $3  }
0x3a: {  	_ = 	snop  }
0x3b: {  	_ = 	snop  }
0x3c: {  	p2 =	seq.s32 s10, $0x1;
	s10 =	sld [smem:$0x3FAD]  }
0x3d: {  	_ =	shalt  }
0x3e: {  	_ =	shalt  }
0x3f: {  	_ =	shalt  }
0x40: {  	_ =	shalt  }
0x41: {  	_ =	shalt  }
0x42: {  	_ =	shalt  }
0x43: {  	_ =	shalt  }
0x44: {  	_ =	shalt  }
0x45: {  	_ =	shalt  }
0x46: {  	_ =	shalt  }
0x47: {  	_ =	shalt  }
0x48: {  	_ =	shalt  }
0x49: {  	_ =	shalt  }
0x4a: {  	_ =	shalt  }
0x4b: {  	_ =	shalt  }
0x4c: {  	_ =	shalt  }
0x4d: {  	_ =	shalt  }
0x4e: {  	_ =	shalt  }
0x4f: {  	_ =	shalt  }
0x50: {  	_ =	shalt  }
0x51: {  	_ =	shalt  }
0x52: {  	_ =	shalt  }
0x53: {  	_ =	shalt  }
0x54: {  	_ =	shalt  }
0x55: {  	_ =	shalt  }
0x56: {  	_ =	shalt  }
0x57: {  	_ =	shalt  }
0x58: {  	_ =	shalt  }
0x59: {  	_ =	shalt  }
0x5a: {  	_ =	shalt  }
0x5b: {  	_ =	shalt  }
0x5c: {  	_ =	shalt  }
0x5d: {  	_ =	shalt  }
0x5e: {  	_ =	shalt  }
0x5f: {  	_ =	shalt  }
0x60: {  	_ =	shalt  }
0x61: {  	_ =	shalt  }
0x62: {  	_ =	shalt  }
0x63: {  	_ =	shalt  }
0x64: {  	_ =	shalt  }
0x65: {  	_ =	shalt  }
0x66: {  	_ =	shalt  }
0x67: {  	_ =	shalt  }
0x68: {  	_ =	shalt  }
0x69: {  	_ =	shalt  }
0x6a: {  	_ =	shalt  }
0x6b: {  	_ =	shalt  }
0x6c: {  	_ =	shalt  }
0x6d: {  	_ =	shalt  }
0x6e: {  	_ =	shalt  }
0x6f: {  	_ =	shalt  }
0x70: {  	_ =	shalt  }
0x71: {  	_ =	shalt  }
0x72: {  	_ =	shalt  }
0x73: {  	_ =	shalt  }
0x74: {  	_ =	shalt  }
0x75: {  	_ =	shalt  }
0x76: {  	_ =	shalt  }
0x77: {  	_ =	shalt  }
0x78: {  	_ =	shalt  }
0x79: {  	_ =	shalt  }
0x7a: {  	_ =	shalt  }
0x7b: {  	_ =	shalt  }
0x7c: {  	_ =	shalt  }
0x7d: {  	_ =	shalt  }
0x7e: {  	_ =	shalt  }
0x7f: {  	_ =	shalt  }
0x80: {  	_ =	shalt  }
0x81: {  	_ =	shalt  }
0x82: {  	_ =	shalt  }
0x83: {  	_ =	shalt  }
0x84: {  	_ =	shalt  }
0x85: {  	_ =	shalt  }
0x86: {  	_ =	shalt  }
0x87: {  	_ =	shalt  }
.Lfunc_end0:
.L_simem_size_0:
called_computation.4_lowered:
.L_overlay_start_0:
0x88: {  	s2 =	sld [smem:$0x3FD9]  }
0x89: {  	s3 =	sld [smem:$0x3FFE];
	_ =	sdelay $0x1  }
0x8a: {  	s1 =	srdreg.scid  }
0x8b: {  	s0 =	sand.u32 $0x1, s1  }
0x8c: {  	s17 =	sshll.u32 s0, $0xA;
	s2 =	sadd.s32 s3, s2  }
0x8d: {  	s2 =	sadd.s32 s2, s17  }
0x8e: {  	[smem:$0x3FB9] =	sst s2  }
0x8f: {  	_ = 	snop  }
0x90: {  	(tm) =	ssettm $0x1  }
0x91: {  	s18 =	sld [smem:$0x3FFB];
	_ =	sdelay $0x3  }
0x92: {  	_ =	strace s18  }
0x93: {  	s2 =	sld [smem:$0x3FFC];
	_ =	sdelay $0x3  }
0x94: {  	_ =	strace s2  }
0x95: {  	s2 =	sld [smem:$0x3FFD];
	_ =	sdelay $0x3  }
0x96: {  	_ =	strace s2  }
0x97: {  	_ =	strace $0x8FFFFFFF  }
0x98: {  	s19 =	sld [smem:$0x3FDB];
	_ =	sdelay $0x1  }
0x99: {  	s20 =	simm.s32 $_scs_section_size  }
0x9a: {  	s4 =	simm.s32 $_size__tile_overlayer_lowered;
	s5 =	simm.s32 $_tile_overlayer_lowered  }
0x9b: {  	s6 =	simm.s32 $0x1BFF;
	s21 =	sshll.u32 s5, $0x1;
	s3 =	sadd.s32 s20, s19  }
0x9c: {  	s22 =	simm.s32 $0x0;
	s4 =	sshll.u32 s4, $0x1;
	s5 =	sadd.s32 s21, s3  }
0x9d: {  	[timem:s22], [sflag:s6] =	dma.local [hbm:s5], s4  }
0x9e: {  	_ =	swait.ge [sflag:s6], s4  }
0x9f: {  	s4 =	ssub.s32 $0x0, s4;
	[sflag:s6] =	ssyncset.done $0x0  }
0xa0: {  	[sflag:s6] =	ssyncadd.s32 s4;
	_ =	sdelay $0x1  }
0xa1: {  	s23 =	simm.s32 $0x1B8B  }
0xa2: {  	_ =	swait.ge [sflag:s23], $0x1  }
0xa3: {  	[sflag:s23] =	ssyncset.done $0x0  }
0xa4: {  	[sflag:s23] =	ssyncadd.s32 $0xFFFFFFFF  }
0xa5: {  	s4 =	sld [smem:$0x0]  }
0xa6: {  	s5 =	sand.u32 $0xFFFFFFFE, s1  }
0xa7: {  	p0 =	sne.s32 s1, s5  }
0xa8: {  	s5 =	sshll.u32 @p0 s5, $0xE  }
0xa9: {  	s5 =	sadd.s32 @p0 $0x11B8D, s5;
	s6 =	sshll.u32 @p0 s4, $0x11  }
0xaa: {  	s5 =	sor.u32 @p0 s6, s5  }
0xab: {  	[sflag:s5] =	ssyncadd.remote.s32 @p0 $0x1;
	_ =	sdelay $0x1  }
0xac: {  	s5 =	simm.s32 @p0 $0x1B8D  }
0xad: {  	_ =	swait.eq @p0 [sflag:s5], $0x1  }
0xae: {  	[sflag:s5] =	ssyncadd.s32 @p0 $0xFFFFFFFF  }
0xaf: {  	s6 =	sshll.u32 @!p0 s1, $0xE  }
0xb0: {  	s6 =	sor.u32 @!p0 $0x4000, s6;
	s5 =	simm.s32 @!p0 $0x1B8D  }
0xb1: {  	s4 =	sshll.u32 @!p0 s4, $0x11;
	s6 =	sadd.s32 @!p0 $0x11B8D, s6;
	_ =	swait.eq @!p0 [sflag:s5], $0x1  }
0xb2: {  	s4 =	sor.u32 @!p0 s4, s6;
	[sflag:s5] =	ssyncadd.s32 @!p0 $0xFFFFFFFF  }
0xb3: {  	s25 =	simm.s32 $0x1B8E;
	s24 =	sld [smem:$0x3FFE];
	[sflag:s4] =	ssyncadd.remote.s32 @!p0 $0x1  }
0xb4: {  	s26 =	simm.s32 $execute0_lowered;
	[smem:$0x3FD2] =	sst s25  }
0xb5: {  	s5 =	sshll.u32 s26, $0x1;
	_ =	strace $0x8000005B;
	[dreg:$0x1] =	wrdreg $0xFFFFFFFF  }
0xb6: {  	s28 =	simm.s32 $_size_execute0_lowered;
	s3 =	sadd.s32 s3, s5;
	[dreg:$0x0] =	wrdreg $0x0  }
0xb7: {  	s5 =	sshll.u32 s28, $0x1;
	[dreg:$0x2] =	wrdreg s3  }
0xb8: {  	[dreg:$0x3] =	wrdreg s5  }
0xb9: {  	[dreg:$0x4] =	wrdreg $0xC0  }
0xba: {  	_ =	task [dreg:s22], $0x5FFFF  }
0xbb: {  	[dreg:$0x1] =	wrdreg $0xFFFFFFFF  }
0xbc: {  	[dreg:$0x0] =	wrdreg $0x60  }
0xbd: {  	[dreg:$0x2] =	wrdreg s24  }
0xbe: {  	[dreg:$0x3] =	wrdreg $0x40800  }
0xbf: {  	[dreg:$0x4] =	wrdreg $0x9  }
0xc0: {  	_ =	task.clear_ibuf [dreg:s22], $0x5FFFF;
	_ =	strace $0x9000005B  }
0xc1: {  	s29 =	simm.s32 $0x9;
	_ =	strace $0x8000005D  }
0xc2: {  	_ =	swait.ge [sflag:s29], $0x1  }
0xc3: {  	[sflag:s29] =	ssyncadd.s32 $0xFFFFFFFF  }
0xc4: {  	_ =	strace $0x9000005D  }
0xc5: {  	_ =	sfence  }
0xc6: {  	s30 =	sld [smem:$0x0];
	_ =	sdelay $0x2  }
0xc7: {  	s31 =	sshll.u32 s1, $0xD;
	s1 =	sshrl.u32 s1, $0x2  }
0xc8: {  	s4 =	sand.u32 $0x4000, s31;
	s1 =	sadd.s32 s1, s30  }
0xc9: {  	s0 =	sor.u32 s4, s0;
	s1 =	sshll.u32 s1, $0x11  }
0xca: {  	s0 =	sor.u32 s1, s0  }
0xcb: {  	s0 =	sadd.s32 $0x8F2B, s0  }
0xcc: {  	[sflag:s0] =	ssyncadd.remote.s32 $0x1  }
0xcd: {  	_ =	sfence.sel $0xFFFF  }
0xce: {  	[dreg:$0x0] =	wrdreg $0xFFFFFFFF;
	(pc) =	sbr.abs _section_cstart, $3  }
0xcf: {  	[dreg:$0x1] =	wrdreg $0xFFFFFFFF  }
0xd0: {  	_ =	task.clear_ibuf [dreg:s22], $0x2FFFF;
	_ =	strace $0x9FFFFFFF  }
0xd1: {  	(tm) =	ssettm $0x7FFFFFFF  }
tec
execute0_lowered:
.L_overlay_start_1:
0x0: {  	(tag) =	ssettag $0x1  }
0x1: {  	s5 =	rddreg [dreg:$0x0]  }
0x2: {  	s2 =	rddreg [dreg:$0x1];
	s1 =	stileid.u32  }
0x3: {  	s0 =	rddreg [dreg:$0x2];
	s3 =	simm.s32 $0x0;
	s6 =	srdreg.scid  }
0x4: {  	s4 =	smul.u32 $0x2800, s1;
	[smem:$0x7FF] =	sst s3  }
0x5: {  	s6 =	sand.u32 $0x1, s6;
	s9 =	smul.u32 $0x50000, s1;
	s13 =	sadd.s32 $0x12C000, s2  }
0x6: {  	s30 =	sshll.u32 s1, $0x4;
	s31 =	sshll.u32 s1, $0xB;
	p0 =	seq.s32 s1, $0xF  }
0x7: {  	_ =	strace $0x8000005C;
	s7 =	sshll.u32 s6, $0x8;
	s8 =	ssub.s32 $0x2, s6  }
0x8: {  	s10 =	sshll.u32 s6, $0xF;
	s29 =	sshll.u32 s6, $0x4;
	s4 =	sadd.s32 s4, s5  }
0x9: {  	s7 =	sadd.s32 s7, s5;
	s11 =	sshrl.u32 s8, $0x1;
	s10 =	sadd.s32 s10, s5  }
0xa: {  	s9 =	sshrl.u32 s9, $0x2;
	s5 =	sadd.s32 $0x54600, s5;
	s8 =	ssub.s32 s8, s11  }
0xb: {  	s12 =	sadd.s32 s9, s2;
	s4 =	sadd.s32 $0x2EE00, s4;
	s7 =	sadd.s32 s30, s7  }
0xc: {  	s9 =	sor.u32 s29, s1;
	s11 =	sshll.u32 @!p0 s1, $0x6;
	s6 =	smax.u32 s8, $0x1  }
0xd: {  	s7 =	sadd.s32 $0xD7000, s7;
	s8 =	sadd.s32 s31, s10;
	s10 =	sshrl.u32 @p0 s13, $0x3  }
0xe: {  	s11 =	sor.u32 @!p0 $0x1C01, s11;
	s12 =	sshrl.u32 @!p0 s12, $0x3;
	s8 =	sadd.s32 $0xDA000, s8  }
.LBB2_1:
0xf: {  	s13 =	simm.s32 @p0 $0x1FC1  }
0x10: {  	[spmem:s10], [sflag:s13] =	dma.local @p0 [hbm:s5], $0x1900  }
0x11: {  	s13 =	simm.s32 @p0 $0x1  }
0x12: {  	_ =	swait.ge @p0 [sflag:s13], $0x1900  }
0x13: {  	[sflag:s13] =	ssyncset.done @p0 $0x0  }
0x14: {  	[sflag:s13] =	ssyncadd.s32 @p0 $0xFFFFE700;
	s13 =	simm.s32 @!p0 $0x1  }
0x15: {  	[spmem:s12], [sflag:s11] =	dma.local @!p0 [hbm:s4], $0x2800  }
0x16: {  	_ =	swait.ge @!p0 [sflag:s13], $0x2800  }
0x17: {  	s14 =	sadd.s32 $0x0, s9;
	[sflag:s13] =	ssyncset.done @!p0 $0x0  }
0x18: {  	p1 =	sgt.u32 s14, $0xF9;
	[sflag:s13] =	ssyncadd.s32 @!p0 $0xFFFFD800  }
0x19: {  	s15 =	simm.s32 @!p1 $0x2;
	s13 =	simm.s32 @!p1 $0x0;
	[bflag:$0x0] =	sbarrier.arrive $0xFFFF  }
0x1a: {  	[tilespmem:s13], [sflag:$0x2] =	stream.linear.gather @!p1 [hbm4b:s7+s13], $0x80, $0x38;
	[tilespmem:$0x17900] =	vst v63  }
0x1b: {  	_ =	swait.ge @!p1 [sflag:s15], $0x80  }
0x1c: {  	[sflag:s15] =	ssyncset.done @!p1 $0x0;
	p1 =	por p1, p1  }
0x1d: {  	[sflag:s15] =	ssyncadd.s32 @!p1 $0xFFFFFF80;
	s17 =	simm.s32 @!p1 $0x80  }
0x1e: {  	[tilespmem:s17], [sflag:$0x2] =	stream.indirect.gather @!p1 [spmem:s2], $0x80, s13, s17, $0xb8;
	[tilespmem:$0x17900] =	vst v63  }
0x1f: {  	_ =	swait.ge @!p1 [sflag:s15], $0x4000  }
0x20: {  	[sflag:s15] =	ssyncset.done @!p1 $0x0  }
0x21: {  	s31 =	sadd.s32 $0x20, s9;
	s16 =	simm.s32 @!p1 $0x1;
	[sflag:s15] =	ssyncadd.s32 @!p1 $0xFFFFC000  }
0x22: {  	[hbm4b:s8+s13] =	stream.linear.scatter @!p1 [tilespmem:s17], [sflag:$0x1], $0x4000, $0x38;
	[tilespmem:$0x17900] =	vst v63  }
0x23: {  	s14 =	simm.s32 $0x40;
	p2 =	sgt.u32 s31, $0xF9;
	_ =	swait.ge @!p1 [sflag:s16], $0x4000  }
0x24: {  	s15 =	sadd.s32 $0x200, s7;
	s13 =	sadd.s32 $0x10000, s8;
	[sflag:s16] =	ssyncset.done @!p1 $0x0  }
.LBB2_2:
0x25: {  	s17 =	simm.s32 @!p2 $0x0;
	s18 =	simm.s32 @!p2 $0x2;
	[sflag:s16] =	ssyncadd.s32 @!p1 $0xFFFFC000  }
0x26: {  	[tilespmem:s17], [sflag:$0x2] =	stream.linear.gather @!p2 [hbm4b:s15+s17], $0x80, $0x38;
	[tilespmem:$0x17900] =	vst v63  }
0x27: {  	s19 =	smov.u32 s14;
	s14 =	sadd.s32 $0x20, s14;
	_ =	swait.ge @!p2 [sflag:s18], $0x80  }
0x28: {  	p1 =	por p2, p2;
	p3 =	sne.s32 s14, $0x100;
	[sflag:s18] =	ssyncset.done @!p2 $0x0  }
0x29: {  	s20 =	simm.s32 @!p1 $0x80;
	[sflag:s18] =	ssyncadd.s32 @!p1 $0xFFFFFF80  }
0x2a: {  	[tilespmem:s20], [sflag:$0x2] =	stream.indirect.gather @!p1 [spmem:s2], $0x80, s17, s20, $0xb8;
	[tilespmem:$0x17900] =	vst v63  }
0x2b: {  	_ =	swait.ge @!p1 [sflag:s18], $0x4000  }
.Ltmp0:
0x2c: {  	[sflag:s18] =	ssyncset.done @!p1 $0x0;
	(pc) =	sbr.rel @p3 .LBB2_2-.Ltmp0, $4  }
0x2d: {  	s16 =	simm.s32 @!p1 $0x1;
	[sflag:s18] =	ssyncadd.s32 @!p1 $0xFFFFC000  }
0x2e: {  	[hbm4b:s13+s17] =	stream.linear.scatter @!p1 [tilespmem:s20], [sflag:$0x1], $0x4000, $0x38;
	[tilespmem:$0x17900] =	vst v63  }
0x2f: {  	s17 =	sadd.s32 s19, s9;
	s13 =	sadd.s32 $0x10000, s13;
	_ =	swait.ge @!p1 [sflag:s16], $0x4000  }
0x30: {  	s15 =	sadd.s32 $0x200, s15;
	p2 =	sgt.u32 s17, $0xF9;
	[sflag:s16] =	ssyncset.done @!p1 $0x0  }
0x31: {  	s14 =	simm.s32 @!p2 $0x0;
	s17 =	simm.s32 @!p2 $0x2;
	[sflag:s16] =	ssyncadd.s32 @!p1 $0xFFFFC000  }
0x32: {  	[tilespmem:s14], [sflag:$0x2] =	stream.linear.gather @!p2 [hbm4b:s15+s14], $0x80, $0x38;
	[tilespmem:$0x17900] =	vst v63  }
0x33: {  	_ =	swait.ge @!p2 [sflag:s17], $0x80  }
0x34: {  	p1 =	por p2, p2;
	[sflag:s17] =	ssyncset.done @!p2 $0x0  }
0x35: {  	s15 =	simm.s32 @!p1 $0x80;
	[sflag:s17] =	ssyncadd.s32 @!p1 $0xFFFFFF80  }
0x36: {  	[tilespmem:s15], [sflag:$0x2] =	stream.indirect.gather @!p1 [spmem:s2], $0x80, s14, s15, $0xb8;
	[tilespmem:$0x17900] =	vst v63  }
0x37: {  	s3 =	sadd.s32 $0x1, s3;
	_ =	swait.ge @!p1 [sflag:s17], $0x4000  }
0x38: {  	p2 =	sne.s32 s3, s6;
	[sflag:s17] =	ssyncset.done @!p1 $0x0  }
.Ltmp1:
0x39: {  	s16 =	simm.s32 @!p1 $0x1;
	[sflag:s17] =	ssyncadd.s32 @!p1 $0xFFFFC000;
	(pc) =	sbr.rel @p2 .LBB2_1-.Ltmp1, $4  }
0x3a: {  	[hbm4b:s13+s14] =	stream.linear.scatter @!p1 [tilespmem:s15], [sflag:$0x1], $0x4000, $0x38;
	[tilespmem:$0x17900] =	vst v63  }
0x3b: {  	_ =	swait.ge @!p1 [sflag:s16], $0x4000  }
0x3c: {  	[sflag:s16] =	ssyncset.done @!p1 $0x0  }
0x3d: {  	[sflag:s16] =	ssyncadd.s32 @!p1 $0xFFFFC000  }
0x3e: {  	_ =	sfence.sel $0x180000  }
0x3f: {  	[bflag:$0x0] =	sbarrier.arrive $0xFFFF  }
0x40: {  	p0 =	sne.s32 s1, $0x0;
	_ =	strace $0x9000005C  }
0x41: {  	s0 =	sadd.s32 @!p0 $0x100000, s0;
	[bflag:$0x2] =	sbarrier.arrive $0xFFFF  }
0x42: {  	[sflag:s0] =	ssyncadd.tile.s32 @!p0 $0x1;
	_ =	shalt  }
.Lfunc_end2:
_tile_overlayer_lowered:
.L_overlay_start_2:
0x43: {  	(tag) =	ssettag $0x2  }
0x44: {  	s0 =	rddreg [dreg:$0x0];
	s2 =	stileid.u32  }
0x45: {  	s1 =	rddreg [dreg:$0x1];
	p0 =	sne.s32 s2, $0x0  }
0x46: {  	s3 =	rddreg [dreg:$0x2];
	[bflag:$0x3] =	sbarrier.arrive $0xFFFF;
	s2 =	simm.s32 @!p0 $0x1C01  }
0x47: {  	[timem:s3], [sflag:s2] =	dma.local @!p0 [hbm:s0], s1  }
0x48: {  	s0 =	simm.s32 @!p0 $0x1  }
0x49: {  	_ =	swait.ge @!p0 [sflag:s0], s1  }
0x4a: {  	s1 =	ssub.s32 @!p0 $0x0, s1;
	[sflag:s0] =	ssyncset.done @!p0 $0x0  }
0x4b: {  	[sflag:s0] =	ssyncadd.s32 @!p0 s1  }
0x4c: {  	[bflag:$0x3] =	sbarrier.arrive $0xFFFF  }
0x4d: {  	_ =	shalt  }

// kernel: kernel.33.cloned.1.call-start
scs
__scs_entry_jumppad:
0x0: {  	(pc) =	sbr.rel $0x88, $3  }
0x1: {  	(tag) =	ssettag $0x0;
	lr =	simm.s32 $0x1  }
0x2: {  	[smem:$0x3F92] =	sst lr;
	_ =	strace $0xD0000000  }
0x3: {  	_ = 	snop  }
0x4: {  	_ = 	snop  }
0x5: {  	_ = 	snop  }
0x6: {  	_ = 	snop  }
0x7: {  	_ = 	snop  }
__scs_overlays_trampoline_lowered:
0x8: {  	[smem:$0x3FA1] =	sst s0  }
0x9: {  	[smem:$0x3FA2] =	sst s1  }
0xa: {  	[smem:$0x3FA3] =	sst s2  }
0xb: {  	[smem:$0x3FA4] =	sst s3  }
0xc: {  	[smem:$0x3FA5] =	sst s4  }
0xd: {  	[smem:$0x3FA6] =	sst s5  }
0xe: {  	[smem:$0x3FA7] =	sst s6  }
0xf: {  	[smem:$0x3FA8] =	sst s7  }
0x10: {  	[smem:$0x3FA9] =	sst s8  }
0x11: {  	[smem:$0x3FAA] =	sst s9;
	s0 =	simm.s32 @!p0 $0x0  }
0x12: {  	s1 =	sld [smem:$0x3F90];
	s0 =	simm.s32 @p0 $0x1  }
0x13: {  	[smem:$0x3FAB] =	sst s0;
	s0 =	simm.s32 @!p1 $0x0  }
0x14: {  	s2 =	sld [smem:$0x3F8F];
	s0 =	simm.s32 @p1 $0x1  }
0x15: {  	[smem:$0x3FAC] =	sst s0;
	s0 =	simm.s32 @!p2 $0x0  }
0x16: {  	s3 =	sld [smem:$0x3FDB];
	s0 =	simm.s32 @p2 $0x1  }
0x17: {  	s4 =	simm.s32 $0x1BF5;
	[smem:$0x3FAE] =	sst s0  }
0x18: {  	s0 =	sld [smem:$0x3F91];
	_ =	swait.ge [sflag:s4], $0x0  }
0x19: {  	s7 =	sld [smem:$0x3F92]  }
0x1a: {  	s8 =	sadd.s32 $0xFFFFE003, lr  }
0x1b: {  	s9 =	sadd.s32 $0xFFFFFEF7, lr;
	s5 =	simm.s32 $0xFFFFFFFF;
	p2 =	slt.u32 s8, $0xFFFFF086  }
0x1c: {  	p1 =	slt.u32 s9, $0xF7A;
	s5 =	simm.s32 @!p2 $0x0  }
0x1d: {  	s5 =	simm.s32 @p1 $0x1;
	p0 =	seq.s32 s7, s2  }
0x1e: {  	s7 =	smul.u32 @!p0 $0xF7A, s2;
	p2 =	seq.s32 @!p0 s5, $0x0  }
0x1f: {  	s9 =	smul.u32 $0xF7A, s1;
	s8 =	simm.s32 @!p0 $0x1BF5;
	p2 =	por !p2, p0  }
0x20: {  	[sflag:s8] =	ssyncset.s32 @!p0 $0xFFFFF086;
	s6 =	sadd.s32 @!p0 s3, s7;
	s7 =	simm.s32 @!p0 $0x108  }
0x21: {  	s3 =	sadd.s32 s3, s9;
	s6 =	sadd.s32 @!p0 $0x88, s6;
	s7 =	simm.s32 @p2 $0x1082  }
0x22: {  	[simem:s7], [sflag:s8] =	dma.local @!p0 [hbm:s6], $0xF7A  }
0x23: {  	s9 =	sor.u32 $0xD0000000, s2;
	s6 =	simm.s32 $0x108;
	_ =	swait.ge @!p0 [sflag:s8], $0x0  }
0x24: {  	s3 =	sadd.s32 $0x88, s3;
	s6 =	simm.s32 @!p1 $0x1082;
	[sflag:s4] =	ssyncset.s32 $0xFFFFF086  }
0x25: {  	[simem:s6], [sflag:s4] =	dma.local [hbm:s3], $0xF7A  }
0x26: {  	[smem:$0x3F92] =	sst s1;
	(tag) =	ssettag s2;
	_ =	strace s9  }
0x27: {  	s1 =	sld [smem:$0x3FA2]  }
0x28: {  	s2 =	sld [smem:$0x3FA3]  }
0x29: {  	s4 =	sld [smem:$0x3FA5]  }
0x2a: {  	p0 =	seq.s32 s5, $0x0;
	s5 =	sld [smem:$0x3FA6]  }
0x2b: {  	s6 =	sld [smem:$0x3FA7]  }
0x2c: {  	s7 =	sld [smem:$0x3FA8]  }
0x2d: {  	s3 =	simm.s32 $0x108;
	s8 =	sld [smem:$0x3FA9]  }
0x2e: {  	s3 =	simm.s32 @!p0 $0x1082;
	s9 =	sld [smem:$0x3FAA]  }
0x2f: {  	lr =	sadd.s32 s0, s3;
	s0 =	sld [smem:$0x3FA1]  }
0x30: {  	s3 =	sld [smem:$0x3FA4]  }
0x31: {  	[smem:$0x3FAD] =	sst s10  }
0x32: {  	s10 =	sld [smem:$0x3FAB];
	_ =	sdelay $0x3  }
0x33: {  	p0 =	seq.s32 s10, $0x1;
	s10 =	sld [smem:$0x3FAD];
	_ =	sdelay $0x3  }
0x34: {  	[smem:$0x3FAD] =	sst s10  }
0x35: {  	s10 =	sld [smem:$0x3FAC];
	_ =	sdelay $0x3  }
0x36: {  	p1 =	seq.s32 s10, $0x1;
	s10 =	sld [smem:$0x3FAD];
	_ =	sdelay $0x3  }
0x37: {  	[smem:$0x3FAD] =	sst s10  }
0x38: {  	s10 =	sld [smem:$0x3FAE]  }
0x39: {  	_ = 	snop;
	(pc) =	sbr.ind lr, $3  }
0x3a: {  	_ = 	snop  }
0x3b: {  	_ = 	snop  }
0x3c: {  	p2 =	seq.s32 s10, $0x1;
	s10 =	sld [smem:$0x3FAD]  }
0x3d: {  	_ =	shalt  }
0x3e: {  	_ =	shalt  }
0x3f: {  	_ =	shalt  }
0x40: {  	_ =	shalt  }
0x41: {  	_ =	shalt  }
0x42: {  	_ =	shalt  }
0x43: {  	_ =	shalt  }
0x44: {  	_ =	shalt  }
0x45: {  	_ =	shalt  }
0x46: {  	_ =	shalt  }
0x47: {  	_ =	shalt  }
0x48: {  	_ =	shalt  }
0x49: {  	_ =	shalt  }
0x4a: {  	_ =	shalt  }
0x4b: {  	_ =	shalt  }
0x4c: {  	_ =	shalt  }
0x4d: {  	_ =	shalt  }
0x4e: {  	_ =	shalt  }
0x4f: {  	_ =	shalt  }
0x50: {  	_ =	shalt  }
0x51: {  	_ =	shalt  }
0x52: {  	_ =	shalt  }
0x53: {  	_ =	shalt  }
0x54: {  	_ =	shalt  }
0x55: {  	_ =	shalt  }
0x56: {  	_ =	shalt  }
0x57: {  	_ =	shalt  }
0x58: {  	_ =	shalt  }
0x59: {  	_ =	shalt  }
0x5a: {  	_ =	shalt  }
0x5b: {  	_ =	shalt  }
0x5c: {  	_ =	shalt  }
0x5d: {  	_ =	shalt  }
0x5e: {  	_ =	shalt  }
0x5f: {  	_ =	shalt  }
0x60: {  	_ =	shalt  }
0x61: {  	_ =	shalt  }
0x62: {  	_ =	shalt  }
0x63: {  	_ =	shalt  }
0x64: {  	_ =	shalt  }
0x65: {  	_ =	shalt  }
0x66: {  	_ =	shalt  }
0x67: {  	_ =	shalt  }
0x68: {  	_ =	shalt  }
0x69: {  	_ =	shalt  }
0x6a: {  	_ =	shalt  }
0x6b: {  	_ =	shalt  }
0x6c: {  	_ =	shalt  }
0x6d: {  	_ =	shalt  }
0x6e: {  	_ =	shalt  }
0x6f: {  	_ =	shalt  }
0x70: {  	_ =	shalt  }
0x71: {  	_ =	shalt  }
0x72: {  	_ =	shalt  }
0x73: {  	_ =	shalt  }
0x74: {  	_ =	shalt  }
0x75: {  	_ =	shalt  }
0x76: {  	_ =	shalt  }
0x77: {  	_ =	shalt  }
0x78: {  	_ =	shalt  }
0x79: {  	_ =	shalt  }
0x7a: {  	_ =	shalt  }
0x7b: {  	_ =	shalt  }
0x7c: {  	_ =	shalt  }
0x7d: {  	_ =	shalt  }
0x7e: {  	_ =	shalt  }
0x7f: {  	_ =	shalt  }
0x80: {  	_ =	shalt  }
0x81: {  	_ =	shalt  }
0x82: {  	_ =	shalt  }
0x83: {  	_ =	shalt  }
0x84: {  	_ =	shalt  }
0x85: {  	_ =	shalt  }
0x86: {  	_ =	shalt  }
0x87: {  	_ =	shalt  }
.Lfunc_end0:
.L_simem_size_0:
called_computation.5_lowered:
.L_overlay_start_0:
0x88: {  	s2 =	sld [smem:$0x3FD9]  }
0x89: {  	s3 =	sld [smem:$0x3FFE];
	_ =	sdelay $0x1  }
0x8a: {  	s1 =	srdreg.scid  }
0x8b: {  	s0 =	sand.u32 $0x1, s1  }
0x8c: {  	s17 =	sshll.u32 s0, $0xA;
	s2 =	sadd.s32 s3, s2  }
0x8d: {  	s2 =	sadd.s32 s2, s17  }
0x8e: {  	[smem:$0x3FB9] =	sst s2  }
0x8f: {  	_ = 	snop  }
0x90: {  	(tm) =	ssettm $0x1  }
0x91: {  	s18 =	sld [smem:$0x3FFB];
	_ =	sdelay $0x3  }
0x92: {  	_ =	strace s18  }
0x93: {  	s2 =	sld [smem:$0x3FFC];
	_ =	sdelay $0x3  }
0x94: {  	_ =	strace s2  }
0x95: {  	s2 =	sld [smem:$0x3FFD];
	_ =	sdelay $0x3  }
0x96: {  	_ =	strace s2  }
0x97: {  	_ =	strace $0x8FFFFFFF  }
0x98: {  	s19 =	sld [smem:$0x3FDB];
	_ =	sdelay $0x1  }
0x99: {  	s20 =	simm.s32 $_scs_section_size  }
0x9a: {  	s4 =	simm.s32 $_size__tile_overlayer_lowered;
	s5 =	simm.s32 $_tile_overlayer_lowered  }
0x9b: {  	s6 =	simm.s32 $0x1BFF;
	s21 =	sshll.u32 s5, $0x1;
	s3 =	sadd.s32 s20, s19  }
0x9c: {  	s22 =	simm.s32 $0x0;
	s4 =	sshll.u32 s4, $0x1;
	s5 =	sadd.s32 s21, s3  }
0x9d: {  	[timem:s22], [sflag:s6] =	dma.local [hbm:s5], s4  }
0x9e: {  	_ =	swait.ge [sflag:s6], s4  }
0x9f: {  	s4 =	ssub.s32 $0x0, s4;
	[sflag:s6] =	ssyncset.done $0x0  }
0xa0: {  	[sflag:s6] =	ssyncadd.s32 s4;
	_ =	sdelay $0x1  }
0xa1: {  	s23 =	simm.s32 $0x1B8B  }
0xa2: {  	_ =	swait.ge [sflag:s23], $0x1  }
0xa3: {  	[sflag:s23] =	ssyncset.done $0x0  }
0xa4: {  	[sflag:s23] =	ssyncadd.s32 $0xFFFFFFFF  }
0xa5: {  	s4 =	sld [smem:$0x0]  }
0xa6: {  	s5 =	sand.u32 $0xFFFFFFFE, s1  }
0xa7: {  	p0 =	sne.s32 s1, s5  }
0xa8: {  	s5 =	sshll.u32 @p0 s5, $0xE  }
0xa9: {  	s5 =	sadd.s32 @p0 $0x11B8D, s5;
	s6 =	sshll.u32 @p0 s4, $0x11  }
0xaa: {  	s5 =	sor.u32 @p0 s6, s5  }
0xab: {  	[sflag:s5] =	ssyncadd.remote.s32 @p0 $0x1;
	_ =	sdelay $0x1  }
0xac: {  	s5 =	simm.s32 @p0 $0x1B8D  }
0xad: {  	_ =	swait.eq @p0 [sflag:s5], $0x1  }
0xae: {  	[sflag:s5] =	ssyncadd.s32 @p0 $0xFFFFFFFF  }
0xaf: {  	s6 =	sshll.u32 @!p0 s1, $0xE  }
0xb0: {  	s6 =	sor.u32 @!p0 $0x4000, s6;
	s5 =	simm.s32 @!p0 $0x1B8D  }
0xb1: {  	s4 =	sshll.u32 @!p0 s4, $0x11;
	s6 =	sadd.s32 @!p0 $0x11B8D, s6;
	_ =	swait.eq @!p0 [sflag:s5], $0x1  }
0xb2: {  	s4 =	sor.u32 @!p0 s4, s6;
	[sflag:s5] =	ssyncadd.s32 @!p0 $0xFFFFFFFF  }
0xb3: {  	s25 =	simm.s32 $0x1B8E;
	s24 =	sld [smem:$0x3FFE];
	[sflag:s4] =	ssyncadd.remote.s32 @!p0 $0x1  }
0xb4: {  	s26 =	simm.s32 $execute0_lowered;
	[smem:$0x3FD2] =	sst s25  }
0xb5: {  	s5 =	sshll.u32 s26, $0x1;
	_ =	strace $0x8000004C;
	[dreg:$0x1] =	wrdreg $0xFFFFFFFF  }
0xb6: {  	s28 =	simm.s32 $_size_execute0_lowered;
	s3 =	sadd.s32 s3, s5;
	[dreg:$0x0] =	wrdreg $0x0  }
0xb7: {  	s5 =	sshll.u32 s28, $0x1;
	[dreg:$0x2] =	wrdreg s3  }
0xb8: {  	[dreg:$0x3] =	wrdreg s5  }
0xb9: {  	[dreg:$0x4] =	wrdreg $0xC0  }
0xba: {  	_ =	task [dreg:s22], $0x5FFFF  }
0xbb: {  	[dreg:$0x1] =	wrdreg $0xFFFFFFFF  }
0xbc: {  	[dreg:$0x0] =	wrdreg $0x60  }
0xbd: {  	[dreg:$0x2] =	wrdreg s24  }
0xbe: {  	[dreg:$0x3] =	wrdreg $0x40800  }
0xbf: {  	[dreg:$0x4] =	wrdreg $0xB  }
0xc0: {  	_ =	task.clear_ibuf [dreg:s22], $0x5FFFF;
	_ =	strace $0x9000004C  }
0xc1: {  	s29 =	simm.s32 $0xB;
	_ =	strace $0x8000004E  }
0xc2: {  	_ =	swait.ge [sflag:s29], $0x1  }
0xc3: {  	[sflag:s29] =	ssyncadd.s32 $0xFFFFFFFF  }
0xc4: {  	_ =	strace $0x9000004E  }
0xc5: {  	_ =	sfence  }
0xc6: {  	s30 =	sld [smem:$0x0];
	_ =	sdelay $0x2  }
0xc7: {  	s31 =	sshll.u32 s1, $0xD;
	s1 =	sshrl.u32 s1, $0x2  }
0xc8: {  	s4 =	sand.u32 $0x4000, s31;
	s1 =	sadd.s32 s1, s30  }
0xc9: {  	s0 =	sor.u32 s4, s0;
	s1 =	sshll.u32 s1, $0x11  }
0xca: {  	s0 =	sor.u32 s1, s0  }
0xcb: {  	s0 =	sadd.s32 $0x8F2B, s0  }
0xcc: {  	[sflag:s0] =	ssyncadd.remote.s32 $0x1  }
0xcd: {  	_ =	sfence.sel $0xFFFF  }
0xce: {  	[dreg:$0x0] =	wrdreg $0xFFFFFFFF;
	(pc) =	sbr.abs _section_cstart, $3  }
0xcf: {  	[dreg:$0x1] =	wrdreg $0xFFFFFFFF  }
0xd0: {  	_ =	task.clear_ibuf [dreg:s22], $0x2FFFF;
	_ =	strace $0x9FFFFFFF  }
0xd1: {  	(tm) =	ssettm $0x7FFFFFFF  }
tec
execute0_lowered:
.L_overlay_start_1:
0x0: {  	(tag) =	ssettag $0x1  }
0x1: {  	s5 =	rddreg [dreg:$0x0]  }
0x2: {  	s1 =	rddreg [dreg:$0x1]  }
0x3: {  	s0 =	rddreg [dreg:$0x2];
	s2 =	simm.s32 $0x0;
	s3 =	srdreg.scid  }
0x4: {  	[smem:$0x7FF] =	sst s2;
	s6 =	sand.u32 $0x1, s3  }
0x5: {  	s3 =	stileid.u32;
	s14 =	sadd.s32 $0x138000, s1;
	s21 =	sadd.s32 $0x134000, s1  }
0x6: {  	_ =	strace $0x8000004D;
	s4 =	sshll.u32 s6, $0xF;
	s7 =	smul.u32 $0x50000, s3  }
0x7: {  	s23 =	sshll.u32 s6, $0x8;
	s10 =	ssub.s32 $0x2, s6;
	s11 =	smul.u32 $0x138800, s6  }
0x8: {  	s13 =	smul.u32 $0x14000, s3;
	s24 =	sshll.u32 s6, $0x4;
	s30 =	sshll.u32 s3, $0x4  }
0x9: {  	s15 =	sshll.u32 s3, $0xB;
	p0 =	seq.s32 s3, $0xF;
	s8 =	sadd.s32 s4, s5  }
0xa: {  	s9 =	sadd.s32 s23, s5;
	s4 =	sadd.s32 $0x2CE00, s5;
	s12 =	sshrl.u32 s10, $0x1  }
0xb: {  	s5 =	sadd.s32 $0x3C8000, s5;
	s14 =	sshrl.u32 @p0 s14, $0x3;
	s10 =	ssub.s32 s10, s12  }
0xc: {  	s25 =	sshrl.u32 s7, $0x2;
	s26 =	sadd.s32 s13, s11;
	s11 =	sshrl.u32 s11, $0x3  }
0xd: {  	s13 =	sadd.s32 $0x130000, s1;
	s9 =	sadd.s32 s30, s9;
	s31 =	sadd.s32 s15, s8  }
0xe: {  	s15 =	sshll.u32 @!p0 s3, $0x6;
	s16 =	sadd.s32 s25, s1;
	s28 =	sshrl.u32 s26, $0x3  }
0xf: {  	s29 =	sadd.s32 s5, s11;
	s11 =	sadd.s32 $0x12C000, s1;
	s7 =	smax.u32 s10, $0x1  }
0x10: {  	s8 =	sadd.s32 $0x2DE00, s9;
	s9 =	sadd.s32 $0x56000, s31;
	s10 =	sor.u32 s24, s3  }
0x11: {  	s12 =	sshrl.u32 @p0 s13, $0x3;
	s13 =	sshrl.u32 @p0 s21, $0x3;
	s15 =	sor.u32 @!p0 $0x1C01, s15  }
0x12: {  	s5 =	sadd.s32 s5, s28;
	s6 =	sadd.s32 $0x25800, s29;
	s17 =	sadd.s32 $0x4000, s16  }
0x13: {  	s18 =	sadd.s32 $0x8000, s16;
	s19 =	sadd.s32 $0xC000, s16;
	s20 =	sadd.s32 $0x10000, s16  }
0x14: {  	s11 =	sshrl.u32 @p0 s11, $0x3;
	s16 =	sshrl.u32 @!p0 s16, $0x3;
	s17 =	sshrl.u32 @!p0 s17, $0x3  }
0x15: {  	s18 =	sshrl.u32 @!p0 s18, $0x3;
	s19 =	sshrl.u32 @!p0 s19, $0x3;
	s20 =	sshrl.u32 @!p0 s20, $0x3  }
.LBB2_1:
0x16: {  	s21 =	simm.s32 @p0 $0x1FC1;
	s22 =	simm.s32 @p0 $0x1  }
0x17: {  	[spmem:s11], [sflag:s21] =	dma.local @p0 [hbm:s4], $0x800  }
0x18: {  	_ =	swait.ge @p0 [sflag:s22], $0x800  }
0x19: {  	[sflag:s22] =	ssyncset.done @p0 $0x0  }
0x1a: {  	[sflag:s22] =	ssyncadd.s32 @p0 $0xFFFFF800  }
0x1b: {  	[spmem:s12], [sflag:s21] =	dma.local @p0 [hbm:s4], $0x800  }
0x1c: {  	_ =	swait.ge @p0 [sflag:s22], $0x800  }
0x1d: {  	[sflag:s22] =	ssyncset.done @p0 $0x0  }
0x1e: {  	[sflag:s22] =	ssyncadd.s32 @p0 $0xFFFFF800  }
0x1f: {  	[spmem:s13], [sflag:s21] =	dma.local @p0 [hbm:s4], $0x800  }
0x20: {  	_ =	swait.ge @p0 [sflag:s22], $0x800  }
0x21: {  	[sflag:s22] =	ssyncset.done @p0 $0x0  }
0x22: {  	[sflag:s22] =	ssyncadd.s32 @p0 $0xFFFFF800  }
0x23: {  	[spmem:s14], [sflag:s21] =	dma.local @p0 [hbm:s4], $0x100  }
0x24: {  	_ =	swait.ge @p0 [sflag:s22], $0x100  }
0x25: {  	[sflag:s22] =	ssyncset.done @p0 $0x0  }
0x26: {  	s21 =	simm.s32 @!p0 $0x1;
	[sflag:s22] =	ssyncadd.s32 @p0 $0xFFFFFF00  }
0x27: {  	[spmem:s16], [sflag:s15] =	dma.local @!p0 [hbm:s4], $0x800  }
0x28: {  	_ =	swait.ge @!p0 [sflag:s21], $0x800  }
0x29: {  	[sflag:s21] =	ssyncset.done @!p0 $0x0  }
0x2a: {  	[sflag:s21] =	ssyncadd.s32 @!p0 $0xFFFFF800  }
0x2b: {  	[spmem:s17], [sflag:s15] =	dma.local @!p0 [hbm:s4], $0x800  }
0x2c: {  	_ =	swait.ge @!p0 [sflag:s21], $0x800  }
0x2d: {  	[sflag:s21] =	ssyncset.done @!p0 $0x0  }
0x2e: {  	[sflag:s21] =	ssyncadd.s32 @!p0 $0xFFFFF800  }
0x2f: {  	[spmem:s18], [sflag:s15] =	dma.local @!p0 [hbm:s4], $0x800  }
0x30: {  	_ =	swait.ge @!p0 [sflag:s21], $0x800  }
0x31: {  	[sflag:s21] =	ssyncset.done @!p0 $0x0  }
0x32: {  	[sflag:s21] =	ssyncadd.s32 @!p0 $0xFFFFF800  }
0x33: {  	[spmem:s19], [sflag:s15] =	dma.local @!p0 [hbm:s4], $0x800  }
0x34: {  	_ =	swait.ge @!p0 [sflag:s21], $0x800  }
0x35: {  	[sflag:s21] =	ssyncset.done @!p0 $0x0  }
0x36: {  	[sflag:s21] =	ssyncadd.s32 @!p0 $0xFFFFF800  }
0x37: {  	[spmem:s20], [sflag:s15] =	dma.local @!p0 [hbm:s4], $0x800  }
0x38: {  	_ =	swait.ge @!p0 [sflag:s21], $0x800  }
0x39: {  	s30 =	sadd.s32 $0x0, s10;
	[sflag:s21] =	ssyncset.done @!p0 $0x0  }
0x3a: {  	p1 =	sgt.u32 s30, $0xF9;
	[sflag:s21] =	ssyncadd.s32 @!p0 $0xFFFFF800  }
0x3b: {  	s23 =	simm.s32 @!p1 $0x2;
	s21 =	simm.s32 @!p1 $0x0;
	[bflag:$0x0] =	sbarrier.arrive $0xFFFF  }
0x3c: {  	[tilespmem:s21], [sflag:$0x2] =	stream.linear.gather @!p1 [hbm4b:s8+s21], $0x80, $0x38;
	[tilespmem:$0x17900] =	vst v63  }
0x3d: {  	_ =	swait.ge @!p1 [sflag:s23], $0x80  }
0x3e: {  	[sflag:s23] =	ssyncset.done @!p1 $0x0;
	p1 =	por p1, p1  }
0x3f: {  	[sflag:s23] =	ssyncadd.s32 @!p1 $0xFFFFFF80;
	s25 =	simm.s32 @!p1 $0x80  }
0x40: {  	[tilespmem:s25], [sflag:$0x2] =	stream.linear.gather @!p1 [hbm4b:s9+s21], $0x4000, $0x38;
	[tilespmem:$0x17900] =	vst v63  }
0x41: {  	_ =	swait.ge @!p1 [sflag:s23], $0x4000  }
0x42: {  	[sflag:s23] =	ssyncset.done @!p1 $0x0  }
0x43: {  	s31 =	sadd.s32 $0x20, s10;
	s24 =	simm.s32 @!p1 $0x1;
	[sflag:s23] =	ssyncadd.s32 @!p1 $0xFFFFC000  }
0x44: {  	[spmem:s1] =	stream.indirect.scatter.add.f32 @!p1 [tilespmem:s25], [sflag:$0x1], $0x80, s21, s25, $0xb8;
	[tilespmem:$0x17900] =	vst v63  }
0x45: {  	p2 =	sgt.u32 s31, $0xF9;
	s22 =	simm.s32 $0x40;
	_ =	swait.ge @!p1 [sflag:s24], $0x4000  }
0x46: {  	s23 =	sadd.s32 $0x200, s8;
	s21 =	sadd.s32 $0x10000, s9;
	[sflag:s24] =	ssyncset.done @!p1 $0x0  }
.LBB2_2:
0x47: {  	s25 =	simm.s32 @!p2 $0x0;
	s26 =	simm.s32 @!p2 $0x2;
	[sflag:s24] =	ssyncadd.s32 @!p1 $0xFFFFC000  }
0x48: {  	[tilespmem:s25], [sflag:$0x2] =	stream.linear.gather @!p2 [hbm4b:s23+s25], $0x80, $0x38;
	[tilespmem:$0x17900] =	vst v63  }
0x49: {  	s28 =	smov.u32 s22;
	s22 =	sadd.s32 $0x20, s22;
	_ =	swait.ge @!p2 [sflag:s26], $0x80  }
0x4a: {  	p1 =	por p2, p2;
	p3 =	sne.s32 s22, $0x100;
	[sflag:s26] =	ssyncset.done @!p2 $0x0  }
0x4b: {  	s29 =	simm.s32 @!p1 $0x80;
	[sflag:s26] =	ssyncadd.s32 @!p1 $0xFFFFFF80  }
0x4c: {  	[tilespmem:s29], [sflag:$0x2] =	stream.linear.gather @!p1 [hbm4b:s21+s25], $0x4000, $0x38;
	[tilespmem:$0x17900] =	vst v63  }
0x4d: {  	_ =	swait.ge @!p1 [sflag:s26], $0x4000  }
.Ltmp0:
0x4e: {  	[sflag:s26] =	ssyncset.done @!p1 $0x0;
	(pc) =	sbr.rel @p3 .LBB2_2-.Ltmp0, $4  }
0x4f: {  	s24 =	simm.s32 @!p1 $0x1;
	[sflag:s26] =	ssyncadd.s32 @!p1 $0xFFFFC000  }
0x50: {  	[spmem:s1] =	stream.indirect.scatter.add.f32 @!p1 [tilespmem:s29], [sflag:$0x1], $0x80, s25, s29, $0xb8;
	[tilespmem:$0x17900] =	vst v63  }
0x51: {  	s21 =	sadd.s32 $0x10000, s21;
	s25 =	sadd.s32 s28, s10;
	_ =	swait.ge @!p1 [sflag:s24], $0x4000  }
0x52: {  	s23 =	sadd.s32 $0x200, s23;
	p2 =	sgt.u32 s25, $0xF9;
	[sflag:s24] =	ssyncset.done @!p1 $0x0  }
0x53: {  	s22 =	simm.s32 @!p2 $0x0;
	s25 =	simm.s32 @!p2 $0x2;
	[sflag:s24] =	ssyncadd.s32 @!p1 $0xFFFFC000  }
0x54: {  	[tilespmem:s22], [sflag:$0x2] =	stream.linear.gather @!p2 [hbm4b:s23+s22], $0x80, $0x38;
	[tilespmem:$0x17900] =	vst v63  }
0x55: {  	_ =	swait.ge @!p2 [sflag:s25], $0x80  }
0x56: {  	p1 =	por p2, p2;
	[sflag:s25] =	ssyncset.done @!p2 $0x0  }
0x57: {  	s23 =	simm.s32 @!p1 $0x80;
	[sflag:s25] =	ssyncadd.s32 @!p1 $0xFFFFFF80  }
0x58: {  	[tilespmem:s23], [sflag:$0x2] =	stream.linear.gather @!p1 [hbm4b:s21+s22], $0x4000, $0x38;
	[tilespmem:$0x17900] =	vst v63  }
0x59: {  	_ =	swait.ge @!p1 [sflag:s25], $0x4000  }
0x5a: {  	[sflag:s25] =	ssyncset.done @!p1 $0x0  }
0x5b: {  	s21 =	simm.s32 @!p1 $0x1;
	[sflag:s25] =	ssyncadd.s32 @!p1 $0xFFFFC000  }
0x5c: {  	[spmem:s1] =	stream.indirect.scatter.add.f32 @!p1 [tilespmem:s23], [sflag:$0x1], $0x80, s22, s23, $0xb8;
	[tilespmem:$0x17900] =	vst v63  }
0x5d: {  	_ =	swait.ge @!p1 [sflag:s21], $0x4000  }
0x5e: {  	[sflag:s21] =	ssyncset.done @!p1 $0x0  }
0x5f: {  	[sflag:s21] =	ssyncadd.s32 @!p1 $0xFFFFC000  }
0x60: {  	s21 =	simm.s32 @p0 $0x1FC1;
	[bflag:$0x0] =	sbarrier.arrive $0xFFFF  }
0x61: {  	[hbm:s6], [sflag:s21] =	dma.local @p0 [spmem:s11], $0x1900  }
0x62: {  	s21 =	simm.s32 @p0 $0x1  }
0x63: {  	s2 =	sadd.s32 $0x1, s2;
	_ =	swait.ge @p0 [sflag:s21], $0x1900  }
0x64: {  	p1 =	sne.s32 s2, s7;
	[sflag:s21] =	ssyncset.done @p0 $0x0  }
.Ltmp1:
0x65: {  	[sflag:s21] =	ssyncadd.s32 @p0 $0xFFFFE700;
	s21 =	simm.s32 @!p0 $0x1;
	(pc) =	sbr.rel @p1 .LBB2_1-.Ltmp1, $4  }
0x66: {  	[hbm:s5], [sflag:s15] =	dma.local @!p0 [spmem:s16], $0x2800  }
0x67: {  	_ =	swait.ge @!p0 [sflag:s21], $0x2800  }
0x68: {  	[sflag:s21] =	ssyncset.done @!p0 $0x0  }
0x69: {  	[sflag:s21] =	ssyncadd.s32 @!p0 $0xFFFFD800  }
0x6a: {  	_ =	sfence.sel $0x180000  }
0x6b: {  	[bflag:$0x0] =	sbarrier.arrive $0xFFFF  }
0x6c: {  	p0 =	sne.s32 s3, $0x0;
	_ =	strace $0x9000004D  }
0x6d: {  	s0 =	sadd.s32 @!p0 $0x100000, s0;
	[bflag:$0x2] =	sbarrier.arrive $0xFFFF  }
0x6e: {  	[sflag:s0] =	ssyncadd.tile.s32 @!p0 $0x1;
	_ =	shalt  }
.Lfunc_end2:
_tile_overlayer_lowered:
.L_overlay_start_2:
0x6f: {  	(tag) =	ssettag $0x2  }
0x70: {  	s0 =	rddreg [dreg:$0x0];
	s2 =	stileid.u32  }
0x71: {  	s1 =	rddreg [dreg:$0x1];
	p0 =	sne.s32 s2, $0x0  }
0x72: {  	s3 =	rddreg [dreg:$0x2];
	[bflag:$0x3] =	sbarrier.arrive $0xFFFF;
	s2 =	simm.s32 @!p0 $0x1C01  }
0x73: {  	[timem:s3], [sflag:s2] =	dma.local @!p0 [hbm:s0], s1  }
0x74: {  	s0 =	simm.s32 @!p0 $0x1  }
0x75: {  	_ =	swait.ge @!p0 [sflag:s0], s1  }
0x76: {  	s1 =	ssub.s32 @!p0 $0x0, s1;
	[sflag:s0] =	ssyncset.done @!p0 $0x0  }
0x77: {  	[sflag:s0] =	ssyncadd.s32 @!p0 s1  }
0x78: {  	[bflag:$0x3] =	sbarrier.arrive $0xFFFF  }
0x79: {  	_ =	shalt  }

// kernel: kernel.36.cloned.1.call-start
scs
__scs_entry_jumppad:
0x0: {  	(pc) =	sbr.rel $0x88, $3  }
0x1: {  	(tag) =	ssettag $0x0;
	lr =	simm.s32 $0x1  }
0x2: {  	[smem:$0x3F92] =	sst lr;
	_ =	strace $0xD0000000  }
0x3: {  	_ = 	snop  }
0x4: {  	_ = 	snop  }
0x5: {  	_ = 	snop  }
0x6: {  	_ = 	snop  }
0x7: {  	_ = 	snop  }
__scs_overlays_trampoline_lowered:
0x8: {  	[smem:$0x3FA1] =	sst s0  }
0x9: {  	[smem:$0x3FA2] =	sst s1  }
0xa: {  	[smem:$0x3FA3] =	sst s2  }
0xb: {  	[smem:$0x3FA4] =	sst s3  }
0xc: {  	[smem:$0x3FA5] =	sst s4  }
0xd: {  	[smem:$0x3FA6] =	sst s5  }
0xe: {  	[smem:$0x3FA7] =	sst s6  }
0xf: {  	[smem:$0x3FA8] =	sst s7  }
0x10: {  	[smem:$0x3FA9] =	sst s8  }
0x11: {  	[smem:$0x3FAA] =	sst s9;
	s0 =	simm.s32 @!p0 $0x0  }
0x12: {  	s1 =	sld [smem:$0x3F90];
	s0 =	simm.s32 @p0 $0x1  }
0x13: {  	[smem:$0x3FAB] =	sst s0;
	s0 =	simm.s32 @!p1 $0x0  }
0x14: {  	s2 =	sld [smem:$0x3F8F];
	s0 =	simm.s32 @p1 $0x1  }
0x15: {  	[smem:$0x3FAC] =	sst s0;
	s0 =	simm.s32 @!p2 $0x0  }
0x16: {  	s3 =	sld [smem:$0x3FDB];
	s0 =	simm.s32 @p2 $0x1  }
0x17: {  	s4 =	simm.s32 $0x1BF5;
	[smem:$0x3FAE] =	sst s0  }
0x18: {  	s0 =	sld [smem:$0x3F91];
	_ =	swait.ge [sflag:s4], $0x0  }
0x19: {  	s7 =	sld [smem:$0x3F92]  }
0x1a: {  	s8 =	sadd.s32 $0xFFFFE003, lr  }
0x1b: {  	s9 =	sadd.s32 $0xFFFFFEF7, lr;
	s5 =	simm.s32 $0xFFFFFFFF;
	p2 =	slt.u32 s8, $0xFFFFF086  }
0x1c: {  	p1 =	slt.u32 s9, $0xF7A;
	s5 =	simm.s32 @!p2 $0x0  }
0x1d: {  	s5 =	simm.s32 @p1 $0x1;
	p0 =	seq.s32 s7, s2  }
0x1e: {  	s7 =	smul.u32 @!p0 $0xF7A, s2;
	p2 =	seq.s32 @!p0 s5, $0x0  }
0x1f: {  	s9 =	smul.u32 $0xF7A, s1;
	s8 =	simm.s32 @!p0 $0x1BF5;
	p2 =	por !p2, p0  }
0x20: {  	[sflag:s8] =	ssyncset.s32 @!p0 $0xFFFFF086;
	s6 =	sadd.s32 @!p0 s3, s7;
	s7 =	simm.s32 @!p0 $0x108  }
0x21: {  	s3 =	sadd.s32 s3, s9;
	s6 =	sadd.s32 @!p0 $0x88, s6;
	s7 =	simm.s32 @p2 $0x1082  }
0x22: {  	[simem:s7], [sflag:s8] =	dma.local @!p0 [hbm:s6], $0xF7A  }
0x23: {  	s9 =	sor.u32 $0xD0000000, s2;
	s6 =	simm.s32 $0x108;
	_ =	swait.ge @!p0 [sflag:s8], $0x0  }
0x24: {  	s3 =	sadd.s32 $0x88, s3;
	s6 =	simm.s32 @!p1 $0x1082;
	[sflag:s4] =	ssyncset.s32 $0xFFFFF086  }
0x25: {  	[simem:s6], [sflag:s4] =	dma.local [hbm:s3], $0xF7A  }
0x26: {  	[smem:$0x3F92] =	sst s1;
	(tag) =	ssettag s2;
	_ =	strace s9  }
0x27: {  	s1 =	sld [smem:$0x3FA2]  }
0x28: {  	s2 =	sld [smem:$0x3FA3]  }
0x29: {  	s4 =	sld [smem:$0x3FA5]  }
0x2a: {  	p0 =	seq.s32 s5, $0x0;
	s5 =	sld [smem:$0x3FA6]  }
0x2b: {  	s6 =	sld [smem:$0x3FA7]  }
0x2c: {  	s7 =	sld [smem:$0x3FA8]  }
0x2d: {  	s3 =	simm.s32 $0x108;
	s8 =	sld [smem:$0x3FA9]  }
0x2e: {  	s3 =	simm.s32 @!p0 $0x1082;
	s9 =	sld [smem:$0x3FAA]  }
0x2f: {  	lr =	sadd.s32 s0, s3;
	s0 =	sld [smem:$0x3FA1]  }
0x30: {  	s3 =	sld [smem:$0x3FA4]  }
0x31: {  	[smem:$0x3FAD] =	sst s10  }
0x32: {  	s10 =	sld [smem:$0x3FAB];
	_ =	sdelay $0x3  }
0x33: {  	p0 =	seq.s32 s10, $0x1;
	s10 =	sld [smem:$0x3FAD];
	_ =	sdelay $0x3  }
0x34: {  	[smem:$0x3FAD] =	sst s10  }
0x35: {  	s10 =	sld [smem:$0x3FAC];
	_ =	sdelay $0x3  }
0x36: {  	p1 =	seq.s32 s10, $0x1;
	s10 =	sld [smem:$0x3FAD];
	_ =	sdelay $0x3  }
0x37: {  	[smem:$0x3FAD] =	sst s10  }
0x38: {  	s10 =	sld [smem:$0x3FAE]  }
0x39: {  	_ = 	snop;
	(pc) =	sbr.ind lr, $3  }
0x3a: {  	_ = 	snop  }
0x3b: {  	_ = 	snop  }
0x3c: {  	p2 =	seq.s32 s10, $0x1;
	s10 =	sld [smem:$0x3FAD]  }
0x3d: {  	_ =	shalt  }
0x3e: {  	_ =	shalt  }
0x3f: {  	_ =	shalt  }
0x40: {  	_ =	shalt  }
0x41: {  	_ =	shalt  }
0x42: {  	_ =	shalt  }
0x43: {  	_ =	shalt  }
0x44: {  	_ =	shalt  }
0x45: {  	_ =	shalt  }
0x46: {  	_ =	shalt  }
0x47: {  	_ =	shalt  }
0x48: {  	_ =	shalt  }
0x49: {  	_ =	shalt  }
0x4a: {  	_ =	shalt  }
0x4b: {  	_ =	shalt  }
0x4c: {  	_ =	shalt  }
0x4d: {  	_ =	shalt  }
0x4e: {  	_ =	shalt  }
0x4f: {  	_ =	shalt  }
0x50: {  	_ =	shalt  }
0x51: {  	_ =	shalt  }
0x52: {  	_ =	shalt  }
0x53: {  	_ =	shalt  }
0x54: {  	_ =	shalt  }
0x55: {  	_ =	shalt  }
0x56: {  	_ =	shalt  }
0x57: {  	_ =	shalt  }
0x58: {  	_ =	shalt  }
0x59: {  	_ =	shalt  }
0x5a: {  	_ =	shalt  }
0x5b: {  	_ =	shalt  }
0x5c: {  	_ =	shalt  }
0x5d: {  	_ =	shalt  }
0x5e: {  	_ =	shalt  }
0x5f: {  	_ =	shalt  }
0x60: {  	_ =	shalt  }
0x61: {  	_ =	shalt  }
0x62: {  	_ =	shalt  }
0x63: {  	_ =	shalt  }
0x64: {  	_ =	shalt  }
0x65: {  	_ =	shalt  }
0x66: {  	_ =	shalt  }
0x67: {  	_ =	shalt  }
0x68: {  	_ =	shalt  }
0x69: {  	_ =	shalt  }
0x6a: {  	_ =	shalt  }
0x6b: {  	_ =	shalt  }
0x6c: {  	_ =	shalt  }
0x6d: {  	_ =	shalt  }
0x6e: {  	_ =	shalt  }
0x6f: {  	_ =	shalt  }
0x70: {  	_ =	shalt  }
0x71: {  	_ =	shalt  }
0x72: {  	_ =	shalt  }
0x73: {  	_ =	shalt  }
0x74: {  	_ =	shalt  }
0x75: {  	_ =	shalt  }
0x76: {  	_ =	shalt  }
0x77: {  	_ =	shalt  }
0x78: {  	_ =	shalt  }
0x79: {  	_ =	shalt  }
0x7a: {  	_ =	shalt  }
0x7b: {  	_ =	shalt  }
0x7c: {  	_ =	shalt  }
0x7d: {  	_ =	shalt  }
0x7e: {  	_ =	shalt  }
0x7f: {  	_ =	shalt  }
0x80: {  	_ =	shalt  }
0x81: {  	_ =	shalt  }
0x82: {  	_ =	shalt  }
0x83: {  	_ =	shalt  }
0x84: {  	_ =	shalt  }
0x85: {  	_ =	shalt  }
0x86: {  	_ =	shalt  }
0x87: {  	_ =	shalt  }
.Lfunc_end0:
.L_simem_size_0:
called_computation.6_lowered:
.L_overlay_start_0:
0x88: {  	s2 =	sld [smem:$0x3FD9]  }
0x89: {  	s3 =	sld [smem:$0x3FFE];
	_ =	sdelay $0x1  }
0x8a: {  	s1 =	srdreg.scid  }
0x8b: {  	s0 =	sand.u32 $0x1, s1  }
0x8c: {  	s17 =	sshll.u32 s0, $0xA;
	s2 =	sadd.s32 s3, s2  }
0x8d: {  	s2 =	sadd.s32 s2, s17  }
0x8e: {  	[smem:$0x3FB9] =	sst s2  }
0x8f: {  	_ = 	snop  }
0x90: {  	s18 =	sld [smem:$0x3FD0];
	(tm) =	ssettm $0x1  }
0x91: {  	s19 =	sld [smem:$0x3FFB];
	_ =	sdelay $0x3  }
0x92: {  	_ =	strace s19  }
0x93: {  	s2 =	sld [smem:$0x3FFC];
	_ =	sdelay $0x3  }
0x94: {  	_ =	strace s2  }
0x95: {  	s2 =	sld [smem:$0x3FFD];
	_ =	sdelay $0x3  }
0x96: {  	_ =	strace s2  }
0x97: {  	_ =	strace $0x8FFFFFFF  }
0x98: {  	s20 =	sld [smem:$0x3FDB];
	_ =	sdelay $0x1  }
0x99: {  	s4 =	simm.s32 $_scs_section_size  }
0x9a: {  	s5 =	simm.s32 $_size__tile_overlayer_lowered;
	s6 =	simm.s32 $_tile_overlayer_lowered  }
0x9b: {  	s7 =	simm.s32 $0x1BFF;
	s21 =	sshll.u32 s6, $0x1;
	s4 =	sadd.s32 s4, s20  }
0x9c: {  	s22 =	simm.s32 $0x0;
	s5 =	sshll.u32 s5, $0x1;
	s6 =	sadd.s32 s21, s4  }
0x9d: {  	[timem:s22], [sflag:s7] =	dma.local [hbm:s6], s5  }
0x9e: {  	_ =	swait.ge [sflag:s7], s5  }
0x9f: {  	s5 =	ssub.s32 $0x0, s5;
	[sflag:s7] =	ssyncset.done $0x0  }
0xa0: {  	[sflag:s7] =	ssyncadd.s32 s5;
	_ =	sdelay $0x1  }
0xa1: {  	s23 =	simm.s32 $0x1B8B  }
0xa2: {  	_ =	swait.ge [sflag:s23], $0x1  }
0xa3: {  	[sflag:s23] =	ssyncset.done $0x0  }
0xa4: {  	[sflag:s23] =	ssyncadd.s32 $0xFFFFFFFF  }
0xa5: {  	s5 =	sld [smem:$0x0]  }
0xa6: {  	s6 =	sand.u32 $0xFFFFFFFE, s1  }
0xa7: {  	p0 =	sne.s32 s1, s6  }
0xa8: {  	s6 =	sshll.u32 @p0 s6, $0xE  }
0xa9: {  	s6 =	sadd.s32 @p0 $0x11B8D, s6;
	s7 =	sshll.u32 @p0 s5, $0x11  }
0xaa: {  	s6 =	sor.u32 @p0 s7, s6  }
0xab: {  	[sflag:s6] =	ssyncadd.remote.s32 @p0 $0x1;
	_ =	sdelay $0x1  }
0xac: {  	s6 =	simm.s32 @p0 $0x1B8D  }
0xad: {  	_ =	swait.eq @p0 [sflag:s6], $0x1  }
0xae: {  	[sflag:s6] =	ssyncadd.s32 @p0 $0xFFFFFFFF  }
0xaf: {  	s7 =	sshll.u32 @!p0 s1, $0xE  }
0xb0: {  	s7 =	sor.u32 @!p0 $0x4000, s7;
	s6 =	simm.s32 @!p0 $0x1B8D  }
0xb1: {  	s5 =	sshll.u32 @!p0 s5, $0x11;
	s7 =	sadd.s32 @!p0 $0x11B8D, s7;
	_ =	swait.eq @!p0 [sflag:s6], $0x1  }
0xb2: {  	s5 =	sor.u32 @!p0 s5, s7;
	[sflag:s6] =	ssyncadd.s32 @!p0 $0xFFFFFFFF  }
0xb3: {  	s25 =	simm.s32 $0x1B8E;
	s24 =	sld [smem:$0x3FFE];
	[sflag:s5] =	ssyncadd.remote.s32 @!p0 $0x1  }
0xb4: {  	s26 =	simm.s32 $execute0_lowered;
	[smem:$0x3FD2] =	sst s25  }
0xb5: {  	s6 =	sshll.u32 s26, $0x1;
	_ =	strace $0x80000052;
	[dreg:$0x1] =	wrdreg $0xFFFFFFFF  }
0xb6: {  	s28 =	simm.s32 $_size_execute0_lowered;
	s4 =	sadd.s32 s4, s6;
	[dreg:$0x0] =	wrdreg $0x0  }
0xb7: {  	s6 =	sshll.u32 s28, $0x1;
	[dreg:$0x2] =	wrdreg s4  }
0xb8: {  	[dreg:$0x3] =	wrdreg s6  }
0xb9: {  	[dreg:$0x4] =	wrdreg $0xC0  }
0xba: {  	_ =	task [dreg:s22], $0x5FFFF  }
0xbb: {  	[dreg:$0x1] =	wrdreg $0xFFFFFFFF  }
0xbc: {  	[dreg:$0x0] =	wrdreg $0x60  }
0xbd: {  	[dreg:$0x2] =	wrdreg s24  }
0xbe: {  	[dreg:$0x3] =	wrdreg s18  }
0xbf: {  	[dreg:$0x4] =	wrdreg $0x40800  }
0xc0: {  	[dreg:$0x5] =	wrdreg $0xB  }
0xc1: {  	_ =	task.clear_ibuf [dreg:s22], $0x6FFFF;
	_ =	strace $0x90000052  }
0xc2: {  	s29 =	simm.s32 $0xB;
	_ =	strace $0x80000054  }
0xc3: {  	_ =	swait.ge [sflag:s29], $0x1  }
0xc4: {  	[sflag:s29] =	ssyncadd.s32 $0xFFFFFFFF  }
0xc5: {  	_ =	strace $0x90000054  }
0xc6: {  	_ =	sfence  }
0xc7: {  	s30 =	sld [smem:$0x0];
	_ =	sdelay $0x2  }
0xc8: {  	s31 =	sshll.u32 s1, $0xD;
	s1 =	sshrl.u32 s1, $0x2  }
0xc9: {  	s4 =	sand.u32 $0x4000, s31;
	s1 =	sadd.s32 s1, s30  }
0xca: {  	s0 =	sor.u32 s4, s0;
	s1 =	sshll.u32 s1, $0x11  }
0xcb: {  	s0 =	sor.u32 s1, s0  }
0xcc: {  	s0 =	sadd.s32 $0x8F2B, s0  }
0xcd: {  	[sflag:s0] =	ssyncadd.remote.s32 $0x1  }
0xce: {  	_ =	sfence.sel $0xFFFF  }
0xcf: {  	[dreg:$0x0] =	wrdreg $0xFFFFFFFF;
	(pc) =	sbr.abs _section_cstart, $3  }
0xd0: {  	[dreg:$0x1] =	wrdreg $0xFFFFFFFF  }
0xd1: {  	_ =	task.clear_ibuf [dreg:s22], $0x2FFFF;
	_ =	strace $0x9FFFFFFF  }
0xd2: {  	(tm) =	ssettm $0x7FFFFFFF  }
0xd3: {  	_ =	shalt  }
tec
execute0_lowered:
.L_overlay_start_1:
0x0: {  	(tag) =	ssettag $0x1  }
0x1: {  	s4 =	rddreg [dreg:$0x0]  }
0x2: {  	s9 =	rddreg [dreg:$0x1]  }
0x3: {  	s1 =	rddreg [dreg:$0x2]  }
0x4: {  	s0 =	rddreg [dreg:$0x3];
	s2 =	simm.s32 $0x0  }
0x5: {  	s3 =	srdreg.scid;
	[smem:$0x7FF] =	sst s2  }
0x6: {  	s10 =	sand.u32 $0x1, s3;
	s6 =	sadd.s32 $0x3C8000, s4;
	_ =	strace $0x80000053  }
0x7: {  	s12 =	sadd.s32 $0x56000, s4;
	s3 =	sshll.u32 s10, $0xF;
	s5 =	smul.u32 $0x138800, s10  }
0x8: {  	s7 =	ssub.s32 $0x2, s10;
	s11 =	sadd.s32 s3, s4;
	s3 =	stileid.u32  }
0x9: {  	s15 =	sshll.u32 s10, $0x4;
	s10 =	sshll.u32 s10, $0x8;
	s8 =	smul.u32 $0x14000, s3  }
0xa: {  	s24 =	sshrl.u32 s7, $0x1;
	s9 =	sadd.s32 s10, s9;
	s13 =	smul.u32 $0x50000, s3  }
0xb: {  	s14 =	ssub.s32 s7, s24;
	s29 =	sshll.u32 s3, $0x4;
	s30 =	sshll.u32 s3, $0xB  }
0xc: {  	p0 =	seq.s32 s3, $0xF;
	s9 =	sadd.s32 s29, s9;
	s31 =	sadd.s32 s30, s11  }
0xd: {  	s11 =	sor.u32 s15, s3;
	s25 =	sadd.s32 s8, s5;
	s26 =	sshrl.u32 s13, $0x2  }
0xe: {  	s5 =	sshrl.u32 s5, $0x3;
	s13 =	sadd.s32 $0x12C000, s1;
	s10 =	sadd.s32 $0xDA000, s31  }
0xf: {  	s8 =	sshrl.u32 s25, $0x3;
	s16 =	sadd.s32 s26, s1;
	s28 =	sadd.s32 $0x25800, s5  }
0x10: {  	s4 =	sadd.s32 s6, s8;
	s5 =	sadd.s32 s6, s28;
	s6 =	sadd.s32 s12, s8  }
0x11: {  	s7 =	sadd.s32 s12, s28;
	s8 =	smax.u32 s14, $0x1;
	s14 =	sshll.u32 @!p0 s3, $0x6  }
0x12: {  	s12 =	sshrl.u32 @p0 s13, $0x3;
	s13 =	sor.u32 @!p0 $0x1C01, s14;
	s14 =	sshrl.u32 @!p0 s16, $0x3  }
.LBB2_1:
0x13: {  	s15 =	simm.s32 @p0 $0x1FC1  }
0x14: {  	[spmem:s12], [sflag:s15] =	dma.local @p0 [hbm:s5], $0x1900  }
0x15: {  	s15 =	simm.s32 @p0 $0x1  }
0x16: {  	_ =	swait.ge @p0 [sflag:s15], $0x1900  }
0x17: {  	[sflag:s15] =	ssyncset.done @p0 $0x0  }
0x18: {  	[sflag:s15] =	ssyncadd.s32 @p0 $0xFFFFE700;
	s15 =	simm.s32 @!p0 $0x1  }
0x19: {  	[spmem:s14], [sflag:s13] =	dma.local @!p0 [hbm:s4], $0x2800  }
0x1a: {  	_ =	swait.ge @!p0 [sflag:s15], $0x2800  }
0x1b: {  	s16 =	sadd.s32 $0x0, s11;
	[sflag:s15] =	ssyncset.done @!p0 $0x0  }
0x1c: {  	p1 =	sgt.u32 s16, $0xF9;
	[sflag:s15] =	ssyncadd.s32 @!p0 $0xFFFFD800  }
0x1d: {  	s17 =	simm.s32 @!p1 $0x2;
	s15 =	simm.s32 @!p1 $0x0;
	[bflag:$0x0] =	sbarrier.arrive $0xFFFF  }
0x1e: {  	[tilespmem:s15], [sflag:$0x2] =	stream.linear.gather @!p1 [hbm4b:s9+s15], $0x80, $0x38;
	[tilespmem:$0x17900] =	vst v63  }
0x1f: {  	_ =	swait.ge @!p1 [sflag:s17], $0x80  }
0x20: {  	[sflag:s17] =	ssyncset.done @!p1 $0x0;
	p1 =	por p1, p1  }
0x21: {  	[sflag:s17] =	ssyncadd.s32 @!p1 $0xFFFFFF80;
	s19 =	simm.s32 @!p1 $0x80  }
0x22: {  	[tilespmem:s19], [sflag:$0x2] =	stream.linear.gather @!p1 [hbm4b:s10+s15], $0x4000, $0x38;
	[tilespmem:$0x17900] =	vst v63  }
0x23: {  	_ =	swait.ge @!p1 [sflag:s17], $0x4000  }
0x24: {  	[sflag:s17] =	ssyncset.done @!p1 $0x0  }
0x25: {  	s31 =	sadd.s32 $0x20, s11;
	s18 =	simm.s32 @!p1 $0x1;
	[sflag:s17] =	ssyncadd.s32 @!p1 $0xFFFFC000  }
0x26: {  	[spmem:s1] =	stream.indirect.scatter.add.f32 @!p1 [tilespmem:s19], [sflag:$0x1], $0x80, s15, s19, $0xb8;
	[tilespmem:$0x17900] =	vst v63  }
0x27: {  	s16 =	simm.s32 $0x40;
	p2 =	sgt.u32 s31, $0xF9;
	_ =	swait.ge @!p1 [sflag:s18], $0x4000  }
0x28: {  	s17 =	sadd.s32 $0x200, s9;
	s15 =	sadd.s32 $0x10000, s10;
	[sflag:s18] =	ssyncset.done @!p1 $0x0  }
.LBB2_2:
0x29: {  	s19 =	simm.s32 @!p2 $0x0;
	s20 =	simm.s32 @!p2 $0x2;
	[sflag:s18] =	ssyncadd.s32 @!p1 $0xFFFFC000  }
0x2a: {  	[tilespmem:s19], [sflag:$0x2] =	stream.linear.gather @!p2 [hbm4b:s17+s19], $0x80, $0x38;
	[tilespmem:$0x17900] =	vst v63  }
0x2b: {  	s21 =	smov.u32 s16;
	s16 =	sadd.s32 $0x20, s16;
	_ =	swait.ge @!p2 [sflag:s20], $0x80  }
0x2c: {  	p1 =	por p2, p2;
	p3 =	sne.s32 s16, $0x100;
	[sflag:s20] =	ssyncset.done @!p2 $0x0  }
0x2d: {  	s22 =	simm.s32 @!p1 $0x80;
	[sflag:s20] =	ssyncadd.s32 @!p1 $0xFFFFFF80  }
0x2e: {  	[tilespmem:s22], [sflag:$0x2] =	stream.linear.gather @!p1 [hbm4b:s15+s19], $0x4000, $0x38;
	[tilespmem:$0x17900] =	vst v63  }
0x2f: {  	_ =	swait.ge @!p1 [sflag:s20], $0x4000  }
.Ltmp0:
0x30: {  	[sflag:s20] =	ssyncset.done @!p1 $0x0;
	(pc) =	sbr.rel @p3 .LBB2_2-.Ltmp0, $4  }
0x31: {  	s18 =	simm.s32 @!p1 $0x1;
	[sflag:s20] =	ssyncadd.s32 @!p1 $0xFFFFC000  }
0x32: {  	[spmem:s1] =	stream.indirect.scatter.add.f32 @!p1 [tilespmem:s22], [sflag:$0x1], $0x80, s19, s22, $0xb8;
	[tilespmem:$0x17900] =	vst v63  }
0x33: {  	s15 =	sadd.s32 $0x10000, s15;
	s19 =	sadd.s32 s21, s11;
	_ =	swait.ge @!p1 [sflag:s18], $0x4000  }
0x34: {  	s17 =	sadd.s32 $0x200, s17;
	p2 =	sgt.u32 s19, $0xF9;
	[sflag:s18] =	ssyncset.done @!p1 $0x0  }
0x35: {  	s16 =	simm.s32 @!p2 $0x0;
	s19 =	simm.s32 @!p2 $0x2;
	[sflag:s18] =	ssyncadd.s32 @!p1 $0xFFFFC000  }
0x36: {  	[tilespmem:s16], [sflag:$0x2] =	stream.linear.gather @!p2 [hbm4b:s17+s16], $0x80, $0x38;
	[tilespmem:$0x17900] =	vst v63  }
0x37: {  	_ =	swait.ge @!p2 [sflag:s19], $0x80  }
0x38: {  	p1 =	por p2, p2;
	[sflag:s19] =	ssyncset.done @!p2 $0x0  }
0x39: {  	s17 =	simm.s32 @!p1 $0x80;
	[sflag:s19] =	ssyncadd.s32 @!p1 $0xFFFFFF80  }
0x3a: {  	[tilespmem:s17], [sflag:$0x2] =	stream.linear.gather @!p1 [hbm4b:s15+s16], $0x4000, $0x38;
	[tilespmem:$0x17900] =	vst v63  }
0x3b: {  	_ =	swait.ge @!p1 [sflag:s19], $0x4000  }
0x3c: {  	[sflag:s19] =	ssyncset.done @!p1 $0x0  }
0x3d: {  	s15 =	simm.s32 @!p1 $0x1;
	[sflag:s19] =	ssyncadd.s32 @!p1 $0xFFFFC000  }
0x3e: {  	[spmem:s1] =	stream.indirect.scatter.add.f32 @!p1 [tilespmem:s17], [sflag:$0x1], $0x80, s16, s17, $0xb8;
	[tilespmem:$0x17900] =	vst v63  }
0x3f: {  	_ =	swait.ge @!p1 [sflag:s15], $0x4000  }
0x40: {  	[sflag:s15] =	ssyncset.done @!p1 $0x0  }
0x41: {  	[sflag:s15] =	ssyncadd.s32 @!p1 $0xFFFFC000  }
0x42: {  	s15 =	simm.s32 @p0 $0x1FC1;
	[bflag:$0x0] =	sbarrier.arrive $0xFFFF  }
0x43: {  	[hbm:s7], [sflag:s15] =	dma.local @p0 [spmem:s12], $0x1900  }
0x44: {  	s15 =	simm.s32 @p0 $0x1  }
0x45: {  	s2 =	sadd.s32 $0x1, s2;
	_ =	swait.ge @p0 [sflag:s15], $0x1900  }
0x46: {  	p1 =	sne.s32 s2, s8;
	[sflag:s15] =	ssyncset.done @p0 $0x0  }
.Ltmp1:
0x47: {  	[sflag:s15] =	ssyncadd.s32 @p0 $0xFFFFE700;
	s15 =	simm.s32 @!p0 $0x1;
	(pc) =	sbr.rel @p1 .LBB2_1-.Ltmp1, $4  }
0x48: {  	[hbm:s6], [sflag:s13] =	dma.local @!p0 [spmem:s14], $0x2800  }
0x49: {  	_ =	swait.ge @!p0 [sflag:s15], $0x2800  }
0x4a: {  	[sflag:s15] =	ssyncset.done @!p0 $0x0  }
0x4b: {  	[sflag:s15] =	ssyncadd.s32 @!p0 $0xFFFFD800  }
0x4c: {  	_ =	sfence.sel $0x180000  }
0x4d: {  	[bflag:$0x0] =	sbarrier.arrive $0xFFFF  }
0x4e: {  	p0 =	sne.s32 s3, $0x0;
	_ =	strace $0x90000053  }
0x4f: {  	s0 =	sadd.s32 @!p0 $0x100000, s0;
	[bflag:$0x2] =	sbarrier.arrive $0xFFFF  }
0x50: {  	[sflag:s0] =	ssyncadd.tile.s32 @!p0 $0x1;
	_ =	shalt  }
.Lfunc_end2:
_tile_overlayer_lowered:
.L_overlay_start_2:
0x51: {  	(tag) =	ssettag $0x2  }
0x52: {  	s0 =	rddreg [dreg:$0x0];
	s2 =	stileid.u32  }
0x53: {  	s1 =	rddreg [dreg:$0x1];
	p0 =	sne.s32 s2, $0x0  }
0x54: {  	s3 =	rddreg [dreg:$0x2];
	[bflag:$0x3] =	sbarrier.arrive $0xFFFF;
	s2 =	simm.s32 @!p0 $0x1C01  }
0x55: {  	[timem:s3], [sflag:s2] =	dma.local @!p0 [hbm:s0], s1  }
0x56: {  	s0 =	simm.s32 @!p0 $0x1  }
0x57: {  	_ =	swait.ge @!p0 [sflag:s0], s1  }
0x58: {  	s1 =	ssub.s32 @!p0 $0x0, s1;
	[sflag:s0] =	ssyncset.done @!p0 $0x0  }
0x59: {  	[sflag:s0] =	ssyncadd.s32 @!p0 s1  }
0x5a: {  	[bflag:$0x3] =	sbarrier.arrive $0xFFFF  }
0x5b: {  	_ =	shalt  }

// kernel: kernel.39.cloned.1.call-start
scs
__scs_entry_jumppad:
0x0: {  	(pc) =	sbr.rel $0x88, $3  }
0x1: {  	(tag) =	ssettag $0x0;
	lr =	simm.s32 $0x1  }
0x2: {  	[smem:$0x3F92] =	sst lr;
	_ =	strace $0xD0000000  }
0x3: {  	_ = 	snop  }
0x4: {  	_ = 	snop  }
0x5: {  	_ = 	snop  }
0x6: {  	_ = 	snop  }
0x7: {  	_ = 	snop  }
__scs_overlays_trampoline_lowered:
0x8: {  	[smem:$0x3FA1] =	sst s0  }
0x9: {  	[smem:$0x3FA2] =	sst s1  }
0xa: {  	[smem:$0x3FA3] =	sst s2  }
0xb: {  	[smem:$0x3FA4] =	sst s3  }
0xc: {  	[smem:$0x3FA5] =	sst s4  }
0xd: {  	[smem:$0x3FA6] =	sst s5  }
0xe: {  	[smem:$0x3FA7] =	sst s6  }
0xf: {  	[smem:$0x3FA8] =	sst s7  }
0x10: {  	[smem:$0x3FA9] =	sst s8  }
0x11: {  	[smem:$0x3FAA] =	sst s9;
	s0 =	simm.s32 @!p0 $0x0  }
0x12: {  	s1 =	sld [smem:$0x3F90];
	s0 =	simm.s32 @p0 $0x1  }
0x13: {  	[smem:$0x3FAB] =	sst s0;
	s0 =	simm.s32 @!p1 $0x0  }
0x14: {  	s2 =	sld [smem:$0x3F8F];
	s0 =	simm.s32 @p1 $0x1  }
0x15: {  	[smem:$0x3FAC] =	sst s0;
	s0 =	simm.s32 @!p2 $0x0  }
0x16: {  	s3 =	sld [smem:$0x3FDB];
	s0 =	simm.s32 @p2 $0x1  }
0x17: {  	s4 =	simm.s32 $0x1BF5;
	[smem:$0x3FAE] =	sst s0  }
0x18: {  	s0 =	sld [smem:$0x3F91];
	_ =	swait.ge [sflag:s4], $0x0  }
0x19: {  	s7 =	sld [smem:$0x3F92]  }
0x1a: {  	s8 =	sadd.s32 $0xFFFFE003, lr  }
0x1b: {  	s9 =	sadd.s32 $0xFFFFFEF7, lr;
	s5 =	simm.s32 $0xFFFFFFFF;
	p2 =	slt.u32 s8, $0xFFFFF086  }
0x1c: {  	p1 =	slt.u32 s9, $0xF7A;
	s5 =	simm.s32 @!p2 $0x0  }
0x1d: {  	s5 =	simm.s32 @p1 $0x1;
	p0 =	seq.s32 s7, s2  }
0x1e: {  	s7 =	smul.u32 @!p0 $0xF7A, s2;
	p2 =	seq.s32 @!p0 s5, $0x0  }
0x1f: {  	s9 =	smul.u32 $0xF7A, s1;
	s8 =	simm.s32 @!p0 $0x1BF5;
	p2 =	por !p2, p0  }
0x20: {  	[sflag:s8] =	ssyncset.s32 @!p0 $0xFFFFF086;
	s6 =	sadd.s32 @!p0 s3, s7;
	s7 =	simm.s32 @!p0 $0x108  }
0x21: {  	s3 =	sadd.s32 s3, s9;
	s6 =	sadd.s32 @!p0 $0x88, s6;
	s7 =	simm.s32 @p2 $0x1082  }
0x22: {  	[simem:s7], [sflag:s8] =	dma.local @!p0 [hbm:s6], $0xF7A  }
0x23: {  	s9 =	sor.u32 $0xD0000000, s2;
	s6 =	simm.s32 $0x108;
	_ =	swait.ge @!p0 [sflag:s8], $0x0  }
0x24: {  	s3 =	sadd.s32 $0x88, s3;
	s6 =	simm.s32 @!p1 $0x1082;
	[sflag:s4] =	ssyncset.s32 $0xFFFFF086  }
0x25: {  	[simem:s6], [sflag:s4] =	dma.local [hbm:s3], $0xF7A  }
0x26: {  	[smem:$0x3F92] =	sst s1;
	(tag) =	ssettag s2;
	_ =	strace s9  }
0x27: {  	s1 =	sld [smem:$0x3FA2]  }
0x28: {  	s2 =	sld [smem:$0x3FA3]  }
0x29: {  	s4 =	sld [smem:$0x3FA5]  }
0x2a: {  	p0 =	seq.s32 s5, $0x0;
	s5 =	sld [smem:$0x3FA6]  }
0x2b: {  	s6 =	sld [smem:$0x3FA7]  }
0x2c: {  	s7 =	sld [smem:$0x3FA8]  }
0x2d: {  	s3 =	simm.s32 $0x108;
	s8 =	sld [smem:$0x3FA9]  }
0x2e: {  	s3 =	simm.s32 @!p0 $0x1082;
	s9 =	sld [smem:$0x3FAA]  }
0x2f: {  	lr =	sadd.s32 s0, s3;
	s0 =	sld [smem:$0x3FA1]  }
0x30: {  	s3 =	sld [smem:$0x3FA4]  }
0x31: {  	[smem:$0x3FAD] =	sst s10  }
0x32: {  	s10 =	sld [smem:$0x3FAB];
	_ =	sdelay $0x3  }
0x33: {  	p0 =	seq.s32 s10, $0x1;
	s10 =	sld [smem:$0x3FAD];
	_ =	sdelay $0x3  }
0x34: {  	[smem:$0x3FAD] =	sst s10  }
0x35: {  	s10 =	sld [smem:$0x3FAC];
	_ =	sdelay $0x3  }
0x36: {  	p1 =	seq.s32 s10, $0x1;
	s10 =	sld [smem:$0x3FAD];
	_ =	sdelay $0x3  }
0x37: {  	[smem:$0x3FAD] =	sst s10  }
0x38: {  	s10 =	sld [smem:$0x3FAE]  }
0x39: {  	_ = 	snop;
	(pc) =	sbr.ind lr, $3  }
0x3a: {  	_ = 	snop  }
0x3b: {  	_ = 	snop  }
0x3c: {  	p2 =	seq.s32 s10, $0x1;
	s10 =	sld [smem:$0x3FAD]  }
0x3d: {  	_ =	shalt  }
0x3e: {  	_ =	shalt  }
0x3f: {  	_ =	shalt  }
0x40: {  	_ =	shalt  }
0x41: {  	_ =	shalt  }
0x42: {  	_ =	shalt  }
0x43: {  	_ =	shalt  }
0x44: {  	_ =	shalt  }
0x45: {  	_ =	shalt  }
0x46: {  	_ =	shalt  }
0x47: {  	_ =	shalt  }
0x48: {  	_ =	shalt  }
0x49: {  	_ =	shalt  }
0x4a: {  	_ =	shalt  }
0x4b: {  	_ =	shalt  }
0x4c: {  	_ =	shalt  }
0x4d: {  	_ =	shalt  }
0x4e: {  	_ =	shalt  }
0x4f: {  	_ =	shalt  }
0x50: {  	_ =	shalt  }
0x51: {  	_ =	shalt  }
0x52: {  	_ =	shalt  }
0x53: {  	_ =	shalt  }
0x54: {  	_ =	shalt  }
0x55: {  	_ =	shalt  }
0x56: {  	_ =	shalt  }
0x57: {  	_ =	shalt  }
0x58: {  	_ =	shalt  }
0x59: {  	_ =	shalt  }
0x5a: {  	_ =	shalt  }
0x5b: {  	_ =	shalt  }
0x5c: {  	_ =	shalt  }
0x5d: {  	_ =	shalt  }
0x5e: {  	_ =	shalt  }
0x5f: {  	_ =	shalt  }
0x60: {  	_ =	shalt  }
0x61: {  	_ =	shalt  }
0x62: {  	_ =	shalt  }
0x63: {  	_ =	shalt  }
0x64: {  	_ =	shalt  }
0x65: {  	_ =	shalt  }
0x66: {  	_ =	shalt  }
0x67: {  	_ =	shalt  }
0x68: {  	_ =	shalt  }
0x69: {  	_ =	shalt  }
0x6a: {  	_ =	shalt  }
0x6b: {  	_ =	shalt  }
0x6c: {  	_ =	shalt  }
0x6d: {  	_ =	shalt  }
0x6e: {  	_ =	shalt  }
0x6f: {  	_ =	shalt  }
0x70: {  	_ =	shalt  }
0x71: {  	_ =	shalt  }
0x72: {  	_ =	shalt  }
0x73: {  	_ =	shalt  }
0x74: {  	_ =	shalt  }
0x75: {  	_ =	shalt  }
0x76: {  	_ =	shalt  }
0x77: {  	_ =	shalt  }
0x78: {  	_ =	shalt  }
0x79: {  	_ =	shalt  }
0x7a: {  	_ =	shalt  }
0x7b: {  	_ =	shalt  }
0x7c: {  	_ =	shalt  }
0x7d: {  	_ =	shalt  }
0x7e: {  	_ =	shalt  }
0x7f: {  	_ =	shalt  }
0x80: {  	_ =	shalt  }
0x81: {  	_ =	shalt  }
0x82: {  	_ =	shalt  }
0x83: {  	_ =	shalt  }
0x84: {  	_ =	shalt  }
0x85: {  	_ =	shalt  }
0x86: {  	_ =	shalt  }
0x87: {  	_ =	shalt  }
.Lfunc_end0:
.L_simem_size_0:
called_computation.7_lowered:
.L_overlay_start_0:
0x88: {  	s2 =	sld [smem:$0x3FD9]  }
0x89: {  	s3 =	sld [smem:$0x3FFE];
	_ =	sdelay $0x1  }
0x8a: {  	s1 =	srdreg.scid  }
0x8b: {  	s0 =	sand.u32 $0x1, s1  }
0x8c: {  	s17 =	sshll.u32 s0, $0xA;
	s2 =	sadd.s32 s3, s2  }
0x8d: {  	s2 =	sadd.s32 s2, s17  }
0x8e: {  	[smem:$0x3FB9] =	sst s2  }
0x8f: {  	_ = 	snop  }
0x90: {  	(tm) =	ssettm $0x1  }
0x91: {  	s18 =	sld [smem:$0x3FFB];
	_ =	sdelay $0x3  }
0x92: {  	_ =	strace s18  }
0x93: {  	s2 =	sld [smem:$0x3FFC];
	_ =	sdelay $0x3  }
0x94: {  	_ =	strace s2  }
0x95: {  	s2 =	sld [smem:$0x3FFD];
	_ =	sdelay $0x3  }
0x96: {  	_ =	strace s2  }
0x97: {  	_ =	strace $0x8FFFFFFF  }
0x98: {  	s19 =	sld [smem:$0x3FDB];
	_ =	sdelay $0x1  }
0x99: {  	s20 =	simm.s32 $_scs_section_size  }
0x9a: {  	s4 =	simm.s32 $_size__tile_overlayer_lowered;
	s5 =	simm.s32 $_tile_overlayer_lowered  }
0x9b: {  	s6 =	simm.s32 $0x1BFF;
	s21 =	sshll.u32 s5, $0x1;
	s3 =	sadd.s32 s20, s19  }
0x9c: {  	s22 =	simm.s32 $0x0;
	s4 =	sshll.u32 s4, $0x1;
	s5 =	sadd.s32 s21, s3  }
0x9d: {  	[timem:s22], [sflag:s6] =	dma.local [hbm:s5], s4  }
0x9e: {  	_ =	swait.ge [sflag:s6], s4  }
0x9f: {  	s4 =	ssub.s32 $0x0, s4;
	[sflag:s6] =	ssyncset.done $0x0  }
0xa0: {  	[sflag:s6] =	ssyncadd.s32 s4;
	_ =	sdelay $0x1  }
0xa1: {  	s23 =	simm.s32 $0x1B8B  }
0xa2: {  	_ =	swait.ge [sflag:s23], $0x1  }
0xa3: {  	[sflag:s23] =	ssyncset.done $0x0  }
0xa4: {  	[sflag:s23] =	ssyncadd.s32 $0xFFFFFFFF  }
0xa5: {  	s4 =	sld [smem:$0x0]  }
0xa6: {  	s5 =	sand.u32 $0xFFFFFFFE, s1  }
0xa7: {  	p0 =	sne.s32 s1, s5  }
0xa8: {  	s5 =	sshll.u32 @p0 s5, $0xE  }
0xa9: {  	s5 =	sadd.s32 @p0 $0x11B8D, s5;
	s6 =	sshll.u32 @p0 s4, $0x11  }
0xaa: {  	s5 =	sor.u32 @p0 s6, s5  }
0xab: {  	[sflag:s5] =	ssyncadd.remote.s32 @p0 $0x1;
	_ =	sdelay $0x1  }
0xac: {  	s5 =	simm.s32 @p0 $0x1B8D  }
0xad: {  	_ =	swait.eq @p0 [sflag:s5], $0x1  }
0xae: {  	[sflag:s5] =	ssyncadd.s32 @p0 $0xFFFFFFFF  }
0xaf: {  	s6 =	sshll.u32 @!p0 s1, $0xE  }
0xb0: {  	s6 =	sor.u32 @!p0 $0x4000, s6;
	s5 =	simm.s32 @!p0 $0x1B8D  }
0xb1: {  	s4 =	sshll.u32 @!p0 s4, $0x11;
	s6 =	sadd.s32 @!p0 $0x11B8D, s6;
	_ =	swait.eq @!p0 [sflag:s5], $0x1  }
0xb2: {  	s4 =	sor.u32 @!p0 s4, s6;
	[sflag:s5] =	ssyncadd.s32 @!p0 $0xFFFFFFFF  }
0xb3: {  	s25 =	simm.s32 $0x1B8E;
	s24 =	sld [smem:$0x3FFE];
	[sflag:s4] =	ssyncadd.remote.s32 @!p0 $0x1  }
0xb4: {  	s26 =	simm.s32 $execute0_lowered;
	[smem:$0x3FD2] =	sst s25  }
0xb5: {  	s5 =	sshll.u32 s26, $0x1;
	_ =	strace $0x80000058;
	[dreg:$0x1] =	wrdreg $0xFFFFFFFF  }
0xb6: {  	s28 =	simm.s32 $_size_execute0_lowered;
	s3 =	sadd.s32 s3, s5;
	[dreg:$0x0] =	wrdreg $0x0  }
0xb7: {  	s5 =	sshll.u32 s28, $0x1;
	[dreg:$0x2] =	wrdreg s3  }
0xb8: {  	[dreg:$0x3] =	wrdreg s5  }
0xb9: {  	[dreg:$0x4] =	wrdreg $0xC0  }
0xba: {  	_ =	task [dreg:s22], $0x5FFFF  }
0xbb: {  	[dreg:$0x1] =	wrdreg $0xFFFFFFFF  }
0xbc: {  	[dreg:$0x0] =	wrdreg $0x60  }
0xbd: {  	[dreg:$0x2] =	wrdreg s24  }
0xbe: {  	[dreg:$0x3] =	wrdreg $0x40800  }
0xbf: {  	[dreg:$0x4] =	wrdreg $0xB  }
0xc0: {  	_ =	task.clear_ibuf [dreg:s22], $0x5FFFF;
	_ =	strace $0x90000058  }
0xc1: {  	s29 =	simm.s32 $0xB;
	_ =	strace $0x8000005A  }
0xc2: {  	_ =	swait.ge [sflag:s29], $0x1  }
0xc3: {  	[sflag:s29] =	ssyncadd.s32 $0xFFFFFFFF  }
0xc4: {  	_ =	strace $0x9000005A  }
0xc5: {  	_ =	sfence  }
0xc6: {  	s30 =	sld [smem:$0x0];
	_ =	sdelay $0x2  }
0xc7: {  	s31 =	sshll.u32 s1, $0xD;
	s1 =	sshrl.u32 s1, $0x2  }
0xc8: {  	s4 =	sand.u32 $0x4000, s31;
	s1 =	sadd.s32 s1, s30  }
0xc9: {  	s0 =	sor.u32 s4, s0;
	s1 =	sshll.u32 s1, $0x11  }
0xca: {  	s0 =	sor.u32 s1, s0  }
0xcb: {  	s0 =	sadd.s32 $0x8F2B, s0  }
0xcc: {  	[sflag:s0] =	ssyncadd.remote.s32 $0x1  }
0xcd: {  	_ =	sfence.sel $0xFFFF  }
0xce: {  	[dreg:$0x0] =	wrdreg $0xFFFFFFFF;
	(pc) =	sbr.abs _section_cstart, $3  }
0xcf: {  	[dreg:$0x1] =	wrdreg $0xFFFFFFFF  }
0xd0: {  	_ =	task.clear_ibuf [dreg:s22], $0x2FFFF;
	_ =	strace $0x9FFFFFFF  }
0xd1: {  	(tm) =	ssettm $0x7FFFFFFF  }
tec
execute0_lowered:
.L_overlay_start_1:
0x0: {  	(tag) =	ssettag $0x1  }
0x1: {  	s4 =	rddreg [dreg:$0x0]  }
0x2: {  	s1 =	rddreg [dreg:$0x1]  }
0x3: {  	s3 =	srdreg.scid;
	s0 =	rddreg [dreg:$0x2];
	s2 =	simm.s32 $0x0  }
0x4: {  	s5 =	sand.u32 $0x1, s3;
	[smem:$0x7FF] =	sst s2  }
0x5: {  	s11 =	sadd.s32 $0x56000, s4;
	s14 =	sadd.s32 $0x3C8000, s4;
	s3 =	sshll.u32 s5, $0xF  }
0x6: {  	_ =	strace $0x80000059;
	s6 =	sshll.u32 s5, $0x8;
	s7 =	smul.u32 $0x138800, s5  }
0x7: {  	s23 =	ssub.s32 $0x2, s5;
	s10 =	sadd.s32 s3, s4;
	s3 =	stileid.u32  }
0x8: {  	s15 =	sshll.u32 s5, $0x4;
	s12 =	sshrl.u32 s23, $0x1;
	s8 =	smul.u32 $0x14000, s3  }
0x9: {  	s9 =	sadd.s32 s6, s4;
	s13 =	smul.u32 $0x50000, s3;
	s12 =	ssub.s32 s23, s12  }
0xa: {  	s26 =	sshrl.u32 s7, $0x3;
	s30 =	sshll.u32 s3, $0x4;
	s31 =	sshll.u32 s3, $0xB  }
0xb: {  	p0 =	seq.s32 s3, $0xF;
	s29 =	sadd.s32 $0x25800, s26;
	s9 =	sadd.s32 s30, s9  }
0xc: {  	s10 =	sadd.s32 s31, s10;
	s24 =	sadd.s32 s8, s7;
	s25 =	sshrl.u32 s13, $0x2  }
0xd: {  	s13 =	sadd.s32 $0x12C000, s1;
	s5 =	sadd.s32 s11, s29;
	s7 =	sadd.s32 s14, s29  }
0xe: {  	s8 =	smax.u32 s12, $0x1;
	s9 =	sadd.s32 $0xD6000, s9;
	s10 =	sadd.s32 $0x416200, s10  }
0xf: {  	s16 =	sadd.s32 s25, s1;
	s28 =	sshrl.u32 s24, $0x3;
	s12 =	sshrl.u32 @p0 s13, $0x3  }
0x10: {  	s4 =	sadd.s32 s11, s28;
	s6 =	sadd.s32 s14, s28;
	s14 =	sshll.u32 @!p0 s3, $0x6  }
0x11: {  	s11 =	sor.u32 s15, s3;
	s13 =	sor.u32 @!p0 $0x1C01, s14;
	s14 =	sshrl.u32 @!p0 s16, $0x3  }
.LBB2_1:
0x12: {  	s15 =	simm.s32 @p0 $0x1FC1  }
0x13: {  	[spmem:s12], [sflag:s15] =	dma.local @p0 [hbm:s5], $0x1900  }
0x14: {  	s15 =	simm.s32 @p0 $0x1  }
0x15: {  	_ =	swait.ge @p0 [sflag:s15], $0x1900  }
0x16: {  	[sflag:s15] =	ssyncset.done @p0 $0x0  }
0x17: {  	[sflag:s15] =	ssyncadd.s32 @p0 $0xFFFFE700;
	s15 =	simm.s32 @!p0 $0x1  }
0x18: {  	[spmem:s14], [sflag:s13] =	dma.local @!p0 [hbm:s4], $0x2800  }
0x19: {  	_ =	swait.ge @!p0 [sflag:s15], $0x2800  }
0x1a: {  	s16 =	sadd.s32 $0x0, s11;
	[sflag:s15] =	ssyncset.done @!p0 $0x0  }
0x1b: {  	p1 =	sgt.u32 s16, $0xF9;
	[sflag:s15] =	ssyncadd.s32 @!p0 $0xFFFFD800  }
0x1c: {  	s17 =	simm.s32 @!p1 $0x2;
	s15 =	simm.s32 @!p1 $0x0;
	[bflag:$0x0] =	sbarrier.arrive $0xFFFF  }
0x1d: {  	[tilespmem:s15], [sflag:$0x2] =	stream.linear.gather @!p1 [hbm4b:s9+s15], $0x80, $0x38;
	[tilespmem:$0x17900] =	vst v63  }
0x1e: {  	_ =	swait.ge @!p1 [sflag:s17], $0x80  }
0x1f: {  	[sflag:s17] =	ssyncset.done @!p1 $0x0;
	p1 =	por p1, p1  }
0x20: {  	[sflag:s17] =	ssyncadd.s32 @!p1 $0xFFFFFF80;
	s19 =	simm.s32 @!p1 $0x80  }
0x21: {  	[tilespmem:s19], [sflag:$0x2] =	stream.linear.gather @!p1 [hbm4b:s10+s15], $0x4000, $0x38;
	[tilespmem:$0x17900] =	vst v63  }
0x22: {  	_ =	swait.ge @!p1 [sflag:s17], $0x4000  }
0x23: {  	[sflag:s17] =	ssyncset.done @!p1 $0x0  }
0x24: {  	s31 =	sadd.s32 $0x20, s11;
	s18 =	simm.s32 @!p1 $0x1;
	[sflag:s17] =	ssyncadd.s32 @!p1 $0xFFFFC000  }
0x25: {  	[spmem:s1] =	stream.indirect.scatter.add.f32 @!p1 [tilespmem:s19], [sflag:$0x1], $0x80, s15, s19, $0xb8;
	[tilespmem:$0x17900] =	vst v63  }
0x26: {  	s16 =	simm.s32 $0x40;
	p2 =	sgt.u32 s31, $0xF9;
	_ =	swait.ge @!p1 [sflag:s18], $0x4000  }
0x27: {  	s17 =	sadd.s32 $0x200, s9;
	s15 =	sadd.s32 $0x10000, s10;
	[sflag:s18] =	ssyncset.done @!p1 $0x0  }
.LBB2_2:
0x28: {  	s19 =	simm.s32 @!p2 $0x0;
	s20 =	simm.s32 @!p2 $0x2;
	[sflag:s18] =	ssyncadd.s32 @!p1 $0xFFFFC000  }
0x29: {  	[tilespmem:s19], [sflag:$0x2] =	stream.linear.gather @!p2 [hbm4b:s17+s19], $0x80, $0x38;
	[tilespmem:$0x17900] =	vst v63  }
0x2a: {  	s21 =	smov.u32 s16;
	s16 =	sadd.s32 $0x20, s16;
	_ =	swait.ge @!p2 [sflag:s20], $0x80  }
0x2b: {  	p1 =	por p2, p2;
	p3 =	sne.s32 s16, $0x100;
	[sflag:s20] =	ssyncset.done @!p2 $0x0  }
0x2c: {  	s22 =	simm.s32 @!p1 $0x80;
	[sflag:s20] =	ssyncadd.s32 @!p1 $0xFFFFFF80  }
0x2d: {  	[tilespmem:s22], [sflag:$0x2] =	stream.linear.gather @!p1 [hbm4b:s15+s19], $0x4000, $0x38;
	[tilespmem:$0x17900] =	vst v63  }
0x2e: {  	_ =	swait.ge @!p1 [sflag:s20], $0x4000  }
.Ltmp0:
0x2f: {  	[sflag:s20] =	ssyncset.done @!p1 $0x0;
	(pc) =	sbr.rel @p3 .LBB2_2-.Ltmp0, $4  }
0x30: {  	s18 =	simm.s32 @!p1 $0x1;
	[sflag:s20] =	ssyncadd.s32 @!p1 $0xFFFFC000  }
0x31: {  	[spmem:s1] =	stream.indirect.scatter.add.f32 @!p1 [tilespmem:s22], [sflag:$0x1], $0x80, s19, s22, $0xb8;
	[tilespmem:$0x17900] =	vst v63  }
0x32: {  	s15 =	sadd.s32 $0x10000, s15;
	s19 =	sadd.s32 s21, s11;
	_ =	swait.ge @!p1 [sflag:s18], $0x4000  }
0x33: {  	s17 =	sadd.s32 $0x200, s17;
	p2 =	sgt.u32 s19, $0xF9;
	[sflag:s18] =	ssyncset.done @!p1 $0x0  }
0x34: {  	s16 =	simm.s32 @!p2 $0x0;
	s19 =	simm.s32 @!p2 $0x2;
	[sflag:s18] =	ssyncadd.s32 @!p1 $0xFFFFC000  }
0x35: {  	[tilespmem:s16], [sflag:$0x2] =	stream.linear.gather @!p2 [hbm4b:s17+s16], $0x80, $0x38;
	[tilespmem:$0x17900] =	vst v63  }
0x36: {  	_ =	swait.ge @!p2 [sflag:s19], $0x80  }
0x37: {  	p1 =	por p2, p2;
	[sflag:s19] =	ssyncset.done @!p2 $0x0  }
0x38: {  	s17 =	simm.s32 @!p1 $0x80;
	[sflag:s19] =	ssyncadd.s32 @!p1 $0xFFFFFF80  }
0x39: {  	[tilespmem:s17], [sflag:$0x2] =	stream.linear.gather @!p1 [hbm4b:s15+s16], $0x4000, $0x38;
	[tilespmem:$0x17900] =	vst v63  }
0x3a: {  	_ =	swait.ge @!p1 [sflag:s19], $0x4000  }
0x3b: {  	[sflag:s19] =	ssyncset.done @!p1 $0x0  }
0x3c: {  	s15 =	simm.s32 @!p1 $0x1;
	[sflag:s19] =	ssyncadd.s32 @!p1 $0xFFFFC000  }
0x3d: {  	[spmem:s1] =	stream.indirect.scatter.add.f32 @!p1 [tilespmem:s17], [sflag:$0x1], $0x80, s16, s17, $0xb8;
	[tilespmem:$0x17900] =	vst v63  }
0x3e: {  	_ =	swait.ge @!p1 [sflag:s15], $0x4000  }
0x3f: {  	[sflag:s15] =	ssyncset.done @!p1 $0x0  }
0x40: {  	[sflag:s15] =	ssyncadd.s32 @!p1 $0xFFFFC000  }
0x41: {  	s15 =	simm.s32 @p0 $0x1FC1;
	[bflag:$0x0] =	sbarrier.arrive $0xFFFF  }
0x42: {  	[hbm:s7], [sflag:s15] =	dma.local @p0 [spmem:s12], $0x1900  }
0x43: {  	s15 =	simm.s32 @p0 $0x1  }
0x44: {  	s2 =	sadd.s32 $0x1, s2;
	_ =	swait.ge @p0 [sflag:s15], $0x1900  }
0x45: {  	p1 =	sne.s32 s2, s8;
	[sflag:s15] =	ssyncset.done @p0 $0x0  }
.Ltmp1:
0x46: {  	[sflag:s15] =	ssyncadd.s32 @p0 $0xFFFFE700;
	s15 =	simm.s32 @!p0 $0x1;
	(pc) =	sbr.rel @p1 .LBB2_1-.Ltmp1, $4  }
0x47: {  	[hbm:s6], [sflag:s13] =	dma.local @!p0 [spmem:s14], $0x2800  }
0x48: {  	_ =	swait.ge @!p0 [sflag:s15], $0x2800  }
0x49: {  	[sflag:s15] =	ssyncset.done @!p0 $0x0  }
0x4a: {  	[sflag:s15] =	ssyncadd.s32 @!p0 $0xFFFFD800  }
0x4b: {  	_ =	sfence.sel $0x180000  }
0x4c: {  	[bflag:$0x0] =	sbarrier.arrive $0xFFFF  }
0x4d: {  	p0 =	sne.s32 s3, $0x0;
	_ =	strace $0x90000059  }
0x4e: {  	s0 =	sadd.s32 @!p0 $0x100000, s0;
	[bflag:$0x2] =	sbarrier.arrive $0xFFFF  }
0x4f: {  	[sflag:s0] =	ssyncadd.tile.s32 @!p0 $0x1;
	_ =	shalt  }
.Lfunc_end2:
_tile_overlayer_lowered:
.L_overlay_start_2:
0x50: {  	(tag) =	ssettag $0x2  }
0x51: {  	s0 =	rddreg [dreg:$0x0];
	s2 =	stileid.u32  }
0x52: {  	s1 =	rddreg [dreg:$0x1];
	p0 =	sne.s32 s2, $0x0  }
0x53: {  	s3 =	rddreg [dreg:$0x2];
	[bflag:$0x3] =	sbarrier.arrive $0xFFFF;
	s2 =	simm.s32 @!p0 $0x1C01  }
0x54: {  	[timem:s3], [sflag:s2] =	dma.local @!p0 [hbm:s0], s1  }
0x55: {  	s0 =	simm.s32 @!p0 $0x1  }
0x56: {  	_ =	swait.ge @!p0 [sflag:s0], s1  }
0x57: {  	s1 =	ssub.s32 @!p0 $0x0, s1;
	[sflag:s0] =	ssyncset.done @!p0 $0x0  }
0x58: {  	[sflag:s0] =	ssyncadd.s32 @!p0 s1  }
0x59: {  	[bflag:$0x3] =	sbarrier.arrive $0xFFFF  }
0x5a: {  	_ =	shalt  }

// kernel: kernel.42.cloned.1.call-start
scs
__scs_entry_jumppad:
0x0: {  	(pc) =	sbr.rel $0x88, $3  }
0x1: {  	(tag) =	ssettag $0x0;
	lr =	simm.s32 $0x1  }
0x2: {  	[smem:$0x3F92] =	sst lr;
	_ =	strace $0xD0000000  }
0x3: {  	_ = 	snop  }
0x4: {  	_ = 	snop  }
0x5: {  	_ = 	snop  }
0x6: {  	_ = 	snop  }
0x7: {  	_ = 	snop  }
__scs_overlays_trampoline_lowered:
0x8: {  	[smem:$0x3FA1] =	sst s0  }
0x9: {  	[smem:$0x3FA2] =	sst s1  }
0xa: {  	[smem:$0x3FA3] =	sst s2  }
0xb: {  	[smem:$0x3FA4] =	sst s3  }
0xc: {  	[smem:$0x3FA5] =	sst s4  }
0xd: {  	[smem:$0x3FA6] =	sst s5  }
0xe: {  	[smem:$0x3FA7] =	sst s6  }
0xf: {  	[smem:$0x3FA8] =	sst s7  }
0x10: {  	[smem:$0x3FA9] =	sst s8  }
0x11: {  	[smem:$0x3FAA] =	sst s9;
	s0 =	simm.s32 @!p0 $0x0  }
0x12: {  	s1 =	sld [smem:$0x3F90];
	s0 =	simm.s32 @p0 $0x1  }
0x13: {  	[smem:$0x3FAB] =	sst s0;
	s0 =	simm.s32 @!p1 $0x0  }
0x14: {  	s2 =	sld [smem:$0x3F8F];
	s0 =	simm.s32 @p1 $0x1  }
0x15: {  	[smem:$0x3FAC] =	sst s0;
	s0 =	simm.s32 @!p2 $0x0  }
0x16: {  	s3 =	sld [smem:$0x3FDB];
	s0 =	simm.s32 @p2 $0x1  }
0x17: {  	s4 =	simm.s32 $0x1BF5;
	[smem:$0x3FAE] =	sst s0  }
0x18: {  	s0 =	sld [smem:$0x3F91];
	_ =	swait.ge [sflag:s4], $0x0  }
0x19: {  	s7 =	sld [smem:$0x3F92]  }
0x1a: {  	s8 =	sadd.s32 $0xFFFFE003, lr  }
0x1b: {  	s9 =	sadd.s32 $0xFFFFFEF7, lr;
	s5 =	simm.s32 $0xFFFFFFFF;
	p2 =	slt.u32 s8, $0xFFFFF086  }
0x1c: {  	p1 =	slt.u32 s9, $0xF7A;
	s5 =	simm.s32 @!p2 $0x0  }
0x1d: {  	s5 =	simm.s32 @p1 $0x1;
	p0 =	seq.s32 s7, s2  }
0x1e: {  	s7 =	smul.u32 @!p0 $0xF7A, s2;
	p2 =	seq.s32 @!p0 s5, $0x0  }
0x1f: {  	s9 =	smul.u32 $0xF7A, s1;
	s8 =	simm.s32 @!p0 $0x1BF5;
	p2 =	por !p2, p0  }
0x20: {  	[sflag:s8] =	ssyncset.s32 @!p0 $0xFFFFF086;
	s6 =	sadd.s32 @!p0 s3, s7;
	s7 =	simm.s32 @!p0 $0x108  }
0x21: {  	s3 =	sadd.s32 s3, s9;
	s6 =	sadd.s32 @!p0 $0x88, s6;
	s7 =	simm.s32 @p2 $0x1082  }
0x22: {  	[simem:s7], [sflag:s8] =	dma.local @!p0 [hbm:s6], $0xF7A  }
0x23: {  	s9 =	sor.u32 $0xD0000000, s2;
	s6 =	simm.s32 $0x108;
	_ =	swait.ge @!p0 [sflag:s8], $0x0  }
0x24: {  	s3 =	sadd.s32 $0x88, s3;
	s6 =	simm.s32 @!p1 $0x1082;
	[sflag:s4] =	ssyncset.s32 $0xFFFFF086  }
0x25: {  	[simem:s6], [sflag:s4] =	dma.local [hbm:s3], $0xF7A  }
0x26: {  	[smem:$0x3F92] =	sst s1;
	(tag) =	ssettag s2;
	_ =	strace s9  }
0x27: {  	s1 =	sld [smem:$0x3FA2]  }
0x28: {  	s2 =	sld [smem:$0x3FA3]  }
0x29: {  	s4 =	sld [smem:$0x3FA5]  }
0x2a: {  	p0 =	seq.s32 s5, $0x0;
	s5 =	sld [smem:$0x3FA6]  }
0x2b: {  	s6 =	sld [smem:$0x3FA7]  }
0x2c: {  	s7 =	sld [smem:$0x3FA8]  }
0x2d: {  	s3 =	simm.s32 $0x108;
	s8 =	sld [smem:$0x3FA9]  }
0x2e: {  	s3 =	simm.s32 @!p0 $0x1082;
	s9 =	sld [smem:$0x3FAA]  }
0x2f: {  	lr =	sadd.s32 s0, s3;
	s0 =	sld [smem:$0x3FA1]  }
0x30: {  	s3 =	sld [smem:$0x3FA4]  }
0x31: {  	[smem:$0x3FAD] =	sst s10  }
0x32: {  	s10 =	sld [smem:$0x3FAB];
	_ =	sdelay $0x3  }
0x33: {  	p0 =	seq.s32 s10, $0x1;
	s10 =	sld [smem:$0x3FAD];
	_ =	sdelay $0x3  }
0x34: {  	[smem:$0x3FAD] =	sst s10  }
0x35: {  	s10 =	sld [smem:$0x3FAC];
	_ =	sdelay $0x3  }
0x36: {  	p1 =	seq.s32 s10, $0x1;
	s10 =	sld [smem:$0x3FAD];
	_ =	sdelay $0x3  }
0x37: {  	[smem:$0x3FAD] =	sst s10  }
0x38: {  	s10 =	sld [smem:$0x3FAE]  }
0x39: {  	_ = 	snop;
	(pc) =	sbr.ind lr, $3  }
0x3a: {  	_ = 	snop  }
0x3b: {  	_ = 	snop  }
0x3c: {  	p2 =	seq.s32 s10, $0x1;
	s10 =	sld [smem:$0x3FAD]  }
0x3d: {  	_ =	shalt  }
0x3e: {  	_ =	shalt  }
0x3f: {  	_ =	shalt  }
0x40: {  	_ =	shalt  }
0x41: {  	_ =	shalt  }
0x42: {  	_ =	shalt  }
0x43: {  	_ =	shalt  }
0x44: {  	_ =	shalt  }
0x45: {  	_ =	shalt  }
0x46: {  	_ =	shalt  }
0x47: {  	_ =	shalt  }
0x48: {  	_ =	shalt  }
0x49: {  	_ =	shalt  }
0x4a: {  	_ =	shalt  }
0x4b: {  	_ =	shalt  }
0x4c: {  	_ =	shalt  }
0x4d: {  	_ =	shalt  }
0x4e: {  	_ =	shalt  }
0x4f: {  	_ =	shalt  }
0x50: {  	_ =	shalt  }
0x51: {  	_ =	shalt  }
0x52: {  	_ =	shalt  }
0x53: {  	_ =	shalt  }
0x54: {  	_ =	shalt  }
0x55: {  	_ =	shalt  }
0x56: {  	_ =	shalt  }
0x57: {  	_ =	shalt  }
0x58: {  	_ =	shalt  }
0x59: {  	_ =	shalt  }
0x5a: {  	_ =	shalt  }
0x5b: {  	_ =	shalt  }
0x5c: {  	_ =	shalt  }
0x5d: {  	_ =	shalt  }
0x5e: {  	_ =	shalt  }
0x5f: {  	_ =	shalt  }
0x60: {  	_ =	shalt  }
0x61: {  	_ =	shalt  }
0x62: {  	_ =	shalt  }
0x63: {  	_ =	shalt  }
0x64: {  	_ =	shalt  }
0x65: {  	_ =	shalt  }
0x66: {  	_ =	shalt  }
0x67: {  	_ =	shalt  }
0x68: {  	_ =	shalt  }
0x69: {  	_ =	shalt  }
0x6a: {  	_ =	shalt  }
0x6b: {  	_ =	shalt  }
0x6c: {  	_ =	shalt  }
0x6d: {  	_ =	shalt  }
0x6e: {  	_ =	shalt  }
0x6f: {  	_ =	shalt  }
0x70: {  	_ =	shalt  }
0x71: {  	_ =	shalt  }
0x72: {  	_ =	shalt  }
0x73: {  	_ =	shalt  }
0x74: {  	_ =	shalt  }
0x75: {  	_ =	shalt  }
0x76: {  	_ =	shalt  }
0x77: {  	_ =	shalt  }
0x78: {  	_ =	shalt  }
0x79: {  	_ =	shalt  }
0x7a: {  	_ =	shalt  }
0x7b: {  	_ =	shalt  }
0x7c: {  	_ =	shalt  }
0x7d: {  	_ =	shalt  }
0x7e: {  	_ =	shalt  }
0x7f: {  	_ =	shalt  }
0x80: {  	_ =	shalt  }
0x81: {  	_ =	shalt  }
0x82: {  	_ =	shalt  }
0x83: {  	_ =	shalt  }
0x84: {  	_ =	shalt  }
0x85: {  	_ =	shalt  }
0x86: {  	_ =	shalt  }
0x87: {  	_ =	shalt  }
.Lfunc_end0:
.L_simem_size_0:
called_computation.8_lowered:
.L_overlay_start_0:
0x88: {  	s2 =	sld [smem:$0x3FD9]  }
0x89: {  	s3 =	sld [smem:$0x3FFE];
	_ =	sdelay $0x1  }
0x8a: {  	s1 =	srdreg.scid  }
0x8b: {  	s0 =	sand.u32 $0x1, s1  }
0x8c: {  	s17 =	sshll.u32 s0, $0xA;
	s2 =	sadd.s32 s3, s2  }
0x8d: {  	s2 =	sadd.s32 s2, s17  }
0x8e: {  	[smem:$0x3FB9] =	sst s2  }
0x8f: {  	_ = 	snop  }
0x90: {  	(tm) =	ssettm $0x1  }
0x91: {  	s18 =	sld [smem:$0x3FFB];
	_ =	sdelay $0x3  }
0x92: {  	_ =	strace s18  }
0x93: {  	s2 =	sld [smem:$0x3FFC];
	_ =	sdelay $0x3  }
0x94: {  	_ =	strace s2  }
0x95: {  	s2 =	sld [smem:$0x3FFD];
	_ =	sdelay $0x3  }
0x96: {  	_ =	strace s2  }
0x97: {  	_ =	strace $0x8FFFFFFF  }
0x98: {  	s19 =	sld [smem:$0x3FDB];
	_ =	sdelay $0x1  }
0x99: {  	s20 =	simm.s32 $_scs_section_size  }
0x9a: {  	s4 =	simm.s32 $_size__tile_overlayer_lowered;
	s5 =	simm.s32 $_tile_overlayer_lowered  }
0x9b: {  	s6 =	simm.s32 $0x1BFF;
	s21 =	sshll.u32 s5, $0x1;
	s3 =	sadd.s32 s20, s19  }
0x9c: {  	s22 =	simm.s32 $0x0;
	s4 =	sshll.u32 s4, $0x1;
	s5 =	sadd.s32 s21, s3  }
0x9d: {  	[timem:s22], [sflag:s6] =	dma.local [hbm:s5], s4  }
0x9e: {  	_ =	swait.ge [sflag:s6], s4  }
0x9f: {  	s4 =	ssub.s32 $0x0, s4;
	[sflag:s6] =	ssyncset.done $0x0  }
0xa0: {  	[sflag:s6] =	ssyncadd.s32 s4;
	_ =	sdelay $0x1  }
0xa1: {  	s23 =	simm.s32 $0x1B8B  }
0xa2: {  	_ =	swait.ge [sflag:s23], $0x1  }
0xa3: {  	[sflag:s23] =	ssyncset.done $0x0  }
0xa4: {  	[sflag:s23] =	ssyncadd.s32 $0xFFFFFFFF  }
0xa5: {  	s4 =	sld [smem:$0x0]  }
0xa6: {  	s5 =	sand.u32 $0xFFFFFFFE, s1  }
0xa7: {  	p0 =	sne.s32 s1, s5  }
0xa8: {  	s5 =	sshll.u32 @p0 s5, $0xE  }
0xa9: {  	s5 =	sadd.s32 @p0 $0x11B8D, s5;
	s6 =	sshll.u32 @p0 s4, $0x11  }
0xaa: {  	s5 =	sor.u32 @p0 s6, s5  }
0xab: {  	[sflag:s5] =	ssyncadd.remote.s32 @p0 $0x1;
	_ =	sdelay $0x1  }
0xac: {  	s5 =	simm.s32 @p0 $0x1B8D  }
0xad: {  	_ =	swait.eq @p0 [sflag:s5], $0x1  }
0xae: {  	[sflag:s5] =	ssyncadd.s32 @p0 $0xFFFFFFFF  }
0xaf: {  	s6 =	sshll.u32 @!p0 s1, $0xE  }
0xb0: {  	s6 =	sor.u32 @!p0 $0x4000, s6;
	s5 =	simm.s32 @!p0 $0x1B8D  }
0xb1: {  	s4 =	sshll.u32 @!p0 s4, $0x11;
	s6 =	sadd.s32 @!p0 $0x11B8D, s6;
	_ =	swait.eq @!p0 [sflag:s5], $0x1  }
0xb2: {  	s4 =	sor.u32 @!p0 s4, s6;
	[sflag:s5] =	ssyncadd.s32 @!p0 $0xFFFFFFFF  }
0xb3: {  	s25 =	simm.s32 $0x1B8E;
	s24 =	sld [smem:$0x3FFE];
	[sflag:s4] =	ssyncadd.remote.s32 @!p0 $0x1  }
0xb4: {  	s26 =	simm.s32 $execute0_lowered;
	[smem:$0x3FD2] =	sst s25  }
0xb5: {  	s5 =	sshll.u32 s26, $0x1;
	_ =	strace $0x8000005E;
	[dreg:$0x1] =	wrdreg $0xFFFFFFFF  }
0xb6: {  	s28 =	simm.s32 $_size_execute0_lowered;
	s3 =	sadd.s32 s3, s5;
	[dreg:$0x0] =	wrdreg $0x0  }
0xb7: {  	s5 =	sshll.u32 s28, $0x1;
	[dreg:$0x2] =	wrdreg s3  }
0xb8: {  	[dreg:$0x3] =	wrdreg s5  }
0xb9: {  	[dreg:$0x4] =	wrdreg $0xC0  }
0xba: {  	_ =	task [dreg:s22], $0x5FFFF  }
0xbb: {  	[dreg:$0x1] =	wrdreg $0xFFFFFFFF  }
0xbc: {  	[dreg:$0x0] =	wrdreg $0x60  }
0xbd: {  	[dreg:$0x2] =	wrdreg s24  }
0xbe: {  	[dreg:$0x3] =	wrdreg $0x40800  }
0xbf: {  	[dreg:$0x4] =	wrdreg $0xA  }
0xc0: {  	_ =	task.clear_ibuf [dreg:s22], $0x5FFFF;
	_ =	strace $0x9000005E  }
0xc1: {  	s29 =	simm.s32 $0xA;
	_ =	strace $0x80000060  }
0xc2: {  	_ =	swait.ge [sflag:s29], $0x1  }
0xc3: {  	[sflag:s29] =	ssyncadd.s32 $0xFFFFFFFF  }
0xc4: {  	_ =	strace $0x90000060  }
0xc5: {  	_ =	sfence  }
0xc6: {  	s30 =	sld [smem:$0x0];
	_ =	sdelay $0x2  }
0xc7: {  	s31 =	sshll.u32 s1, $0xD;
	s1 =	sshrl.u32 s1, $0x2  }
0xc8: {  	s4 =	sand.u32 $0x4000, s31;
	s1 =	sadd.s32 s1, s30  }
0xc9: {  	s0 =	sor.u32 s4, s0;
	s1 =	sshll.u32 s1, $0x11  }
0xca: {  	s0 =	sor.u32 s1, s0  }
0xcb: {  	s0 =	sadd.s32 $0x8F2B, s0  }
0xcc: {  	[sflag:s0] =	ssyncadd.remote.s32 $0x1  }
0xcd: {  	_ =	sfence.sel $0xFFFF  }
0xce: {  	[dreg:$0x0] =	wrdreg $0xFFFFFFFF;
	(pc) =	sbr.abs _section_cstart, $3  }
0xcf: {  	[dreg:$0x1] =	wrdreg $0xFFFFFFFF  }
0xd0: {  	_ =	task.clear_ibuf [dreg:s22], $0x2FFFF;
	_ =	strace $0x9FFFFFFF  }
0xd1: {  	(tm) =	ssettm $0x7FFFFFFF  }
tec
execute0_lowered:
.L_overlay_start_1:
0x0: {  	(tag) =	ssettag $0x1  }
0x1: {  	s4 =	rddreg [dreg:$0x0]  }
0x2: {  	s1 =	rddreg [dreg:$0x1]  }
0x3: {  	s3 =	srdreg.scid;
	s0 =	rddreg [dreg:$0x2];
	s2 =	simm.s32 $0x0  }
0x4: {  	s5 =	sand.u32 $0x1, s3;
	[smem:$0x7FF] =	sst s2  }
0x5: {  	s11 =	sadd.s32 $0x3C8000, s4;
	s14 =	sadd.s32 $0x416200, s4;
	s3 =	sshll.u32 s5, $0xF  }
0x6: {  	_ =	strace $0x8000005F;
	s6 =	sshll.u32 s5, $0x8;
	s7 =	smul.u32 $0x138800, s5  }
0x7: {  	s23 =	ssub.s32 $0x2, s5;
	s10 =	sadd.s32 s3, s4;
	s3 =	stileid.u32  }
0x8: {  	s15 =	sshll.u32 s5, $0x4;
	s12 =	sshrl.u32 s23, $0x1;
	s8 =	smul.u32 $0x14000, s3  }
0x9: {  	s9 =	sadd.s32 s6, s4;
	s13 =	smul.u32 $0x50000, s3;
	s12 =	ssub.s32 s23, s12  }
0xa: {  	s26 =	sshrl.u32 s7, $0x3;
	s30 =	sshll.u32 s3, $0x4;
	s31 =	sshll.u32 s3, $0xB  }
0xb: {  	p0 =	seq.s32 s3, $0xF;
	s29 =	sadd.s32 $0x25800, s26;
	s9 =	sadd.s32 s30, s9  }
0xc: {  	s10 =	sadd.s32 s31, s10;
	s24 =	sadd.s32 s8, s7;
	s25 =	sshrl.u32 s13, $0x2  }
0xd: {  	s13 =	sadd.s32 $0x12C000, s1;
	s5 =	sadd.s32 s11, s29;
	s7 =	sadd.s32 s14, s29  }
0xe: {  	s8 =	smax.u32 s12, $0x1;
	s9 =	sadd.s32 $0xD8000, s9;
	s10 =	sadd.s32 $0x493200, s10  }
0xf: {  	s16 =	sadd.s32 s25, s1;
	s28 =	sshrl.u32 s24, $0x3;
	s12 =	sshrl.u32 @p0 s13, $0x3  }
0x10: {  	s4 =	sadd.s32 s11, s28;
	s6 =	sadd.s32 s14, s28;
	s14 =	sshll.u32 @!p0 s3, $0x6  }
0x11: {  	s11 =	sor.u32 s15, s3;
	s13 =	sor.u32 @!p0 $0x1C01, s14;
	s14 =	sshrl.u32 @!p0 s16, $0x3  }
.LBB2_1:
0x12: {  	s15 =	simm.s32 @p0 $0x1FC1  }
0x13: {  	[spmem:s12], [sflag:s15] =	dma.local @p0 [hbm:s5], $0x1900  }
0x14: {  	s15 =	simm.s32 @p0 $0x1  }
0x15: {  	_ =	swait.ge @p0 [sflag:s15], $0x1900  }
0x16: {  	[sflag:s15] =	ssyncset.done @p0 $0x0  }
0x17: {  	[sflag:s15] =	ssyncadd.s32 @p0 $0xFFFFE700;
	s15 =	simm.s32 @!p0 $0x1  }
0x18: {  	[spmem:s14], [sflag:s13] =	dma.local @!p0 [hbm:s4], $0x2800  }
0x19: {  	_ =	swait.ge @!p0 [sflag:s15], $0x2800  }
0x1a: {  	s16 =	sadd.s32 $0x0, s11;
	[sflag:s15] =	ssyncset.done @!p0 $0x0  }
0x1b: {  	p1 =	sgt.u32 s16, $0xF9;
	[sflag:s15] =	ssyncadd.s32 @!p0 $0xFFFFD800  }
0x1c: {  	s17 =	simm.s32 @!p1 $0x2;
	s15 =	simm.s32 @!p1 $0x0;
	[bflag:$0x0] =	sbarrier.arrive $0xFFFF  }
0x1d: {  	[tilespmem:s15], [sflag:$0x2] =	stream.linear.gather @!p1 [hbm4b:s9+s15], $0x80, $0x38;
	[tilespmem:$0x17900] =	vst v63  }
0x1e: {  	_ =	swait.ge @!p1 [sflag:s17], $0x80  }
0x1f: {  	[sflag:s17] =	ssyncset.done @!p1 $0x0;
	p1 =	por p1, p1  }
0x20: {  	[sflag:s17] =	ssyncadd.s32 @!p1 $0xFFFFFF80;
	s19 =	simm.s32 @!p1 $0x80  }
0x21: {  	[tilespmem:s19], [sflag:$0x2] =	stream.linear.gather @!p1 [hbm4b:s10+s15], $0x4000, $0x38;
	[tilespmem:$0x17900] =	vst v63  }
0x22: {  	_ =	swait.ge @!p1 [sflag:s17], $0x4000  }
0x23: {  	[sflag:s17] =	ssyncset.done @!p1 $0x0  }
0x24: {  	s31 =	sadd.s32 $0x20, s11;
	s18 =	simm.s32 @!p1 $0x1;
	[sflag:s17] =	ssyncadd.s32 @!p1 $0xFFFFC000  }
0x25: {  	[spmem:s1] =	stream.indirect.scatter.add.f32 @!p1 [tilespmem:s19], [sflag:$0x1], $0x80, s15, s19, $0xb8;
	[tilespmem:$0x17900] =	vst v63  }
0x26: {  	s16 =	simm.s32 $0x40;
	p2 =	sgt.u32 s31, $0xF9;
	_ =	swait.ge @!p1 [sflag:s18], $0x4000  }
0x27: {  	s17 =	sadd.s32 $0x200, s9;
	s15 =	sadd.s32 $0x10000, s10;
	[sflag:s18] =	ssyncset.done @!p1 $0x0  }
.LBB2_2:
0x28: {  	s19 =	simm.s32 @!p2 $0x0;
	s20 =	simm.s32 @!p2 $0x2;
	[sflag:s18] =	ssyncadd.s32 @!p1 $0xFFFFC000  }
0x29: {  	[tilespmem:s19], [sflag:$0x2] =	stream.linear.gather @!p2 [hbm4b:s17+s19], $0x80, $0x38;
	[tilespmem:$0x17900] =	vst v63  }
0x2a: {  	s21 =	smov.u32 s16;
	s16 =	sadd.s32 $0x20, s16;
	_ =	swait.ge @!p2 [sflag:s20], $0x80  }
0x2b: {  	p1 =	por p2, p2;
	p3 =	sne.s32 s16, $0x100;
	[sflag:s20] =	ssyncset.done @!p2 $0x0  }
0x2c: {  	s22 =	simm.s32 @!p1 $0x80;
	[sflag:s20] =	ssyncadd.s32 @!p1 $0xFFFFFF80  }
0x2d: {  	[tilespmem:s22], [sflag:$0x2] =	stream.linear.gather @!p1 [hbm4b:s15+s19], $0x4000, $0x38;
	[tilespmem:$0x17900] =	vst v63  }
0x2e: {  	_ =	swait.ge @!p1 [sflag:s20], $0x4000  }
.Ltmp0:
0x2f: {  	[sflag:s20] =	ssyncset.done @!p1 $0x0;
	(pc) =	sbr.rel @p3 .LBB2_2-.Ltmp0, $4  }
0x30: {  	s18 =	simm.s32 @!p1 $0x1;
	[sflag:s20] =	ssyncadd.s32 @!p1 $0xFFFFC000  }
0x31: {  	[spmem:s1] =	stream.indirect.scatter.add.f32 @!p1 [tilespmem:s22], [sflag:$0x1], $0x80, s19, s22, $0xb8;
	[tilespmem:$0x17900] =	vst v63  }
0x32: {  	s15 =	sadd.s32 $0x10000, s15;
	s19 =	sadd.s32 s21, s11;
	_ =	swait.ge @!p1 [sflag:s18], $0x4000  }
0x33: {  	s17 =	sadd.s32 $0x200, s17;
	p2 =	sgt.u32 s19, $0xF9;
	[sflag:s18] =	ssyncset.done @!p1 $0x0  }
0x34: {  	s16 =	simm.s32 @!p2 $0x0;
	s19 =	simm.s32 @!p2 $0x2;
	[sflag:s18] =	ssyncadd.s32 @!p1 $0xFFFFC000  }
0x35: {  	[tilespmem:s16], [sflag:$0x2] =	stream.linear.gather @!p2 [hbm4b:s17+s16], $0x80, $0x38;
	[tilespmem:$0x17900] =	vst v63  }
0x36: {  	_ =	swait.ge @!p2 [sflag:s19], $0x80  }
0x37: {  	p1 =	por p2, p2;
	[sflag:s19] =	ssyncset.done @!p2 $0x0  }
0x38: {  	s17 =	simm.s32 @!p1 $0x80;
	[sflag:s19] =	ssyncadd.s32 @!p1 $0xFFFFFF80  }
0x39: {  	[tilespmem:s17], [sflag:$0x2] =	stream.linear.gather @!p1 [hbm4b:s15+s16], $0x4000, $0x38;
	[tilespmem:$0x17900] =	vst v63  }
0x3a: {  	_ =	swait.ge @!p1 [sflag:s19], $0x4000  }
0x3b: {  	[sflag:s19] =	ssyncset.done @!p1 $0x0  }
0x3c: {  	s15 =	simm.s32 @!p1 $0x1;
	[sflag:s19] =	ssyncadd.s32 @!p1 $0xFFFFC000  }
0x3d: {  	[spmem:s1] =	stream.indirect.scatter.add.f32 @!p1 [tilespmem:s17], [sflag:$0x1], $0x80, s16, s17, $0xb8;
	[tilespmem:$0x17900] =	vst v63  }
0x3e: {  	_ =	swait.ge @!p1 [sflag:s15], $0x4000  }
0x3f: {  	[sflag:s15] =	ssyncset.done @!p1 $0x0  }
0x40: {  	[sflag:s15] =	ssyncadd.s32 @!p1 $0xFFFFC000  }
0x41: {  	s15 =	simm.s32 @p0 $0x1FC1;
	[bflag:$0x0] =	sbarrier.arrive $0xFFFF  }
0x42: {  	[hbm:s7], [sflag:s15] =	dma.local @p0 [spmem:s12], $0x1900  }
0x43: {  	s15 =	simm.s32 @p0 $0x1  }
0x44: {  	s2 =	sadd.s32 $0x1, s2;
	_ =	swait.ge @p0 [sflag:s15], $0x1900  }
0x45: {  	p1 =	sne.s32 s2, s8;
	[sflag:s15] =	ssyncset.done @p0 $0x0  }
.Ltmp1:
0x46: {  	[sflag:s15] =	ssyncadd.s32 @p0 $0xFFFFE700;
	s15 =	simm.s32 @!p0 $0x1;
	(pc) =	sbr.rel @p1 .LBB2_1-.Ltmp1, $4  }
0x47: {  	[hbm:s6], [sflag:s13] =	dma.local @!p0 [spmem:s14], $0x2800  }
0x48: {  	_ =	swait.ge @!p0 [sflag:s15], $0x2800  }
0x49: {  	[sflag:s15] =	ssyncset.done @!p0 $0x0  }
0x4a: {  	[sflag:s15] =	ssyncadd.s32 @!p0 $0xFFFFD800  }
0x4b: {  	_ =	sfence.sel $0x180000  }
0x4c: {  	[bflag:$0x0] =	sbarrier.arrive $0xFFFF  }
0x4d: {  	p0 =	sne.s32 s3, $0x0;
	_ =	strace $0x9000005F  }
0x4e: {  	s0 =	sadd.s32 @!p0 $0x100000, s0;
	[bflag:$0x2] =	sbarrier.arrive $0xFFFF  }
0x4f: {  	[sflag:s0] =	ssyncadd.tile.s32 @!p0 $0x1;
	_ =	shalt  }
.Lfunc_end2:
_tile_overlayer_lowered:
.L_overlay_start_2:
0x50: {  	(tag) =	ssettag $0x2  }
0x51: {  	s0 =	rddreg [dreg:$0x0];
	s2 =	stileid.u32  }
0x52: {  	s1 =	rddreg [dreg:$0x1];
	p0 =	sne.s32 s2, $0x0  }
0x53: {  	s3 =	rddreg [dreg:$0x2];
	[bflag:$0x3] =	sbarrier.arrive $0xFFFF;
	s2 =	simm.s32 @!p0 $0x1C01  }
0x54: {  	[timem:s3], [sflag:s2] =	dma.local @!p0 [hbm:s0], s1  }
0x55: {  	s0 =	simm.s32 @!p0 $0x1  }
0x56: {  	_ =	swait.ge @!p0 [sflag:s0], s1  }
0x57: {  	s1 =	ssub.s32 @!p0 $0x0, s1;
	[sflag:s0] =	ssyncset.done @!p0 $0x0  }
0x58: {  	[sflag:s0] =	ssyncadd.s32 @!p0 s1  }
0x59: {  	[bflag:$0x3] =	sbarrier.arrive $0xFFFF  }
0x5a: {  	_ =	shalt  }

// kernel: kernel.45.cloned.1.call-start
scs
__scs_entry_jumppad:
0x0: {  	(pc) =	sbr.rel $0x88, $3  }
0x1: {  	(tag) =	ssettag $0x0;
	lr =	simm.s32 $0x1  }
0x2: {  	[smem:$0x3F92] =	sst lr;
	_ =	strace $0xD0000000  }
0x3: {  	_ = 	snop  }
0x4: {  	_ = 	snop  }
0x5: {  	_ = 	snop  }
0x6: {  	_ = 	snop  }
0x7: {  	_ = 	snop  }
__scs_overlays_trampoline_lowered:
0x8: {  	[smem:$0x3FA1] =	sst s0  }
0x9: {  	[smem:$0x3FA2] =	sst s1  }
0xa: {  	[smem:$0x3FA3] =	sst s2  }
0xb: {  	[smem:$0x3FA4] =	sst s3  }
0xc: {  	[smem:$0x3FA5] =	sst s4  }
0xd: {  	[smem:$0x3FA6] =	sst s5  }
0xe: {  	[smem:$0x3FA7] =	sst s6  }
0xf: {  	[smem:$0x3FA8] =	sst s7  }
0x10: {  	[smem:$0x3FA9] =	sst s8  }
0x11: {  	[smem:$0x3FAA] =	sst s9;
	s0 =	simm.s32 @!p0 $0x0  }
0x12: {  	s1 =	sld [smem:$0x3F90];
	s0 =	simm.s32 @p0 $0x1  }
0x13: {  	[smem:$0x3FAB] =	sst s0;
	s0 =	simm.s32 @!p1 $0x0  }
0x14: {  	s2 =	sld [smem:$0x3F8F];
	s0 =	simm.s32 @p1 $0x1  }
0x15: {  	[smem:$0x3FAC] =	sst s0;
	s0 =	simm.s32 @!p2 $0x0  }
0x16: {  	s3 =	sld [smem:$0x3FDB];
	s0 =	simm.s32 @p2 $0x1  }
0x17: {  	s4 =	simm.s32 $0x1BF5;
	[smem:$0x3FAE] =	sst s0  }
0x18: {  	s0 =	sld [smem:$0x3F91];
	_ =	swait.ge [sflag:s4], $0x0  }
0x19: {  	s7 =	sld [smem:$0x3F92]  }
0x1a: {  	s8 =	sadd.s32 $0xFFFFE003, lr  }
0x1b: {  	s9 =	sadd.s32 $0xFFFFFEF7, lr;
	s5 =	simm.s32 $0xFFFFFFFF;
	p2 =	slt.u32 s8, $0xFFFFF086  }
0x1c: {  	p1 =	slt.u32 s9, $0xF7A;
	s5 =	simm.s32 @!p2 $0x0  }
0x1d: {  	s5 =	simm.s32 @p1 $0x1;
	p0 =	seq.s32 s7, s2  }
0x1e: {  	s7 =	smul.u32 @!p0 $0xF7A, s2;
	p2 =	seq.s32 @!p0 s5, $0x0  }
0x1f: {  	s9 =	smul.u32 $0xF7A, s1;
	s8 =	simm.s32 @!p0 $0x1BF5;
	p2 =	por !p2, p0  }
0x20: {  	[sflag:s8] =	ssyncset.s32 @!p0 $0xFFFFF086;
	s6 =	sadd.s32 @!p0 s3, s7;
	s7 =	simm.s32 @!p0 $0x108  }
0x21: {  	s3 =	sadd.s32 s3, s9;
	s6 =	sadd.s32 @!p0 $0x88, s6;
	s7 =	simm.s32 @p2 $0x1082  }
0x22: {  	[simem:s7], [sflag:s8] =	dma.local @!p0 [hbm:s6], $0xF7A  }
0x23: {  	s9 =	sor.u32 $0xD0000000, s2;
	s6 =	simm.s32 $0x108;
	_ =	swait.ge @!p0 [sflag:s8], $0x0  }
0x24: {  	s3 =	sadd.s32 $0x88, s3;
	s6 =	simm.s32 @!p1 $0x1082;
	[sflag:s4] =	ssyncset.s32 $0xFFFFF086  }
0x25: {  	[simem:s6], [sflag:s4] =	dma.local [hbm:s3], $0xF7A  }
0x26: {  	[smem:$0x3F92] =	sst s1;
	(tag) =	ssettag s2;
	_ =	strace s9  }
0x27: {  	s1 =	sld [smem:$0x3FA2]  }
0x28: {  	s2 =	sld [smem:$0x3FA3]  }
0x29: {  	s4 =	sld [smem:$0x3FA5]  }
0x2a: {  	p0 =	seq.s32 s5, $0x0;
	s5 =	sld [smem:$0x3FA6]  }
0x2b: {  	s6 =	sld [smem:$0x3FA7]  }
0x2c: {  	s7 =	sld [smem:$0x3FA8]  }
0x2d: {  	s3 =	simm.s32 $0x108;
	s8 =	sld [smem:$0x3FA9]  }
0x2e: {  	s3 =	simm.s32 @!p0 $0x1082;
	s9 =	sld [smem:$0x3FAA]  }
0x2f: {  	lr =	sadd.s32 s0, s3;
	s0 =	sld [smem:$0x3FA1]  }
0x30: {  	s3 =	sld [smem:$0x3FA4]  }
0x31: {  	[smem:$0x3FAD] =	sst s10  }
0x32: {  	s10 =	sld [smem:$0x3FAB];
	_ =	sdelay $0x3  }
0x33: {  	p0 =	seq.s32 s10, $0x1;
	s10 =	sld [smem:$0x3FAD];
	_ =	sdelay $0x3  }
0x34: {  	[smem:$0x3FAD] =	sst s10  }
0x35: {  	s10 =	sld [smem:$0x3FAC];
	_ =	sdelay $0x3  }
0x36: {  	p1 =	seq.s32 s10, $0x1;
	s10 =	sld [smem:$0x3FAD];
	_ =	sdelay $0x3  }
0x37: {  	[smem:$0x3FAD] =	sst s10  }
0x38: {  	s10 =	sld [smem:$0x3FAE]  }
0x39: {  	_ = 	snop;
	(pc) =	sbr.ind lr, $3  }
0x3a: {  	_ = 	snop  }
0x3b: {  	_ = 	snop  }
0x3c: {  	p2 =	seq.s32 s10, $0x1;
	s10 =	sld [smem:$0x3FAD]  }
0x3d: {  	_ =	shalt  }
0x3e: {  	_ =	shalt  }
0x3f: {  	_ =	shalt  }
0x40: {  	_ =	shalt  }
0x41: {  	_ =	shalt  }
0x42: {  	_ =	shalt  }
0x43: {  	_ =	shalt  }
0x44: {  	_ =	shalt  }
0x45: {  	_ =	shalt  }
0x46: {  	_ =	shalt  }
0x47: {  	_ =	shalt  }
0x48: {  	_ =	shalt  }
0x49: {  	_ =	shalt  }
0x4a: {  	_ =	shalt  }
0x4b: {  	_ =	shalt  }
0x4c: {  	_ =	shalt  }
0x4d: {  	_ =	shalt  }
0x4e: {  	_ =	shalt  }
0x4f: {  	_ =	shalt  }
0x50: {  	_ =	shalt  }
0x51: {  	_ =	shalt  }
0x52: {  	_ =	shalt  }
0x53: {  	_ =	shalt  }
0x54: {  	_ =	shalt  }
0x55: {  	_ =	shalt  }
0x56: {  	_ =	shalt  }
0x57: {  	_ =	shalt  }
0x58: {  	_ =	shalt  }
0x59: {  	_ =	shalt  }
0x5a: {  	_ =	shalt  }
0x5b: {  	_ =	shalt  }
0x5c: {  	_ =	shalt  }
0x5d: {  	_ =	shalt  }
0x5e: {  	_ =	shalt  }
0x5f: {  	_ =	shalt  }
0x60: {  	_ =	shalt  }
0x61: {  	_ =	shalt  }
0x62: {  	_ =	shalt  }
0x63: {  	_ =	shalt  }
0x64: {  	_ =	shalt  }
0x65: {  	_ =	shalt  }
0x66: {  	_ =	shalt  }
0x67: {  	_ =	shalt  }
0x68: {  	_ =	shalt  }
0x69: {  	_ =	shalt  }
0x6a: {  	_ =	shalt  }
0x6b: {  	_ =	shalt  }
0x6c: {  	_ =	shalt  }
0x6d: {  	_ =	shalt  }
0x6e: {  	_ =	shalt  }
0x6f: {  	_ =	shalt  }
0x70: {  	_ =	shalt  }
0x71: {  	_ =	shalt  }
0x72: {  	_ =	shalt  }
0x73: {  	_ =	shalt  }
0x74: {  	_ =	shalt  }
0x75: {  	_ =	shalt  }
0x76: {  	_ =	shalt  }
0x77: {  	_ =	shalt  }
0x78: {  	_ =	shalt  }
0x79: {  	_ =	shalt  }
0x7a: {  	_ =	shalt  }
0x7b: {  	_ =	shalt  }
0x7c: {  	_ =	shalt  }
0x7d: {  	_ =	shalt  }
0x7e: {  	_ =	shalt  }
0x7f: {  	_ =	shalt  }
0x80: {  	_ =	shalt  }
0x81: {  	_ =	shalt  }
0x82: {  	_ =	shalt  }
0x83: {  	_ =	shalt  }
0x84: {  	_ =	shalt  }
0x85: {  	_ =	shalt  }
0x86: {  	_ =	shalt  }
0x87: {  	_ =	shalt  }
.Lfunc_end0:
.L_simem_size_0:
called_computation.9_lowered:
.L_overlay_start_0:
0x88: {  	s2 =	sld [smem:$0x3FD9]  }
0x89: {  	s3 =	sld [smem:$0x3FFE];
	_ =	sdelay $0x1  }
0x8a: {  	s1 =	srdreg.scid  }
0x8b: {  	s0 =	sand.u32 $0x1, s1  }
0x8c: {  	s16 =	sshll.u32 s0, $0xA;
	s2 =	sadd.s32 s3, s2  }
0x8d: {  	s2 =	sadd.s32 s2, s16  }
0x8e: {  	[smem:$0x3FB9] =	sst s2  }
0x8f: {  	_ = 	snop  }
0x90: {  	(tm) =	ssettm $0x1  }
0x91: {  	s17 =	sld [smem:$0x3FFB];
	_ =	sdelay $0x3  }
0x92: {  	_ =	strace s17  }
0x93: {  	s2 =	sld [smem:$0x3FFC];
	_ =	sdelay $0x3  }
0x94: {  	_ =	strace s2  }
0x95: {  	s2 =	sld [smem:$0x3FFD];
	_ =	sdelay $0x3  }
0x96: {  	_ =	strace s2  }
0x97: {  	_ =	strace $0x8FFFFFFF  }
0x98: {  	s18 =	sld [smem:$0x3FDB];
	_ =	sdelay $0x1  }
0x99: {  	s19 =	simm.s32 $_scs_section_size  }
0x9a: {  	s4 =	simm.s32 $_size__tile_overlayer_lowered;
	s5 =	simm.s32 $_tile_overlayer_lowered  }
0x9b: {  	s22 =	simm.s32 $0x1BFF;
	s21 =	sshll.u32 s5, $0x1;
	s2 =	sadd.s32 s19, s18  }
0x9c: {  	s6 =	simm.s32 $0x0;
	s20 =	sshll.u32 s4, $0x1;
	s4 =	sadd.s32 s21, s2  }
0x9d: {  	[timem:s6], [sflag:s22] =	dma.local [hbm:s4], s20  }
0x9e: {  	_ =	swait.ge [sflag:s22], s20  }
0x9f: {  	s3 =	ssub.s32 $0x0, s20;
	[sflag:s22] =	ssyncset.done $0x0  }
0xa0: {  	[sflag:s22] =	ssyncadd.s32 s3;
	_ =	sdelay $0x1  }
0xa1: {  	s23 =	simm.s32 $0x1B8B  }
0xa2: {  	_ =	swait.ge [sflag:s23], $0x1  }
0xa3: {  	[sflag:s23] =	ssyncset.done $0x0  }
0xa4: {  	s25 =	simm.s32 $0x1B8E;
	s24 =	sld [smem:$0x3FFE];
	[sflag:s23] =	ssyncadd.s32 $0xFFFFFFFF  }
0xa5: {  	s26 =	simm.s32 $execute0_lowered;
	[smem:$0x3FD2] =	sst s25  }
0xa6: {  	s4 =	sshll.u32 s26, $0x1;
	_ =	strace $0x80000061;
	[dreg:$0x1] =	wrdreg $0xFFFFFFFF  }
0xa7: {  	s28 =	simm.s32 $_size_execute0_lowered;
	s2 =	sadd.s32 s2, s4;
	[dreg:$0x0] =	wrdreg $0x0  }
0xa8: {  	s4 =	sshll.u32 s28, $0x1;
	[dreg:$0x2] =	wrdreg s2  }
0xa9: {  	[dreg:$0x3] =	wrdreg s4  }
0xaa: {  	[dreg:$0x4] =	wrdreg $0xC0  }
0xab: {  	_ =	task [dreg:s6], $0x5FFFF  }
0xac: {  	[dreg:$0x1] =	wrdreg $0xFFFFFFFF  }
0xad: {  	[dreg:$0x0] =	wrdreg $0x60  }
0xae: {  	[dreg:$0x2] =	wrdreg s24  }
0xaf: {  	[dreg:$0x3] =	wrdreg $0x40800  }
0xb0: {  	[dreg:$0x4] =	wrdreg $0x9  }
0xb1: {  	_ =	task.clear_ibuf [dreg:s6], $0x5FFFF;
	_ =	strace $0x90000061  }
0xb2: {  	s29 =	simm.s32 $0x9;
	_ =	strace $0x80000063  }
0xb3: {  	_ =	swait.ge [sflag:s29], $0x1  }
0xb4: {  	[sflag:s29] =	ssyncadd.s32 $0xFFFFFFFF  }
0xb5: {  	_ =	strace $0x90000063  }
0xb6: {  	_ =	sfence  }
0xb7: {  	s30 =	sld [smem:$0x0];
	_ =	sdelay $0x2  }
0xb8: {  	s31 =	sshll.u32 s1, $0xD;
	s1 =	sshrl.u32 s1, $0x2  }
0xb9: {  	s3 =	sand.u32 $0x4000, s31;
	s1 =	sadd.s32 s1, s30  }
0xba: {  	s0 =	sor.u32 s3, s0;
	s1 =	sshll.u32 s1, $0x11  }
0xbb: {  	s0 =	sor.u32 s1, s0  }
0xbc: {  	s0 =	sadd.s32 $0x8F2B, s0  }
0xbd: {  	[sflag:s0] =	ssyncadd.remote.s32 $0x1  }
0xbe: {  	_ =	sfence.sel $0xFFFF  }
0xbf: {  	[dreg:$0x0] =	wrdreg $0xFFFFFFFF;
	(pc) =	sbr.abs _section_cstart, $3  }
0xc0: {  	[dreg:$0x1] =	wrdreg $0xFFFFFFFF  }
0xc1: {  	_ =	task.clear_ibuf [dreg:s6], $0x2FFFF;
	_ =	strace $0x9FFFFFFF  }
0xc2: {  	(tm) =	ssettm $0x7FFFFFFF  }
0xc3: {  	_ =	shalt  }
tec
execute0_lowered:
.L_overlay_start_1:
0x0: {  	(tag) =	ssettag $0x1  }
0x1: {  	s4 =	rddreg [dreg:$0x0]  }
0x2: {  	s1 =	rddreg [dreg:$0x1]  }
0x3: {  	s3 =	srdreg.scid;
	s0 =	rddreg [dreg:$0x2];
	s2 =	simm.s32 $0x0  }
0x4: {  	s5 =	sand.u32 $0x1, s3;
	[smem:$0x7FF] =	sst s2  }
0x5: {  	s11 =	sadd.s32 $0x416200, s4;
	s14 =	sadd.s32 $0xDA000, s4;
	s3 =	sshll.u32 s5, $0xF  }
0x6: {  	_ =	strace $0x80000062;
	s6 =	sshll.u32 s5, $0x8;
	s7 =	smul.u32 $0x138800, s5  }
0x7: {  	s23 =	ssub.s32 $0x2, s5;
	s10 =	sadd.s32 s3, s4;
	s3 =	stileid.u32  }
0x8: {  	s15 =	sshll.u32 s5, $0x4;
	s12 =	sshrl.u32 s23, $0x1;
	s8 =	smul.u32 $0x14000, s3  }
0x9: {  	s9 =	sadd.s32 s6, s4;
	s13 =	smul.u32 $0x50000, s3;
	s12 =	ssub.s32 s23, s12  }
0xa: {  	s26 =	sshrl.u32 s7, $0x3;
	s30 =	sshll.u32 s3, $0x4;
	s31 =	sshll.u32 s3, $0xB  }
0xb: {  	p0 =	seq.s32 s3, $0xF;
	s29 =	sadd.s32 $0x25800, s26;
	s9 =	sadd.s32 s30, s9  }
0xc: {  	s10 =	sadd.s32 s31, s10;
	s24 =	sadd.s32 s8, s7;
	s25 =	sshrl.u32 s13, $0x2  }
0xd: {  	s13 =	sadd.s32 $0x12C000, s1;
	s5 =	sadd.s32 s11, s29;
	s7 =	sadd.s32 s14, s29  }
0xe: {  	s8 =	smax.u32 s12, $0x1;
	s9 =	sadd.s32 $0xD9000, s9;
	s10 =	sadd.s32 $0x2CE00, s10  }
0xf: {  	s16 =	sadd.s32 s25, s1;
	s28 =	sshrl.u32 s24, $0x3;
	s12 =	sshrl.u32 @p0 s13, $0x3  }
0x10: {  	s4 =	sadd.s32 s11, s28;
	s6 =	sadd.s32 s14, s28;
	s14 =	sshll.u32 @!p0 s3, $0x6  }
0x11: {  	s11 =	sor.u32 s15, s3;
	s13 =	sor.u32 @!p0 $0x1C01, s14;
	s14 =	sshrl.u32 @!p0 s16, $0x3  }
.LBB2_1:
0x12: {  	s15 =	simm.s32 @p0 $0x1FC1  }
0x13: {  	[spmem:s12], [sflag:s15] =	dma.local @p0 [hbm:s5], $0x1900  }
0x14: {  	s15 =	simm.s32 @p0 $0x1  }
0x15: {  	_ =	swait.ge @p0 [sflag:s15], $0x1900  }
0x16: {  	[sflag:s15] =	ssyncset.done @p0 $0x0  }
0x17: {  	[sflag:s15] =	ssyncadd.s32 @p0 $0xFFFFE700;
	s15 =	simm.s32 @!p0 $0x1  }
0x18: {  	[spmem:s14], [sflag:s13] =	dma.local @!p0 [hbm:s4], $0x2800  }
0x19: {  	_ =	swait.ge @!p0 [sflag:s15], $0x2800  }
0x1a: {  	s16 =	sadd.s32 $0x0, s11;
	[sflag:s15] =	ssyncset.done @!p0 $0x0  }
0x1b: {  	p1 =	sgt.u32 s16, $0xF9;
	[sflag:s15] =	ssyncadd.s32 @!p0 $0xFFFFD800  }
0x1c: {  	s17 =	simm.s32 @!p1 $0x2;
	s15 =	simm.s32 @!p1 $0x0;
	[bflag:$0x0] =	sbarrier.arrive $0xFFFF  }
0x1d: {  	[tilespmem:s15], [sflag:$0x2] =	stream.linear.gather @!p1 [hbm4b:s9+s15], $0x80, $0x38;
	[tilespmem:$0x17900] =	vst v63  }
0x1e: {  	_ =	swait.ge @!p1 [sflag:s17], $0x80  }
0x1f: {  	[sflag:s17] =	ssyncset.done @!p1 $0x0;
	p1 =	por p1, p1  }
0x20: {  	[sflag:s17] =	ssyncadd.s32 @!p1 $0xFFFFFF80;
	s19 =	simm.s32 @!p1 $0x80  }
0x21: {  	[tilespmem:s19], [sflag:$0x2] =	stream.linear.gather @!p1 [hbm4b:s10+s15], $0x4000, $0x38;
	[tilespmem:$0x17900] =	vst v63  }
0x22: {  	_ =	swait.ge @!p1 [sflag:s17], $0x4000  }
0x23: {  	[sflag:s17] =	ssyncset.done @!p1 $0x0  }
0x24: {  	s31 =	sadd.s32 $0x20, s11;
	s18 =	simm.s32 @!p1 $0x1;
	[sflag:s17] =	ssyncadd.s32 @!p1 $0xFFFFC000  }
0x25: {  	[spmem:s1] =	stream.indirect.scatter.add.f32 @!p1 [tilespmem:s19], [sflag:$0x1], $0x80, s15, s19, $0xb8;
	[tilespmem:$0x17900] =	vst v63  }
0x26: {  	s16 =	simm.s32 $0x40;
	p2 =	sgt.u32 s31, $0xF9;
	_ =	swait.ge @!p1 [sflag:s18], $0x4000  }
0x27: {  	s17 =	sadd.s32 $0x200, s9;
	s15 =	sadd.s32 $0x10000, s10;
	[sflag:s18] =	ssyncset.done @!p1 $0x0  }
.LBB2_2:
0x28: {  	s19 =	simm.s32 @!p2 $0x0;
	s20 =	simm.s32 @!p2 $0x2;
	[sflag:s18] =	ssyncadd.s32 @!p1 $0xFFFFC000  }
0x29: {  	[tilespmem:s19], [sflag:$0x2] =	stream.linear.gather @!p2 [hbm4b:s17+s19], $0x80, $0x38;
	[tilespmem:$0x17900] =	vst v63  }
0x2a: {  	s21 =	smov.u32 s16;
	s16 =	sadd.s32 $0x20, s16;
	_ =	swait.ge @!p2 [sflag:s20], $0x80  }
0x2b: {  	p1 =	por p2, p2;
	p3 =	sne.s32 s16, $0x100;
	[sflag:s20] =	ssyncset.done @!p2 $0x0  }
0x2c: {  	s22 =	simm.s32 @!p1 $0x80;
	[sflag:s20] =	ssyncadd.s32 @!p1 $0xFFFFFF80  }
0x2d: {  	[tilespmem:s22], [sflag:$0x2] =	stream.linear.gather @!p1 [hbm4b:s15+s19], $0x4000, $0x38;
	[tilespmem:$0x17900] =	vst v63  }
0x2e: {  	_ =	swait.ge @!p1 [sflag:s20], $0x4000  }
.Ltmp0:
0x2f: {  	[sflag:s20] =	ssyncset.done @!p1 $0x0;
	(pc) =	sbr.rel @p3 .LBB2_2-.Ltmp0, $4  }
0x30: {  	s18 =	simm.s32 @!p1 $0x1;
	[sflag:s20] =	ssyncadd.s32 @!p1 $0xFFFFC000  }
0x31: {  	[spmem:s1] =	stream.indirect.scatter.add.f32 @!p1 [tilespmem:s22], [sflag:$0x1], $0x80, s19, s22, $0xb8;
	[tilespmem:$0x17900] =	vst v63  }
0x32: {  	s15 =	sadd.s32 $0x10000, s15;
	s19 =	sadd.s32 s21, s11;
	_ =	swait.ge @!p1 [sflag:s18], $0x4000  }
0x33: {  	s17 =	sadd.s32 $0x200, s17;
	p2 =	sgt.u32 s19, $0xF9;
	[sflag:s18] =	ssyncset.done @!p1 $0x0  }
0x34: {  	s16 =	simm.s32 @!p2 $0x0;
	s19 =	simm.s32 @!p2 $0x2;
	[sflag:s18] =	ssyncadd.s32 @!p1 $0xFFFFC000  }
0x35: {  	[tilespmem:s16], [sflag:$0x2] =	stream.linear.gather @!p2 [hbm4b:s17+s16], $0x80, $0x38;
	[tilespmem:$0x17900] =	vst v63  }
0x36: {  	_ =	swait.ge @!p2 [sflag:s19], $0x80  }
0x37: {  	p1 =	por p2, p2;
	[sflag:s19] =	ssyncset.done @!p2 $0x0  }
0x38: {  	s17 =	simm.s32 @!p1 $0x80;
	[sflag:s19] =	ssyncadd.s32 @!p1 $0xFFFFFF80  }
0x39: {  	[tilespmem:s17], [sflag:$0x2] =	stream.linear.gather @!p1 [hbm4b:s15+s16], $0x4000, $0x38;
	[tilespmem:$0x17900] =	vst v63  }
0x3a: {  	_ =	swait.ge @!p1 [sflag:s19], $0x4000  }
0x3b: {  	[sflag:s19] =	ssyncset.done @!p1 $0x0  }
0x3c: {  	s15 =	simm.s32 @!p1 $0x1;
	[sflag:s19] =	ssyncadd.s32 @!p1 $0xFFFFC000  }
0x3d: {  	[spmem:s1] =	stream.indirect.scatter.add.f32 @!p1 [tilespmem:s17], [sflag:$0x1], $0x80, s16, s17, $0xb8;
	[tilespmem:$0x17900] =	vst v63  }
0x3e: {  	_ =	swait.ge @!p1 [sflag:s15], $0x4000  }
0x3f: {  	[sflag:s15] =	ssyncset.done @!p1 $0x0  }
0x40: {  	[sflag:s15] =	ssyncadd.s32 @!p1 $0xFFFFC000  }
0x41: {  	s15 =	simm.s32 @p0 $0x1FC1;
	[bflag:$0x0] =	sbarrier.arrive $0xFFFF  }
0x42: {  	[hbm:s7], [sflag:s15] =	dma.local @p0 [spmem:s12], $0x1900  }
0x43: {  	s15 =	simm.s32 @p0 $0x1  }
0x44: {  	s2 =	sadd.s32 $0x1, s2;
	_ =	swait.ge @p0 [sflag:s15], $0x1900  }
0x45: {  	p1 =	sne.s32 s2, s8;
	[sflag:s15] =	ssyncset.done @p0 $0x0  }
.Ltmp1:
0x46: {  	[sflag:s15] =	ssyncadd.s32 @p0 $0xFFFFE700;
	s15 =	simm.s32 @!p0 $0x1;
	(pc) =	sbr.rel @p1 .LBB2_1-.Ltmp1, $4  }
0x47: {  	[hbm:s6], [sflag:s13] =	dma.local @!p0 [spmem:s14], $0x2800  }
0x48: {  	_ =	swait.ge @!p0 [sflag:s15], $0x2800  }
0x49: {  	[sflag:s15] =	ssyncset.done @!p0 $0x0  }
0x4a: {  	[sflag:s15] =	ssyncadd.s32 @!p0 $0xFFFFD800  }
0x4b: {  	_ =	sfence.sel $0x180000  }
0x4c: {  	[bflag:$0x0] =	sbarrier.arrive $0xFFFF  }
0x4d: {  	p0 =	sne.s32 s3, $0x0;
	_ =	strace $0x90000062  }
0x4e: {  	s0 =	sadd.s32 @!p0 $0x100000, s0;
	[bflag:$0x2] =	sbarrier.arrive $0xFFFF  }
0x4f: {  	[sflag:s0] =	ssyncadd.tile.s32 @!p0 $0x1;
	_ =	shalt  }
.Lfunc_end2:
_tile_overlayer_lowered:
.L_overlay_start_2:
0x50: {  	(tag) =	ssettag $0x2  }
0x51: {  	s0 =	rddreg [dreg:$0x0];
	s2 =	stileid.u32  }
0x52: {  	s1 =	rddreg [dreg:$0x1];
	p0 =	sne.s32 s2, $0x0  }
0x53: {  	s3 =	rddreg [dreg:$0x2];
	[bflag:$0x3] =	sbarrier.arrive $0xFFFF;
	s2 =	simm.s32 @!p0 $0x1C01  }
0x54: {  	[timem:s3], [sflag:s2] =	dma.local @!p0 [hbm:s0], s1  }
0x55: {  	s0 =	simm.s32 @!p0 $0x1  }
0x56: {  	_ =	swait.ge @!p0 [sflag:s0], s1  }
0x57: {  	s1 =	ssub.s32 @!p0 $0x0, s1;
	[sflag:s0] =	ssyncset.done @!p0 $0x0  }
0x58: {  	[sflag:s0] =	ssyncadd.s32 @!p0 s1  }
0x59: {  	[bflag:$0x3] =	sbarrier.arrive $0xFFFF  }
0x5a: {  	_ =	shalt  }

</sc_bundles>
